<compile_context>
chip_gen: v7x
topology: tpu7x:2x2x1
jax: 0.10.2.dev20260603
libtpu: 0.0.44.dev20260713+nightly
codegen_flags: <defaults>
</compile_context>

<pallas_src>
import functools

import jax
import jax.numpy as jnp
from jax import lax
from jax.experimental import pallas as pl
from jax.experimental.pallas import tpu as pltpu
from jax.experimental.pallas import tpu_sc as plsc

B, C, H, W = 16, 1024, 32, 32
P = H * W
D = 256
L = 16
NC, NS = 2, 16
HALF = P // 2
PP = 16
NPC = HALF // PP
NV = C // L
K = 128
NK = HALF // K


def _sc_body(probs_hbm, emb_hbm, x_hbm, tok_hbm,
             pbuf0, pbuf1, rows0, rows1, bi,
             psem0, psem1, gsem0, gsem1, wsem0, wsem1):
    c = lax.axis_index("c")
    s = lax.axis_index("s")
    b = c * (B // NC) + s // 2
    p0 = (s % 2) * HALF

    iota = lax.iota(jnp.int32, L)

    def start_chunk(buf, sem, chunk_id):
        off = pl.multiple_of(p0 + chunk_id * PP, PP)
        pltpu.make_async_copy(
            probs_hbm.at[b, pl.ds(off, PP), :], buf, sem).start()

    def wait_chunk(buf, sem):
        pltpu.make_async_copy(
            probs_hbm.at[0, pl.ds(0, PP), :], buf, sem).wait()

    def process(buf, pbase):
        def pos_body(j):
            curv = buf[j, pl.ds(0, L)]
            curi = jnp.zeros((L,), jnp.int32)
            for v in range(1, NV):
                a = buf[j, pl.ds(v * L, L)]
                m = jnp.maximum(a, curv)
                upd = m != curv
                curi = jnp.where(upd, jnp.full((L,), v, jnp.int32), curi)
                curv = m
            gm = jnp.max(curv)
            chan = curi * L + iota
            cand = jnp.where(curv == jnp.full((L,), 1.0, jnp.float32) * gm,
                             chan, jnp.full((L,), C, jnp.int32))
            mn = jnp.full((L,), 1, jnp.int32) * jnp.min(cand)
            dst = jnp.full((L,), 1, jnp.int32) * (pbase + j)
            plsc.store_scatter(bi, [dst], mn, mask=iota == 0)

        plsc.parallel_loop(0, PP, unroll=4)(pos_body)

    start_chunk(pbuf0, psem0, 0)
    start_chunk(pbuf1, psem1, 1)

    def ring(g, _):
        wait_chunk(pbuf0, psem0)
        process(pbuf0, 2 * g * PP)

        @pl.when(2 * g + 2 < NPC)
        def _():
            start_chunk(pbuf0, psem0, 2 * g + 2)

        wait_chunk(pbuf1, psem1)
        process(pbuf1, (2 * g + 1) * PP)

        @pl.when(2 * g + 3 < NPC)
        def _():
            start_chunk(pbuf1, psem1, 2 * g + 3)

        return 0

    lax.fori_loop(0, NPC // 2, ring, 0)

    pltpu.sync_copy(bi, tok_hbm.at[b, pl.ds(p0, HALF)])

    rows = (rows0, rows1)
    gsems = (gsem0, gsem1)
    wsems = (wsem0, wsem1)
    wcopies = [None, None]
    for k in range(NK):
        par = k % 2
        if wcopies[par] is not None:
            wcopies[par].wait()
        pltpu.async_copy(
            emb_hbm.at[bi.at[pl.ds(k * K, K)]], rows[par], gsems[par]
        ).wait()
        wcopies[par] = pltpu.async_copy(
            rows[par], x_hbm.at[b, pl.ds(p0 + k * K, K), :], wsems[par])
    for wc in wcopies:
        if wc is not None:
            wc.wait()


def kernel(probs, tokens_shift, embedding_weight):
    probs_t = jnp.transpose(probs, (0, 2, 3, 1)).reshape(B, P, C)
    mesh = plsc.VectorSubcoreMesh(core_axis_name="c", subcore_axis_name="s")
    sc_call = functools.partial(
        pl.kernel, _sc_body, mesh=mesh,
        out_type=[
            jax.ShapeDtypeStruct((B, P, D), jnp.float32),
            jax.ShapeDtypeStruct((B, P), jnp.int32),
        ],
        scratch_types=[
            pltpu.VMEM((PP, C), jnp.float32),
            pltpu.VMEM((PP, C), jnp.float32),
            pltpu.VMEM((K, D), jnp.float32),
            pltpu.VMEM((K, D), jnp.float32),
            pltpu.VMEM((HALF,), jnp.int32),
            pltpu.SemaphoreType.DMA,
            pltpu.SemaphoreType.DMA,
            pltpu.SemaphoreType.DMA,
            pltpu.SemaphoreType.DMA,
            pltpu.SemaphoreType.DMA,
            pltpu.SemaphoreType.DMA,
        ],
        compiler_params=pltpu.CompilerParams(needs_layout_passes=False),
    )()
    x_rows, tok_raw = sc_call(probs_t, embedding_weight)
    tok = tok_raw + jnp.asarray(tokens_shift, jnp.int32)
    x = jnp.transpose(x_rows.reshape(B, H, W, D), (0, 3, 1, 2))
    return (x, tok.reshape(B, H, W))

# --- scband reference (transcript-rebuilt; emitter-appended) ---
"""Pipeline reference for scband-dvaetokens-48747878809721 (READ-ONLY COPY).

The authoritative reference and input builder live on the scoring server;
editing this copy changes nothing except your own understanding.
"""

import jax, jax.numpy as jnp
import numpy as np


def setup_inputs(seed: int = 0) -> dict:
    key = jax.random.key(seed)
    k1, k2 = jax.random.split(key)
    probs = jax.random.normal(k1, (16, 1024, 32, 32), dtype=jnp.float32)
    embedding_weight = jax.random.normal(k2, (1024, 256), dtype=jnp.float32)
    tokens_shift = 0
    return {"probs": probs, "tokens_shift": tokens_shift, "embedding_weight": embedding_weight}


def reference(probs, tokens_shift, embedding_weight):
    # tokens = argmax over channel dim of detached probs, then shifted
    tokens = jnp.argmax(jax.lax.stop_gradient(probs), axis=1)  # [b, h, w]
    tokens = tokens + tokens_shift
    # embedding lookup: [b, h, w] -> [b, h, w, d]
    x = jnp.take(embedding_weight, tokens, axis=0)
    # rearrange 'b h w d -> b d h w'
    x = jnp.transpose(x, (0, 3, 1, 2))
    return (x, tokens)

if __name__ == "__main__":
    import jax
    _d = setup_inputs()
    print(jax.jit(kernel)(*tuple(_d.values())))

</pallas_src>

<mosaic_0001>
#map = affine_map<(d0, d1) -> (0, 0, 0)>
#map1 = affine_map<(d0, d1) -> (0, 0)>
module attributes {stable_mosaic.version = 14 : i64} {
  func.func @_sc_body(%arg0: i32, %arg1: i32, %arg2: memref<16x1024x1024xf32, #tpu.memory_space<hbm>>, %arg3: memref<1024x256xf32, #tpu.memory_space<hbm>>, %arg4: memref<16x1024x256xf32, #tpu.memory_space<hbm>>, %arg5: memref<16x1024xi32, #tpu.memory_space<hbm>>, %arg6: memref<16x1024xf32, #tpu.memory_space<vmem>>, %arg7: memref<16x1024xf32, #tpu.memory_space<vmem>>, %arg8: memref<128x256xf32, #tpu.memory_space<vmem>>, %arg9: memref<128x256xf32, #tpu.memory_space<vmem>>, %arg10: memref<512xi32, #tpu.memory_space<vmem>>, %arg11: memref<!tpu.dma_semaphore, #tpu.memory_space<semaphore_mem>>, %arg12: memref<!tpu.dma_semaphore, #tpu.memory_space<semaphore_mem>>, %arg13: memref<!tpu.dma_semaphore, #tpu.memory_space<semaphore_mem>>, %arg14: memref<!tpu.dma_semaphore, #tpu.memory_space<semaphore_mem>>, %arg15: memref<!tpu.dma_semaphore, #tpu.memory_space<semaphore_mem>>, %arg16: memref<!tpu.dma_semaphore, #tpu.memory_space<semaphore_mem>>) attributes {dimension_semantics = [#tpu.dimension_semantics<core_parallel>, #tpu.dimension_semantics<subcore_parallel>], iteration_bounds = array<i64: 2, 16>, scalar_prefetch = 0 : i64, scratch_operands = 11 : i64, tpu.core_type = #tpu.core_type<sc_vector_subcore>, window_params = [{transform_indices = #map}, {transform_indices = #map1}, {transform_indices = #map}, {transform_indices = #map1}]} {
    %mul3A = arith.constant 8 : i32
    %mul3A_0 = arith.muli %arg0, %mul3A : i32
    %jit3A = arith.constant 2 : i32
    %div3A = arith.divsi %arg1, %jit3A : i32
    %sign3A = arith.constant 0 : i32
    %sign3A_1 = arith.cmpi sgt, %arg1, %sign3A : i32
    %sign3A_2 = arith.extui %sign3A_1 : i1 to i32
    %sign3A_3 = arith.constant 0 : i32
    %sign3A_4 = arith.cmpi slt, %arg1, %sign3A_3 : i32
    %sign3A_5 = arith.extui %sign3A_4 : i1 to i32
    %sign3A_6 = arith.subi %sign3A_2, %sign3A_5 : i32
    %sign3A_7 = arith.constant 0 : i32
    %sign3A_8 = arith.cmpi sgt, %jit3A, %sign3A_7 : i32
    %sign3A_9 = arith.extui %sign3A_8 : i1 to i32
    %sign3A_10 = arith.constant 0 : i32
    %sign3A_11 = arith.cmpi slt, %jit3A, %sign3A_10 : i32
    %sign3A_12 = arith.extui %sign3A_11 : i1 to i32
    %sign3A_13 = arith.subi %sign3A_9, %sign3A_12 : i32
    %ne3A = arith.cmpi ne, %sign3A_6, %sign3A_13 : i32
    %rem3A = arith.remsi %arg1, %jit3A : i32
    %ne3A_14 = arith.constant 0 : i32
    %ne3A_15 = arith.cmpi ne, %rem3A, %ne3A_14 : i32
    %and3A = arith.andi %ne3A, %ne3A_15 : i1
    %sub3A = arith.constant 1 : i32
    %sub3A_16 = arith.subi %div3A, %sub3A : i32
    %select_n3A = arith.select %and3A, %sub3A_16, %div3A : i32
    %add3A = arith.addi %mul3A_0, %select_n3A : i32
    %jit3A_17 = arith.constant 2 : i32
    %eq3A = arith.constant 0 : i32
    %eq3A_18 = arith.cmpi eq, %jit3A_17, %eq3A : i32
    %jit3A_19 = arith.constant 1 : i32
    %select_n3A_20 = arith.select %eq3A_18, %jit3A_19, %jit3A_17 : i32
    %rem3A_21 = arith.remsi %arg1, %select_n3A_20 : i32
    %ne3A_22 = arith.constant 0 : i32
    %ne3A_23 = arith.cmpi ne, %rem3A_21, %ne3A_22 : i32
    %lt3A = arith.constant 0 : i32
    %lt3A_24 = arith.cmpi slt, %rem3A_21, %lt3A : i32
    %lt3A_25 = arith.constant 0 : i32
    %lt3A_26 = arith.cmpi slt, %select_n3A_20, %lt3A_25 : i32
    %ne3A_27 = arith.xori %lt3A_24, %lt3A_26 : i1
    %and3A_28 = arith.andi %ne3A_27, %ne3A_23 : i1
    %add3A_29 = arith.addi %rem3A_21, %select_n3A_20 : i32
    %select_n3A_30 = arith.select %and3A_28, %add3A_29, %rem3A_21 : i32
    %mul3A_31 = arith.constant 512 : i32
    %mul3A_32 = arith.muli %select_n3A_30, %mul3A_31 : i32
    %iota3A = tpu.iota {dimensions = array<i32: 0>} : vector<16xi32>
    %add3A_33 = arith.constant 0 : i32
    %add3A_34 = arith.addi %mul3A_32, %add3A_33 : i32
    %multiple_of3A = tpu.assume_multiple %add3A_34, 16 : i32
    %dma_start3A = arith.constant 0 : i32
    %dma_start3A_35 = tpu.memref_slice %arg2[%add3A, %multiple_of3A, %dma_start3A] : memref<16x1024x1024xf32, #tpu.memory_space<hbm>> -> memref<1x16x1024xf32, #tpu.memory_space<hbm>>
    %dma_start3A_36 = tpu.memref_squeeze %dma_start3A_35 : memref<1x16x1024xf32, #tpu.memory_space<hbm>> -> memref<16x1024xf32, #tpu.memory_space<hbm>>
    %dma_start3A_37 = arith.constant 0 : i32
    %dma_start3A_38 = tpu.memref_slice %arg2[%add3A, %multiple_of3A, %dma_start3A_37] : memref<16x1024x1024xf32, #tpu.memory_space<hbm>> -> memref<1x16x1024xf32, #tpu.memory_space<hbm>>
    %dma_start3A_39 = tpu.memref_squeeze %dma_start3A_38 : memref<1x16x1024xf32, #tpu.memory_space<hbm>> -> memref<16x1024xf32, #tpu.memory_space<hbm>>
    tpu.enqueue_dma source(%dma_start3A_39 : memref<16x1024xf32, #tpu.memory_space<hbm>>) target(%arg6 : memref<16x1024xf32, #tpu.memory_space<vmem>>) target_semaphore(%arg11 : memref<!tpu.dma_semaphore, #tpu.memory_space<semaphore_mem>>)
    %add3A_40 = arith.constant 16 : i32
    %add3A_41 = arith.addi %mul3A_32, %add3A_40 : i32
    %multiple_of3A_42 = tpu.assume_multiple %add3A_41, 16 : i32
    %dma_start3A_43 = arith.constant 0 : i32
    %dma_start3A_44 = tpu.memref_slice %arg2[%add3A, %multiple_of3A_42, %dma_start3A_43] : memref<16x1024x1024xf32, #tpu.memory_space<hbm>> -> memref<1x16x1024xf32, #tpu.memory_space<hbm>>
    %dma_start3A_45 = tpu.memref_squeeze %dma_start3A_44 : memref<1x16x1024xf32, #tpu.memory_space<hbm>> -> memref<16x1024xf32, #tpu.memory_space<hbm>>
    %dma_start3A_46 = arith.constant 0 : i32
    %dma_start3A_47 = tpu.memref_slice %arg2[%add3A, %multiple_of3A_42, %dma_start3A_46] : memref<16x1024x1024xf32, #tpu.memory_space<hbm>> -> memref<1x16x1024xf32, #tpu.memory_space<hbm>>
    %dma_start3A_48 = tpu.memref_squeeze %dma_start3A_47 : memref<1x16x1024xf32, #tpu.memory_space<hbm>> -> memref<16x1024xf32, #tpu.memory_space<hbm>>
    tpu.enqueue_dma source(%dma_start3A_48 : memref<16x1024xf32, #tpu.memory_space<hbm>>) target(%arg7 : memref<16x1024xf32, #tpu.memory_space<vmem>>) target_semaphore(%arg12 : memref<!tpu.dma_semaphore, #tpu.memory_space<semaphore_mem>>)
    %scan3A = arith.constant 0 : i32
    %scan3A_49 = arith.constant 0 : i32
    %scan3A_50 = arith.constant 16 : i32
    %scan3A_51 = arith.addi %scan3A_49, %scan3A_50 : i32
    %scan3A_52 = arith.constant 1 : i32
    %scan3A_53 = scf.for %scan3A_150 = %scan3A_49 to %scan3A_51 step %scan3A_52 iter_args(%scan3A_151 = %scan3A) -> (i32)  : i32 {
      %dma_wait3A_152 = arith.constant 0 : i32
      %dma_wait3A_153 = arith.constant 0 : i32
      %dma_wait3A_154 = arith.constant 0 : i32
      %dma_wait3A_155 = tpu.memref_slice %arg2[%dma_wait3A_152, %dma_wait3A_153, %dma_wait3A_154] : memref<16x1024x1024xf32, #tpu.memory_space<hbm>> -> memref<1x16x1024xf32, #tpu.memory_space<hbm>>
      %dma_wait3A_156 = tpu.memref_squeeze %dma_wait3A_155 : memref<1x16x1024xf32, #tpu.memory_space<hbm>> -> memref<16x1024xf32, #tpu.memory_space<hbm>>
      %dma_wait3A_157 = arith.constant 0 : i32
      %dma_wait3A_158 = arith.constant 0 : i32
      %dma_wait3A_159 = tpu.memref_slice %arg2[%dma_wait3A_152, %dma_wait3A_157, %dma_wait3A_158] : memref<16x1024x1024xf32, #tpu.memory_space<hbm>> -> memref<1x16x1024xf32, #tpu.memory_space<hbm>>
      %dma_wait3A_160 = tpu.memref_squeeze %dma_wait3A_159 : memref<1x16x1024xf32, #tpu.memory_space<hbm>> -> memref<16x1024xf32, #tpu.memory_space<hbm>>
      tpu.wait_dma2 semaphore(%arg11 : memref<!tpu.dma_semaphore, #tpu.memory_space<semaphore_mem>>) src(%dma_wait3A_160 : memref<16x1024xf32, #tpu.memory_space<hbm>>) dst(%arg6 : memref<16x1024xf32, #tpu.memory_space<vmem>>)
      %mul3A_161 = arith.constant 2 : i32
      %mul3A_162 = arith.muli %mul3A_161, %scan3A_150 : i32
      %mul3A_163 = arith.constant 16 : i32
      %mul3A_164 = arith.muli %mul3A_162, %mul3A_163 : i32
      %parallel_loop3A = arith.constant 0 : i32
      %parallel_loop3A_165 = arith.constant 16 : i32
      %parallel_loop3A_166 = arith.constant 1 : i32
      scf.for %parallel_loop3A_202 = %parallel_loop3A to %parallel_loop3A_165 step %parallel_loop3A_166  : i32 {
        %parallel_loop3A_203 = arith.index_cast %parallel_loop3A_202 : i32 to index
        %parallel_loop3A_204 = arith.constant 0 : index
        %parallel_loop3A_205 = tpu.vector_load %arg6[%parallel_loop3A_203, %parallel_loop3A_204] {strides = array<i32>} : memref<16x1024xf32, #tpu.memory_space<vmem>>, vector<16xf32>,
        %parallel_loop3A_206 = arith.constant 0 : i32
        %parallel_loop3A_207 = vector.broadcast %parallel_loop3A_206 : i32 to vector<16xi32>
        %parallel_loop3A_208 = arith.index_cast %parallel_loop3A_202 : i32 to index
        %parallel_loop3A_209 = arith.constant 16 : index
        %parallel_loop3A_210 = tpu.vector_load %arg6[%parallel_loop3A_208, %parallel_loop3A_209] {strides = array<i32>} : memref<16x1024xf32, #tpu.memory_space<vmem>>, vector<16xf32>,
        %parallel_loop3A_211 = arith.maximumf %parallel_loop3A_210, %parallel_loop3A_205 : vector<16xf32>
        %parallel_loop3A_212 = arith.cmpf one, %parallel_loop3A_211, %parallel_loop3A_205 : vector<16xf32>
        %parallel_loop3A_213 = arith.constant 1 : i32
        %parallel_loop3A_214 = vector.broadcast %parallel_loop3A_213 : i32 to vector<16xi32>
        %parallel_loop3A_215 = arith.select %parallel_loop3A_212, %parallel_loop3A_214, %parallel_loop3A_207 : vector<16xi1>, vector<16xi32>
        %parallel_loop3A_216 = arith.index_cast %parallel_loop3A_202 : i32 to index
        %parallel_loop3A_217 = arith.constant 32 : index
        %parallel_loop3A_218 = tpu.vector_load %arg6[%parallel_loop3A_216, %parallel_loop3A_217] {strides = array<i32>} : memref<16x1024xf32, #tpu.memory_space<vmem>>, vector<16xf32>,
        %parallel_loop3A_219 = arith.maximumf %parallel_loop3A_218, %parallel_loop3A_211 : vector<16xf32>
        %parallel_loop3A_220 = arith.cmpf one, %parallel_loop3A_219, %parallel_loop3A_211 : vector<16xf32>
        %parallel_loop3A_221 = arith.constant 2 : i32
        %parallel_loop3A_222 = vector.broadcast %parallel_loop3A_221 : i32 to vector<16xi32>
        %parallel_loop3A_223 = arith.select %parallel_loop3A_220, %parallel_loop3A_222, %parallel_loop3A_215 : vector<16xi1>, vector<16xi32>
        %parallel_loop3A_224 = arith.index_cast %parallel_loop3A_202 : i32 to index
        %parallel_loop3A_225 = arith.constant 48 : index
        %parallel_loop3A_226 = tpu.vector_load %arg6[%parallel_loop3A_224, %parallel_loop3A_225] {strides = array<i32>} : memref<16x1024xf32, #tpu.memory_space<vmem>>, vector<16xf32>,
        %parallel_loop3A_227 = arith.maximumf %parallel_loop3A_226, %parallel_loop3A_219 : vector<16xf32>
        %parallel_loop3A_228 = arith.cmpf one, %parallel_loop3A_227, %parallel_loop3A_219 : vector<16xf32>
        %parallel_loop3A_229 = arith.constant 3 : i32
        %parallel_loop3A_230 = vector.broadcast %parallel_loop3A_229 : i32 to vector<16xi32>
        %parallel_loop3A_231 = arith.select %parallel_loop3A_228, %parallel_loop3A_230, %parallel_loop3A_223 : vector<16xi1>, vector<16xi32>
        %parallel_loop3A_232 = arith.index_cast %parallel_loop3A_202 : i32 to index
        %parallel_loop3A_233 = arith.constant 64 : index
        %parallel_loop3A_234 = tpu.vector_load %arg6[%parallel_loop3A_232, %parallel_loop3A_233] {strides = array<i32>} : memref<16x1024xf32, #tpu.memory_space<vmem>>, vector<16xf32>,
        %parallel_loop3A_235 = arith.maximumf %parallel_loop3A_234, %parallel_loop3A_227 : vector<16xf32>
        %parallel_loop3A_236 = arith.cmpf one, %parallel_loop3A_235, %parallel_loop3A_227 : vector<16xf32>
        %parallel_loop3A_237 = arith.constant 4 : i32
        %parallel_loop3A_238 = vector.broadcast %parallel_loop3A_237 : i32 to vector<16xi32>
        %parallel_loop3A_239 = arith.select %parallel_loop3A_236, %parallel_loop3A_238, %parallel_loop3A_231 : vector<16xi1>, vector<16xi32>
        %parallel_loop3A_240 = arith.index_cast %parallel_loop3A_202 : i32 to index
        %parallel_loop3A_241 = arith.constant 80 : index
        %parallel_loop3A_242 = tpu.vector_load %arg6[%parallel_loop3A_240, %parallel_loop3A_241] {strides = array<i32>} : memref<16x1024xf32, #tpu.memory_space<vmem>>, vector<16xf32>,
        %parallel_loop3A_243 = arith.maximumf %parallel_loop3A_242, %parallel_loop3A_235 : vector<16xf32>
        %parallel_loop3A_244 = arith.cmpf one, %parallel_loop3A_243, %parallel_loop3A_235 : vector<16xf32>
        %parallel_loop3A_245 = arith.constant 5 : i32
        %parallel_loop3A_246 = vector.broadcast %parallel_loop3A_245 : i32 to vector<16xi32>
        %parallel_loop3A_247 = arith.select %parallel_loop3A_244, %parallel_loop3A_246, %parallel_loop3A_239 : vector<16xi1>, vector<16xi32>
        %parallel_loop3A_248 = arith.index_cast %parallel_loop3A_202 : i32 to index
        %parallel_loop3A_249 = arith.constant 96 : index
        %parallel_loop3A_250 = tpu.vector_load %arg6[%parallel_loop3A_248, %parallel_loop3A_249] {strides = array<i32>} : memref<16x1024xf32, #tpu.memory_space<vmem>>, vector<16xf32>,
        %parallel_loop3A_251 = arith.maximumf %parallel_loop3A_250, %parallel_loop3A_243 : vector<16xf32>
        %parallel_loop3A_252 = arith.cmpf one, %parallel_loop3A_251, %parallel_loop3A_243 : vector<16xf32>
        %parallel_loop3A_253 = arith.constant 6 : i32
        %parallel_loop3A_254 = vector.broadcast %parallel_loop3A_253 : i32 to vector<16xi32>
        %parallel_loop3A_255 = arith.select %parallel_loop3A_252, %parallel_loop3A_254, %parallel_loop3A_247 : vector<16xi1>, vector<16xi32>
        %parallel_loop3A_256 = arith.index_cast %parallel_loop3A_202 : i32 to index
        %parallel_loop3A_257 = arith.constant 112 : index
        %parallel_loop3A_258 = tpu.vector_load %arg6[%parallel_loop3A_256, %parallel_loop3A_257] {strides = array<i32>} : memref<16x1024xf32, #tpu.memory_space<vmem>>, vector<16xf32>,
        %parallel_loop3A_259 = arith.maximumf %parallel_loop3A_258, %parallel_loop3A_251 : vector<16xf32>
        %parallel_loop3A_260 = arith.cmpf one, %parallel_loop3A_259, %parallel_loop3A_251 : vector<16xf32>
        %parallel_loop3A_261 = arith.constant 7 : i32
        %parallel_loop3A_262 = vector.broadcast %parallel_loop3A_261 : i32 to vector<16xi32>
        %parallel_loop3A_263 = arith.select %parallel_loop3A_260, %parallel_loop3A_262, %parallel_loop3A_255 : vector<16xi1>, vector<16xi32>
        %parallel_loop3A_264 = arith.index_cast %parallel_loop3A_202 : i32 to index
        %parallel_loop3A_265 = arith.constant 128 : index
        %parallel_loop3A_266 = tpu.vector_load %arg6[%parallel_loop3A_264, %parallel_loop3A_265] {strides = array<i32>} : memref<16x1024xf32, #tpu.memory_space<vmem>>, vector<16xf32>,
        %parallel_loop3A_267 = arith.maximumf %parallel_loop3A_266, %parallel_loop3A_259 : vector<16xf32>
        %parallel_loop3A_268 = arith.cmpf one, %parallel_loop3A_267, %parallel_loop3A_259 : vector<16xf32>
        %parallel_loop3A_269 = arith.constant 8 : i32
        %parallel_loop3A_270 = vector.broadcast %parallel_loop3A_269 : i32 to vector<16xi32>
        %parallel_loop3A_271 = arith.select %parallel_loop3A_268, %parallel_loop3A_270, %parallel_loop3A_263 : vector<16xi1>, vector<16xi32>
        %parallel_loop3A_272 = arith.index_cast %parallel_loop3A_202 : i32 to index
        %parallel_loop3A_273 = arith.constant 144 : index
        %parallel_loop3A_274 = tpu.vector_load %arg6[%parallel_loop3A_272, %parallel_loop3A_273] {strides = array<i32>} : memref<16x1024xf32, #tpu.memory_space<vmem>>, vector<16xf32>,
        %parallel_loop3A_275 = arith.maximumf %parallel_loop3A_274, %parallel_loop3A_267 : vector<16xf32>
        %parallel_loop3A_276 = arith.cmpf one, %parallel_loop3A_275, %parallel_loop3A_267 : vector<16xf32>
        %parallel_loop3A_277 = arith.constant 9 : i32
        %parallel_loop3A_278 = vector.broadcast %parallel_loop3A_277 : i32 to vector<16xi32>
        %parallel_loop3A_279 = arith.select %parallel_loop3A_276, %parallel_loop3A_278, %parallel_loop3A_271 : vector<16xi1>, vector<16xi32>
        %parallel_loop3A_280 = arith.index_cast %parallel_loop3A_202 : i32 to index
        %parallel_loop3A_281 = arith.constant 160 : index
        %parallel_loop3A_282 = tpu.vector_load %arg6[%parallel_loop3A_280, %parallel_loop3A_281] {strides = array<i32>} : memref<16x1024xf32, #tpu.memory_space<vmem>>, vector<16xf32>,
        %parallel_loop3A_283 = arith.maximumf %parallel_loop3A_282, %parallel_loop3A_275 : vector<16xf32>
        %parallel_loop3A_284 = arith.cmpf one, %parallel_loop3A_283, %parallel_loop3A_275 : vector<16xf32>
        %parallel_loop3A_285 = arith.constant 10 : i32
        %parallel_loop3A_286 = vector.broadcast %parallel_loop3A_285 : i32 to vector<16xi32>
        %parallel_loop3A_287 = arith.select %parallel_loop3A_284, %parallel_loop3A_286, %parallel_loop3A_279 : vector<16xi1>, vector<16xi32>
        %parallel_loop3A_288 = arith.index_cast %parallel_loop3A_202 : i32 to index
        %parallel_loop3A_289 = arith.constant 176 : index
        %parallel_loop3A_290 = tpu.vector_load %arg6[%parallel_loop3A_288, %parallel_loop3A_289] {strides = array<i32>} : memref<16x1024xf32, #tpu.memory_space<vmem>>, vector<16xf32>,
        %parallel_loop3A_291 = arith.maximumf %parallel_loop3A_290, %parallel_loop3A_283 : vector<16xf32>
        %parallel_loop3A_292 = arith.cmpf one, %parallel_loop3A_291, %parallel_loop3A_283 : vector<16xf32>
        %parallel_loop3A_293 = arith.constant 11 : i32
        %parallel_loop3A_294 = vector.broadcast %parallel_loop3A_293 : i32 to vector<16xi32>
        %parallel_loop3A_295 = arith.select %parallel_loop3A_292, %parallel_loop3A_294, %parallel_loop3A_287 : vector<16xi1>, vector<16xi32>
        %parallel_loop3A_296 = arith.index_cast %parallel_loop3A_202 : i32 to index
        %parallel_loop3A_297 = arith.constant 192 : index
        %parallel_loop3A_298 = tpu.vector_load %arg6[%parallel_loop3A_296, %parallel_loop3A_297] {strides = array<i32>} : memref<16x1024xf32, #tpu.memory_space<vmem>>, vector<16xf32>,
        %parallel_loop3A_299 = arith.maximumf %parallel_loop3A_298, %parallel_loop3A_291 : vector<16xf32>
        %parallel_loop3A_300 = arith.cmpf one, %parallel_loop3A_299, %parallel_loop3A_291 : vector<16xf32>
        %parallel_loop3A_301 = arith.constant 12 : i32
        %parallel_loop3A_302 = vector.broadcast %parallel_loop3A_301 : i32 to vector<16xi32>
        %parallel_loop3A_303 = arith.select %parallel_loop3A_300, %parallel_loop3A_302, %parallel_loop3A_295 : vector<16xi1>, vector<16xi32>
        %parallel_loop3A_304 = arith.index_cast %parallel_loop3A_202 : i32 to index
        %parallel_loop3A_305 = arith.constant 208 : index
        %parallel_loop3A_306 = tpu.vector_load %arg6[%parallel_loop3A_304, %parallel_loop3A_305] {strides = array<i32>} : memref<16x1024xf32, #tpu.memory_space<vmem>>, vector<16xf32>,
        %parallel_loop3A_307 = arith.maximumf %parallel_loop3A_306, %parallel_loop3A_299 : vector<16xf32>
        %parallel_loop3A_308 = arith.cmpf one, %parallel_loop3A_307, %parallel_loop3A_299 : vector<16xf32>
        %parallel_loop3A_309 = arith.constant 13 : i32
        %parallel_loop3A_310 = vector.broadcast %parallel_loop3A_309 : i32 to vector<16xi32>
        %parallel_loop3A_311 = arith.select %parallel_loop3A_308, %parallel_loop3A_310, %parallel_loop3A_303 : vector<16xi1>, vector<16xi32>
        %parallel_loop3A_312 = arith.index_cast %parallel_loop3A_202 : i32 to index
        %parallel_loop3A_313 = arith.constant 224 : index
        %parallel_loop3A_314 = tpu.vector_load %arg6[%parallel_loop3A_312, %parallel_loop3A_313] {strides = array<i32>} : memref<16x1024xf32, #tpu.memory_space<vmem>>, vector<16xf32>,
        %parallel_loop3A_315 = arith.maximumf %parallel_loop3A_314, %parallel_loop3A_307 : vector<16xf32>
        %parallel_loop3A_316 = arith.cmpf one, %parallel_loop3A_315, %parallel_loop3A_307 : vector<16xf32>
        %parallel_loop3A_317 = arith.constant 14 : i32
        %parallel_loop3A_318 = vector.broadcast %parallel_loop3A_317 : i32 to vector<16xi32>
        %parallel_loop3A_319 = arith.select %parallel_loop3A_316, %parallel_loop3A_318, %parallel_loop3A_311 : vector<16xi1>, vector<16xi32>
        %parallel_loop3A_320 = arith.index_cast %parallel_loop3A_202 : i32 to index
        %parallel_loop3A_321 = arith.constant 240 : index
        %parallel_loop3A_322 = tpu.vector_load %arg6[%parallel_loop3A_320, %parallel_loop3A_321] {strides = array<i32>} : memref<16x1024xf32, #tpu.memory_space<vmem>>, vector<16xf32>,
        %parallel_loop3A_323 = arith.maximumf %parallel_loop3A_322, %parallel_loop3A_315 : vector<16xf32>
        %parallel_loop3A_324 = arith.cmpf one, %parallel_loop3A_323, %parallel_loop3A_315 : vector<16xf32>
        %parallel_loop3A_325 = arith.constant 15 : i32
        %parallel_loop3A_326 = vector.broadcast %parallel_loop3A_325 : i32 to vector<16xi32>
        %parallel_loop3A_327 = arith.select %parallel_loop3A_324, %parallel_loop3A_326, %parallel_loop3A_319 : vector<16xi1>, vector<16xi32>
        %parallel_loop3A_328 = arith.index_cast %parallel_loop3A_202 : i32 to index
        %parallel_loop3A_329 = arith.constant 256 : index
        %parallel_loop3A_330 = tpu.vector_load %arg6[%parallel_loop3A_328, %parallel_loop3A_329] {strides = array<i32>} : memref<16x1024xf32, #tpu.memory_space<vmem>>, vector<16xf32>,
        %parallel_loop3A_331 = arith.maximumf %parallel_loop3A_330, %parallel_loop3A_323 : vector<16xf32>
        %parallel_loop3A_332 = arith.cmpf one, %parallel_loop3A_331, %parallel_loop3A_323 : vector<16xf32>
        %parallel_loop3A_333 = arith.constant 16 : i32
        %parallel_loop3A_334 = vector.broadcast %parallel_loop3A_333 : i32 to vector<16xi32>
        %parallel_loop3A_335 = arith.select %parallel_loop3A_332, %parallel_loop3A_334, %parallel_loop3A_327 : vector<16xi1>, vector<16xi32>
        %parallel_loop3A_336 = arith.index_cast %parallel_loop3A_202 : i32 to index
        %parallel_loop3A_337 = arith.constant 272 : index
        %parallel_loop3A_338 = tpu.vector_load %arg6[%parallel_loop3A_336, %parallel_loop3A_337] {strides = array<i32>} : memref<16x1024xf32, #tpu.memory_space<vmem>>, vector<16xf32>,
        %parallel_loop3A_339 = arith.maximumf %parallel_loop3A_338, %parallel_loop3A_331 : vector<16xf32>
        %parallel_loop3A_340 = arith.cmpf one, %parallel_loop3A_339, %parallel_loop3A_331 : vector<16xf32>
        %parallel_loop3A_341 = arith.constant 17 : i32
        %parallel_loop3A_342 = vector.broadcast %parallel_loop3A_341 : i32 to vector<16xi32>
        %parallel_loop3A_343 = arith.select %parallel_loop3A_340, %parallel_loop3A_342, %parallel_loop3A_335 : vector<16xi1>, vector<16xi32>
        %parallel_loop3A_344 = arith.index_cast %parallel_loop3A_202 : i32 to index
        %parallel_loop3A_345 = arith.constant 288 : index
        %parallel_loop3A_346 = tpu.vector_load %arg6[%parallel_loop3A_344, %parallel_loop3A_345] {strides = array<i32>} : memref<16x1024xf32, #tpu.memory_space<vmem>>, vector<16xf32>,
        %parallel_loop3A_347 = arith.maximumf %parallel_loop3A_346, %parallel_loop3A_339 : vector<16xf32>
        %parallel_loop3A_348 = arith.cmpf one, %parallel_loop3A_347, %parallel_loop3A_339 : vector<16xf32>
        %parallel_loop3A_349 = arith.constant 18 : i32
        %parallel_loop3A_350 = vector.broadcast %parallel_loop3A_349 : i32 to vector<16xi32>
        %parallel_loop3A_351 = arith.select %parallel_loop3A_348, %parallel_loop3A_350, %parallel_loop3A_343 : vector<16xi1>, vector<16xi32>
        %parallel_loop3A_352 = arith.index_cast %parallel_loop3A_202 : i32 to index
        %parallel_loop3A_353 = arith.constant 304 : index
        %parallel_loop3A_354 = tpu.vector_load %arg6[%parallel_loop3A_352, %parallel_loop3A_353] {strides = array<i32>} : memref<16x1024xf32, #tpu.memory_space<vmem>>, vector<16xf32>,
        %parallel_loop3A_355 = arith.maximumf %parallel_loop3A_354, %parallel_loop3A_347 : vector<16xf32>
        %parallel_loop3A_356 = arith.cmpf one, %parallel_loop3A_355, %parallel_loop3A_347 : vector<16xf32>
        %parallel_loop3A_357 = arith.constant 19 : i32
        %parallel_loop3A_358 = vector.broadcast %parallel_loop3A_357 : i32 to vector<16xi32>
        %parallel_loop3A_359 = arith.select %parallel_loop3A_356, %parallel_loop3A_358, %parallel_loop3A_351 : vector<16xi1>, vector<16xi32>
        %parallel_loop3A_360 = arith.index_cast %parallel_loop3A_202 : i32 to index
        %parallel_loop3A_361 = arith.constant 320 : index
        %parallel_loop3A_362 = tpu.vector_load %arg6[%parallel_loop3A_360, %parallel_loop3A_361] {strides = array<i32>} : memref<16x1024xf32, #tpu.memory_space<vmem>>, vector<16xf32>,
        %parallel_loop3A_363 = arith.maximumf %parallel_loop3A_362, %parallel_loop3A_355 : vector<16xf32>
        %parallel_loop3A_364 = arith.cmpf one, %parallel_loop3A_363, %parallel_loop3A_355 : vector<16xf32>
        %parallel_loop3A_365 = arith.constant 20 : i32
        %parallel_loop3A_366 = vector.broadcast %parallel_loop3A_365 : i32 to vector<16xi32>
        %parallel_loop3A_367 = arith.select %parallel_loop3A_364, %parallel_loop3A_366, %parallel_loop3A_359 : vector<16xi1>, vector<16xi32>
        %parallel_loop3A_368 = arith.index_cast %parallel_loop3A_202 : i32 to index
        %parallel_loop3A_369 = arith.constant 336 : index
        %parallel_loop3A_370 = tpu.vector_load %arg6[%parallel_loop3A_368, %parallel_loop3A_369] {strides = array<i32>} : memref<16x1024xf32, #tpu.memory_space<vmem>>, vector<16xf32>,
        %parallel_loop3A_371 = arith.maximumf %parallel_loop3A_370, %parallel_loop3A_363 : vector<16xf32>
        %parallel_loop3A_372 = arith.cmpf one, %parallel_loop3A_371, %parallel_loop3A_363 : vector<16xf32>
        %parallel_loop3A_373 = arith.constant 21 : i32
        %parallel_loop3A_374 = vector.broadcast %parallel_loop3A_373 : i32 to vector<16xi32>
        %parallel_loop3A_375 = arith.select %parallel_loop3A_372, %parallel_loop3A_374, %parallel_loop3A_367 : vector<16xi1>, vector<16xi32>
        %parallel_loop3A_376 = arith.index_cast %parallel_loop3A_202 : i32 to index
        %parallel_loop3A_377 = arith.constant 352 : index
        %parallel_loop3A_378 = tpu.vector_load %arg6[%parallel_loop3A_376, %parallel_loop3A_377] {strides = array<i32>} : memref<16x1024xf32, #tpu.memory_space<vmem>>, vector<16xf32>,
        %parallel_loop3A_379 = arith.maximumf %parallel_loop3A_378, %parallel_loop3A_371 : vector<16xf32>
        %parallel_loop3A_380 = arith.cmpf one, %parallel_loop3A_379, %parallel_loop3A_371 : vector<16xf32>
        %parallel_loop3A_381 = arith.constant 22 : i32
        %parallel_loop3A_382 = vector.broadcast %parallel_loop3A_381 : i32 to vector<16xi32>
        %parallel_loop3A_383 = arith.select %parallel_loop3A_380, %parallel_loop3A_382, %parallel_loop3A_375 : vector<16xi1>, vector<16xi32>
        %parallel_loop3A_384 = arith.index_cast %parallel_loop3A_202 : i32 to index
        %parallel_loop3A_385 = arith.constant 368 : index
        %parallel_loop3A_386 = tpu.vector_load %arg6[%parallel_loop3A_384, %parallel_loop3A_385] {strides = array<i32>} : memref<16x1024xf32, #tpu.memory_space<vmem>>, vector<16xf32>,
        %parallel_loop3A_387 = arith.maximumf %parallel_loop3A_386, %parallel_loop3A_379 : vector<16xf32>
        %parallel_loop3A_388 = arith.cmpf one, %parallel_loop3A_387, %parallel_loop3A_379 : vector<16xf32>
        %parallel_loop3A_389 = arith.constant 23 : i32
        %parallel_loop3A_390 = vector.broadcast %parallel_loop3A_389 : i32 to vector<16xi32>
        %parallel_loop3A_391 = arith.select %parallel_loop3A_388, %parallel_loop3A_390, %parallel_loop3A_383 : vector<16xi1>, vector<16xi32>
        %parallel_loop3A_392 = arith.index_cast %parallel_loop3A_202 : i32 to index
        %parallel_loop3A_393 = arith.constant 384 : index
        %parallel_loop3A_394 = tpu.vector_load %arg6[%parallel_loop3A_392, %parallel_loop3A_393] {strides = array<i32>} : memref<16x1024xf32, #tpu.memory_space<vmem>>, vector<16xf32>,
        %parallel_loop3A_395 = arith.maximumf %parallel_loop3A_394, %parallel_loop3A_387 : vector<16xf32>
        %parallel_loop3A_396 = arith.cmpf one, %parallel_loop3A_395, %parallel_loop3A_387 : vector<16xf32>
        %parallel_loop3A_397 = arith.constant 24 : i32
        %parallel_loop3A_398 = vector.broadcast %parallel_loop3A_397 : i32 to vector<16xi32>
        %parallel_loop3A_399 = arith.select %parallel_loop3A_396, %parallel_loop3A_398, %parallel_loop3A_391 : vector<16xi1>, vector<16xi32>
        %parallel_loop3A_400 = arith.index_cast %parallel_loop3A_202 : i32 to index
        %parallel_loop3A_401 = arith.constant 400 : index
        %parallel_loop3A_402 = tpu.vector_load %arg6[%parallel_loop3A_400, %parallel_loop3A_401] {strides = array<i32>} : memref<16x1024xf32, #tpu.memory_space<vmem>>, vector<16xf32>,
        %parallel_loop3A_403 = arith.maximumf %parallel_loop3A_402, %parallel_loop3A_395 : vector<16xf32>
        %parallel_loop3A_404 = arith.cmpf one, %parallel_loop3A_403, %parallel_loop3A_395 : vector<16xf32>
        %parallel_loop3A_405 = arith.constant 25 : i32
        %parallel_loop3A_406 = vector.broadcast %parallel_loop3A_405 : i32 to vector<16xi32>
        %parallel_loop3A_407 = arith.select %parallel_loop3A_404, %parallel_loop3A_406, %parallel_loop3A_399 : vector<16xi1>, vector<16xi32>
        %parallel_loop3A_408 = arith.index_cast %parallel_loop3A_202 : i32 to index
        %parallel_loop3A_409 = arith.constant 416 : index
        %parallel_loop3A_410 = tpu.vector_load %arg6[%parallel_loop3A_408, %parallel_loop3A_409] {strides = array<i32>} : memref<16x1024xf32, #tpu.memory_space<vmem>>, vector<16xf32>,
        %parallel_loop3A_411 = arith.maximumf %parallel_loop3A_410, %parallel_loop3A_403 : vector<16xf32>
        %parallel_loop3A_412 = arith.cmpf one, %parallel_loop3A_411, %parallel_loop3A_403 : vector<16xf32>
        %parallel_loop3A_413 = arith.constant 26 : i32
        %parallel_loop3A_414 = vector.broadcast %parallel_loop3A_413 : i32 to vector<16xi32>
        %parallel_loop3A_415 = arith.select %parallel_loop3A_412, %parallel_loop3A_414, %parallel_loop3A_407 : vector<16xi1>, vector<16xi32>
        %parallel_loop3A_416 = arith.index_cast %parallel_loop3A_202 : i32 to index
        %parallel_loop3A_417 = arith.constant 432 : index
        %parallel_loop3A_418 = tpu.vector_load %arg6[%parallel_loop3A_416, %parallel_loop3A_417] {strides = array<i32>} : memref<16x1024xf32, #tpu.memory_space<vmem>>, vector<16xf32>,
        %parallel_loop3A_419 = arith.maximumf %parallel_loop3A_418, %parallel_loop3A_411 : vector<16xf32>
        %parallel_loop3A_420 = arith.cmpf one, %parallel_loop3A_419, %parallel_loop3A_411 : vector<16xf32>
        %parallel_loop3A_421 = arith.constant 27 : i32
        %parallel_loop3A_422 = vector.broadcast %parallel_loop3A_421 : i32 to vector<16xi32>
        %parallel_loop3A_423 = arith.select %parallel_loop3A_420, %parallel_loop3A_422, %parallel_loop3A_415 : vector<16xi1>, vector<16xi32>
        %parallel_loop3A_424 = arith.index_cast %parallel_loop3A_202 : i32 to index
        %parallel_loop3A_425 = arith.constant 448 : index
        %parallel_loop3A_426 = tpu.vector_load %arg6[%parallel_loop3A_424, %parallel_loop3A_425] {strides = array<i32>} : memref<16x1024xf32, #tpu.memory_space<vmem>>, vector<16xf32>,
        %parallel_loop3A_427 = arith.maximumf %parallel_loop3A_426, %parallel_loop3A_419 : vector<16xf32>
        %parallel_loop3A_428 = arith.cmpf one, %parallel_loop3A_427, %parallel_loop3A_419 : vector<16xf32>
        %parallel_loop3A_429 = arith.constant 28 : i32
        %parallel_loop3A_430 = vector.broadcast %parallel_loop3A_429 : i32 to vector<16xi32>
        %parallel_loop3A_431 = arith.select %parallel_loop3A_428, %parallel_loop3A_430, %parallel_loop3A_423 : vector<16xi1>, vector<16xi32>
        %parallel_loop3A_432 = arith.index_cast %parallel_loop3A_202 : i32 to index
        %parallel_loop3A_433 = arith.constant 464 : index
        %parallel_loop3A_434 = tpu.vector_load %arg6[%parallel_loop3A_432, %parallel_loop3A_433] {strides = array<i32>} : memref<16x1024xf32, #tpu.memory_space<vmem>>, vector<16xf32>,
        %parallel_loop3A_435 = arith.maximumf %parallel_loop3A_434, %parallel_loop3A_427 : vector<16xf32>
        %parallel_loop3A_436 = arith.cmpf one, %parallel_loop3A_435, %parallel_loop3A_427 : vector<16xf32>
        %parallel_loop3A_437 = arith.constant 29 : i32
        %parallel_loop3A_438 = vector.broadcast %parallel_loop3A_437 : i32 to vector<16xi32>
        %parallel_loop3A_439 = arith.select %parallel_loop3A_436, %parallel_loop3A_438, %parallel_loop3A_431 : vector<16xi1>, vector<16xi32>
        %parallel_loop3A_440 = arith.index_cast %parallel_loop3A_202 : i32 to index
        %parallel_loop3A_441 = arith.constant 480 : index
        %parallel_loop3A_442 = tpu.vector_load %arg6[%parallel_loop3A_440, %parallel_loop3A_441] {strides = array<i32>} : memref<16x1024xf32, #tpu.memory_space<vmem>>, vector<16xf32>,
        %parallel_loop3A_443 = arith.maximumf %parallel_loop3A_442, %parallel_loop3A_435 : vector<16xf32>
        %parallel_loop3A_444 = arith.cmpf one, %parallel_loop3A_443, %parallel_loop3A_435 : vector<16xf32>
        %parallel_loop3A_445 = arith.constant 30 : i32
        %parallel_loop3A_446 = vector.broadcast %parallel_loop3A_445 : i32 to vector<16xi32>
        %parallel_loop3A_447 = arith.select %parallel_loop3A_444, %parallel_loop3A_446, %parallel_loop3A_439 : vector<16xi1>, vector<16xi32>
        %parallel_loop3A_448 = arith.index_cast %parallel_loop3A_202 : i32 to index
        %parallel_loop3A_449 = arith.constant 496 : index
        %parallel_loop3A_450 = tpu.vector_load %arg6[%parallel_loop3A_448, %parallel_loop3A_449] {strides = array<i32>} : memref<16x1024xf32, #tpu.memory_space<vmem>>, vector<16xf32>,
        %parallel_loop3A_451 = arith.maximumf %parallel_loop3A_450, %parallel_loop3A_443 : vector<16xf32>
        %parallel_loop3A_452 = arith.cmpf one, %parallel_loop3A_451, %parallel_loop3A_443 : vector<16xf32>
        %parallel_loop3A_453 = arith.constant 31 : i32
        %parallel_loop3A_454 = vector.broadcast %parallel_loop3A_453 : i32 to vector<16xi32>
        %parallel_loop3A_455 = arith.select %parallel_loop3A_452, %parallel_loop3A_454, %parallel_loop3A_447 : vector<16xi1>, vector<16xi32>
        %parallel_loop3A_456 = arith.index_cast %parallel_loop3A_202 : i32 to index
        %parallel_loop3A_457 = arith.constant 512 : index
        %parallel_loop3A_458 = tpu.vector_load %arg6[%parallel_loop3A_456, %parallel_loop3A_457] {strides = array<i32>} : memref<16x1024xf32, #tpu.memory_space<vmem>>, vector<16xf32>,
        %parallel_loop3A_459 = arith.maximumf %parallel_loop3A_458, %parallel_loop3A_451 : vector<16xf32>
        %parallel_loop3A_460 = arith.cmpf one, %parallel_loop3A_459, %parallel_loop3A_451 : vector<16xf32>
        %parallel_loop3A_461 = arith.constant 32 : i32
        %parallel_loop3A_462 = vector.broadcast %parallel_loop3A_461 : i32 to vector<16xi32>
        %parallel_loop3A_463 = arith.select %parallel_loop3A_460, %parallel_loop3A_462, %parallel_loop3A_455 : vector<16xi1>, vector<16xi32>
        %parallel_loop3A_464 = arith.index_cast %parallel_loop3A_202 : i32 to index
        %parallel_loop3A_465 = arith.constant 528 : index
        %parallel_loop3A_466 = tpu.vector_load %arg6[%parallel_loop3A_464, %parallel_loop3A_465] {strides = array<i32>} : memref<16x1024xf32, #tpu.memory_space<vmem>>, vector<16xf32>,
        %parallel_loop3A_467 = arith.maximumf %parallel_loop3A_466, %parallel_loop3A_459 : vector<16xf32>
        %parallel_loop3A_468 = arith.cmpf one, %parallel_loop3A_467, %parallel_loop3A_459 : vector<16xf32>
        %parallel_loop3A_469 = arith.constant 33 : i32
        %parallel_loop3A_470 = vector.broadcast %parallel_loop3A_469 : i32 to vector<16xi32>
        %parallel_loop3A_471 = arith.select %parallel_loop3A_468, %parallel_loop3A_470, %parallel_loop3A_463 : vector<16xi1>, vector<16xi32>
        %parallel_loop3A_472 = arith.index_cast %parallel_loop3A_202 : i32 to index
        %parallel_loop3A_473 = arith.constant 544 : index
        %parallel_loop3A_474 = tpu.vector_load %arg6[%parallel_loop3A_472, %parallel_loop3A_473] {strides = array<i32>} : memref<16x1024xf32, #tpu.memory_space<vmem>>, vector<16xf32>,
        %parallel_loop3A_475 = arith.maximumf %parallel_loop3A_474, %parallel_loop3A_467 : vector<16xf32>
        %parallel_loop3A_476 = arith.cmpf one, %parallel_loop3A_475, %parallel_loop3A_467 : vector<16xf32>
        %parallel_loop3A_477 = arith.constant 34 : i32
        %parallel_loop3A_478 = vector.broadcast %parallel_loop3A_477 : i32 to vector<16xi32>
        %parallel_loop3A_479 = arith.select %parallel_loop3A_476, %parallel_loop3A_478, %parallel_loop3A_471 : vector<16xi1>, vector<16xi32>
        %parallel_loop3A_480 = arith.index_cast %parallel_loop3A_202 : i32 to index
        %parallel_loop3A_481 = arith.constant 560 : index
        %parallel_loop3A_482 = tpu.vector_load %arg6[%parallel_loop3A_480, %parallel_loop3A_481] {strides = array<i32>} : memref<16x1024xf32, #tpu.memory_space<vmem>>, vector<16xf32>,
        %parallel_loop3A_483 = arith.maximumf %parallel_loop3A_482, %parallel_loop3A_475 : vector<16xf32>
        %parallel_loop3A_484 = arith.cmpf one, %parallel_loop3A_483, %parallel_loop3A_475 : vector<16xf32>
        %parallel_loop3A_485 = arith.constant 35 : i32
        %parallel_loop3A_486 = vector.broadcast %parallel_loop3A_485 : i32 to vector<16xi32>
        %parallel_loop3A_487 = arith.select %parallel_loop3A_484, %parallel_loop3A_486, %parallel_loop3A_479 : vector<16xi1>, vector<16xi32>
        %parallel_loop3A_488 = arith.index_cast %parallel_loop3A_202 : i32 to index
        %parallel_loop3A_489 = arith.constant 576 : index
        %parallel_loop3A_490 = tpu.vector_load %arg6[%parallel_loop3A_488, %parallel_loop3A_489] {strides = array<i32>} : memref<16x1024xf32, #tpu.memory_space<vmem>>, vector<16xf32>,
        %parallel_loop3A_491 = arith.maximumf %parallel_loop3A_490, %parallel_loop3A_483 : vector<16xf32>
        %parallel_loop3A_492 = arith.cmpf one, %parallel_loop3A_491, %parallel_loop3A_483 : vector<16xf32>
        %parallel_loop3A_493 = arith.constant 36 : i32
        %parallel_loop3A_494 = vector.broadcast %parallel_loop3A_493 : i32 to vector<16xi32>
        %parallel_loop3A_495 = arith.select %parallel_loop3A_492, %parallel_loop3A_494, %parallel_loop3A_487 : vector<16xi1>, vector<16xi32>
        %parallel_loop3A_496 = arith.index_cast %parallel_loop3A_202 : i32 to index
        %parallel_loop3A_497 = arith.constant 592 : index
        %parallel_loop3A_498 = tpu.vector_load %arg6[%parallel_loop3A_496, %parallel_loop3A_497] {strides = array<i32>} : memref<16x1024xf32, #tpu.memory_space<vmem>>, vector<16xf32>,
        %parallel_loop3A_499 = arith.maximumf %parallel_loop3A_498, %parallel_loop3A_491 : vector<16xf32>
        %parallel_loop3A_500 = arith.cmpf one, %parallel_loop3A_499, %parallel_loop3A_491 : vector<16xf32>
        %parallel_loop3A_501 = arith.constant 37 : i32
        %parallel_loop3A_502 = vector.broadcast %parallel_loop3A_501 : i32 to vector<16xi32>
        %parallel_loop3A_503 = arith.select %parallel_loop3A_500, %parallel_loop3A_502, %parallel_loop3A_495 : vector<16xi1>, vector<16xi32>
        %parallel_loop3A_504 = arith.index_cast %parallel_loop3A_202 : i32 to index
        %parallel_loop3A_505 = arith.constant 608 : index
        %parallel_loop3A_506 = tpu.vector_load %arg6[%parallel_loop3A_504, %parallel_loop3A_505] {strides = array<i32>} : memref<16x1024xf32, #tpu.memory_space<vmem>>, vector<16xf32>,
        %parallel_loop3A_507 = arith.maximumf %parallel_loop3A_506, %parallel_loop3A_499 : vector<16xf32>
        %parallel_loop3A_508 = arith.cmpf one, %parallel_loop3A_507, %parallel_loop3A_499 : vector<16xf32>
        %parallel_loop3A_509 = arith.constant 38 : i32
        %parallel_loop3A_510 = vector.broadcast %parallel_loop3A_509 : i32 to vector<16xi32>
        %parallel_loop3A_511 = arith.select %parallel_loop3A_508, %parallel_loop3A_510, %parallel_loop3A_503 : vector<16xi1>, vector<16xi32>
        %parallel_loop3A_512 = arith.index_cast %parallel_loop3A_202 : i32 to index
        %parallel_loop3A_513 = arith.constant 624 : index
        %parallel_loop3A_514 = tpu.vector_load %arg6[%parallel_loop3A_512, %parallel_loop3A_513] {strides = array<i32>} : memref<16x1024xf32, #tpu.memory_space<vmem>>, vector<16xf32>,
        %parallel_loop3A_515 = arith.maximumf %parallel_loop3A_514, %parallel_loop3A_507 : vector<16xf32>
        %parallel_loop3A_516 = arith.cmpf one, %parallel_loop3A_515, %parallel_loop3A_507 : vector<16xf32>
        %parallel_loop3A_517 = arith.constant 39 : i32
        %parallel_loop3A_518 = vector.broadcast %parallel_loop3A_517 : i32 to vector<16xi32>
        %parallel_loop3A_519 = arith.select %parallel_loop3A_516, %parallel_loop3A_518, %parallel_loop3A_511 : vector<16xi1>, vector<16xi32>
        %parallel_loop3A_520 = arith.index_cast %parallel_loop3A_202 : i32 to index
        %parallel_loop3A_521 = arith.constant 640 : index
        %parallel_loop3A_522 = tpu.vector_load %arg6[%parallel_loop3A_520, %parallel_loop3A_521] {strides = array<i32>} : memref<16x1024xf32, #tpu.memory_space<vmem>>, vector<16xf32>,
        %parallel_loop3A_523 = arith.maximumf %parallel_loop3A_522, %parallel_loop3A_515 : vector<16xf32>
        %parallel_loop3A_524 = arith.cmpf one, %parallel_loop3A_523, %parallel_loop3A_515 : vector<16xf32>
        %parallel_loop3A_525 = arith.constant 40 : i32
        %parallel_loop3A_526 = vector.broadcast %parallel_loop3A_525 : i32 to vector<16xi32>
        %parallel_loop3A_527 = arith.select %parallel_loop3A_524, %parallel_loop3A_526, %parallel_loop3A_519 : vector<16xi1>, vector<16xi32>
        %parallel_loop3A_528 = arith.index_cast %parallel_loop3A_202 : i32 to index
        %parallel_loop3A_529 = arith.constant 656 : index
        %parallel_loop3A_530 = tpu.vector_load %arg6[%parallel_loop3A_528, %parallel_loop3A_529] {strides = array<i32>} : memref<16x1024xf32, #tpu.memory_space<vmem>>, vector<16xf32>,
        %parallel_loop3A_531 = arith.maximumf %parallel_loop3A_530, %parallel_loop3A_523 : vector<16xf32>
        %parallel_loop3A_532 = arith.cmpf one, %parallel_loop3A_531, %parallel_loop3A_523 : vector<16xf32>
        %parallel_loop3A_533 = arith.constant 41 : i32
        %parallel_loop3A_534 = vector.broadcast %parallel_loop3A_533 : i32 to vector<16xi32>
        %parallel_loop3A_535 = arith.select %parallel_loop3A_532, %parallel_loop3A_534, %parallel_loop3A_527 : vector<16xi1>, vector<16xi32>
        %parallel_loop3A_536 = arith.index_cast %parallel_loop3A_202 : i32 to index
        %parallel_loop3A_537 = arith.constant 672 : index
        %parallel_loop3A_538 = tpu.vector_load %arg6[%parallel_loop3A_536, %parallel_loop3A_537] {strides = array<i32>} : memref<16x1024xf32, #tpu.memory_space<vmem>>, vector<16xf32>,
        %parallel_loop3A_539 = arith.maximumf %parallel_loop3A_538, %parallel_loop3A_531 : vector<16xf32>
        %parallel_loop3A_540 = arith.cmpf one, %parallel_loop3A_539, %parallel_loop3A_531 : vector<16xf32>
        %parallel_loop3A_541 = arith.constant 42 : i32
        %parallel_loop3A_542 = vector.broadcast %parallel_loop3A_541 : i32 to vector<16xi32>
        %parallel_loop3A_543 = arith.select %parallel_loop3A_540, %parallel_loop3A_542, %parallel_loop3A_535 : vector<16xi1>, vector<16xi32>
        %parallel_loop3A_544 = arith.index_cast %parallel_loop3A_202 : i32 to index
        %parallel_loop3A_545 = arith.constant 688 : index
        %parallel_loop3A_546 = tpu.vector_load %arg6[%parallel_loop3A_544, %parallel_loop3A_545] {strides = array<i32>} : memref<16x1024xf32, #tpu.memory_space<vmem>>, vector<16xf32>,
        %parallel_loop3A_547 = arith.maximumf %parallel_loop3A_546, %parallel_loop3A_539 : vector<16xf32>
        %parallel_loop3A_548 = arith.cmpf one, %parallel_loop3A_547, %parallel_loop3A_539 : vector<16xf32>
        %parallel_loop3A_549 = arith.constant 43 : i32
        %parallel_loop3A_550 = vector.broadcast %parallel_loop3A_549 : i32 to vector<16xi32>
        %parallel_loop3A_551 = arith.select %parallel_loop3A_548, %parallel_loop3A_550, %parallel_loop3A_543 : vector<16xi1>, vector<16xi32>
        %parallel_loop3A_552 = arith.index_cast %parallel_loop3A_202 : i32 to index
        %parallel_loop3A_553 = arith.constant 704 : index
        %parallel_loop3A_554 = tpu.vector_load %arg6[%parallel_loop3A_552, %parallel_loop3A_553] {strides = array<i32>} : memref<16x1024xf32, #tpu.memory_space<vmem>>, vector<16xf32>,
        %parallel_loop3A_555 = arith.maximumf %parallel_loop3A_554, %parallel_loop3A_547 : vector<16xf32>
        %parallel_loop3A_556 = arith.cmpf one, %parallel_loop3A_555, %parallel_loop3A_547 : vector<16xf32>
        %parallel_loop3A_557 = arith.constant 44 : i32
        %parallel_loop3A_558 = vector.broadcast %parallel_loop3A_557 : i32 to vector<16xi32>
        %parallel_loop3A_559 = arith.select %parallel_loop3A_556, %parallel_loop3A_558, %parallel_loop3A_551 : vector<16xi1>, vector<16xi32>
        %parallel_loop3A_560 = arith.index_cast %parallel_loop3A_202 : i32 to index
        %parallel_loop3A_561 = arith.constant 720 : index
        %parallel_loop3A_562 = tpu.vector_load %arg6[%parallel_loop3A_560, %parallel_loop3A_561] {strides = array<i32>} : memref<16x1024xf32, #tpu.memory_space<vmem>>, vector<16xf32>,
        %parallel_loop3A_563 = arith.maximumf %parallel_loop3A_562, %parallel_loop3A_555 : vector<16xf32>
        %parallel_loop3A_564 = arith.cmpf one, %parallel_loop3A_563, %parallel_loop3A_555 : vector<16xf32>
        %parallel_loop3A_565 = arith.constant 45 : i32
        %parallel_loop3A_566 = vector.broadcast %parallel_loop3A_565 : i32 to vector<16xi32>
        %parallel_loop3A_567 = arith.select %parallel_loop3A_564, %parallel_loop3A_566, %parallel_loop3A_559 : vector<16xi1>, vector<16xi32>
        %parallel_loop3A_568 = arith.index_cast %parallel_loop3A_202 : i32 to index
        %parallel_loop3A_569 = arith.constant 736 : index
        %parallel_loop3A_570 = tpu.vector_load %arg6[%parallel_loop3A_568, %parallel_loop3A_569] {strides = array<i32>} : memref<16x1024xf32, #tpu.memory_space<vmem>>, vector<16xf32>,
        %parallel_loop3A_571 = arith.maximumf %parallel_loop3A_570, %parallel_loop3A_563 : vector<16xf32>
        %parallel_loop3A_572 = arith.cmpf one, %parallel_loop3A_571, %parallel_loop3A_563 : vector<16xf32>
        %parallel_loop3A_573 = arith.constant 46 : i32
        %parallel_loop3A_574 = vector.broadcast %parallel_loop3A_573 : i32 to vector<16xi32>
        %parallel_loop3A_575 = arith.select %parallel_loop3A_572, %parallel_loop3A_574, %parallel_loop3A_567 : vector<16xi1>, vector<16xi32>
        %parallel_loop3A_576 = arith.index_cast %parallel_loop3A_202 : i32 to index
        %parallel_loop3A_577 = arith.constant 752 : index
        %parallel_loop3A_578 = tpu.vector_load %arg6[%parallel_loop3A_576, %parallel_loop3A_577] {strides = array<i32>} : memref<16x1024xf32, #tpu.memory_space<vmem>>, vector<16xf32>,
        %parallel_loop3A_579 = arith.maximumf %parallel_loop3A_578, %parallel_loop3A_571 : vector<16xf32>
        %parallel_loop3A_580 = arith.cmpf one, %parallel_loop3A_579, %parallel_loop3A_571 : vector<16xf32>
        %parallel_loop3A_581 = arith.constant 47 : i32
        %parallel_loop3A_582 = vector.broadcast %parallel_loop3A_581 : i32 to vector<16xi32>
        %parallel_loop3A_583 = arith.select %parallel_loop3A_580, %parallel_loop3A_582, %parallel_loop3A_575 : vector<16xi1>, vector<16xi32>
        %parallel_loop3A_584 = arith.index_cast %parallel_loop3A_202 : i32 to index
        %parallel_loop3A_585 = arith.constant 768 : index
        %parallel_loop3A_586 = tpu.vector_load %arg6[%parallel_loop3A_584, %parallel_loop3A_585] {strides = array<i32>} : memref<16x1024xf32, #tpu.memory_space<vmem>>, vector<16xf32>,
        %parallel_loop3A_587 = arith.maximumf %parallel_loop3A_586, %parallel_loop3A_579 : vector<16xf32>
        %parallel_loop3A_588 = arith.cmpf one, %parallel_loop3A_587, %parallel_loop3A_579 : vector<16xf32>
        %parallel_loop3A_589 = arith.constant 48 : i32
        %parallel_loop3A_590 = vector.broadcast %parallel_loop3A_589 : i32 to vector<16xi32>
        %parallel_loop3A_591 = arith.select %parallel_loop3A_588, %parallel_loop3A_590, %parallel_loop3A_583 : vector<16xi1>, vector<16xi32>
        %parallel_loop3A_592 = arith.index_cast %parallel_loop3A_202 : i32 to index
        %parallel_loop3A_593 = arith.constant 784 : index
        %parallel_loop3A_594 = tpu.vector_load %arg6[%parallel_loop3A_592, %parallel_loop3A_593] {strides = array<i32>} : memref<16x1024xf32, #tpu.memory_space<vmem>>, vector<16xf32>,
        %parallel_loop3A_595 = arith.maximumf %parallel_loop3A_594, %parallel_loop3A_587 : vector<16xf32>
        %parallel_loop3A_596 = arith.cmpf one, %parallel_loop3A_595, %parallel_loop3A_587 : vector<16xf32>
        %parallel_loop3A_597 = arith.constant 49 : i32
        %parallel_loop3A_598 = vector.broadcast %parallel_loop3A_597 : i32 to vector<16xi32>
        %parallel_loop3A_599 = arith.select %parallel_loop3A_596, %parallel_loop3A_598, %parallel_loop3A_591 : vector<16xi1>, vector<16xi32>
        %parallel_loop3A_600 = arith.index_cast %parallel_loop3A_202 : i32 to index
        %parallel_loop3A_601 = arith.constant 800 : index
        %parallel_loop3A_602 = tpu.vector_load %arg6[%parallel_loop3A_600, %parallel_loop3A_601] {strides = array<i32>} : memref<16x1024xf32, #tpu.memory_space<vmem>>, vector<16xf32>,
        %parallel_loop3A_603 = arith.maximumf %parallel_loop3A_602, %parallel_loop3A_595 : vector<16xf32>
        %parallel_loop3A_604 = arith.cmpf one, %parallel_loop3A_603, %parallel_loop3A_595 : vector<16xf32>
        %parallel_loop3A_605 = arith.constant 50 : i32
        %parallel_loop3A_606 = vector.broadcast %parallel_loop3A_605 : i32 to vector<16xi32>
        %parallel_loop3A_607 = arith.select %parallel_loop3A_604, %parallel_loop3A_606, %parallel_loop3A_599 : vector<16xi1>, vector<16xi32>
        %parallel_loop3A_608 = arith.index_cast %parallel_loop3A_202 : i32 to index
        %parallel_loop3A_609 = arith.constant 816 : index
        %parallel_loop3A_610 = tpu.vector_load %arg6[%parallel_loop3A_608, %parallel_loop3A_609] {strides = array<i32>} : memref<16x1024xf32, #tpu.memory_space<vmem>>, vector<16xf32>,
        %parallel_loop3A_611 = arith.maximumf %parallel_loop3A_610, %parallel_loop3A_603 : vector<16xf32>
        %parallel_loop3A_612 = arith.cmpf one, %parallel_loop3A_611, %parallel_loop3A_603 : vector<16xf32>
        %parallel_loop3A_613 = arith.constant 51 : i32
        %parallel_loop3A_614 = vector.broadcast %parallel_loop3A_613 : i32 to vector<16xi32>
        %parallel_loop3A_615 = arith.select %parallel_loop3A_612, %parallel_loop3A_614, %parallel_loop3A_607 : vector<16xi1>, vector<16xi32>
        %parallel_loop3A_616 = arith.index_cast %parallel_loop3A_202 : i32 to index
        %parallel_loop3A_617 = arith.constant 832 : index
        %parallel_loop3A_618 = tpu.vector_load %arg6[%parallel_loop3A_616, %parallel_loop3A_617] {strides = array<i32>} : memref<16x1024xf32, #tpu.memory_space<vmem>>, vector<16xf32>,
        %parallel_loop3A_619 = arith.maximumf %parallel_loop3A_618, %parallel_loop3A_611 : vector<16xf32>
        %parallel_loop3A_620 = arith.cmpf one, %parallel_loop3A_619, %parallel_loop3A_611 : vector<16xf32>
        %parallel_loop3A_621 = arith.constant 52 : i32
        %parallel_loop3A_622 = vector.broadcast %parallel_loop3A_621 : i32 to vector<16xi32>
        %parallel_loop3A_623 = arith.select %parallel_loop3A_620, %parallel_loop3A_622, %parallel_loop3A_615 : vector<16xi1>, vector<16xi32>
        %parallel_loop3A_624 = arith.index_cast %parallel_loop3A_202 : i32 to index
        %parallel_loop3A_625 = arith.constant 848 : index
        %parallel_loop3A_626 = tpu.vector_load %arg6[%parallel_loop3A_624, %parallel_loop3A_625] {strides = array<i32>} : memref<16x1024xf32, #tpu.memory_space<vmem>>, vector<16xf32>,
        %parallel_loop3A_627 = arith.maximumf %parallel_loop3A_626, %parallel_loop3A_619 : vector<16xf32>
        %parallel_loop3A_628 = arith.cmpf one, %parallel_loop3A_627, %parallel_loop3A_619 : vector<16xf32>
        %parallel_loop3A_629 = arith.constant 53 : i32
        %parallel_loop3A_630 = vector.broadcast %parallel_loop3A_629 : i32 to vector<16xi32>
        %parallel_loop3A_631 = arith.select %parallel_loop3A_628, %parallel_loop3A_630, %parallel_loop3A_623 : vector<16xi1>, vector<16xi32>
        %parallel_loop3A_632 = arith.index_cast %parallel_loop3A_202 : i32 to index
        %parallel_loop3A_633 = arith.constant 864 : index
        %parallel_loop3A_634 = tpu.vector_load %arg6[%parallel_loop3A_632, %parallel_loop3A_633] {strides = array<i32>} : memref<16x1024xf32, #tpu.memory_space<vmem>>, vector<16xf32>,
        %parallel_loop3A_635 = arith.maximumf %parallel_loop3A_634, %parallel_loop3A_627 : vector<16xf32>
        %parallel_loop3A_636 = arith.cmpf one, %parallel_loop3A_635, %parallel_loop3A_627 : vector<16xf32>
        %parallel_loop3A_637 = arith.constant 54 : i32
        %parallel_loop3A_638 = vector.broadcast %parallel_loop3A_637 : i32 to vector<16xi32>
        %parallel_loop3A_639 = arith.select %parallel_loop3A_636, %parallel_loop3A_638, %parallel_loop3A_631 : vector<16xi1>, vector<16xi32>
        %parallel_loop3A_640 = arith.index_cast %parallel_loop3A_202 : i32 to index
        %parallel_loop3A_641 = arith.constant 880 : index
        %parallel_loop3A_642 = tpu.vector_load %arg6[%parallel_loop3A_640, %parallel_loop3A_641] {strides = array<i32>} : memref<16x1024xf32, #tpu.memory_space<vmem>>, vector<16xf32>,
        %parallel_loop3A_643 = arith.maximumf %parallel_loop3A_642, %parallel_loop3A_635 : vector<16xf32>
        %parallel_loop3A_644 = arith.cmpf one, %parallel_loop3A_643, %parallel_loop3A_635 : vector<16xf32>
        %parallel_loop3A_645 = arith.constant 55 : i32
        %parallel_loop3A_646 = vector.broadcast %parallel_loop3A_645 : i32 to vector<16xi32>
        %parallel_loop3A_647 = arith.select %parallel_loop3A_644, %parallel_loop3A_646, %parallel_loop3A_639 : vector<16xi1>, vector<16xi32>
        %parallel_loop3A_648 = arith.index_cast %parallel_loop3A_202 : i32 to index
        %parallel_loop3A_649 = arith.constant 896 : index
        %parallel_loop3A_650 = tpu.vector_load %arg6[%parallel_loop3A_648, %parallel_loop3A_649] {strides = array<i32>} : memref<16x1024xf32, #tpu.memory_space<vmem>>, vector<16xf32>,
        %parallel_loop3A_651 = arith.maximumf %parallel_loop3A_650, %parallel_loop3A_643 : vector<16xf32>
        %parallel_loop3A_652 = arith.cmpf one, %parallel_loop3A_651, %parallel_loop3A_643 : vector<16xf32>
        %parallel_loop3A_653 = arith.constant 56 : i32
        %parallel_loop3A_654 = vector.broadcast %parallel_loop3A_653 : i32 to vector<16xi32>
        %parallel_loop3A_655 = arith.select %parallel_loop3A_652, %parallel_loop3A_654, %parallel_loop3A_647 : vector<16xi1>, vector<16xi32>
        %parallel_loop3A_656 = arith.index_cast %parallel_loop3A_202 : i32 to index
        %parallel_loop3A_657 = arith.constant 912 : index
        %parallel_loop3A_658 = tpu.vector_load %arg6[%parallel_loop3A_656, %parallel_loop3A_657] {strides = array<i32>} : memref<16x1024xf32, #tpu.memory_space<vmem>>, vector<16xf32>,
        %parallel_loop3A_659 = arith.maximumf %parallel_loop3A_658, %parallel_loop3A_651 : vector<16xf32>
        %parallel_loop3A_660 = arith.cmpf one, %parallel_loop3A_659, %parallel_loop3A_651 : vector<16xf32>
        %parallel_loop3A_661 = arith.constant 57 : i32
        %parallel_loop3A_662 = vector.broadcast %parallel_loop3A_661 : i32 to vector<16xi32>
        %parallel_loop3A_663 = arith.select %parallel_loop3A_660, %parallel_loop3A_662, %parallel_loop3A_655 : vector<16xi1>, vector<16xi32>
        %parallel_loop3A_664 = arith.index_cast %parallel_loop3A_202 : i32 to index
        %parallel_loop3A_665 = arith.constant 928 : index
        %parallel_loop3A_666 = tpu.vector_load %arg6[%parallel_loop3A_664, %parallel_loop3A_665] {strides = array<i32>} : memref<16x1024xf32, #tpu.memory_space<vmem>>, vector<16xf32>,
        %parallel_loop3A_667 = arith.maximumf %parallel_loop3A_666, %parallel_loop3A_659 : vector<16xf32>
        %parallel_loop3A_668 = arith.cmpf one, %parallel_loop3A_667, %parallel_loop3A_659 : vector<16xf32>
        %parallel_loop3A_669 = arith.constant 58 : i32
        %parallel_loop3A_670 = vector.broadcast %parallel_loop3A_669 : i32 to vector<16xi32>
        %parallel_loop3A_671 = arith.select %parallel_loop3A_668, %parallel_loop3A_670, %parallel_loop3A_663 : vector<16xi1>, vector<16xi32>
        %parallel_loop3A_672 = arith.index_cast %parallel_loop3A_202 : i32 to index
        %parallel_loop3A_673 = arith.constant 944 : index
        %parallel_loop3A_674 = tpu.vector_load %arg6[%parallel_loop3A_672, %parallel_loop3A_673] {strides = array<i32>} : memref<16x1024xf32, #tpu.memory_space<vmem>>, vector<16xf32>,
        %parallel_loop3A_675 = arith.maximumf %parallel_loop3A_674, %parallel_loop3A_667 : vector<16xf32>
        %parallel_loop3A_676 = arith.cmpf one, %parallel_loop3A_675, %parallel_loop3A_667 : vector<16xf32>
        %parallel_loop3A_677 = arith.constant 59 : i32
        %parallel_loop3A_678 = vector.broadcast %parallel_loop3A_677 : i32 to vector<16xi32>
        %parallel_loop3A_679 = arith.select %parallel_loop3A_676, %parallel_loop3A_678, %parallel_loop3A_671 : vector<16xi1>, vector<16xi32>
        %parallel_loop3A_680 = arith.index_cast %parallel_loop3A_202 : i32 to index
        %parallel_loop3A_681 = arith.constant 960 : index
        %parallel_loop3A_682 = tpu.vector_load %arg6[%parallel_loop3A_680, %parallel_loop3A_681] {strides = array<i32>} : memref<16x1024xf32, #tpu.memory_space<vmem>>, vector<16xf32>,
        %parallel_loop3A_683 = arith.maximumf %parallel_loop3A_682, %parallel_loop3A_675 : vector<16xf32>
        %parallel_loop3A_684 = arith.cmpf one, %parallel_loop3A_683, %parallel_loop3A_675 : vector<16xf32>
        %parallel_loop3A_685 = arith.constant 60 : i32
        %parallel_loop3A_686 = vector.broadcast %parallel_loop3A_685 : i32 to vector<16xi32>
        %parallel_loop3A_687 = arith.select %parallel_loop3A_684, %parallel_loop3A_686, %parallel_loop3A_679 : vector<16xi1>, vector<16xi32>
        %parallel_loop3A_688 = arith.index_cast %parallel_loop3A_202 : i32 to index
        %parallel_loop3A_689 = arith.constant 976 : index
        %parallel_loop3A_690 = tpu.vector_load %arg6[%parallel_loop3A_688, %parallel_loop3A_689] {strides = array<i32>} : memref<16x1024xf32, #tpu.memory_space<vmem>>, vector<16xf32>,
        %parallel_loop3A_691 = arith.maximumf %parallel_loop3A_690, %parallel_loop3A_683 : vector<16xf32>
        %parallel_loop3A_692 = arith.cmpf one, %parallel_loop3A_691, %parallel_loop3A_683 : vector<16xf32>
        %parallel_loop3A_693 = arith.constant 61 : i32
        %parallel_loop3A_694 = vector.broadcast %parallel_loop3A_693 : i32 to vector<16xi32>
        %parallel_loop3A_695 = arith.select %parallel_loop3A_692, %parallel_loop3A_694, %parallel_loop3A_687 : vector<16xi1>, vector<16xi32>
        %parallel_loop3A_696 = arith.index_cast %parallel_loop3A_202 : i32 to index
        %parallel_loop3A_697 = arith.constant 992 : index
        %parallel_loop3A_698 = tpu.vector_load %arg6[%parallel_loop3A_696, %parallel_loop3A_697] {strides = array<i32>} : memref<16x1024xf32, #tpu.memory_space<vmem>>, vector<16xf32>,
        %parallel_loop3A_699 = arith.maximumf %parallel_loop3A_698, %parallel_loop3A_691 : vector<16xf32>
        %parallel_loop3A_700 = arith.cmpf one, %parallel_loop3A_699, %parallel_loop3A_691 : vector<16xf32>
        %parallel_loop3A_701 = arith.constant 62 : i32
        %parallel_loop3A_702 = vector.broadcast %parallel_loop3A_701 : i32 to vector<16xi32>
        %parallel_loop3A_703 = arith.select %parallel_loop3A_700, %parallel_loop3A_702, %parallel_loop3A_695 : vector<16xi1>, vector<16xi32>
        %parallel_loop3A_704 = arith.index_cast %parallel_loop3A_202 : i32 to index
        %parallel_loop3A_705 = arith.constant 1008 : index
        %parallel_loop3A_706 = tpu.vector_load %arg6[%parallel_loop3A_704, %parallel_loop3A_705] {strides = array<i32>} : memref<16x1024xf32, #tpu.memory_space<vmem>>, vector<16xf32>,
        %parallel_loop3A_707 = arith.maximumf %parallel_loop3A_706, %parallel_loop3A_699 : vector<16xf32>
        %parallel_loop3A_708 = arith.cmpf one, %parallel_loop3A_707, %parallel_loop3A_699 : vector<16xf32>
        %parallel_loop3A_709 = arith.constant 63 : i32
        %parallel_loop3A_710 = vector.broadcast %parallel_loop3A_709 : i32 to vector<16xi32>
        %parallel_loop3A_711 = arith.select %parallel_loop3A_708, %parallel_loop3A_710, %parallel_loop3A_703 : vector<16xi1>, vector<16xi32>
        %parallel_loop3A_712 = arith.constant true
        %parallel_loop3A_713 = vector.broadcast %parallel_loop3A_712 : i1 to vector<16xi1>
        %parallel_loop3A_714 = tpu.scan <max>, %parallel_loop3A_707 masked %parallel_loop3A_713 : vector<16xf32>, vector<16xi1> -> vector<16xf32>
        %parallel_loop3A_715 = vector.extract %parallel_loop3A_714[15] : f32 from vector<16xf32>
        %parallel_loop3A_716 = arith.constant 16 : i32
        %parallel_loop3A_717 = vector.broadcast %parallel_loop3A_716 : i32 to vector<16xi32>
        %parallel_loop3A_718 = arith.muli %parallel_loop3A_711, %parallel_loop3A_717 : vector<16xi32>
        %parallel_loop3A_719 = arith.addi %parallel_loop3A_718, %iota3A : vector<16xi32>
        %parallel_loop3A_720 = arith.constant 1.000000e+00 : f32
        %parallel_loop3A_721 = vector.broadcast %parallel_loop3A_720 : f32 to vector<16xf32>
        %parallel_loop3A_722 = vector.broadcast %parallel_loop3A_715 : f32 to vector<16xf32>
        %parallel_loop3A_723 = arith.mulf %parallel_loop3A_721, %parallel_loop3A_722 : vector<16xf32>
        %parallel_loop3A_724 = arith.cmpf oeq, %parallel_loop3A_707, %parallel_loop3A_723 : vector<16xf32>
        %parallel_loop3A_725 = arith.constant 1024 : i32
        %parallel_loop3A_726 = vector.broadcast %parallel_loop3A_725 : i32 to vector<16xi32>
        %parallel_loop3A_727 = arith.select %parallel_loop3A_724, %parallel_loop3A_719, %parallel_loop3A_726 : vector<16xi1>, vector<16xi32>
        %parallel_loop3A_728 = arith.constant 1 : i32
        %parallel_loop3A_729 = vector.broadcast %parallel_loop3A_728 : i32 to vector<16xi32>
        %parallel_loop3A_730 = arith.constant true
        %parallel_loop3A_731 = vector.broadcast %parallel_loop3A_730 : i1 to vector<16xi1>
        %parallel_loop3A_732 = arith.constant -2147483648 : i32
        %parallel_loop3A_733 = vector.broadcast %parallel_loop3A_732 : i32 to vector<16xi32>
        %parallel_loop3A_734 = arith.xori %parallel_loop3A_727, %parallel_loop3A_733 : vector<16xi32>
        %parallel_loop3A_735 = tpu.scan <min>, %parallel_loop3A_734 masked %parallel_loop3A_731 : vector<16xi32>, vector<16xi1> -> vector<16xi32>
        %parallel_loop3A_736 = arith.xori %parallel_loop3A_735, %parallel_loop3A_733 : vector<16xi32>
        %parallel_loop3A_737 = vector.extract %parallel_loop3A_736[15] : i32 from vector<16xi32>
        %parallel_loop3A_738 = vector.broadcast %parallel_loop3A_737 : i32 to vector<16xi32>
        %parallel_loop3A_739 = arith.muli %parallel_loop3A_729, %parallel_loop3A_738 : vector<16xi32>
        %parallel_loop3A_740 = arith.constant 1 : i32
        %parallel_loop3A_741 = vector.broadcast %parallel_loop3A_740 : i32 to vector<16xi32>
        %parallel_loop3A_742 = arith.addi %mul3A_164, %parallel_loop3A_202 : i32
        %parallel_loop3A_743 = vector.broadcast %parallel_loop3A_742 : i32 to vector<16xi32>
        %parallel_loop3A_744 = arith.muli %parallel_loop3A_741, %parallel_loop3A_743 : vector<16xi32>
        %parallel_loop3A_745 = arith.constant 0 : i32
        %parallel_loop3A_746 = vector.broadcast %parallel_loop3A_745 : i32 to vector<16xi32>
        %parallel_loop3A_747 = arith.cmpi eq, %iota3A, %parallel_loop3A_746 : vector<16xi32>
        tpu.vector_store_idx %arg10[%parallel_loop3A_744], %parallel_loop3A_739 masked %parallel_loop3A_747 : memref<512xi32, #tpu.memory_space<vmem>>[vector<16xi32>], vector<16xi32>, vector<16xi1>
      } {sc.loop_unroll_factor = 4 : i64, sc.parallel_access}
      %mul3A_167 = arith.constant 2 : i32
      %mul3A_168 = arith.muli %mul3A_167, %scan3A_150 : i32
      %add3A_169 = arith.constant 2 : i32
      %add3A_170 = arith.addi %mul3A_168, %add3A_169 : i32
      %lt3A_171 = arith.constant 32 : i32
      %lt3A_172 = arith.cmpi slt, %add3A_170, %lt3A_171 : i32
      %convert_element_type3A = arith.extui %lt3A_172 : i1 to i32
      %cond3A = arith.constant 0 : i32
      %cond3A_173 = arith.cmpi ne, %convert_element_type3A, %cond3A : i32
      scf.if %cond3A_173 {
        %mul3A_202 = arith.constant 2 : i32
        %mul3A_203 = arith.muli %mul3A_202, %scan3A_150 : i32
        %add3A_204 = arith.constant 2 : i32
        %add3A_205 = arith.addi %mul3A_203, %add3A_204 : i32
        %mul3A_206 = arith.constant 16 : i32
        %mul3A_207 = arith.muli %add3A_205, %mul3A_206 : i32
        %add3A_208 = arith.addi %mul3A_32, %mul3A_207 : i32
        %multiple_of3A_209 = tpu.assume_multiple %add3A_208, 16 : i32
        %dma_start3A_210 = arith.constant 0 : i32
        %dma_start3A_211 = tpu.memref_slice %arg2[%add3A, %multiple_of3A_209, %dma_start3A_210] : memref<16x1024x1024xf32, #tpu.memory_space<hbm>> -> memref<1x16x1024xf32, #tpu.memory_space<hbm>>
        %dma_start3A_212 = tpu.memref_squeeze %dma_start3A_211 : memref<1x16x1024xf32, #tpu.memory_space<hbm>> -> memref<16x1024xf32, #tpu.memory_space<hbm>>
        %dma_start3A_213 = arith.constant 0 : i32
        %dma_start3A_214 = tpu.memref_slice %arg2[%add3A, %multiple_of3A_209, %dma_start3A_213] : memref<16x1024x1024xf32, #tpu.memory_space<hbm>> -> memref<1x16x1024xf32, #tpu.memory_space<hbm>>
        %dma_start3A_215 = tpu.memref_squeeze %dma_start3A_214 : memref<1x16x1024xf32, #tpu.memory_space<hbm>> -> memref<16x1024xf32, #tpu.memory_space<hbm>>
        tpu.enqueue_dma source(%dma_start3A_215 : memref<16x1024xf32, #tpu.memory_space<hbm>>) target(%arg6 : memref<16x1024xf32, #tpu.memory_space<vmem>>) target_semaphore(%arg11 : memref<!tpu.dma_semaphore, #tpu.memory_space<semaphore_mem>>)
      } else {
      }
      %dma_wait3A_174 = arith.constant 0 : i32
      %dma_wait3A_175 = arith.constant 0 : i32
      %dma_wait3A_176 = arith.constant 0 : i32
      %dma_wait3A_177 = tpu.memref_slice %arg2[%dma_wait3A_174, %dma_wait3A_175, %dma_wait3A_176] : memref<16x1024x1024xf32, #tpu.memory_space<hbm>> -> memref<1x16x1024xf32, #tpu.memory_space<hbm>>
      %dma_wait3A_178 = tpu.memref_squeeze %dma_wait3A_177 : memref<1x16x1024xf32, #tpu.memory_space<hbm>> -> memref<16x1024xf32, #tpu.memory_space<hbm>>
      %dma_wait3A_179 = arith.constant 0 : i32
      %dma_wait3A_180 = arith.constant 0 : i32
      %dma_wait3A_181 = tpu.memref_slice %arg2[%dma_wait3A_174, %dma_wait3A_179, %dma_wait3A_180] : memref<16x1024x1024xf32, #tpu.memory_space<hbm>> -> memref<1x16x1024xf32, #tpu.memory_space<hbm>>
      %dma_wait3A_182 = tpu.memref_squeeze %dma_wait3A_181 : memref<1x16x1024xf32, #tpu.memory_space<hbm>> -> memref<16x1024xf32, #tpu.memory_space<hbm>>
      tpu.wait_dma2 semaphore(%arg12 : memref<!tpu.dma_semaphore, #tpu.memory_space<semaphore_mem>>) src(%dma_wait3A_182 : memref<16x1024xf32, #tpu.memory_space<hbm>>) dst(%arg7 : memref<16x1024xf32, #tpu.memory_space<vmem>>)
      %mul3A_183 = arith.constant 2 : i32
      %mul3A_184 = arith.muli %mul3A_183, %scan3A_150 : i32
      %add3A_185 = arith.constant 1 : i32
      %add3A_186 = arith.addi %mul3A_184, %add3A_185 : i32
      %mul3A_187 = arith.constant 16 : i32
      %mul3A_188 = arith.muli %add3A_186, %mul3A_187 : i32
      %parallel_loop3A_189 = arith.constant 0 : i32
      %parallel_loop3A_190 = arith.constant 16 : i32
      %parallel_loop3A_191 = arith.constant 1 : i32
      scf.for %parallel_loop3A_202 = %parallel_loop3A_189 to %parallel_loop3A_190 step %parallel_loop3A_191  : i32 {
        %parallel_loop3A_203 = arith.index_cast %parallel_loop3A_202 : i32 to index
        %parallel_loop3A_204 = arith.constant 0 : index
        %parallel_loop3A_205 = tpu.vector_load %arg7[%parallel_loop3A_203, %parallel_loop3A_204] {strides = array<i32>} : memref<16x1024xf32, #tpu.memory_space<vmem>>, vector<16xf32>,
        %parallel_loop3A_206 = arith.constant 0 : i32
        %parallel_loop3A_207 = vector.broadcast %parallel_loop3A_206 : i32 to vector<16xi32>
        %parallel_loop3A_208 = arith.index_cast %parallel_loop3A_202 : i32 to index
        %parallel_loop3A_209 = arith.constant 16 : index
        %parallel_loop3A_210 = tpu.vector_load %arg7[%parallel_loop3A_208, %parallel_loop3A_209] {strides = array<i32>} : memref<16x1024xf32, #tpu.memory_space<vmem>>, vector<16xf32>,
        %parallel_loop3A_211 = arith.maximumf %parallel_loop3A_210, %parallel_loop3A_205 : vector<16xf32>
        %parallel_loop3A_212 = arith.cmpf one, %parallel_loop3A_211, %parallel_loop3A_205 : vector<16xf32>
        %parallel_loop3A_213 = arith.constant 1 : i32
        %parallel_loop3A_214 = vector.broadcast %parallel_loop3A_213 : i32 to vector<16xi32>
        %parallel_loop3A_215 = arith.select %parallel_loop3A_212, %parallel_loop3A_214, %parallel_loop3A_207 : vector<16xi1>, vector<16xi32>
        %parallel_loop3A_216 = arith.index_cast %parallel_loop3A_202 : i32 to index
        %parallel_loop3A_217 = arith.constant 32 : index
        %parallel_loop3A_218 = tpu.vector_load %arg7[%parallel_loop3A_216, %parallel_loop3A_217] {strides = array<i32>} : memref<16x1024xf32, #tpu.memory_space<vmem>>, vector<16xf32>,
        %parallel_loop3A_219 = arith.maximumf %parallel_loop3A_218, %parallel_loop3A_211 : vector<16xf32>
        %parallel_loop3A_220 = arith.cmpf one, %parallel_loop3A_219, %parallel_loop3A_211 : vector<16xf32>
        %parallel_loop3A_221 = arith.constant 2 : i32
        %parallel_loop3A_222 = vector.broadcast %parallel_loop3A_221 : i32 to vector<16xi32>
        %parallel_loop3A_223 = arith.select %parallel_loop3A_220, %parallel_loop3A_222, %parallel_loop3A_215 : vector<16xi1>, vector<16xi32>
        %parallel_loop3A_224 = arith.index_cast %parallel_loop3A_202 : i32 to index
        %parallel_loop3A_225 = arith.constant 48 : index
        %parallel_loop3A_226 = tpu.vector_load %arg7[%parallel_loop3A_224, %parallel_loop3A_225] {strides = array<i32>} : memref<16x1024xf32, #tpu.memory_space<vmem>>, vector<16xf32>,
        %parallel_loop3A_227 = arith.maximumf %parallel_loop3A_226, %parallel_loop3A_219 : vector<16xf32>
        %parallel_loop3A_228 = arith.cmpf one, %parallel_loop3A_227, %parallel_loop3A_219 : vector<16xf32>
        %parallel_loop3A_229 = arith.constant 3 : i32
        %parallel_loop3A_230 = vector.broadcast %parallel_loop3A_229 : i32 to vector<16xi32>
        %parallel_loop3A_231 = arith.select %parallel_loop3A_228, %parallel_loop3A_230, %parallel_loop3A_223 : vector<16xi1>, vector<16xi32>
        %parallel_loop3A_232 = arith.index_cast %parallel_loop3A_202 : i32 to index
        %parallel_loop3A_233 = arith.constant 64 : index
        %parallel_loop3A_234 = tpu.vector_load %arg7[%parallel_loop3A_232, %parallel_loop3A_233] {strides = array<i32>} : memref<16x1024xf32, #tpu.memory_space<vmem>>, vector<16xf32>,
        %parallel_loop3A_235 = arith.maximumf %parallel_loop3A_234, %parallel_loop3A_227 : vector<16xf32>
        %parallel_loop3A_236 = arith.cmpf one, %parallel_loop3A_235, %parallel_loop3A_227 : vector<16xf32>
        %parallel_loop3A_237 = arith.constant 4 : i32
        %parallel_loop3A_238 = vector.broadcast %parallel_loop3A_237 : i32 to vector<16xi32>
        %parallel_loop3A_239 = arith.select %parallel_loop3A_236, %parallel_loop3A_238, %parallel_loop3A_231 : vector<16xi1>, vector<16xi32>
        %parallel_loop3A_240 = arith.index_cast %parallel_loop3A_202 : i32 to index
        %parallel_loop3A_241 = arith.constant 80 : index
        %parallel_loop3A_242 = tpu.vector_load %arg7[%parallel_loop3A_240, %parallel_loop3A_241] {strides = array<i32>} : memref<16x1024xf32, #tpu.memory_space<vmem>>, vector<16xf32>,
        %parallel_loop3A_243 = arith.maximumf %parallel_loop3A_242, %parallel_loop3A_235 : vector<16xf32>
        %parallel_loop3A_244 = arith.cmpf one, %parallel_loop3A_243, %parallel_loop3A_235 : vector<16xf32>
        %parallel_loop3A_245 = arith.constant 5 : i32
        %parallel_loop3A_246 = vector.broadcast %parallel_loop3A_245 : i32 to vector<16xi32>
        %parallel_loop3A_247 = arith.select %parallel_loop3A_244, %parallel_loop3A_246, %parallel_loop3A_239 : vector<16xi1>, vector<16xi32>
        %parallel_loop3A_248 = arith.index_cast %parallel_loop3A_202 : i32 to index
        %parallel_loop3A_249 = arith.constant 96 : index
        %parallel_loop3A_250 = tpu.vector_load %arg7[%parallel_loop3A_248, %parallel_loop3A_249] {strides = array<i32>} : memref<16x1024xf32, #tpu.memory_space<vmem>>, vector<16xf32>,
        %parallel_loop3A_251 = arith.maximumf %parallel_loop3A_250, %parallel_loop3A_243 : vector<16xf32>
        %parallel_loop3A_252 = arith.cmpf one, %parallel_loop3A_251, %parallel_loop3A_243 : vector<16xf32>
        %parallel_loop3A_253 = arith.constant 6 : i32
        %parallel_loop3A_254 = vector.broadcast %parallel_loop3A_253 : i32 to vector<16xi32>
        %parallel_loop3A_255 = arith.select %parallel_loop3A_252, %parallel_loop3A_254, %parallel_loop3A_247 : vector<16xi1>, vector<16xi32>
        %parallel_loop3A_256 = arith.index_cast %parallel_loop3A_202 : i32 to index
        %parallel_loop3A_257 = arith.constant 112 : index
        %parallel_loop3A_258 = tpu.vector_load %arg7[%parallel_loop3A_256, %parallel_loop3A_257] {strides = array<i32>} : memref<16x1024xf32, #tpu.memory_space<vmem>>, vector<16xf32>,
        %parallel_loop3A_259 = arith.maximumf %parallel_loop3A_258, %parallel_loop3A_251 : vector<16xf32>
        %parallel_loop3A_260 = arith.cmpf one, %parallel_loop3A_259, %parallel_loop3A_251 : vector<16xf32>
        %parallel_loop3A_261 = arith.constant 7 : i32
        %parallel_loop3A_262 = vector.broadcast %parallel_loop3A_261 : i32 to vector<16xi32>
        %parallel_loop3A_263 = arith.select %parallel_loop3A_260, %parallel_loop3A_262, %parallel_loop3A_255 : vector<16xi1>, vector<16xi32>
        %parallel_loop3A_264 = arith.index_cast %parallel_loop3A_202 : i32 to index
        %parallel_loop3A_265 = arith.constant 128 : index
        %parallel_loop3A_266 = tpu.vector_load %arg7[%parallel_loop3A_264, %parallel_loop3A_265] {strides = array<i32>} : memref<16x1024xf32, #tpu.memory_space<vmem>>, vector<16xf32>,
        %parallel_loop3A_267 = arith.maximumf %parallel_loop3A_266, %parallel_loop3A_259 : vector<16xf32>
        %parallel_loop3A_268 = arith.cmpf one, %parallel_loop3A_267, %parallel_loop3A_259 : vector<16xf32>
        %parallel_loop3A_269 = arith.constant 8 : i32
        %parallel_loop3A_270 = vector.broadcast %parallel_loop3A_269 : i32 to vector<16xi32>
        %parallel_loop3A_271 = arith.select %parallel_loop3A_268, %parallel_loop3A_270, %parallel_loop3A_263 : vector<16xi1>, vector<16xi32>
        %parallel_loop3A_272 = arith.index_cast %parallel_loop3A_202 : i32 to index
        %parallel_loop3A_273 = arith.constant 144 : index
        %parallel_loop3A_274 = tpu.vector_load %arg7[%parallel_loop3A_272, %parallel_loop3A_273] {strides = array<i32>} : memref<16x1024xf32, #tpu.memory_space<vmem>>, vector<16xf32>,
        %parallel_loop3A_275 = arith.maximumf %parallel_loop3A_274, %parallel_loop3A_267 : vector<16xf32>
        %parallel_loop3A_276 = arith.cmpf one, %parallel_loop3A_275, %parallel_loop3A_267 : vector<16xf32>
        %parallel_loop3A_277 = arith.constant 9 : i32
        %parallel_loop3A_278 = vector.broadcast %parallel_loop3A_277 : i32 to vector<16xi32>
        %parallel_loop3A_279 = arith.select %parallel_loop3A_276, %parallel_loop3A_278, %parallel_loop3A_271 : vector<16xi1>, vector<16xi32>
        %parallel_loop3A_280 = arith.index_cast %parallel_loop3A_202 : i32 to index
        %parallel_loop3A_281 = arith.constant 160 : index
        %parallel_loop3A_282 = tpu.vector_load %arg7[%parallel_loop3A_280, %parallel_loop3A_281] {strides = array<i32>} : memref<16x1024xf32, #tpu.memory_space<vmem>>, vector<16xf32>,
        %parallel_loop3A_283 = arith.maximumf %parallel_loop3A_282, %parallel_loop3A_275 : vector<16xf32>
        %parallel_loop3A_284 = arith.cmpf one, %parallel_loop3A_283, %parallel_loop3A_275 : vector<16xf32>
        %parallel_loop3A_285 = arith.constant 10 : i32
        %parallel_loop3A_286 = vector.broadcast %parallel_loop3A_285 : i32 to vector<16xi32>
        %parallel_loop3A_287 = arith.select %parallel_loop3A_284, %parallel_loop3A_286, %parallel_loop3A_279 : vector<16xi1>, vector<16xi32>
        %parallel_loop3A_288 = arith.index_cast %parallel_loop3A_202 : i32 to index
        %parallel_loop3A_289 = arith.constant 176 : index
        %parallel_loop3A_290 = tpu.vector_load %arg7[%parallel_loop3A_288, %parallel_loop3A_289] {strides = array<i32>} : memref<16x1024xf32, #tpu.memory_space<vmem>>, vector<16xf32>,
        %parallel_loop3A_291 = arith.maximumf %parallel_loop3A_290, %parallel_loop3A_283 : vector<16xf32>
        %parallel_loop3A_292 = arith.cmpf one, %parallel_loop3A_291, %parallel_loop3A_283 : vector<16xf32>
        %parallel_loop3A_293 = arith.constant 11 : i32
        %parallel_loop3A_294 = vector.broadcast %parallel_loop3A_293 : i32 to vector<16xi32>
        %parallel_loop3A_295 = arith.select %parallel_loop3A_292, %parallel_loop3A_294, %parallel_loop3A_287 : vector<16xi1>, vector<16xi32>
        %parallel_loop3A_296 = arith.index_cast %parallel_loop3A_202 : i32 to index
        %parallel_loop3A_297 = arith.constant 192 : index
        %parallel_loop3A_298 = tpu.vector_load %arg7[%parallel_loop3A_296, %parallel_loop3A_297] {strides = array<i32>} : memref<16x1024xf32, #tpu.memory_space<vmem>>, vector<16xf32>,
        %parallel_loop3A_299 = arith.maximumf %parallel_loop3A_298, %parallel_loop3A_291 : vector<16xf32>
        %parallel_loop3A_300 = arith.cmpf one, %parallel_loop3A_299, %parallel_loop3A_291 : vector<16xf32>
        %parallel_loop3A_301 = arith.constant 12 : i32
        %parallel_loop3A_302 = vector.broadcast %parallel_loop3A_301 : i32 to vector<16xi32>
        %parallel_loop3A_303 = arith.select %parallel_loop3A_300, %parallel_loop3A_302, %parallel_loop3A_295 : vector<16xi1>, vector<16xi32>
        %parallel_loop3A_304 = arith.index_cast %parallel_loop3A_202 : i32 to index
        %parallel_loop3A_305 = arith.constant 208 : index
        %parallel_loop3A_306 = tpu.vector_load %arg7[%parallel_loop3A_304, %parallel_loop3A_305] {strides = array<i32>} : memref<16x1024xf32, #tpu.memory_space<vmem>>, vector<16xf32>,
        %parallel_loop3A_307 = arith.maximumf %parallel_loop3A_306, %parallel_loop3A_299 : vector<16xf32>
        %parallel_loop3A_308 = arith.cmpf one, %parallel_loop3A_307, %parallel_loop3A_299 : vector<16xf32>
        %parallel_loop3A_309 = arith.constant 13 : i32
        %parallel_loop3A_310 = vector.broadcast %parallel_loop3A_309 : i32 to vector<16xi32>
        %parallel_loop3A_311 = arith.select %parallel_loop3A_308, %parallel_loop3A_310, %parallel_loop3A_303 : vector<16xi1>, vector<16xi32>
        %parallel_loop3A_312 = arith.index_cast %parallel_loop3A_202 : i32 to index
        %parallel_loop3A_313 = arith.constant 224 : index
        %parallel_loop3A_314 = tpu.vector_load %arg7[%parallel_loop3A_312, %parallel_loop3A_313] {strides = array<i32>} : memref<16x1024xf32, #tpu.memory_space<vmem>>, vector<16xf32>,
        %parallel_loop3A_315 = arith.maximumf %parallel_loop3A_314, %parallel_loop3A_307 : vector<16xf32>
        %parallel_loop3A_316 = arith.cmpf one, %parallel_loop3A_315, %parallel_loop3A_307 : vector<16xf32>
        %parallel_loop3A_317 = arith.constant 14 : i32
        %parallel_loop3A_318 = vector.broadcast %parallel_loop3A_317 : i32 to vector<16xi32>
        %parallel_loop3A_319 = arith.select %parallel_loop3A_316, %parallel_loop3A_318, %parallel_loop3A_311 : vector<16xi1>, vector<16xi32>
        %parallel_loop3A_320 = arith.index_cast %parallel_loop3A_202 : i32 to index
        %parallel_loop3A_321 = arith.constant 240 : index
        %parallel_loop3A_322 = tpu.vector_load %arg7[%parallel_loop3A_320, %parallel_loop3A_321] {strides = array<i32>} : memref<16x1024xf32, #tpu.memory_space<vmem>>, vector<16xf32>,
        %parallel_loop3A_323 = arith.maximumf %parallel_loop3A_322, %parallel_loop3A_315 : vector<16xf32>
        %parallel_loop3A_324 = arith.cmpf one, %parallel_loop3A_323, %parallel_loop3A_315 : vector<16xf32>
        %parallel_loop3A_325 = arith.constant 15 : i32
        %parallel_loop3A_326 = vector.broadcast %parallel_loop3A_325 : i32 to vector<16xi32>
        %parallel_loop3A_327 = arith.select %parallel_loop3A_324, %parallel_loop3A_326, %parallel_loop3A_319 : vector<16xi1>, vector<16xi32>
        %parallel_loop3A_328 = arith.index_cast %parallel_loop3A_202 : i32 to index
        %parallel_loop3A_329 = arith.constant 256 : index
        %parallel_loop3A_330 = tpu.vector_load %arg7[%parallel_loop3A_328, %parallel_loop3A_329] {strides = array<i32>} : memref<16x1024xf32, #tpu.memory_space<vmem>>, vector<16xf32>,
        %parallel_loop3A_331 = arith.maximumf %parallel_loop3A_330, %parallel_loop3A_323 : vector<16xf32>
        %parallel_loop3A_332 = arith.cmpf one, %parallel_loop3A_331, %parallel_loop3A_323 : vector<16xf32>
        %parallel_loop3A_333 = arith.constant 16 : i32
        %parallel_loop3A_334 = vector.broadcast %parallel_loop3A_333 : i32 to vector<16xi32>
        %parallel_loop3A_335 = arith.select %parallel_loop3A_332, %parallel_loop3A_334, %parallel_loop3A_327 : vector<16xi1>, vector<16xi32>
        %parallel_loop3A_336 = arith.index_cast %parallel_loop3A_202 : i32 to index
        %parallel_loop3A_337 = arith.constant 272 : index
        %parallel_loop3A_338 = tpu.vector_load %arg7[%parallel_loop3A_336, %parallel_loop3A_337] {strides = array<i32>} : memref<16x1024xf32, #tpu.memory_space<vmem>>, vector<16xf32>,
        %parallel_loop3A_339 = arith.maximumf %parallel_loop3A_338, %parallel_loop3A_331 : vector<16xf32>
        %parallel_loop3A_340 = arith.cmpf one, %parallel_loop3A_339, %parallel_loop3A_331 : vector<16xf32>
        %parallel_loop3A_341 = arith.constant 17 : i32
        %parallel_loop3A_342 = vector.broadcast %parallel_loop3A_341 : i32 to vector<16xi32>
        %parallel_loop3A_343 = arith.select %parallel_loop3A_340, %parallel_loop3A_342, %parallel_loop3A_335 : vector<16xi1>, vector<16xi32>
        %parallel_loop3A_344 = arith.index_cast %parallel_loop3A_202 : i32 to index
        %parallel_loop3A_345 = arith.constant 288 : index
        %parallel_loop3A_346 = tpu.vector_load %arg7[%parallel_loop3A_344, %parallel_loop3A_345] {strides = array<i32>} : memref<16x1024xf32, #tpu.memory_space<vmem>>, vector<16xf32>,
        %parallel_loop3A_347 = arith.maximumf %parallel_loop3A_346, %parallel_loop3A_339 : vector<16xf32>
        %parallel_loop3A_348 = arith.cmpf one, %parallel_loop3A_347, %parallel_loop3A_339 : vector<16xf32>
        %parallel_loop3A_349 = arith.constant 18 : i32
        %parallel_loop3A_350 = vector.broadcast %parallel_loop3A_349 : i32 to vector<16xi32>
        %parallel_loop3A_351 = arith.select %parallel_loop3A_348, %parallel_loop3A_350, %parallel_loop3A_343 : vector<16xi1>, vector<16xi32>
        %parallel_loop3A_352 = arith.index_cast %parallel_loop3A_202 : i32 to index
        %parallel_loop3A_353 = arith.constant 304 : index
        %parallel_loop3A_354 = tpu.vector_load %arg7[%parallel_loop3A_352, %parallel_loop3A_353] {strides = array<i32>} : memref<16x1024xf32, #tpu.memory_space<vmem>>, vector<16xf32>,
        %parallel_loop3A_355 = arith.maximumf %parallel_loop3A_354, %parallel_loop3A_347 : vector<16xf32>
        %parallel_loop3A_356 = arith.cmpf one, %parallel_loop3A_355, %parallel_loop3A_347 : vector<16xf32>
        %parallel_loop3A_357 = arith.constant 19 : i32
        %parallel_loop3A_358 = vector.broadcast %parallel_loop3A_357 : i32 to vector<16xi32>
        %parallel_loop3A_359 = arith.select %parallel_loop3A_356, %parallel_loop3A_358, %parallel_loop3A_351 : vector<16xi1>, vector<16xi32>
        %parallel_loop3A_360 = arith.index_cast %parallel_loop3A_202 : i32 to index
        %parallel_loop3A_361 = arith.constant 320 : index
        %parallel_loop3A_362 = tpu.vector_load %arg7[%parallel_loop3A_360, %parallel_loop3A_361] {strides = array<i32>} : memref<16x1024xf32, #tpu.memory_space<vmem>>, vector<16xf32>,
        %parallel_loop3A_363 = arith.maximumf %parallel_loop3A_362, %parallel_loop3A_355 : vector<16xf32>
        %parallel_loop3A_364 = arith.cmpf one, %parallel_loop3A_363, %parallel_loop3A_355 : vector<16xf32>
        %parallel_loop3A_365 = arith.constant 20 : i32
        %parallel_loop3A_366 = vector.broadcast %parallel_loop3A_365 : i32 to vector<16xi32>
        %parallel_loop3A_367 = arith.select %parallel_loop3A_364, %parallel_loop3A_366, %parallel_loop3A_359 : vector<16xi1>, vector<16xi32>
        %parallel_loop3A_368 = arith.index_cast %parallel_loop3A_202 : i32 to index
        %parallel_loop3A_369 = arith.constant 336 : index
        %parallel_loop3A_370 = tpu.vector_load %arg7[%parallel_loop3A_368, %parallel_loop3A_369] {strides = array<i32>} : memref<16x1024xf32, #tpu.memory_space<vmem>>, vector<16xf32>,
        %parallel_loop3A_371 = arith.maximumf %parallel_loop3A_370, %parallel_loop3A_363 : vector<16xf32>
        %parallel_loop3A_372 = arith.cmpf one, %parallel_loop3A_371, %parallel_loop3A_363 : vector<16xf32>
        %parallel_loop3A_373 = arith.constant 21 : i32
        %parallel_loop3A_374 = vector.broadcast %parallel_loop3A_373 : i32 to vector<16xi32>
        %parallel_loop3A_375 = arith.select %parallel_loop3A_372, %parallel_loop3A_374, %parallel_loop3A_367 : vector<16xi1>, vector<16xi32>
        %parallel_loop3A_376 = arith.index_cast %parallel_loop3A_202 : i32 to index
        %parallel_loop3A_377 = arith.constant 352 : index
        %parallel_loop3A_378 = tpu.vector_load %arg7[%parallel_loop3A_376, %parallel_loop3A_377] {strides = array<i32>} : memref<16x1024xf32, #tpu.memory_space<vmem>>, vector<16xf32>,
        %parallel_loop3A_379 = arith.maximumf %parallel_loop3A_378, %parallel_loop3A_371 : vector<16xf32>
        %parallel_loop3A_380 = arith.cmpf one, %parallel_loop3A_379, %parallel_loop3A_371 : vector<16xf32>
        %parallel_loop3A_381 = arith.constant 22 : i32
        %parallel_loop3A_382 = vector.broadcast %parallel_loop3A_381 : i32 to vector<16xi32>
        %parallel_loop3A_383 = arith.select %parallel_loop3A_380, %parallel_loop3A_382, %parallel_loop3A_375 : vector<16xi1>, vector<16xi32>
        %parallel_loop3A_384 = arith.index_cast %parallel_loop3A_202 : i32 to index
        %parallel_loop3A_385 = arith.constant 368 : index
        %parallel_loop3A_386 = tpu.vector_load %arg7[%parallel_loop3A_384, %parallel_loop3A_385] {strides = array<i32>} : memref<16x1024xf32, #tpu.memory_space<vmem>>, vector<16xf32>,
        %parallel_loop3A_387 = arith.maximumf %parallel_loop3A_386, %parallel_loop3A_379 : vector<16xf32>
        %parallel_loop3A_388 = arith.cmpf one, %parallel_loop3A_387, %parallel_loop3A_379 : vector<16xf32>
        %parallel_loop3A_389 = arith.constant 23 : i32
        %parallel_loop3A_390 = vector.broadcast %parallel_loop3A_389 : i32 to vector<16xi32>
        %parallel_loop3A_391 = arith.select %parallel_loop3A_388, %parallel_loop3A_390, %parallel_loop3A_383 : vector<16xi1>, vector<16xi32>
        %parallel_loop3A_392 = arith.index_cast %parallel_loop3A_202 : i32 to index
        %parallel_loop3A_393 = arith.constant 384 : index
        %parallel_loop3A_394 = tpu.vector_load %arg7[%parallel_loop3A_392, %parallel_loop3A_393] {strides = array<i32>} : memref<16x1024xf32, #tpu.memory_space<vmem>>, vector<16xf32>,
        %parallel_loop3A_395 = arith.maximumf %parallel_loop3A_394, %parallel_loop3A_387 : vector<16xf32>
        %parallel_loop3A_396 = arith.cmpf one, %parallel_loop3A_395, %parallel_loop3A_387 : vector<16xf32>
        %parallel_loop3A_397 = arith.constant 24 : i32
        %parallel_loop3A_398 = vector.broadcast %parallel_loop3A_397 : i32 to vector<16xi32>
        %parallel_loop3A_399 = arith.select %parallel_loop3A_396, %parallel_loop3A_398, %parallel_loop3A_391 : vector<16xi1>, vector<16xi32>
        %parallel_loop3A_400 = arith.index_cast %parallel_loop3A_202 : i32 to index
        %parallel_loop3A_401 = arith.constant 400 : index
        %parallel_loop3A_402 = tpu.vector_load %arg7[%parallel_loop3A_400, %parallel_loop3A_401] {strides = array<i32>} : memref<16x1024xf32, #tpu.memory_space<vmem>>, vector<16xf32>,
        %parallel_loop3A_403 = arith.maximumf %parallel_loop3A_402, %parallel_loop3A_395 : vector<16xf32>
        %parallel_loop3A_404 = arith.cmpf one, %parallel_loop3A_403, %parallel_loop3A_395 : vector<16xf32>
        %parallel_loop3A_405 = arith.constant 25 : i32
        %parallel_loop3A_406 = vector.broadcast %parallel_loop3A_405 : i32 to vector<16xi32>
        %parallel_loop3A_407 = arith.select %parallel_loop3A_404, %parallel_loop3A_406, %parallel_loop3A_399 : vector<16xi1>, vector<16xi32>
        %parallel_loop3A_408 = arith.index_cast %parallel_loop3A_202 : i32 to index
        %parallel_loop3A_409 = arith.constant 416 : index
        %parallel_loop3A_410 = tpu.vector_load %arg7[%parallel_loop3A_408, %parallel_loop3A_409] {strides = array<i32>} : memref<16x1024xf32, #tpu.memory_space<vmem>>, vector<16xf32>,
        %parallel_loop3A_411 = arith.maximumf %parallel_loop3A_410, %parallel_loop3A_403 : vector<16xf32>
        %parallel_loop3A_412 = arith.cmpf one, %parallel_loop3A_411, %parallel_loop3A_403 : vector<16xf32>
        %parallel_loop3A_413 = arith.constant 26 : i32
        %parallel_loop3A_414 = vector.broadcast %parallel_loop3A_413 : i32 to vector<16xi32>
        %parallel_loop3A_415 = arith.select %parallel_loop3A_412, %parallel_loop3A_414, %parallel_loop3A_407 : vector<16xi1>, vector<16xi32>
        %parallel_loop3A_416 = arith.index_cast %parallel_loop3A_202 : i32 to index
        %parallel_loop3A_417 = arith.constant 432 : index
        %parallel_loop3A_418 = tpu.vector_load %arg7[%parallel_loop3A_416, %parallel_loop3A_417] {strides = array<i32>} : memref<16x1024xf32, #tpu.memory_space<vmem>>, vector<16xf32>,
        %parallel_loop3A_419 = arith.maximumf %parallel_loop3A_418, %parallel_loop3A_411 : vector<16xf32>
        %parallel_loop3A_420 = arith.cmpf one, %parallel_loop3A_419, %parallel_loop3A_411 : vector<16xf32>
        %parallel_loop3A_421 = arith.constant 27 : i32
        %parallel_loop3A_422 = vector.broadcast %parallel_loop3A_421 : i32 to vector<16xi32>
        %parallel_loop3A_423 = arith.select %parallel_loop3A_420, %parallel_loop3A_422, %parallel_loop3A_415 : vector<16xi1>, vector<16xi32>
        %parallel_loop3A_424 = arith.index_cast %parallel_loop3A_202 : i32 to index
        %parallel_loop3A_425 = arith.constant 448 : index
        %parallel_loop3A_426 = tpu.vector_load %arg7[%parallel_loop3A_424, %parallel_loop3A_425] {strides = array<i32>} : memref<16x1024xf32, #tpu.memory_space<vmem>>, vector<16xf32>,
        %parallel_loop3A_427 = arith.maximumf %parallel_loop3A_426, %parallel_loop3A_419 : vector<16xf32>
        %parallel_loop3A_428 = arith.cmpf one, %parallel_loop3A_427, %parallel_loop3A_419 : vector<16xf32>
        %parallel_loop3A_429 = arith.constant 28 : i32
        %parallel_loop3A_430 = vector.broadcast %parallel_loop3A_429 : i32 to vector<16xi32>
        %parallel_loop3A_431 = arith.select %parallel_loop3A_428, %parallel_loop3A_430, %parallel_loop3A_423 : vector<16xi1>, vector<16xi32>
        %parallel_loop3A_432 = arith.index_cast %parallel_loop3A_202 : i32 to index
        %parallel_loop3A_433 = arith.constant 464 : index
        %parallel_loop3A_434 = tpu.vector_load %arg7[%parallel_loop3A_432, %parallel_loop3A_433] {strides = array<i32>} : memref<16x1024xf32, #tpu.memory_space<vmem>>, vector<16xf32>,
        %parallel_loop3A_435 = arith.maximumf %parallel_loop3A_434, %parallel_loop3A_427 : vector<16xf32>
        %parallel_loop3A_436 = arith.cmpf one, %parallel_loop3A_435, %parallel_loop3A_427 : vector<16xf32>
        %parallel_loop3A_437 = arith.constant 29 : i32
        %parallel_loop3A_438 = vector.broadcast %parallel_loop3A_437 : i32 to vector<16xi32>
        %parallel_loop3A_439 = arith.select %parallel_loop3A_436, %parallel_loop3A_438, %parallel_loop3A_431 : vector<16xi1>, vector<16xi32>
        %parallel_loop3A_440 = arith.index_cast %parallel_loop3A_202 : i32 to index
        %parallel_loop3A_441 = arith.constant 480 : index
        %parallel_loop3A_442 = tpu.vector_load %arg7[%parallel_loop3A_440, %parallel_loop3A_441] {strides = array<i32>} : memref<16x1024xf32, #tpu.memory_space<vmem>>, vector<16xf32>,
        %parallel_loop3A_443 = arith.maximumf %parallel_loop3A_442, %parallel_loop3A_435 : vector<16xf32>
        %parallel_loop3A_444 = arith.cmpf one, %parallel_loop3A_443, %parallel_loop3A_435 : vector<16xf32>
        %parallel_loop3A_445 = arith.constant 30 : i32
        %parallel_loop3A_446 = vector.broadcast %parallel_loop3A_445 : i32 to vector<16xi32>
        %parallel_loop3A_447 = arith.select %parallel_loop3A_444, %parallel_loop3A_446, %parallel_loop3A_439 : vector<16xi1>, vector<16xi32>
        %parallel_loop3A_448 = arith.index_cast %parallel_loop3A_202 : i32 to index
        %parallel_loop3A_449 = arith.constant 496 : index
        %parallel_loop3A_450 = tpu.vector_load %arg7[%parallel_loop3A_448, %parallel_loop3A_449] {strides = array<i32>} : memref<16x1024xf32, #tpu.memory_space<vmem>>, vector<16xf32>,
        %parallel_loop3A_451 = arith.maximumf %parallel_loop3A_450, %parallel_loop3A_443 : vector<16xf32>
        %parallel_loop3A_452 = arith.cmpf one, %parallel_loop3A_451, %parallel_loop3A_443 : vector<16xf32>
        %parallel_loop3A_453 = arith.constant 31 : i32
        %parallel_loop3A_454 = vector.broadcast %parallel_loop3A_453 : i32 to vector<16xi32>
        %parallel_loop3A_455 = arith.select %parallel_loop3A_452, %parallel_loop3A_454, %parallel_loop3A_447 : vector<16xi1>, vector<16xi32>
        %parallel_loop3A_456 = arith.index_cast %parallel_loop3A_202 : i32 to index
        %parallel_loop3A_457 = arith.constant 512 : index
        %parallel_loop3A_458 = tpu.vector_load %arg7[%parallel_loop3A_456, %parallel_loop3A_457] {strides = array<i32>} : memref<16x1024xf32, #tpu.memory_space<vmem>>, vector<16xf32>,
        %parallel_loop3A_459 = arith.maximumf %parallel_loop3A_458, %parallel_loop3A_451 : vector<16xf32>
        %parallel_loop3A_460 = arith.cmpf one, %parallel_loop3A_459, %parallel_loop3A_451 : vector<16xf32>
        %parallel_loop3A_461 = arith.constant 32 : i32
        %parallel_loop3A_462 = vector.broadcast %parallel_loop3A_461 : i32 to vector<16xi32>
        %parallel_loop3A_463 = arith.select %parallel_loop3A_460, %parallel_loop3A_462, %parallel_loop3A_455 : vector<16xi1>, vector<16xi32>
        %parallel_loop3A_464 = arith.index_cast %parallel_loop3A_202 : i32 to index
        %parallel_loop3A_465 = arith.constant 528 : index
        %parallel_loop3A_466 = tpu.vector_load %arg7[%parallel_loop3A_464, %parallel_loop3A_465] {strides = array<i32>} : memref<16x1024xf32, #tpu.memory_space<vmem>>, vector<16xf32>,
        %parallel_loop3A_467 = arith.maximumf %parallel_loop3A_466, %parallel_loop3A_459 : vector<16xf32>
        %parallel_loop3A_468 = arith.cmpf one, %parallel_loop3A_467, %parallel_loop3A_459 : vector<16xf32>
        %parallel_loop3A_469 = arith.constant 33 : i32
        %parallel_loop3A_470 = vector.broadcast %parallel_loop3A_469 : i32 to vector<16xi32>
        %parallel_loop3A_471 = arith.select %parallel_loop3A_468, %parallel_loop3A_470, %parallel_loop3A_463 : vector<16xi1>, vector<16xi32>
        %parallel_loop3A_472 = arith.index_cast %parallel_loop3A_202 : i32 to index
        %parallel_loop3A_473 = arith.constant 544 : index
        %parallel_loop3A_474 = tpu.vector_load %arg7[%parallel_loop3A_472, %parallel_loop3A_473] {strides = array<i32>} : memref<16x1024xf32, #tpu.memory_space<vmem>>, vector<16xf32>,
        %parallel_loop3A_475 = arith.maximumf %parallel_loop3A_474, %parallel_loop3A_467 : vector<16xf32>
        %parallel_loop3A_476 = arith.cmpf one, %parallel_loop3A_475, %parallel_loop3A_467 : vector<16xf32>
        %parallel_loop3A_477 = arith.constant 34 : i32
        %parallel_loop3A_478 = vector.broadcast %parallel_loop3A_477 : i32 to vector<16xi32>
        %parallel_loop3A_479 = arith.select %parallel_loop3A_476, %parallel_loop3A_478, %parallel_loop3A_471 : vector<16xi1>, vector<16xi32>
        %parallel_loop3A_480 = arith.index_cast %parallel_loop3A_202 : i32 to index
        %parallel_loop3A_481 = arith.constant 560 : index
        %parallel_loop3A_482 = tpu.vector_load %arg7[%parallel_loop3A_480, %parallel_loop3A_481] {strides = array<i32>} : memref<16x1024xf32, #tpu.memory_space<vmem>>, vector<16xf32>,
        %parallel_loop3A_483 = arith.maximumf %parallel_loop3A_482, %parallel_loop3A_475 : vector<16xf32>
        %parallel_loop3A_484 = arith.cmpf one, %parallel_loop3A_483, %parallel_loop3A_475 : vector<16xf32>
        %parallel_loop3A_485 = arith.constant 35 : i32
        %parallel_loop3A_486 = vector.broadcast %parallel_loop3A_485 : i32 to vector<16xi32>
        %parallel_loop3A_487 = arith.select %parallel_loop3A_484, %parallel_loop3A_486, %parallel_loop3A_479 : vector<16xi1>, vector<16xi32>
        %parallel_loop3A_488 = arith.index_cast %parallel_loop3A_202 : i32 to index
        %parallel_loop3A_489 = arith.constant 576 : index
        %parallel_loop3A_490 = tpu.vector_load %arg7[%parallel_loop3A_488, %parallel_loop3A_489] {strides = array<i32>} : memref<16x1024xf32, #tpu.memory_space<vmem>>, vector<16xf32>,
        %parallel_loop3A_491 = arith.maximumf %parallel_loop3A_490, %parallel_loop3A_483 : vector<16xf32>
        %parallel_loop3A_492 = arith.cmpf one, %parallel_loop3A_491, %parallel_loop3A_483 : vector<16xf32>
        %parallel_loop3A_493 = arith.constant 36 : i32
        %parallel_loop3A_494 = vector.broadcast %parallel_loop3A_493 : i32 to vector<16xi32>
        %parallel_loop3A_495 = arith.select %parallel_loop3A_492, %parallel_loop3A_494, %parallel_loop3A_487 : vector<16xi1>, vector<16xi32>
        %parallel_loop3A_496 = arith.index_cast %parallel_loop3A_202 : i32 to index
        %parallel_loop3A_497 = arith.constant 592 : index
        %parallel_loop3A_498 = tpu.vector_load %arg7[%parallel_loop3A_496, %parallel_loop3A_497] {strides = array<i32>} : memref<16x1024xf32, #tpu.memory_space<vmem>>, vector<16xf32>,
        %parallel_loop3A_499 = arith.maximumf %parallel_loop3A_498, %parallel_loop3A_491 : vector<16xf32>
        %parallel_loop3A_500 = arith.cmpf one, %parallel_loop3A_499, %parallel_loop3A_491 : vector<16xf32>
        %parallel_loop3A_501 = arith.constant 37 : i32
        %parallel_loop3A_502 = vector.broadcast %parallel_loop3A_501 : i32 to vector<16xi32>
        %parallel_loop3A_503 = arith.select %parallel_loop3A_500, %parallel_loop3A_502, %parallel_loop3A_495 : vector<16xi1>, vector<16xi32>
        %parallel_loop3A_504 = arith.index_cast %parallel_loop3A_202 : i32 to index
        %parallel_loop3A_505 = arith.constant 608 : index
        %parallel_loop3A_506 = tpu.vector_load %arg7[%parallel_loop3A_504, %parallel_loop3A_505] {strides = array<i32>} : memref<16x1024xf32, #tpu.memory_space<vmem>>, vector<16xf32>,
        %parallel_loop3A_507 = arith.maximumf %parallel_loop3A_506, %parallel_loop3A_499 : vector<16xf32>
        %parallel_loop3A_508 = arith.cmpf one, %parallel_loop3A_507, %parallel_loop3A_499 : vector<16xf32>
        %parallel_loop3A_509 = arith.constant 38 : i32
        %parallel_loop3A_510 = vector.broadcast %parallel_loop3A_509 : i32 to vector<16xi32>
        %parallel_loop3A_511 = arith.select %parallel_loop3A_508, %parallel_loop3A_510, %parallel_loop3A_503 : vector<16xi1>, vector<16xi32>
        %parallel_loop3A_512 = arith.index_cast %parallel_loop3A_202 : i32 to index
        %parallel_loop3A_513 = arith.constant 624 : index
        %parallel_loop3A_514 = tpu.vector_load %arg7[%parallel_loop3A_512, %parallel_loop3A_513] {strides = array<i32>} : memref<16x1024xf32, #tpu.memory_space<vmem>>, vector<16xf32>,
        %parallel_loop3A_515 = arith.maximumf %parallel_loop3A_514, %parallel_loop3A_507 : vector<16xf32>
        %parallel_loop3A_516 = arith.cmpf one, %parallel_loop3A_515, %parallel_loop3A_507 : vector<16xf32>
        %parallel_loop3A_517 = arith.constant 39 : i32
        %parallel_loop3A_518 = vector.broadcast %parallel_loop3A_517 : i32 to vector<16xi32>
        %parallel_loop3A_519 = arith.select %parallel_loop3A_516, %parallel_loop3A_518, %parallel_loop3A_511 : vector<16xi1>, vector<16xi32>
        %parallel_loop3A_520 = arith.index_cast %parallel_loop3A_202 : i32 to index
        %parallel_loop3A_521 = arith.constant 640 : index
        %parallel_loop3A_522 = tpu.vector_load %arg7[%parallel_loop3A_520, %parallel_loop3A_521] {strides = array<i32>} : memref<16x1024xf32, #tpu.memory_space<vmem>>, vector<16xf32>,
        %parallel_loop3A_523 = arith.maximumf %parallel_loop3A_522, %parallel_loop3A_515 : vector<16xf32>
        %parallel_loop3A_524 = arith.cmpf one, %parallel_loop3A_523, %parallel_loop3A_515 : vector<16xf32>
        %parallel_loop3A_525 = arith.constant 40 : i32
        %parallel_loop3A_526 = vector.broadcast %parallel_loop3A_525 : i32 to vector<16xi32>
        %parallel_loop3A_527 = arith.select %parallel_loop3A_524, %parallel_loop3A_526, %parallel_loop3A_519 : vector<16xi1>, vector<16xi32>
        %parallel_loop3A_528 = arith.index_cast %parallel_loop3A_202 : i32 to index
        %parallel_loop3A_529 = arith.constant 656 : index
        %parallel_loop3A_530 = tpu.vector_load %arg7[%parallel_loop3A_528, %parallel_loop3A_529] {strides = array<i32>} : memref<16x1024xf32, #tpu.memory_space<vmem>>, vector<16xf32>,
        %parallel_loop3A_531 = arith.maximumf %parallel_loop3A_530, %parallel_loop3A_523 : vector<16xf32>
        %parallel_loop3A_532 = arith.cmpf one, %parallel_loop3A_531, %parallel_loop3A_523 : vector<16xf32>
        %parallel_loop3A_533 = arith.constant 41 : i32
        %parallel_loop3A_534 = vector.broadcast %parallel_loop3A_533 : i32 to vector<16xi32>
        %parallel_loop3A_535 = arith.select %parallel_loop3A_532, %parallel_loop3A_534, %parallel_loop3A_527 : vector<16xi1>, vector<16xi32>
        %parallel_loop3A_536 = arith.index_cast %parallel_loop3A_202 : i32 to index
        %parallel_loop3A_537 = arith.constant 672 : index
        %parallel_loop3A_538 = tpu.vector_load %arg7[%parallel_loop3A_536, %parallel_loop3A_537] {strides = array<i32>} : memref<16x1024xf32, #tpu.memory_space<vmem>>, vector<16xf32>,
        %parallel_loop3A_539 = arith.maximumf %parallel_loop3A_538, %parallel_loop3A_531 : vector<16xf32>
        %parallel_loop3A_540 = arith.cmpf one, %parallel_loop3A_539, %parallel_loop3A_531 : vector<16xf32>
        %parallel_loop3A_541 = arith.constant 42 : i32
        %parallel_loop3A_542 = vector.broadcast %parallel_loop3A_541 : i32 to vector<16xi32>
        %parallel_loop3A_543 = arith.select %parallel_loop3A_540, %parallel_loop3A_542, %parallel_loop3A_535 : vector<16xi1>, vector<16xi32>
        %parallel_loop3A_544 = arith.index_cast %parallel_loop3A_202 : i32 to index
        %parallel_loop3A_545 = arith.constant 688 : index
        %parallel_loop3A_546 = tpu.vector_load %arg7[%parallel_loop3A_544, %parallel_loop3A_545] {strides = array<i32>} : memref<16x1024xf32, #tpu.memory_space<vmem>>, vector<16xf32>,
        %parallel_loop3A_547 = arith.maximumf %parallel_loop3A_546, %parallel_loop3A_539 : vector<16xf32>
        %parallel_loop3A_548 = arith.cmpf one, %parallel_loop3A_547, %parallel_loop3A_539 : vector<16xf32>
        %parallel_loop3A_549 = arith.constant 43 : i32
        %parallel_loop3A_550 = vector.broadcast %parallel_loop3A_549 : i32 to vector<16xi32>
        %parallel_loop3A_551 = arith.select %parallel_loop3A_548, %parallel_loop3A_550, %parallel_loop3A_543 : vector<16xi1>, vector<16xi32>
        %parallel_loop3A_552 = arith.index_cast %parallel_loop3A_202 : i32 to index
        %parallel_loop3A_553 = arith.constant 704 : index
        %parallel_loop3A_554 = tpu.vector_load %arg7[%parallel_loop3A_552, %parallel_loop3A_553] {strides = array<i32>} : memref<16x1024xf32, #tpu.memory_space<vmem>>, vector<16xf32>,
        %parallel_loop3A_555 = arith.maximumf %parallel_loop3A_554, %parallel_loop3A_547 : vector<16xf32>
        %parallel_loop3A_556 = arith.cmpf one, %parallel_loop3A_555, %parallel_loop3A_547 : vector<16xf32>
        %parallel_loop3A_557 = arith.constant 44 : i32
        %parallel_loop3A_558 = vector.broadcast %parallel_loop3A_557 : i32 to vector<16xi32>
        %parallel_loop3A_559 = arith.select %parallel_loop3A_556, %parallel_loop3A_558, %parallel_loop3A_551 : vector<16xi1>, vector<16xi32>
        %parallel_loop3A_560 = arith.index_cast %parallel_loop3A_202 : i32 to index
        %parallel_loop3A_561 = arith.constant 720 : index
        %parallel_loop3A_562 = tpu.vector_load %arg7[%parallel_loop3A_560, %parallel_loop3A_561] {strides = array<i32>} : memref<16x1024xf32, #tpu.memory_space<vmem>>, vector<16xf32>,
        %parallel_loop3A_563 = arith.maximumf %parallel_loop3A_562, %parallel_loop3A_555 : vector<16xf32>
        %parallel_loop3A_564 = arith.cmpf one, %parallel_loop3A_563, %parallel_loop3A_555 : vector<16xf32>
        %parallel_loop3A_565 = arith.constant 45 : i32
        %parallel_loop3A_566 = vector.broadcast %parallel_loop3A_565 : i32 to vector<16xi32>
        %parallel_loop3A_567 = arith.select %parallel_loop3A_564, %parallel_loop3A_566, %parallel_loop3A_559 : vector<16xi1>, vector<16xi32>
        %parallel_loop3A_568 = arith.index_cast %parallel_loop3A_202 : i32 to index
        %parallel_loop3A_569 = arith.constant 736 : index
        %parallel_loop3A_570 = tpu.vector_load %arg7[%parallel_loop3A_568, %parallel_loop3A_569] {strides = array<i32>} : memref<16x1024xf32, #tpu.memory_space<vmem>>, vector<16xf32>,
        %parallel_loop3A_571 = arith.maximumf %parallel_loop3A_570, %parallel_loop3A_563 : vector<16xf32>
        %parallel_loop3A_572 = arith.cmpf one, %parallel_loop3A_571, %parallel_loop3A_563 : vector<16xf32>
        %parallel_loop3A_573 = arith.constant 46 : i32
        %parallel_loop3A_574 = vector.broadcast %parallel_loop3A_573 : i32 to vector<16xi32>
        %parallel_loop3A_575 = arith.select %parallel_loop3A_572, %parallel_loop3A_574, %parallel_loop3A_567 : vector<16xi1>, vector<16xi32>
        %parallel_loop3A_576 = arith.index_cast %parallel_loop3A_202 : i32 to index
        %parallel_loop3A_577 = arith.constant 752 : index
        %parallel_loop3A_578 = tpu.vector_load %arg7[%parallel_loop3A_576, %parallel_loop3A_577] {strides = array<i32>} : memref<16x1024xf32, #tpu.memory_space<vmem>>, vector<16xf32>,
        %parallel_loop3A_579 = arith.maximumf %parallel_loop3A_578, %parallel_loop3A_571 : vector<16xf32>
        %parallel_loop3A_580 = arith.cmpf one, %parallel_loop3A_579, %parallel_loop3A_571 : vector<16xf32>
        %parallel_loop3A_581 = arith.constant 47 : i32
        %parallel_loop3A_582 = vector.broadcast %parallel_loop3A_581 : i32 to vector<16xi32>
        %parallel_loop3A_583 = arith.select %parallel_loop3A_580, %parallel_loop3A_582, %parallel_loop3A_575 : vector<16xi1>, vector<16xi32>
        %parallel_loop3A_584 = arith.index_cast %parallel_loop3A_202 : i32 to index
        %parallel_loop3A_585 = arith.constant 768 : index
        %parallel_loop3A_586 = tpu.vector_load %arg7[%parallel_loop3A_584, %parallel_loop3A_585] {strides = array<i32>} : memref<16x1024xf32, #tpu.memory_space<vmem>>, vector<16xf32>,
        %parallel_loop3A_587 = arith.maximumf %parallel_loop3A_586, %parallel_loop3A_579 : vector<16xf32>
        %parallel_loop3A_588 = arith.cmpf one, %parallel_loop3A_587, %parallel_loop3A_579 : vector<16xf32>
        %parallel_loop3A_589 = arith.constant 48 : i32
        %parallel_loop3A_590 = vector.broadcast %parallel_loop3A_589 : i32 to vector<16xi32>
        %parallel_loop3A_591 = arith.select %parallel_loop3A_588, %parallel_loop3A_590, %parallel_loop3A_583 : vector<16xi1>, vector<16xi32>
        %parallel_loop3A_592 = arith.index_cast %parallel_loop3A_202 : i32 to index
        %parallel_loop3A_593 = arith.constant 784 : index
        %parallel_loop3A_594 = tpu.vector_load %arg7[%parallel_loop3A_592, %parallel_loop3A_593] {strides = array<i32>} : memref<16x1024xf32, #tpu.memory_space<vmem>>, vector<16xf32>,
        %parallel_loop3A_595 = arith.maximumf %parallel_loop3A_594, %parallel_loop3A_587 : vector<16xf32>
        %parallel_loop3A_596 = arith.cmpf one, %parallel_loop3A_595, %parallel_loop3A_587 : vector<16xf32>
        %parallel_loop3A_597 = arith.constant 49 : i32
        %parallel_loop3A_598 = vector.broadcast %parallel_loop3A_597 : i32 to vector<16xi32>
        %parallel_loop3A_599 = arith.select %parallel_loop3A_596, %parallel_loop3A_598, %parallel_loop3A_591 : vector<16xi1>, vector<16xi32>
        %parallel_loop3A_600 = arith.index_cast %parallel_loop3A_202 : i32 to index
        %parallel_loop3A_601 = arith.constant 800 : index
        %parallel_loop3A_602 = tpu.vector_load %arg7[%parallel_loop3A_600, %parallel_loop3A_601] {strides = array<i32>} : memref<16x1024xf32, #tpu.memory_space<vmem>>, vector<16xf32>,
        %parallel_loop3A_603 = arith.maximumf %parallel_loop3A_602, %parallel_loop3A_595 : vector<16xf32>
        %parallel_loop3A_604 = arith.cmpf one, %parallel_loop3A_603, %parallel_loop3A_595 : vector<16xf32>
        %parallel_loop3A_605 = arith.constant 50 : i32
        %parallel_loop3A_606 = vector.broadcast %parallel_loop3A_605 : i32 to vector<16xi32>
        %parallel_loop3A_607 = arith.select %parallel_loop3A_604, %parallel_loop3A_606, %parallel_loop3A_599 : vector<16xi1>, vector<16xi32>
        %parallel_loop3A_608 = arith.index_cast %parallel_loop3A_202 : i32 to index
        %parallel_loop3A_609 = arith.constant 816 : index
        %parallel_loop3A_610 = tpu.vector_load %arg7[%parallel_loop3A_608, %parallel_loop3A_609] {strides = array<i32>} : memref<16x1024xf32, #tpu.memory_space<vmem>>, vector<16xf32>,
        %parallel_loop3A_611 = arith.maximumf %parallel_loop3A_610, %parallel_loop3A_603 : vector<16xf32>
        %parallel_loop3A_612 = arith.cmpf one, %parallel_loop3A_611, %parallel_loop3A_603 : vector<16xf32>
        %parallel_loop3A_613 = arith.constant 51 : i32
        %parallel_loop3A_614 = vector.broadcast %parallel_loop3A_613 : i32 to vector<16xi32>
        %parallel_loop3A_615 = arith.select %parallel_loop3A_612, %parallel_loop3A_614, %parallel_loop3A_607 : vector<16xi1>, vector<16xi32>
        %parallel_loop3A_616 = arith.index_cast %parallel_loop3A_202 : i32 to index
        %parallel_loop3A_617 = arith.constant 832 : index
        %parallel_loop3A_618 = tpu.vector_load %arg7[%parallel_loop3A_616, %parallel_loop3A_617] {strides = array<i32>} : memref<16x1024xf32, #tpu.memory_space<vmem>>, vector<16xf32>,
        %parallel_loop3A_619 = arith.maximumf %parallel_loop3A_618, %parallel_loop3A_611 : vector<16xf32>
        %parallel_loop3A_620 = arith.cmpf one, %parallel_loop3A_619, %parallel_loop3A_611 : vector<16xf32>
        %parallel_loop3A_621 = arith.constant 52 : i32
        %parallel_loop3A_622 = vector.broadcast %parallel_loop3A_621 : i32 to vector<16xi32>
        %parallel_loop3A_623 = arith.select %parallel_loop3A_620, %parallel_loop3A_622, %parallel_loop3A_615 : vector<16xi1>, vector<16xi32>
        %parallel_loop3A_624 = arith.index_cast %parallel_loop3A_202 : i32 to index
        %parallel_loop3A_625 = arith.constant 848 : index
        %parallel_loop3A_626 = tpu.vector_load %arg7[%parallel_loop3A_624, %parallel_loop3A_625] {strides = array<i32>} : memref<16x1024xf32, #tpu.memory_space<vmem>>, vector<16xf32>,
        %parallel_loop3A_627 = arith.maximumf %parallel_loop3A_626, %parallel_loop3A_619 : vector<16xf32>
        %parallel_loop3A_628 = arith.cmpf one, %parallel_loop3A_627, %parallel_loop3A_619 : vector<16xf32>
        %parallel_loop3A_629 = arith.constant 53 : i32
        %parallel_loop3A_630 = vector.broadcast %parallel_loop3A_629 : i32 to vector<16xi32>
        %parallel_loop3A_631 = arith.select %parallel_loop3A_628, %parallel_loop3A_630, %parallel_loop3A_623 : vector<16xi1>, vector<16xi32>
        %parallel_loop3A_632 = arith.index_cast %parallel_loop3A_202 : i32 to index
        %parallel_loop3A_633 = arith.constant 864 : index
        %parallel_loop3A_634 = tpu.vector_load %arg7[%parallel_loop3A_632, %parallel_loop3A_633] {strides = array<i32>} : memref<16x1024xf32, #tpu.memory_space<vmem>>, vector<16xf32>,
        %parallel_loop3A_635 = arith.maximumf %parallel_loop3A_634, %parallel_loop3A_627 : vector<16xf32>
        %parallel_loop3A_636 = arith.cmpf one, %parallel_loop3A_635, %parallel_loop3A_627 : vector<16xf32>
        %parallel_loop3A_637 = arith.constant 54 : i32
        %parallel_loop3A_638 = vector.broadcast %parallel_loop3A_637 : i32 to vector<16xi32>
        %parallel_loop3A_639 = arith.select %parallel_loop3A_636, %parallel_loop3A_638, %parallel_loop3A_631 : vector<16xi1>, vector<16xi32>
        %parallel_loop3A_640 = arith.index_cast %parallel_loop3A_202 : i32 to index
        %parallel_loop3A_641 = arith.constant 880 : index
        %parallel_loop3A_642 = tpu.vector_load %arg7[%parallel_loop3A_640, %parallel_loop3A_641] {strides = array<i32>} : memref<16x1024xf32, #tpu.memory_space<vmem>>, vector<16xf32>,
        %parallel_loop3A_643 = arith.maximumf %parallel_loop3A_642, %parallel_loop3A_635 : vector<16xf32>
        %parallel_loop3A_644 = arith.cmpf one, %parallel_loop3A_643, %parallel_loop3A_635 : vector<16xf32>
        %parallel_loop3A_645 = arith.constant 55 : i32
        %parallel_loop3A_646 = vector.broadcast %parallel_loop3A_645 : i32 to vector<16xi32>
        %parallel_loop3A_647 = arith.select %parallel_loop3A_644, %parallel_loop3A_646, %parallel_loop3A_639 : vector<16xi1>, vector<16xi32>
        %parallel_loop3A_648 = arith.index_cast %parallel_loop3A_202 : i32 to index
        %parallel_loop3A_649 = arith.constant 896 : index
        %parallel_loop3A_650 = tpu.vector_load %arg7[%parallel_loop3A_648, %parallel_loop3A_649] {strides = array<i32>} : memref<16x1024xf32, #tpu.memory_space<vmem>>, vector<16xf32>,
        %parallel_loop3A_651 = arith.maximumf %parallel_loop3A_650, %parallel_loop3A_643 : vector<16xf32>
        %parallel_loop3A_652 = arith.cmpf one, %parallel_loop3A_651, %parallel_loop3A_643 : vector<16xf32>
        %parallel_loop3A_653 = arith.constant 56 : i32
        %parallel_loop3A_654 = vector.broadcast %parallel_loop3A_653 : i32 to vector<16xi32>
        %parallel_loop3A_655 = arith.select %parallel_loop3A_652, %parallel_loop3A_654, %parallel_loop3A_647 : vector<16xi1>, vector<16xi32>
        %parallel_loop3A_656 = arith.index_cast %parallel_loop3A_202 : i32 to index
        %parallel_loop3A_657 = arith.constant 912 : index
        %parallel_loop3A_658 = tpu.vector_load %arg7[%parallel_loop3A_656, %parallel_loop3A_657] {strides = array<i32>} : memref<16x1024xf32, #tpu.memory_space<vmem>>, vector<16xf32>,
        %parallel_loop3A_659 = arith.maximumf %parallel_loop3A_658, %parallel_loop3A_651 : vector<16xf32>
        %parallel_loop3A_660 = arith.cmpf one, %parallel_loop3A_659, %parallel_loop3A_651 : vector<16xf32>
        %parallel_loop3A_661 = arith.constant 57 : i32
        %parallel_loop3A_662 = vector.broadcast %parallel_loop3A_661 : i32 to vector<16xi32>
        %parallel_loop3A_663 = arith.select %parallel_loop3A_660, %parallel_loop3A_662, %parallel_loop3A_655 : vector<16xi1>, vector<16xi32>
        %parallel_loop3A_664 = arith.index_cast %parallel_loop3A_202 : i32 to index
        %parallel_loop3A_665 = arith.constant 928 : index
        %parallel_loop3A_666 = tpu.vector_load %arg7[%parallel_loop3A_664, %parallel_loop3A_665] {strides = array<i32>} : memref<16x1024xf32, #tpu.memory_space<vmem>>, vector<16xf32>,
        %parallel_loop3A_667 = arith.maximumf %parallel_loop3A_666, %parallel_loop3A_659 : vector<16xf32>
        %parallel_loop3A_668 = arith.cmpf one, %parallel_loop3A_667, %parallel_loop3A_659 : vector<16xf32>
        %parallel_loop3A_669 = arith.constant 58 : i32
        %parallel_loop3A_670 = vector.broadcast %parallel_loop3A_669 : i32 to vector<16xi32>
        %parallel_loop3A_671 = arith.select %parallel_loop3A_668, %parallel_loop3A_670, %parallel_loop3A_663 : vector<16xi1>, vector<16xi32>
        %parallel_loop3A_672 = arith.index_cast %parallel_loop3A_202 : i32 to index
        %parallel_loop3A_673 = arith.constant 944 : index
        %parallel_loop3A_674 = tpu.vector_load %arg7[%parallel_loop3A_672, %parallel_loop3A_673] {strides = array<i32>} : memref<16x1024xf32, #tpu.memory_space<vmem>>, vector<16xf32>,
        %parallel_loop3A_675 = arith.maximumf %parallel_loop3A_674, %parallel_loop3A_667 : vector<16xf32>
        %parallel_loop3A_676 = arith.cmpf one, %parallel_loop3A_675, %parallel_loop3A_667 : vector<16xf32>
        %parallel_loop3A_677 = arith.constant 59 : i32
        %parallel_loop3A_678 = vector.broadcast %parallel_loop3A_677 : i32 to vector<16xi32>
        %parallel_loop3A_679 = arith.select %parallel_loop3A_676, %parallel_loop3A_678, %parallel_loop3A_671 : vector<16xi1>, vector<16xi32>
        %parallel_loop3A_680 = arith.index_cast %parallel_loop3A_202 : i32 to index
        %parallel_loop3A_681 = arith.constant 960 : index
        %parallel_loop3A_682 = tpu.vector_load %arg7[%parallel_loop3A_680, %parallel_loop3A_681] {strides = array<i32>} : memref<16x1024xf32, #tpu.memory_space<vmem>>, vector<16xf32>,
        %parallel_loop3A_683 = arith.maximumf %parallel_loop3A_682, %parallel_loop3A_675 : vector<16xf32>
        %parallel_loop3A_684 = arith.cmpf one, %parallel_loop3A_683, %parallel_loop3A_675 : vector<16xf32>
        %parallel_loop3A_685 = arith.constant 60 : i32
        %parallel_loop3A_686 = vector.broadcast %parallel_loop3A_685 : i32 to vector<16xi32>
        %parallel_loop3A_687 = arith.select %parallel_loop3A_684, %parallel_loop3A_686, %parallel_loop3A_679 : vector<16xi1>, vector<16xi32>
        %parallel_loop3A_688 = arith.index_cast %parallel_loop3A_202 : i32 to index
        %parallel_loop3A_689 = arith.constant 976 : index
        %parallel_loop3A_690 = tpu.vector_load %arg7[%parallel_loop3A_688, %parallel_loop3A_689] {strides = array<i32>} : memref<16x1024xf32, #tpu.memory_space<vmem>>, vector<16xf32>,
        %parallel_loop3A_691 = arith.maximumf %parallel_loop3A_690, %parallel_loop3A_683 : vector<16xf32>
        %parallel_loop3A_692 = arith.cmpf one, %parallel_loop3A_691, %parallel_loop3A_683 : vector<16xf32>
        %parallel_loop3A_693 = arith.constant 61 : i32
        %parallel_loop3A_694 = vector.broadcast %parallel_loop3A_693 : i32 to vector<16xi32>
        %parallel_loop3A_695 = arith.select %parallel_loop3A_692, %parallel_loop3A_694, %parallel_loop3A_687 : vector<16xi1>, vector<16xi32>
        %parallel_loop3A_696 = arith.index_cast %parallel_loop3A_202 : i32 to index
        %parallel_loop3A_697 = arith.constant 992 : index
        %parallel_loop3A_698 = tpu.vector_load %arg7[%parallel_loop3A_696, %parallel_loop3A_697] {strides = array<i32>} : memref<16x1024xf32, #tpu.memory_space<vmem>>, vector<16xf32>,
        %parallel_loop3A_699 = arith.maximumf %parallel_loop3A_698, %parallel_loop3A_691 : vector<16xf32>
        %parallel_loop3A_700 = arith.cmpf one, %parallel_loop3A_699, %parallel_loop3A_691 : vector<16xf32>
        %parallel_loop3A_701 = arith.constant 62 : i32
        %parallel_loop3A_702 = vector.broadcast %parallel_loop3A_701 : i32 to vector<16xi32>
        %parallel_loop3A_703 = arith.select %parallel_loop3A_700, %parallel_loop3A_702, %parallel_loop3A_695 : vector<16xi1>, vector<16xi32>
        %parallel_loop3A_704 = arith.index_cast %parallel_loop3A_202 : i32 to index
        %parallel_loop3A_705 = arith.constant 1008 : index
        %parallel_loop3A_706 = tpu.vector_load %arg7[%parallel_loop3A_704, %parallel_loop3A_705] {strides = array<i32>} : memref<16x1024xf32, #tpu.memory_space<vmem>>, vector<16xf32>,
        %parallel_loop3A_707 = arith.maximumf %parallel_loop3A_706, %parallel_loop3A_699 : vector<16xf32>
        %parallel_loop3A_708 = arith.cmpf one, %parallel_loop3A_707, %parallel_loop3A_699 : vector<16xf32>
        %parallel_loop3A_709 = arith.constant 63 : i32
        %parallel_loop3A_710 = vector.broadcast %parallel_loop3A_709 : i32 to vector<16xi32>
        %parallel_loop3A_711 = arith.select %parallel_loop3A_708, %parallel_loop3A_710, %parallel_loop3A_703 : vector<16xi1>, vector<16xi32>
        %parallel_loop3A_712 = arith.constant true
        %parallel_loop3A_713 = vector.broadcast %parallel_loop3A_712 : i1 to vector<16xi1>
        %parallel_loop3A_714 = tpu.scan <max>, %parallel_loop3A_707 masked %parallel_loop3A_713 : vector<16xf32>, vector<16xi1> -> vector<16xf32>
        %parallel_loop3A_715 = vector.extract %parallel_loop3A_714[15] : f32 from vector<16xf32>
        %parallel_loop3A_716 = arith.constant 16 : i32
        %parallel_loop3A_717 = vector.broadcast %parallel_loop3A_716 : i32 to vector<16xi32>
        %parallel_loop3A_718 = arith.muli %parallel_loop3A_711, %parallel_loop3A_717 : vector<16xi32>
        %parallel_loop3A_719 = arith.addi %parallel_loop3A_718, %iota3A : vector<16xi32>
        %parallel_loop3A_720 = arith.constant 1.000000e+00 : f32
        %parallel_loop3A_721 = vector.broadcast %parallel_loop3A_720 : f32 to vector<16xf32>
        %parallel_loop3A_722 = vector.broadcast %parallel_loop3A_715 : f32 to vector<16xf32>
        %parallel_loop3A_723 = arith.mulf %parallel_loop3A_721, %parallel_loop3A_722 : vector<16xf32>
        %parallel_loop3A_724 = arith.cmpf oeq, %parallel_loop3A_707, %parallel_loop3A_723 : vector<16xf32>
        %parallel_loop3A_725 = arith.constant 1024 : i32
        %parallel_loop3A_726 = vector.broadcast %parallel_loop3A_725 : i32 to vector<16xi32>
        %parallel_loop3A_727 = arith.select %parallel_loop3A_724, %parallel_loop3A_719, %parallel_loop3A_726 : vector<16xi1>, vector<16xi32>
        %parallel_loop3A_728 = arith.constant 1 : i32
        %parallel_loop3A_729 = vector.broadcast %parallel_loop3A_728 : i32 to vector<16xi32>
        %parallel_loop3A_730 = arith.constant true
        %parallel_loop3A_731 = vector.broadcast %parallel_loop3A_730 : i1 to vector<16xi1>
        %parallel_loop3A_732 = arith.constant -2147483648 : i32
        %parallel_loop3A_733 = vector.broadcast %parallel_loop3A_732 : i32 to vector<16xi32>
        %parallel_loop3A_734 = arith.xori %parallel_loop3A_727, %parallel_loop3A_733 : vector<16xi32>
        %parallel_loop3A_735 = tpu.scan <min>, %parallel_loop3A_734 masked %parallel_loop3A_731 : vector<16xi32>, vector<16xi1> -> vector<16xi32>
        %parallel_loop3A_736 = arith.xori %parallel_loop3A_735, %parallel_loop3A_733 : vector<16xi32>
        %parallel_loop3A_737 = vector.extract %parallel_loop3A_736[15] : i32 from vector<16xi32>
        %parallel_loop3A_738 = vector.broadcast %parallel_loop3A_737 : i32 to vector<16xi32>
        %parallel_loop3A_739 = arith.muli %parallel_loop3A_729, %parallel_loop3A_738 : vector<16xi32>
        %parallel_loop3A_740 = arith.constant 1 : i32
        %parallel_loop3A_741 = vector.broadcast %parallel_loop3A_740 : i32 to vector<16xi32>
        %parallel_loop3A_742 = arith.addi %mul3A_188, %parallel_loop3A_202 : i32
        %parallel_loop3A_743 = vector.broadcast %parallel_loop3A_742 : i32 to vector<16xi32>
        %parallel_loop3A_744 = arith.muli %parallel_loop3A_741, %parallel_loop3A_743 : vector<16xi32>
        %parallel_loop3A_745 = arith.constant 0 : i32
        %parallel_loop3A_746 = vector.broadcast %parallel_loop3A_745 : i32 to vector<16xi32>
        %parallel_loop3A_747 = arith.cmpi eq, %iota3A, %parallel_loop3A_746 : vector<16xi32>
        tpu.vector_store_idx %arg10[%parallel_loop3A_744], %parallel_loop3A_739 masked %parallel_loop3A_747 : memref<512xi32, #tpu.memory_space<vmem>>[vector<16xi32>], vector<16xi32>, vector<16xi1>
      } {sc.loop_unroll_factor = 4 : i64, sc.parallel_access}
      %mul3A_192 = arith.constant 2 : i32
      %mul3A_193 = arith.muli %mul3A_192, %scan3A_150 : i32
      %add3A_194 = arith.constant 3 : i32
      %add3A_195 = arith.addi %mul3A_193, %add3A_194 : i32
      %lt3A_196 = arith.constant 32 : i32
      %lt3A_197 = arith.cmpi slt, %add3A_195, %lt3A_196 : i32
      %convert_element_type3A_198 = arith.extui %lt3A_197 : i1 to i32
      %cond3A_199 = arith.constant 0 : i32
      %cond3A_200 = arith.cmpi ne, %convert_element_type3A_198, %cond3A_199 : i32
      scf.if %cond3A_200 {
        %mul3A_202 = arith.constant 2 : i32
        %mul3A_203 = arith.muli %mul3A_202, %scan3A_150 : i32
        %add3A_204 = arith.constant 3 : i32
        %add3A_205 = arith.addi %mul3A_203, %add3A_204 : i32
        %mul3A_206 = arith.constant 16 : i32
        %mul3A_207 = arith.muli %add3A_205, %mul3A_206 : i32
        %add3A_208 = arith.addi %mul3A_32, %mul3A_207 : i32
        %multiple_of3A_209 = tpu.assume_multiple %add3A_208, 16 : i32
        %dma_start3A_210 = arith.constant 0 : i32
        %dma_start3A_211 = tpu.memref_slice %arg2[%add3A, %multiple_of3A_209, %dma_start3A_210] : memref<16x1024x1024xf32, #tpu.memory_space<hbm>> -> memref<1x16x1024xf32, #tpu.memory_space<hbm>>
        %dma_start3A_212 = tpu.memref_squeeze %dma_start3A_211 : memref<1x16x1024xf32, #tpu.memory_space<hbm>> -> memref<16x1024xf32, #tpu.memory_space<hbm>>
        %dma_start3A_213 = arith.constant 0 : i32
        %dma_start3A_214 = tpu.memref_slice %arg2[%add3A, %multiple_of3A_209, %dma_start3A_213] : memref<16x1024x1024xf32, #tpu.memory_space<hbm>> -> memref<1x16x1024xf32, #tpu.memory_space<hbm>>
        %dma_start3A_215 = tpu.memref_squeeze %dma_start3A_214 : memref<1x16x1024xf32, #tpu.memory_space<hbm>> -> memref<16x1024xf32, #tpu.memory_space<hbm>>
        tpu.enqueue_dma source(%dma_start3A_215 : memref<16x1024xf32, #tpu.memory_space<hbm>>) target(%arg7 : memref<16x1024xf32, #tpu.memory_space<vmem>>) target_semaphore(%arg12 : memref<!tpu.dma_semaphore, #tpu.memory_space<semaphore_mem>>)
      } else {
      }
      %scan3A_201 = arith.constant 0 : i32
      scf.yield %scan3A_201 : i32
    }
    %scan3A_54 = arith.constant 16 : i32
    "tpu.region"() ({
      %run_scoped3A = tpu.sem_alloc : memref<!tpu.dma_semaphore, #tpu.memory_space<semaphore_mem>>
      %dma_start3A_150 = tpu.memref_slice %arg5[%add3A, %mul3A_32] : memref<16x1024xi32, #tpu.memory_space<hbm>> -> memref<1x512xi32, #tpu.memory_space<hbm>>
      %dma_start3A_151 = tpu.memref_squeeze %dma_start3A_150 : memref<1x512xi32, #tpu.memory_space<hbm>> -> memref<512xi32, #tpu.memory_space<hbm>>
      %dma_start3A_152 = tpu.memref_slice %arg5[%add3A, %mul3A_32] : memref<16x1024xi32, #tpu.memory_space<hbm>> -> memref<1x512xi32, #tpu.memory_space<hbm>>
      %dma_start3A_153 = tpu.memref_squeeze %dma_start3A_152 : memref<1x512xi32, #tpu.memory_space<hbm>> -> memref<512xi32, #tpu.memory_space<hbm>>
      tpu.enqueue_dma source(%arg10 : memref<512xi32, #tpu.memory_space<vmem>>) target(%dma_start3A_153 : memref<512xi32, #tpu.memory_space<hbm>>) target_semaphore(%run_scoped3A : memref<!tpu.dma_semaphore, #tpu.memory_space<semaphore_mem>>)
      %dma_wait3A_154 = tpu.memref_slice %arg5[%add3A, %mul3A_32] : memref<16x1024xi32, #tpu.memory_space<hbm>> -> memref<1x512xi32, #tpu.memory_space<hbm>>
      %dma_wait3A_155 = tpu.memref_squeeze %dma_wait3A_154 : memref<1x512xi32, #tpu.memory_space<hbm>> -> memref<512xi32, #tpu.memory_space<hbm>>
      %dma_wait3A_156 = tpu.memref_slice %arg5[%add3A, %mul3A_32] : memref<16x1024xi32, #tpu.memory_space<hbm>> -> memref<1x512xi32, #tpu.memory_space<hbm>>
      %dma_wait3A_157 = tpu.memref_squeeze %dma_wait3A_156 : memref<1x512xi32, #tpu.memory_space<hbm>> -> memref<512xi32, #tpu.memory_space<hbm>>
      tpu.wait_dma2 semaphore(%run_scoped3A : memref<!tpu.dma_semaphore, #tpu.memory_space<semaphore_mem>>) src(%arg10 : memref<512xi32, #tpu.memory_space<vmem>>) dst(%dma_wait3A_157 : memref<512xi32, #tpu.memory_space<hbm>>)
      tpu.yield
    }) : () -> ()
    %dma_start3A_55 = arith.constant 0 : i32
    %dma_start3A_56 = tpu.memref_slice %arg10[%dma_start3A_55] : memref<512xi32, #tpu.memory_space<vmem>> -> memref<128xi32, #tpu.memory_space<vmem>>
    %dma_start3A_57 = arith.constant 0 : i32
    %dma_start3A_58 = arith.constant 0 : i32
    %dma_start3A_59 = tpu.memref_slice %arg3[%dma_start3A_57, %dma_start3A_58] : memref<1024x256xf32, #tpu.memory_space<hbm>> -> memref<1024x256xf32, #tpu.memory_space<hbm>>
    tpu.enqueue_indirect_dma source(%dma_start3A_59 : memref<1024x256xf32, #tpu.memory_space<hbm>>) target(%arg8 : memref<128x256xf32, #tpu.memory_space<vmem>>) offsets(%dma_start3A_56 : memref<128xi32, #tpu.memory_space<vmem>>) semaphore(%arg13 : memref<!tpu.dma_semaphore, #tpu.memory_space<semaphore_mem>>)
    %dma_wait3A = arith.constant 0 : i32
    %dma_wait3A_60 = tpu.memref_slice %arg10[%dma_wait3A] : memref<512xi32, #tpu.memory_space<vmem>> -> memref<128xi32, #tpu.memory_space<vmem>>
    %dma_wait3A_61 = arith.constant 0 : i32
    %dma_wait3A_62 = arith.constant 0 : i32
    %dma_wait3A_63 = tpu.memref_slice %arg3[%dma_wait3A_61, %dma_wait3A_62] : memref<1024x256xf32, #tpu.memory_space<hbm>> -> memref<1024x256xf32, #tpu.memory_space<hbm>>
    tpu.wait_indirect_dma semaphore(%arg13 : memref<!tpu.dma_semaphore, #tpu.memory_space<semaphore_mem>>) src(%dma_wait3A_63 : memref<1024x256xf32, #tpu.memory_space<hbm>>) dst(%arg8 : memref<128x256xf32, #tpu.memory_space<vmem>>)
    %add3A_64 = arith.constant 0 : i32
    %add3A_65 = arith.addi %mul3A_32, %add3A_64 : i32
    %dma_start3A_66 = arith.constant 0 : i32
    %dma_start3A_67 = tpu.memref_slice %arg4[%add3A, %add3A_65, %dma_start3A_66] : memref<16x1024x256xf32, #tpu.memory_space<hbm>> -> memref<1x128x256xf32, #tpu.memory_space<hbm>>
    %dma_start3A_68 = tpu.memref_squeeze %dma_start3A_67 : memref<1x128x256xf32, #tpu.memory_space<hbm>> -> memref<128x256xf32, #tpu.memory_space<hbm>>
    %dma_start3A_69 = arith.constant 0 : i32
    %dma_start3A_70 = tpu.memref_slice %arg4[%add3A, %add3A_65, %dma_start3A_69] : memref<16x1024x256xf32, #tpu.memory_space<hbm>> -> memref<1x128x256xf32, #tpu.memory_space<hbm>>
    %dma_start3A_71 = tpu.memref_squeeze %dma_start3A_70 : memref<1x128x256xf32, #tpu.memory_space<hbm>> -> memref<128x256xf32, #tpu.memory_space<hbm>>
    tpu.enqueue_dma source(%arg8 : memref<128x256xf32, #tpu.memory_space<vmem>>) target(%dma_start3A_71 : memref<128x256xf32, #tpu.memory_space<hbm>>) target_semaphore(%arg15 : memref<!tpu.dma_semaphore, #tpu.memory_space<semaphore_mem>>)
    %dma_start3A_72 = arith.constant 128 : i32
    %dma_start3A_73 = tpu.memref_slice %arg10[%dma_start3A_72] : memref<512xi32, #tpu.memory_space<vmem>> -> memref<128xi32, #tpu.memory_space<vmem>>
    %dma_start3A_74 = arith.constant 0 : i32
    %dma_start3A_75 = arith.constant 0 : i32
    %dma_start3A_76 = tpu.memref_slice %arg3[%dma_start3A_74, %dma_start3A_75] : memref<1024x256xf32, #tpu.memory_space<hbm>> -> memref<1024x256xf32, #tpu.memory_space<hbm>>
    tpu.enqueue_indirect_dma source(%dma_start3A_76 : memref<1024x256xf32, #tpu.memory_space<hbm>>) target(%arg9 : memref<128x256xf32, #tpu.memory_space<vmem>>) offsets(%dma_start3A_73 : memref<128xi32, #tpu.memory_space<vmem>>) semaphore(%arg14 : memref<!tpu.dma_semaphore, #tpu.memory_space<semaphore_mem>>)
    %dma_wait3A_77 = arith.constant 128 : i32
    %dma_wait3A_78 = tpu.memref_slice %arg10[%dma_wait3A_77] : memref<512xi32, #tpu.memory_space<vmem>> -> memref<128xi32, #tpu.memory_space<vmem>>
    %dma_wait3A_79 = arith.constant 0 : i32
    %dma_wait3A_80 = arith.constant 0 : i32
    %dma_wait3A_81 = tpu.memref_slice %arg3[%dma_wait3A_79, %dma_wait3A_80] : memref<1024x256xf32, #tpu.memory_space<hbm>> -> memref<1024x256xf32, #tpu.memory_space<hbm>>
    tpu.wait_indirect_dma semaphore(%arg14 : memref<!tpu.dma_semaphore, #tpu.memory_space<semaphore_mem>>) src(%dma_wait3A_81 : memref<1024x256xf32, #tpu.memory_space<hbm>>) dst(%arg9 : memref<128x256xf32, #tpu.memory_space<vmem>>)
    %add3A_82 = arith.constant 128 : i32
    %add3A_83 = arith.addi %mul3A_32, %add3A_82 : i32
    %dma_start3A_84 = arith.constant 0 : i32
    %dma_start3A_85 = tpu.memref_slice %arg4[%add3A, %add3A_83, %dma_start3A_84] : memref<16x1024x256xf32, #tpu.memory_space<hbm>> -> memref<1x128x256xf32, #tpu.memory_space<hbm>>
    %dma_start3A_86 = tpu.memref_squeeze %dma_start3A_85 : memref<1x128x256xf32, #tpu.memory_space<hbm>> -> memref<128x256xf32, #tpu.memory_space<hbm>>
    %dma_start3A_87 = arith.constant 0 : i32
    %dma_start3A_88 = tpu.memref_slice %arg4[%add3A, %add3A_83, %dma_start3A_87] : memref<16x1024x256xf32, #tpu.memory_space<hbm>> -> memref<1x128x256xf32, #tpu.memory_space<hbm>>
    %dma_start3A_89 = tpu.memref_squeeze %dma_start3A_88 : memref<1x128x256xf32, #tpu.memory_space<hbm>> -> memref<128x256xf32, #tpu.memory_space<hbm>>
    tpu.enqueue_dma source(%arg9 : memref<128x256xf32, #tpu.memory_space<vmem>>) target(%dma_start3A_89 : memref<128x256xf32, #tpu.memory_space<hbm>>) target_semaphore(%arg16 : memref<!tpu.dma_semaphore, #tpu.memory_space<semaphore_mem>>)
    %dma_wait3A_90 = arith.constant 0 : i32
    %dma_wait3A_91 = tpu.memref_slice %arg4[%add3A, %add3A_65, %dma_wait3A_90] : memref<16x1024x256xf32, #tpu.memory_space<hbm>> -> memref<1x128x256xf32, #tpu.memory_space<hbm>>
    %dma_wait3A_92 = tpu.memref_squeeze %dma_wait3A_91 : memref<1x128x256xf32, #tpu.memory_space<hbm>> -> memref<128x256xf32, #tpu.memory_space<hbm>>
    %dma_wait3A_93 = arith.constant 0 : i32
    %dma_wait3A_94 = tpu.memref_slice %arg4[%add3A, %add3A_65, %dma_wait3A_93] : memref<16x1024x256xf32, #tpu.memory_space<hbm>> -> memref<1x128x256xf32, #tpu.memory_space<hbm>>
    %dma_wait3A_95 = tpu.memref_squeeze %dma_wait3A_94 : memref<1x128x256xf32, #tpu.memory_space<hbm>> -> memref<128x256xf32, #tpu.memory_space<hbm>>
    tpu.wait_dma2 semaphore(%arg15 : memref<!tpu.dma_semaphore, #tpu.memory_space<semaphore_mem>>) src(%arg8 : memref<128x256xf32, #tpu.memory_space<vmem>>) dst(%dma_wait3A_95 : memref<128x256xf32, #tpu.memory_space<hbm>>)
    %dma_start3A_96 = arith.constant 256 : i32
    %dma_start3A_97 = tpu.memref_slice %arg10[%dma_start3A_96] : memref<512xi32, #tpu.memory_space<vmem>> -> memref<128xi32, #tpu.memory_space<vmem>>
    %dma_start3A_98 = arith.constant 0 : i32
    %dma_start3A_99 = arith.constant 0 : i32
    %dma_start3A_100 = tpu.memref_slice %arg3[%dma_start3A_98, %dma_start3A_99] : memref<1024x256xf32, #tpu.memory_space<hbm>> -> memref<1024x256xf32, #tpu.memory_space<hbm>>
    tpu.enqueue_indirect_dma source(%dma_start3A_100 : memref<1024x256xf32, #tpu.memory_space<hbm>>) target(%arg8 : memref<128x256xf32, #tpu.memory_space<vmem>>) offsets(%dma_start3A_97 : memref<128xi32, #tpu.memory_space<vmem>>) semaphore(%arg13 : memref<!tpu.dma_semaphore, #tpu.memory_space<semaphore_mem>>)
    %dma_wait3A_101 = arith.constant 256 : i32
    %dma_wait3A_102 = tpu.memref_slice %arg10[%dma_wait3A_101] : memref<512xi32, #tpu.memory_space<vmem>> -> memref<128xi32, #tpu.memory_space<vmem>>
    %dma_wait3A_103 = arith.constant 0 : i32
    %dma_wait3A_104 = arith.constant 0 : i32
    %dma_wait3A_105 = tpu.memref_slice %arg3[%dma_wait3A_103, %dma_wait3A_104] : memref<1024x256xf32, #tpu.memory_space<hbm>> -> memref<1024x256xf32, #tpu.memory_space<hbm>>
    tpu.wait_indirect_dma semaphore(%arg13 : memref<!tpu.dma_semaphore, #tpu.memory_space<semaphore_mem>>) src(%dma_wait3A_105 : memref<1024x256xf32, #tpu.memory_space<hbm>>) dst(%arg8 : memref<128x256xf32, #tpu.memory_space<vmem>>)
    %add3A_106 = arith.constant 256 : i32
    %add3A_107 = arith.addi %mul3A_32, %add3A_106 : i32
    %dma_start3A_108 = arith.constant 0 : i32
    %dma_start3A_109 = tpu.memref_slice %arg4[%add3A, %add3A_107, %dma_start3A_108] : memref<16x1024x256xf32, #tpu.memory_space<hbm>> -> memref<1x128x256xf32, #tpu.memory_space<hbm>>
    %dma_start3A_110 = tpu.memref_squeeze %dma_start3A_109 : memref<1x128x256xf32, #tpu.memory_space<hbm>> -> memref<128x256xf32, #tpu.memory_space<hbm>>
    %dma_start3A_111 = arith.constant 0 : i32
    %dma_start3A_112 = tpu.memref_slice %arg4[%add3A, %add3A_107, %dma_start3A_111] : memref<16x1024x256xf32, #tpu.memory_space<hbm>> -> memref<1x128x256xf32, #tpu.memory_space<hbm>>
    %dma_start3A_113 = tpu.memref_squeeze %dma_start3A_112 : memref<1x128x256xf32, #tpu.memory_space<hbm>> -> memref<128x256xf32, #tpu.memory_space<hbm>>
    tpu.enqueue_dma source(%arg8 : memref<128x256xf32, #tpu.memory_space<vmem>>) target(%dma_start3A_113 : memref<128x256xf32, #tpu.memory_space<hbm>>) target_semaphore(%arg15 : memref<!tpu.dma_semaphore, #tpu.memory_space<semaphore_mem>>)
    %dma_wait3A_114 = arith.constant 0 : i32
    %dma_wait3A_115 = tpu.memref_slice %arg4[%add3A, %add3A_83, %dma_wait3A_114] : memref<16x1024x256xf32, #tpu.memory_space<hbm>> -> memref<1x128x256xf32, #tpu.memory_space<hbm>>
    %dma_wait3A_116 = tpu.memref_squeeze %dma_wait3A_115 : memref<1x128x256xf32, #tpu.memory_space<hbm>> -> memref<128x256xf32, #tpu.memory_space<hbm>>
    %dma_wait3A_117 = arith.constant 0 : i32
    %dma_wait3A_118 = tpu.memref_slice %arg4[%add3A, %add3A_83, %dma_wait3A_117] : memref<16x1024x256xf32, #tpu.memory_space<hbm>> -> memref<1x128x256xf32, #tpu.memory_space<hbm>>
    %dma_wait3A_119 = tpu.memref_squeeze %dma_wait3A_118 : memref<1x128x256xf32, #tpu.memory_space<hbm>> -> memref<128x256xf32, #tpu.memory_space<hbm>>
    tpu.wait_dma2 semaphore(%arg16 : memref<!tpu.dma_semaphore, #tpu.memory_space<semaphore_mem>>) src(%arg9 : memref<128x256xf32, #tpu.memory_space<vmem>>) dst(%dma_wait3A_119 : memref<128x256xf32, #tpu.memory_space<hbm>>)
    %dma_start3A_120 = arith.constant 384 : i32
    %dma_start3A_121 = tpu.memref_slice %arg10[%dma_start3A_120] : memref<512xi32, #tpu.memory_space<vmem>> -> memref<128xi32, #tpu.memory_space<vmem>>
    %dma_start3A_122 = arith.constant 0 : i32
    %dma_start3A_123 = arith.constant 0 : i32
    %dma_start3A_124 = tpu.memref_slice %arg3[%dma_start3A_122, %dma_start3A_123] : memref<1024x256xf32, #tpu.memory_space<hbm>> -> memref<1024x256xf32, #tpu.memory_space<hbm>>
    tpu.enqueue_indirect_dma source(%dma_start3A_124 : memref<1024x256xf32, #tpu.memory_space<hbm>>) target(%arg9 : memref<128x256xf32, #tpu.memory_space<vmem>>) offsets(%dma_start3A_121 : memref<128xi32, #tpu.memory_space<vmem>>) semaphore(%arg14 : memref<!tpu.dma_semaphore, #tpu.memory_space<semaphore_mem>>)
    %dma_wait3A_125 = arith.constant 384 : i32
    %dma_wait3A_126 = tpu.memref_slice %arg10[%dma_wait3A_125] : memref<512xi32, #tpu.memory_space<vmem>> -> memref<128xi32, #tpu.memory_space<vmem>>
    %dma_wait3A_127 = arith.constant 0 : i32
    %dma_wait3A_128 = arith.constant 0 : i32
    %dma_wait3A_129 = tpu.memref_slice %arg3[%dma_wait3A_127, %dma_wait3A_128] : memref<1024x256xf32, #tpu.memory_space<hbm>> -> memref<1024x256xf32, #tpu.memory_space<hbm>>
    tpu.wait_indirect_dma semaphore(%arg14 : memref<!tpu.dma_semaphore, #tpu.memory_space<semaphore_mem>>) src(%dma_wait3A_129 : memref<1024x256xf32, #tpu.memory_space<hbm>>) dst(%arg9 : memref<128x256xf32, #tpu.memory_space<vmem>>)
    %add3A_130 = arith.constant 384 : i32
    %add3A_131 = arith.addi %mul3A_32, %add3A_130 : i32
    %dma_start3A_132 = arith.constant 0 : i32
    %dma_start3A_133 = tpu.memref_slice %arg4[%add3A, %add3A_131, %dma_start3A_132] : memref<16x1024x256xf32, #tpu.memory_space<hbm>> -> memref<1x128x256xf32, #tpu.memory_space<hbm>>
    %dma_start3A_134 = tpu.memref_squeeze %dma_start3A_133 : memref<1x128x256xf32, #tpu.memory_space<hbm>> -> memref<128x256xf32, #tpu.memory_space<hbm>>
    %dma_start3A_135 = arith.constant 0 : i32
    %dma_start3A_136 = tpu.memref_slice %arg4[%add3A, %add3A_131, %dma_start3A_135] : memref<16x1024x256xf32, #tpu.memory_space<hbm>> -> memref<1x128x256xf32, #tpu.memory_space<hbm>>
    %dma_start3A_137 = tpu.memref_squeeze %dma_start3A_136 : memref<1x128x256xf32, #tpu.memory_space<hbm>> -> memref<128x256xf32, #tpu.memory_space<hbm>>
    tpu.enqueue_dma source(%arg9 : memref<128x256xf32, #tpu.memory_space<vmem>>) target(%dma_start3A_137 : memref<128x256xf32, #tpu.memory_space<hbm>>) target_semaphore(%arg16 : memref<!tpu.dma_semaphore, #tpu.memory_space<semaphore_mem>>)
    %dma_wait3A_138 = arith.constant 0 : i32
    %dma_wait3A_139 = tpu.memref_slice %arg4[%add3A, %add3A_107, %dma_wait3A_138] : memref<16x1024x256xf32, #tpu.memory_space<hbm>> -> memref<1x128x256xf32, #tpu.memory_space<hbm>>
    %dma_wait3A_140 = tpu.memref_squeeze %dma_wait3A_139 : memref<1x128x256xf32, #tpu.memory_space<hbm>> -> memref<128x256xf32, #tpu.memory_space<hbm>>
    %dma_wait3A_141 = arith.constant 0 : i32
    %dma_wait3A_142 = tpu.memref_slice %arg4[%add3A, %add3A_107, %dma_wait3A_141] : memref<16x1024x256xf32, #tpu.memory_space<hbm>> -> memref<1x128x256xf32, #tpu.memory_space<hbm>>
    %dma_wait3A_143 = tpu.memref_squeeze %dma_wait3A_142 : memref<1x128x256xf32, #tpu.memory_space<hbm>> -> memref<128x256xf32, #tpu.memory_space<hbm>>
    tpu.wait_dma2 semaphore(%arg15 : memref<!tpu.dma_semaphore, #tpu.memory_space<semaphore_mem>>) src(%arg8 : memref<128x256xf32, #tpu.memory_space<vmem>>) dst(%dma_wait3A_143 : memref<128x256xf32, #tpu.memory_space<hbm>>)
    %dma_wait3A_144 = arith.constant 0 : i32
    %dma_wait3A_145 = tpu.memref_slice %arg4[%add3A, %add3A_131, %dma_wait3A_144] : memref<16x1024x256xf32, #tpu.memory_space<hbm>> -> memref<1x128x256xf32, #tpu.memory_space<hbm>>
    %dma_wait3A_146 = tpu.memref_squeeze %dma_wait3A_145 : memref<1x128x256xf32, #tpu.memory_space<hbm>> -> memref<128x256xf32, #tpu.memory_space<hbm>>
    %dma_wait3A_147 = arith.constant 0 : i32
    %dma_wait3A_148 = tpu.memref_slice %arg4[%add3A, %add3A_131, %dma_wait3A_147] : memref<16x1024x256xf32, #tpu.memory_space<hbm>> -> memref<1x128x256xf32, #tpu.memory_space<hbm>>
    %dma_wait3A_149 = tpu.memref_squeeze %dma_wait3A_148 : memref<1x128x256xf32, #tpu.memory_space<hbm>> -> memref<128x256xf32, #tpu.memory_space<hbm>>
    tpu.wait_dma2 semaphore(%arg16 : memref<!tpu.dma_semaphore, #tpu.memory_space<semaphore_mem>>) src(%arg9 : memref<128x256xf32, #tpu.memory_space<vmem>>) dst(%dma_wait3A_149 : memref<128x256xf32, #tpu.memory_space<hbm>>)
    return
  }
}

</mosaic_0001>

<sc_bundles>
// kernel: kernel.3.cloned.1.call-start
scs
__scs_entry_jumppad:
0x0: {  	(pc) =	sbr.rel $0x88, $3  }
0x1: {  	(tag) =	ssettag $0x0;
	lr =	simm.s32 $0x1  }
0x2: {  	[smem:$0x3F9E] =	sst lr;
	_ =	strace $0xD0000000  }
0x3: {  	_ = 	snop  }
0x4: {  	_ = 	snop  }
0x5: {  	_ = 	snop  }
0x6: {  	_ = 	snop  }
0x7: {  	_ = 	snop  }
__scs_overlays_trampoline_lowered:
0x8: {  	[smem:$0x3FAD] =	sst s0  }
0x9: {  	[smem:$0x3FAE] =	sst s1  }
0xa: {  	[smem:$0x3FAF] =	sst s2  }
0xb: {  	[smem:$0x3FB0] =	sst s3  }
0xc: {  	[smem:$0x3FB1] =	sst s4  }
0xd: {  	[smem:$0x3FB2] =	sst s5  }
0xe: {  	[smem:$0x3FB3] =	sst s6  }
0xf: {  	[smem:$0x3FB4] =	sst s7  }
0x10: {  	[smem:$0x3FB5] =	sst s8  }
0x11: {  	[smem:$0x3FB6] =	sst s9;
	s0 =	simm.s32 @!p0 $0x0  }
0x12: {  	s1 =	sld [smem:$0x3F9C];
	s0 =	simm.s32 @p0 $0x1  }
0x13: {  	[smem:$0x3FB7] =	sst s0;
	s0 =	simm.s32 @!p1 $0x0  }
0x14: {  	s2 =	sld [smem:$0x3F9B];
	s0 =	simm.s32 @p1 $0x1  }
0x15: {  	[smem:$0x3FB8] =	sst s0;
	s0 =	simm.s32 @!p2 $0x0  }
0x16: {  	s3 =	sld [smem:$0x3FDB];
	s0 =	simm.s32 @p2 $0x1  }
0x17: {  	s4 =	simm.s32 $0x1BF5;
	[smem:$0x3FBA] =	sst s0  }
0x18: {  	s0 =	sld [smem:$0x3F9D];
	_ =	swait.ge [sflag:s4], $0x0  }
0x19: {  	s7 =	sld [smem:$0x3F9E]  }
0x1a: {  	s8 =	sadd.s32 $0xFFFFE003, lr  }
0x1b: {  	s9 =	sadd.s32 $0xFFFFFEF7, lr;
	s5 =	simm.s32 $0xFFFFFFFF;
	p2 =	slt.u32 s8, $0xFFFFF086  }
0x1c: {  	p1 =	slt.u32 s9, $0xF7A;
	s5 =	simm.s32 @!p2 $0x0  }
0x1d: {  	s5 =	simm.s32 @p1 $0x1;
	p0 =	seq.s32 s7, s2  }
0x1e: {  	s7 =	smul.u32 @!p0 $0xF7A, s2;
	p2 =	seq.s32 @!p0 s5, $0x0  }
0x1f: {  	s9 =	smul.u32 $0xF7A, s1;
	s8 =	simm.s32 @!p0 $0x1BF5;
	p2 =	por !p2, p0  }
0x20: {  	[sflag:s8] =	ssyncset.s32 @!p0 $0xFFFFF086;
	s6 =	sadd.s32 @!p0 s3, s7;
	s7 =	simm.s32 @!p0 $0x108  }
0x21: {  	s3 =	sadd.s32 s3, s9;
	s6 =	sadd.s32 @!p0 $0x88, s6;
	s7 =	simm.s32 @p2 $0x1082  }
0x22: {  	[simem:s7], [sflag:s8] =	dma.local @!p0 [hbm:s6], $0xF7A  }
0x23: {  	s9 =	sor.u32 $0xD0000000, s2;
	s6 =	simm.s32 $0x108;
	_ =	swait.ge @!p0 [sflag:s8], $0x0  }
0x24: {  	s3 =	sadd.s32 $0x88, s3;
	s6 =	simm.s32 @!p1 $0x1082;
	[sflag:s4] =	ssyncset.s32 $0xFFFFF086  }
0x25: {  	[simem:s6], [sflag:s4] =	dma.local [hbm:s3], $0xF7A  }
0x26: {  	[smem:$0x3F9E] =	sst s1;
	(tag) =	ssettag s2;
	_ =	strace s9  }
0x27: {  	s1 =	sld [smem:$0x3FAE]  }
0x28: {  	s2 =	sld [smem:$0x3FAF]  }
0x29: {  	s4 =	sld [smem:$0x3FB1]  }
0x2a: {  	p0 =	seq.s32 s5, $0x0;
	s5 =	sld [smem:$0x3FB2]  }
0x2b: {  	s6 =	sld [smem:$0x3FB3]  }
0x2c: {  	s7 =	sld [smem:$0x3FB4]  }
0x2d: {  	s3 =	simm.s32 $0x108;
	s8 =	sld [smem:$0x3FB5]  }
0x2e: {  	s3 =	simm.s32 @!p0 $0x1082;
	s9 =	sld [smem:$0x3FB6]  }
0x2f: {  	lr =	sadd.s32 s0, s3;
	s0 =	sld [smem:$0x3FAD]  }
0x30: {  	s3 =	sld [smem:$0x3FB0]  }
0x31: {  	[smem:$0x3FB9] =	sst s10  }
0x32: {  	s10 =	sld [smem:$0x3FB7];
	_ =	sdelay $0x3  }
0x33: {  	p0 =	seq.s32 s10, $0x1;
	s10 =	sld [smem:$0x3FB9];
	_ =	sdelay $0x3  }
0x34: {  	[smem:$0x3FB9] =	sst s10  }
0x35: {  	s10 =	sld [smem:$0x3FB8];
	_ =	sdelay $0x3  }
0x36: {  	p1 =	seq.s32 s10, $0x1;
	s10 =	sld [smem:$0x3FB9];
	_ =	sdelay $0x3  }
0x37: {  	[smem:$0x3FB9] =	sst s10  }
0x38: {  	s10 =	sld [smem:$0x3FBA]  }
0x39: {  	_ = 	snop;
	(pc) =	sbr.ind lr, $3  }
0x3a: {  	_ = 	snop  }
0x3b: {  	_ = 	snop  }
0x3c: {  	p2 =	seq.s32 s10, $0x1;
	s10 =	sld [smem:$0x3FB9]  }
0x3d: {  	_ =	shalt  }
0x3e: {  	_ =	shalt  }
0x3f: {  	_ =	shalt  }
0x40: {  	_ =	shalt  }
0x41: {  	_ =	shalt  }
0x42: {  	_ =	shalt  }
0x43: {  	_ =	shalt  }
0x44: {  	_ =	shalt  }
0x45: {  	_ =	shalt  }
0x46: {  	_ =	shalt  }
0x47: {  	_ =	shalt  }
0x48: {  	_ =	shalt  }
0x49: {  	_ =	shalt  }
0x4a: {  	_ =	shalt  }
0x4b: {  	_ =	shalt  }
0x4c: {  	_ =	shalt  }
0x4d: {  	_ =	shalt  }
0x4e: {  	_ =	shalt  }
0x4f: {  	_ =	shalt  }
0x50: {  	_ =	shalt  }
0x51: {  	_ =	shalt  }
0x52: {  	_ =	shalt  }
0x53: {  	_ =	shalt  }
0x54: {  	_ =	shalt  }
0x55: {  	_ =	shalt  }
0x56: {  	_ =	shalt  }
0x57: {  	_ =	shalt  }
0x58: {  	_ =	shalt  }
0x59: {  	_ =	shalt  }
0x5a: {  	_ =	shalt  }
0x5b: {  	_ =	shalt  }
0x5c: {  	_ =	shalt  }
0x5d: {  	_ =	shalt  }
0x5e: {  	_ =	shalt  }
0x5f: {  	_ =	shalt  }
0x60: {  	_ =	shalt  }
0x61: {  	_ =	shalt  }
0x62: {  	_ =	shalt  }
0x63: {  	_ =	shalt  }
0x64: {  	_ =	shalt  }
0x65: {  	_ =	shalt  }
0x66: {  	_ =	shalt  }
0x67: {  	_ =	shalt  }
0x68: {  	_ =	shalt  }
0x69: {  	_ =	shalt  }
0x6a: {  	_ =	shalt  }
0x6b: {  	_ =	shalt  }
0x6c: {  	_ =	shalt  }
0x6d: {  	_ =	shalt  }
0x6e: {  	_ =	shalt  }
0x6f: {  	_ =	shalt  }
0x70: {  	_ =	shalt  }
0x71: {  	_ =	shalt  }
0x72: {  	_ =	shalt  }
0x73: {  	_ =	shalt  }
0x74: {  	_ =	shalt  }
0x75: {  	_ =	shalt  }
0x76: {  	_ =	shalt  }
0x77: {  	_ =	shalt  }
0x78: {  	_ =	shalt  }
0x79: {  	_ =	shalt  }
0x7a: {  	_ =	shalt  }
0x7b: {  	_ =	shalt  }
0x7c: {  	_ =	shalt  }
0x7d: {  	_ =	shalt  }
0x7e: {  	_ =	shalt  }
0x7f: {  	_ =	shalt  }
0x80: {  	_ =	shalt  }
0x81: {  	_ =	shalt  }
0x82: {  	_ =	shalt  }
0x83: {  	_ =	shalt  }
0x84: {  	_ =	shalt  }
0x85: {  	_ =	shalt  }
0x86: {  	_ =	shalt  }
0x87: {  	_ =	shalt  }
.Lfunc_end0:
.L_simem_size_0:
called_computation_lowered:
.L_overlay_start_0:
0x88: {  	s2 =	sld [smem:$0x3FD9]  }
0x89: {  	s3 =	sld [smem:$0x3FFE];
	_ =	sdelay $0x1  }
0x8a: {  	s1 =	srdreg.scid  }
0x8b: {  	s0 =	sand.u32 $0x1, s1  }
0x8c: {  	s15 =	sshll.u32 s0, $0xA;
	s2 =	sadd.s32 s3, s2  }
0x8d: {  	s2 =	sadd.s32 s2, s15  }
0x8e: {  	[smem:$0x3FC5] =	sst s2  }
0x8f: {  	_ = 	snop  }
0x90: {  	s2 =	sld [smem:$0x3FD0];
	_ =	sdelay $0x1  }
0x91: {  	s16 =	sld [smem:$0x3FC9]  }
0x92: {  	s5 =	simm.s32 $0xA;
	s6 =	simm.s32 $0x10;
	s4 =	sld [smem:$0x3FC7]  }
0x93: {  	[smem:s6], [sflag:s5] =	dma.local [hbm:s2], $0x1  }
0x94: {  	_ =	swait.eq [sflag:s5], $0x1  }
0x95: {  	[sflag:s5] =	ssyncset.done $0x0  }
0x96: {  	s17 =	sld [smem:$0x10];
	[sflag:s5] =	ssyncadd.s32 $0xFFFFFFFF  }
0x97: {  	s18 =	sld [smem:$0x11];
	(tm) =	ssettm $0x1  }
0x98: {  	s19 =	sld [smem:$0x3FFB];
	_ =	sdelay $0x3  }
0x99: {  	_ =	strace s19  }
0x9a: {  	s6 =	sld [smem:$0x3FFC];
	_ =	sdelay $0x3  }
0x9b: {  	_ =	strace s6  }
0x9c: {  	s6 =	sld [smem:$0x3FFD];
	_ =	sdelay $0x3  }
0x9d: {  	_ =	strace s6  }
0x9e: {  	_ =	strace $0x8FFFFFFF  }
0x9f: {  	s20 =	sld [smem:$0x3FDB];
	_ =	sdelay $0x1  }
0xa0: {  	s7 =	simm.s32 $_scs_section_size  }
0xa1: {  	s8 =	simm.s32 $_size__tile_overlayer_lowered;
	s9 =	simm.s32 $_tile_overlayer_lowered  }
0xa2: {  	s23 =	simm.s32 $0x1BFF;
	s22 =	sshll.u32 s9, $0x1;
	s6 =	sadd.s32 s7, s20  }
0xa3: {  	s10 =	simm.s32 $0x0;
	s21 =	sshll.u32 s8, $0x1;
	s8 =	sadd.s32 s22, s6  }
0xa4: {  	[timem:s10], [sflag:s23] =	dma.local [hbm:s8], s21  }
0xa5: {  	_ =	swait.ge [sflag:s23], s21  }
0xa6: {  	s7 =	ssub.s32 $0x0, s21;
	[sflag:s23] =	ssyncset.done $0x0  }
0xa7: {  	[sflag:s23] =	ssyncadd.s32 s7;
	_ =	sdelay $0x1  }
0xa8: {  	s24 =	simm.s32 $0x1B8B  }
0xa9: {  	_ =	swait.ge [sflag:s24], $0x1  }
0xaa: {  	[sflag:s24] =	ssyncset.done $0x0  }
0xab: {  	s25 =	simm.s32 $0x1B8E;
	[sflag:s24] =	ssyncadd.s32 $0xFFFFFFFF  }
0xac: {  	s26 =	simm.s32 $execute0_lowered;
	[smem:$0x3FD2] =	sst s25  }
0xad: {  	s7 =	sshll.u32 s26, $0x1;
	_ =	strace $0x80000046;
	[dreg:$0x1] =	wrdreg $0xFFFFFFFF  }
0xae: {  	s28 =	simm.s32 $_size_execute0_lowered;
	s6 =	sadd.s32 s6, s7;
	[dreg:$0x0] =	wrdreg $0x0  }
0xaf: {  	s7 =	sshll.u32 s28, $0x1;
	[dreg:$0x2] =	wrdreg s6  }
0xb0: {  	[dreg:$0x3] =	wrdreg s7  }
0xb1: {  	[dreg:$0x4] =	wrdreg $0xC0  }
0xb2: {  	_ =	task [dreg:s10], $0x5FFFF  }
0xb3: {  	[dreg:$0x1] =	wrdreg $0xFFFFFFFF  }
0xb4: {  	[dreg:$0x0] =	wrdreg $0x60  }
0xb5: {  	[dreg:$0x2] =	wrdreg s16  }
0xb6: {  	[dreg:$0x3] =	wrdreg s4  }
0xb7: {  	[dreg:$0x4] =	wrdreg s17  }
0xb8: {  	[dreg:$0x5] =	wrdreg s18  }
0xb9: {  	[dreg:$0x6] =	wrdreg $0x9  }
0xba: {  	_ =	task.clear_ibuf [dreg:s10], $0x7FFFF;
	_ =	strace $0x90000046  }
0xbb: {  	s29 =	simm.s32 $0x9;
	_ =	strace $0x80000048  }
0xbc: {  	_ =	swait.ge [sflag:s29], $0x1  }
0xbd: {  	[sflag:s29] =	ssyncadd.s32 $0xFFFFFFFF  }
0xbe: {  	_ =	strace $0x90000048  }
0xbf: {  	_ =	sfence  }
0xc0: {  	s30 =	sld [smem:$0x0];
	_ =	sdelay $0x2  }
0xc1: {  	s31 =	sshll.u32 s1, $0xD;
	s1 =	sshrl.u32 s1, $0x2  }
0xc2: {  	s3 =	sand.u32 $0x4000, s31;
	s1 =	sadd.s32 s1, s30  }
0xc3: {  	s0 =	sor.u32 s3, s0;
	s1 =	sshll.u32 s1, $0x11  }
0xc4: {  	s0 =	sor.u32 s1, s0  }
0xc5: {  	s0 =	sadd.s32 $0x8F2B, s0  }
0xc6: {  	[sflag:s0] =	ssyncadd.remote.s32 $0x1  }
0xc7: {  	_ =	sfence.sel $0xFFFF  }
0xc8: {  	[dreg:$0x0] =	wrdreg $0xFFFFFFFF;
	(pc) =	sbr.abs _section_cstart, $3  }
0xc9: {  	[dreg:$0x1] =	wrdreg $0xFFFFFFFF  }
0xca: {  	_ =	task.clear_ibuf [dreg:s10], $0x2FFFF;
	_ =	strace $0x9FFFFFFF  }
0xcb: {  	(tm) =	ssettm $0x7FFFFFFF  }
tec
execute0_lowered:
.L_overlay_start_1:
0x0: {  	(tag) =	ssettag $0x1  }
0x1: {  	s1 =	rddreg [dreg:$0x0];
	s4 =	stileid.u32  }
0x2: {  	s2 =	rddreg [dreg:$0x1];
	s6 =	sshrl.u32 s4, $0x1;
	s4 =	sshll.u32 s4, $0x9  }
0x3: {  	s7 =	rddreg [dreg:$0x2];
	v0 =	vlaneseq.u32;
	s19 =	sand.u32 $0x200, s4;
	s4 =	simm.s32 $0x0  }
0x4: {  	v1 =	vor.u32 $0x800002F0, v0;
	[smem:$0x7FF] =	sst s4  }
0x5: {  	s9 =	rddreg [dreg:$0x3];
	v59 =	vor.u32 $0x80000300, v0;
	_ =	strace $0x80000047;
	[tilespmem:$0x1FD40] =	vst v1  }
0x6: {  	v60 =	vor.u32 $0x80000310, v0;
	[tilespmem:$0x1FD50] =	vst v59  }
0x7: {  	v61 =	vor.u32 $0x80000320, v0;
	[tilespmem:$0x1FD60] =	vst v60  }
0x8: {  	v62 =	vor.u32 $0x80000330, v0;
	[tilespmem:$0x1FD70] =	vst v61  }
0x9: {  	v63 =	vor.u32 $0x80000340, v0;
	[tilespmem:$0x1FD80] =	vst v62  }
0xa: {  	v55 =	vor.u32 $0x80000350, v0;
	[tilespmem:$0x1FD90] =	vst v63  }
0xb: {  	v56 =	vor.u32 $0x80000360, v0;
	[tilespmem:$0x1FDA0] =	vst v55  }
0xc: {  	v57 =	vor.u32 $0x80000380, v0;
	[tilespmem:$0x1FDB0] =	vst v56  }
0xd: {  	v58 =	vor.u32 $0x80000000, v0;
	[tilespmem:$0x1FDC0] =	vst v57  }
0xe: {  	v14 =	vor.u32 $0x80000020, v0;
	[tilespmem:$0x1FDD0] =	vst v58  }
0xf: {  	v21 =	vor.u32 $0x80000090, v0;
	[tilespmem:$0x1FE40] =	vst v14  }
0x10: {  	s17 =	simm.s32 $0x18000;
	s29 =	simm.s32 $0x11800;
	v19 =	vor.u32 $0x80000070, v0;
	[tilespmem:$0x1FE50] =	vst v21  }
0x11: {  	v12 =	vor.u32 $0x80000010, v0;
	v26 =	vor.u32 $0x800000E0, v0;
	[tilespmem:$0x1FE60] =	vst v19  }
0x12: {  	v15 =	vor.u32 $0x80000030, v0;
	v37 =	vor.u32 $0x80000190, v0;
	[tilespmem:$0x1FE70] =	vst v26  }
0x13: {  	v16 =	vor.u32 $0x80000040, v0;
	v39 =	vor.u32 $0x800001B0, v0;
	[tilespmem:$0x1FE80] =	vst v37  }
0x14: {  	v17 =	vor.u32 $0x80000050, v0;
	v41 =	vor.u32 $0x800001D0, v0;
	[tilespmem:$0x1FE90] =	vst v39  }
0x15: {  	v18 =	vor.u32 $0x80000060, v0;
	v43 =	vor.u32 $0x800001F0, v0;
	[tilespmem:$0x1FEA0] =	vst v41  }
0x16: {  	v20 =	vor.u32 $0x80000080, v0;
	v45 =	vor.u32 $0x80000210, v0;
	[tilespmem:$0x1FEB0] =	vst v43  }
0x17: {  	v22 =	vor.u32 $0x800000A0, v0;
	v47 =	vor.u32 $0x80000230, v0;
	[tilespmem:$0x1FEC0] =	vst v45  }
0x18: {  	v23 =	vor.u32 $0x800000B0, v0;
	v49 =	vor.u32 $0x80000250, v0;
	[tilespmem:$0x1FED0] =	vst v47  }
0x19: {  	v24 =	vor.u32 $0x800000C0, v0;
	v51 =	vor.u32 $0x80000270, v0;
	[tilespmem:$0x1FEE0] =	vst v49  }
0x1a: {  	v25 =	vor.u32 $0x800000D0, v0;
	v53 =	vor.u32 $0x80000290, v0;
	[tilespmem:$0x1FEF0] =	vst v51  }
0x1b: {  	v27 =	vor.u32 $0x800000F0, v0;
	v28 =	vor.u32 $0x80000100, v0;
	[tilespmem:$0x1FF00] =	vst v53  }
0x1c: {  	v29 =	vor.u32 $0x80000110, v0;
	v35 =	vor.u32 $0x80000170, v0;
	[tilespmem:$0x1FF10] =	vst v12  }
0x1d: {  	v30 =	vor.u32 $0x80000120, v0;
	v10 =	vor.u32 $0x800002D0, v0;
	[tilespmem:$0x1FF20] =	vst v35  }
0x1e: {  	v31 =	vor.u32 $0x80000130, v0;
	v32 =	vor.u32 $0x80000140, v0;
	[tilespmem:$0x1FF30] =	vst v10  }
0x1f: {  	s0 =	srdreg.scid;
	v33 =	vor.u32 $0x80000150, v0;
	v34 =	vor.u32 $0x80000160, v0;
	[tilespmem:$0x1FF40] =	vst v24  }
0x20: {  	s3 =	sand.u32 $0x1, s0;
	v36 =	vor.u32 $0x80000180, v0;
	v38 =	vor.u32 $0x800001A0, v0;
	[tilespmem:$0x1FF50] =	vst v25  }
0x21: {  	s16 =	simm.s32 $0x1;
	s18 =	simm.s32 $0x2;
	v40 =	vor.u32 $0x800001C0, v0;
	v42 =	vor.u32 $0x800001E0, v0;
	s0 =	sshll.u32 s3, $0x3;
	[tilespmem:$0x1FF60] =	vst v36  }
0x22: {  	v44 =	vor.u32 $0x80000200, v0;
	s24 =	sshll.u32 s3, $0xA;
	s3 =	ssub.s32 $0x2, s3;
	s5 =	sor.u32 s6, s0;
	[tilespmem:$0x1FF70] =	vst v38  }
0x23: {  	v46 =	vor.u32 $0x80000220, v0;
	s10 =	sshll.u32 s19, $0xA;
	s12 =	sshll.u32 s19, $0x5;
	s13 =	sshrl.u32 s3, $0x1;
	[tilespmem:$0x1FF80] =	vst v40  }
0x24: {  	v48 =	vor.u32 $0x80000240, v0;
	s6 =	sshll.u32 s6, $0x4;
	s9 =	sadd.s32 s9, s24;
	s8 =	sshll.u32 s5, $0x14;
	[tilespmem:$0x1FF90] =	vst v42  }
0x25: {  	v50 =	vor.u32 $0x80000260, v0;
	s11 =	sshll.u32 s5, $0xF;
	s5 =	simm.s32 $0x4000;
	s3 =	ssub.s32 s3, s13;
	[tilespmem:$0x1FFA0] =	vst v17  }
0x26: {  	v52 =	vor.u32 $0x80000280, v0;
	v54 =	vor.u32 $0x800002A0, v0;
	s6 =	sadd.s32 s6, s9;
	[tilespmem:$0x1FFB0] =	vst v44;
	s10 =	sor.u32 s10, s8;
	s21 =	sor.u32 s12, s11  }
0x27: {  	v8 =	vor.u32 $0x800002B0, v0;
	v9 =	vor.u32 $0x800002C0, v0;
	[tilespmem:$0x1FFC0] =	vst v18;
	s0 =	sadd.s32 s19, s6;
	s31 =	smax.u32 s3, $0x1;
	s6 =	simm.s32 $0x0  }
0x28: {  	v11 =	vor.u32 $0x800002E0, v0;
	[tilespmem:$0x1FFD0] =	vst v46;
	s11 =	simm.s32 $0x10000;
	s12 =	simm.s32 $0x12000;
	s8 =	sshrl.u32 s10, $0x3  }
0x29: {  	v7 =	vor.u32 $0x80000370, v0;
	[tilespmem:$0x1FFE0] =	vst v20;
	s23 =	sadd.s32 s7, s21;
	s28 =	sor.u32 $0xC000, s10;
	[dreg:$0x9] =	wrdreg s0  }
0x2a: {  	v59 =	vor.u32 $0x80000390, v0;
	[tilespmem:$0x1FFF0] =	vst v48;
	s13 =	sor.u32 $0x8000, s10;
	[dreg:$0xa] =	wrdreg s31;
	s7 =	simm.s32 $0xE800  }
0x2b: {  	v60 =	vor.u32 $0x800003A0, v0;
	[tilespmem:$0x1FDE0] =	vst v59;
	s21 =	simm.s32 $0xF000;
	s20 =	sadd.s32 s1, s8;
	[dreg:$0xc] =	wrdreg s23  }
.Ltmp0:
0x2c: {  	v61 =	vor.u32 $0x800003B0, v0;
	[tilespmem:$0x1FDF0] =	vst v60;
	s25 =	sadd.s32 $0x1000, s23;
	[dreg:$0xb] =	wrdreg s20;
	(pc) =	sbr.rel .LBB2_1-.Ltmp0, $4  }
0x2d: {  	v62 =	vor.u32 $0x800003C0, v0;
	[tilespmem:$0x1FE00] =	vst v61;
	s26 =	sadd.s32 $0x2000, s23;
	s30 =	sadd.s32 $0x3000, s23;
	[dreg:$0x6] =	wrdreg s25  }
0x2e: {  	v63 =	vor.u32 $0x800003D0, v0;
	[tilespmem:$0x1FE10] =	vst v62;
	s23 =	simm.s32 $0x8000;
	s8 =	simm.s32 $0x4;
	[dreg:$0x7] =	wrdreg s26  }
0x2f: {  	v0 =	vor.u32 $0x800003E0, v0;
	[tilespmem:$0x1FE20] =	vst v63;
	s22 =	sadd.s32 $0x800, s20;
	[dreg:$0x8] =	wrdreg s30;
	s25 =	simm.s32 $0x3  }
0x30: {  	[tilespmem:$0x1FE30] =	vst v0;
	s26 =	simm.s32 $0x5;
	[dreg:$0x5] =	wrdreg s22;
	s22 =	simm.s32 $0xF800  }
.LBB2_8:
0x31: {  	s0 =	rddreg [dreg:$0x9]  }
0x32: {  	s3 =	simm.s32 $0x80;
	s6 =	simm.s32 $0x400;
	s10 =	simm.s32 $0x7  }
0x33: {  	[hbm4b:s0+s3] =	stream.strided.scatter [tilespmem:s17], [sflag:$0x7], $0x200, s6, s3, $0x38;
	[tilespmem:$0x18200] =	vst v63  }
0x34: {  	_ =	swait.ge [sflag:s10], $0x200  }
0x35: {  	[sflag:s10] =	ssyncset.done $0x0  }
0x36: {  	[sflag:s10] =	ssyncadd.s32 $0xFFFFFE00  }
0x37: {  	v0 =	vld [tilespmem:$0x18000];
	_ =	sdelay $0x4  }
0x38: {  	v1 =	vshll.u32 v0, $0x1  }
0x39: {  	v2 =	vlaneseq.u32;
	v0 =	vand.u32 $0x7, v0;
	v1 =	vand.u32 $0xFFFFFFF0, v1  }
0x3a: {  	v59 =	vand.u32 $0x7, v2;
	v60 =	vshrl.u32 v2, $0x3;
	v3 =	vor.u32 v0, v1  }
0x3b: {  	v1 =	vmul.u32 $0x8, v60;
	v4 =	vperm.xlane v3, v59  }
0x3c: {  	v2 =	vor.u32 $0x8, v2  }
0x3d: {  	v3 =	vperm.xlane v3, v2;
	v4 =	vadd.s32 v1, v4;
	_ =	sdelay $0x1  }
0x3e: {  	v3 =	vadd.s32 v1, v3;
	_ =	sdelay $0x1  }
0x3f: {  	vm0 =	vmmov $0xffff  }
0x40: {  	[tilespmem:s23], [sflag:$0x3] =	stream.indirect_vreg.gather [hbm4b:s2+s4], $0x80, v4, vm0, $0xb8;
	[tilespmem:$0x18200] =	vst v63  }
0x41: {  	s3 =	simm.s32 $0x8800  }
0x42: {  	[tilespmem:s3], [sflag:$0x3] =	stream.indirect_vreg.gather [hbm4b:s2+s4], $0x80, v3, vm0, $0xb8;
	[tilespmem:$0x18200] =	vst v63  }
0x43: {  	v3 =	vld [tilespmem:$0x18010];
	_ =	sdelay $0x4  }
0x44: {  	v4 =	vshll.u32 v3, $0x1  }
0x45: {  	v3 =	vand.u32 $0x7, v3;
	v4 =	vand.u32 $0xFFFFFFF0, v4  }
0x46: {  	v3 =	vor.u32 v3, v4  }
0x47: {  	v4 =	vperm.xlane v3, v59;
	_ =	sdelay $0x1  }
0x48: {  	v3 =	vperm.xlane v3, v2;
	v4 =	vadd.s32 v1, v4;
	_ =	sdelay $0x1  }
0x49: {  	v3 =	vadd.s32 v1, v3;
	_ =	sdelay $0x1  }
0x4a: {  	s6 =	simm.s32 $0x9000  }
0x4b: {  	[tilespmem:s6], [sflag:$0x3] =	stream.indirect_vreg.gather [hbm4b:s2+s4], $0x80, v4, vm0, $0xb8;
	[tilespmem:$0x18200] =	vst v63  }
0x4c: {  	s9 =	simm.s32 $0x9800  }
0x4d: {  	[tilespmem:s9], [sflag:$0x3] =	stream.indirect_vreg.gather [hbm4b:s2+s4], $0x80, v3, vm0, $0xb8;
	[tilespmem:$0x18200] =	vst v63  }
0x4e: {  	v3 =	vld [tilespmem:$0x18020];
	_ =	sdelay $0x4  }
0x4f: {  	v4 =	vshll.u32 v3, $0x1  }
0x50: {  	v3 =	vand.u32 $0x7, v3;
	v4 =	vand.u32 $0xFFFFFFF0, v4  }
0x51: {  	v3 =	vor.u32 v3, v4  }
0x52: {  	v4 =	vperm.xlane v3, v59;
	_ =	sdelay $0x1  }
0x53: {  	v3 =	vperm.xlane v3, v2;
	v4 =	vadd.s32 v1, v4;
	_ =	sdelay $0x1  }
0x54: {  	v3 =	vadd.s32 v1, v3;
	_ =	sdelay $0x1  }
0x55: {  	s10 =	simm.s32 $0xA000  }
0x56: {  	[tilespmem:s10], [sflag:$0x3] =	stream.indirect_vreg.gather [hbm4b:s2+s4], $0x80, v4, vm0, $0xb8;
	[tilespmem:$0x18200] =	vst v63  }
0x57: {  	s14 =	simm.s32 $0xA800  }
0x58: {  	[tilespmem:s14], [sflag:$0x3] =	stream.indirect_vreg.gather [hbm4b:s2+s4], $0x80, v3, vm0, $0xb8;
	[tilespmem:$0x18200] =	vst v63  }
0x59: {  	v3 =	vld [tilespmem:$0x18030];
	_ =	sdelay $0x4  }
0x5a: {  	v4 =	vshll.u32 v3, $0x1  }
0x5b: {  	v3 =	vand.u32 $0x7, v3;
	v4 =	vand.u32 $0xFFFFFFF0, v4  }
0x5c: {  	v3 =	vor.u32 v3, v4  }
0x5d: {  	v4 =	vperm.xlane v3, v59;
	_ =	sdelay $0x1  }
0x5e: {  	v3 =	vperm.xlane v3, v2;
	v4 =	vadd.s32 v1, v4;
	_ =	sdelay $0x1  }
0x5f: {  	v3 =	vadd.s32 v1, v3;
	_ =	sdelay $0x1  }
0x60: {  	s15 =	simm.s32 $0xB000  }
0x61: {  	[tilespmem:s15], [sflag:$0x3] =	stream.indirect_vreg.gather [hbm4b:s2+s4], $0x80, v4, vm0, $0xb8;
	[tilespmem:$0x18200] =	vst v63  }
0x62: {  	s19 =	simm.s32 $0xB800  }
0x63: {  	[tilespmem:s19], [sflag:$0x3] =	stream.indirect_vreg.gather [hbm4b:s2+s4], $0x80, v3, vm0, $0xb8;
	[tilespmem:$0x18200] =	vst v63  }
0x64: {  	v3 =	vld [tilespmem:$0x18040];
	_ =	sdelay $0x4  }
0x65: {  	v4 =	vshll.u32 v3, $0x1  }
0x66: {  	v3 =	vand.u32 $0x7, v3;
	v4 =	vand.u32 $0xFFFFFFF0, v4  }
0x67: {  	v3 =	vor.u32 v3, v4  }
0x68: {  	v4 =	vperm.xlane v3, v59;
	_ =	sdelay $0x1  }
0x69: {  	v3 =	vperm.xlane v3, v2;
	v4 =	vadd.s32 v1, v4;
	_ =	sdelay $0x1  }
0x6a: {  	v3 =	vadd.s32 v1, v3;
	_ =	sdelay $0x1  }
0x6b: {  	s20 =	simm.s32 $0xC000  }
0x6c: {  	[tilespmem:s20], [sflag:$0x3] =	stream.indirect_vreg.gather [hbm4b:s2+s4], $0x80, v4, vm0, $0xb8;
	[tilespmem:$0x18200] =	vst v63  }
0x6d: {  	s24 =	simm.s32 $0xC800  }
0x6e: {  	[tilespmem:s24], [sflag:$0x3] =	stream.indirect_vreg.gather [hbm4b:s2+s4], $0x80, v3, vm0, $0xb8;
	[tilespmem:$0x18200] =	vst v63  }
0x6f: {  	v3 =	vld [tilespmem:$0x18050];
	_ =	sdelay $0x4  }
0x70: {  	v4 =	vshll.u32 v3, $0x1  }
0x71: {  	v3 =	vand.u32 $0x7, v3;
	v4 =	vand.u32 $0xFFFFFFF0, v4  }
0x72: {  	v3 =	vor.u32 v3, v4  }
0x73: {  	v4 =	vperm.xlane v3, v59;
	_ =	sdelay $0x1  }
0x74: {  	v3 =	vperm.xlane v3, v2;
	v4 =	vadd.s32 v1, v4;
	_ =	sdelay $0x1  }
0x75: {  	v3 =	vadd.s32 v1, v3;
	_ =	sdelay $0x1  }
0x76: {  	s30 =	simm.s32 $0xD000  }
0x77: {  	[tilespmem:s30], [sflag:$0x3] =	stream.indirect_vreg.gather [hbm4b:s2+s4], $0x80, v4, vm0, $0xb8;
	[tilespmem:$0x18200] =	vst v63  }
0x78: {  	s31 =	simm.s32 $0xD800  }
0x79: {  	[tilespmem:s31], [sflag:$0x3] =	stream.indirect_vreg.gather [hbm4b:s2+s4], $0x80, v3, vm0, $0xb8;
	[tilespmem:$0x18200] =	vst v63  }
0x7a: {  	v3 =	vld [tilespmem:$0x18060];
	_ =	sdelay $0x4  }
0x7b: {  	v4 =	vshll.u32 v3, $0x1  }
0x7c: {  	v3 =	vand.u32 $0x7, v3;
	v4 =	vand.u32 $0xFFFFFFF0, v4  }
0x7d: {  	v3 =	vor.u32 v3, v4  }
0x7e: {  	v4 =	vperm.xlane v3, v59;
	_ =	sdelay $0x1  }
0x7f: {  	v3 =	vperm.xlane v3, v2;
	v4 =	vadd.s32 v1, v4;
	_ =	sdelay $0x1  }
0x80: {  	v3 =	vadd.s32 v1, v3;
	_ =	sdelay $0x1  }
0x81: {  	s5 =	simm.s32 $0xE000  }
0x82: {  	[tilespmem:s5], [sflag:$0x3] =	stream.indirect_vreg.gather [hbm4b:s2+s4], $0x80, v4, vm0, $0xb8;
	[tilespmem:$0x18200] =	vst v63  }
0x83: {  	_ = 	snop  }
0x84: {  	[tilespmem:s7], [sflag:$0x3] =	stream.indirect_vreg.gather [hbm4b:s2+s4], $0x80, v3, vm0, $0xb8;
	[tilespmem:$0x18200] =	vst v63  }
0x85: {  	v3 =	vld [tilespmem:$0x18070];
	_ =	sdelay $0x4  }
0x86: {  	v4 =	vshll.u32 v3, $0x1  }
0x87: {  	v3 =	vand.u32 $0x7, v3;
	v4 =	vand.u32 $0xFFFFFFF0, v4  }
0x88: {  	v3 =	vor.u32 v3, v4  }
0x89: {  	v4 =	vperm.xlane v3, v59;
	_ =	sdelay $0x1  }
0x8a: {  	v3 =	vperm.xlane v3, v2;
	v4 =	vadd.s32 v1, v4;
	_ =	sdelay $0x1  }
0x8b: {  	v3 =	vadd.s32 v1, v3;
	_ =	sdelay $0x2  }
0x8c: {  	[tilespmem:s21], [sflag:$0x3] =	stream.indirect_vreg.gather [hbm4b:s2+s4], $0x80, v4, vm0, $0xb8;
	[tilespmem:$0x18200] =	vst v63  }
0x8d: {  	_ = 	snop  }
0x8e: {  	[tilespmem:s22], [sflag:$0x3] =	stream.indirect_vreg.gather [hbm4b:s2+s4], $0x80, v3, vm0, $0xb8;
	[tilespmem:$0x18200] =	vst v63  }
0x8f: {  	_ =	swait.ge [sflag:s25], $0x8000  }
0x90: {  	[sflag:s25] =	ssyncset.done $0x0  }
0x91: {  	s0 =	rddreg [dreg:$0xc];
	[sflag:s25] =	ssyncadd.s32 $0xFFFF8000  }
0x92: {  	[hbm4b:s0+s4] =	stream.linear.scatter [tilespmem:s23], [sflag:$0x5], $0x8000, $0x38;
	[tilespmem:$0x18200] =	vst v63  }
0x93: {  	v61 =	vld [tilespmem:$0x18080];
	_ =	sdelay $0x4  }
0x94: {  	v4 =	vshll.u32 v61, $0x1  }
0x95: {  	v3 =	vand.u32 $0x7, v61;
	v4 =	vand.u32 $0xFFFFFFF0, v4  }
0x96: {  	v3 =	vor.u32 v3, v4  }
0x97: {  	v4 =	vperm.xlane v3, v59;
	_ =	sdelay $0x1  }
0x98: {  	v3 =	vperm.xlane v3, v2;
	v4 =	vadd.s32 v1, v4;
	_ =	sdelay $0x1  }
0x99: {  	v3 =	vadd.s32 v1, v3;
	_ =	sdelay $0x2  }
0x9a: {  	[tilespmem:s11], [sflag:$0x4] =	stream.indirect_vreg.gather [hbm4b:s2+s4], $0x80, v4, vm0, $0xb8;
	[tilespmem:$0x18200] =	vst v63  }
0x9b: {  	s0 =	simm.s32 $0x10800  }
0x9c: {  	[tilespmem:s0], [sflag:$0x4] =	stream.indirect_vreg.gather [hbm4b:s2+s4], $0x80, v3, vm0, $0xb8;
	[tilespmem:$0x18200] =	vst v63  }
0x9d: {  	v3 =	vld [tilespmem:$0x18090];
	_ =	sdelay $0x4  }
0x9e: {  	v4 =	vshll.u32 v3, $0x1  }
0x9f: {  	v3 =	vand.u32 $0x7, v3;
	v4 =	vand.u32 $0xFFFFFFF0, v4  }
0xa0: {  	v3 =	vor.u32 v3, v4  }
0xa1: {  	v4 =	vperm.xlane v3, v59;
	_ =	sdelay $0x1  }
0xa2: {  	v3 =	vperm.xlane v3, v2;
	v4 =	vadd.s32 v1, v4;
	_ =	sdelay $0x1  }
0xa3: {  	v3 =	vadd.s32 v1, v3;
	_ =	sdelay $0x1  }
0xa4: {  	s0 =	simm.s32 $0x11000  }
0xa5: {  	[tilespmem:s0], [sflag:$0x4] =	stream.indirect_vreg.gather [hbm4b:s2+s4], $0x80, v4, vm0, $0xb8;
	[tilespmem:$0x18200] =	vst v63  }
0xa6: {  	_ = 	snop  }
0xa7: {  	[tilespmem:s29], [sflag:$0x4] =	stream.indirect_vreg.gather [hbm4b:s2+s4], $0x80, v3, vm0, $0xb8;
	[tilespmem:$0x18200] =	vst v63  }
0xa8: {  	v3 =	vld [tilespmem:$0x180A0];
	_ =	sdelay $0x4  }
0xa9: {  	v4 =	vshll.u32 v3, $0x1  }
0xaa: {  	v3 =	vand.u32 $0x7, v3;
	v4 =	vand.u32 $0xFFFFFFF0, v4  }
0xab: {  	v3 =	vor.u32 v3, v4  }
0xac: {  	v4 =	vperm.xlane v3, v59;
	_ =	sdelay $0x1  }
0xad: {  	v3 =	vperm.xlane v3, v2;
	v4 =	vadd.s32 v1, v4;
	_ =	sdelay $0x1  }
0xae: {  	v3 =	vadd.s32 v1, v3;
	_ =	sdelay $0x2  }
0xaf: {  	[tilespmem:s12], [sflag:$0x4] =	stream.indirect_vreg.gather [hbm4b:s2+s4], $0x80, v4, vm0, $0xb8;
	[tilespmem:$0x18200] =	vst v63  }
0xb0: {  	s0 =	simm.s32 $0x12800  }
0xb1: {  	[tilespmem:s0], [sflag:$0x4] =	stream.indirect_vreg.gather [hbm4b:s2+s4], $0x80, v3, vm0, $0xb8;
	[tilespmem:$0x18200] =	vst v63  }
0xb2: {  	v3 =	vld [tilespmem:$0x180B0];
	_ =	sdelay $0x4  }
0xb3: {  	v4 =	vshll.u32 v3, $0x1  }
0xb4: {  	v3 =	vand.u32 $0x7, v3;
	v4 =	vand.u32 $0xFFFFFFF0, v4  }
0xb5: {  	v3 =	vor.u32 v3, v4  }
0xb6: {  	v4 =	vperm.xlane v3, v59;
	_ =	sdelay $0x1  }
0xb7: {  	v3 =	vperm.xlane v3, v2;
	v4 =	vadd.s32 v1, v4;
	_ =	sdelay $0x1  }
0xb8: {  	v3 =	vadd.s32 v1, v3;
	_ =	sdelay $0x1  }
0xb9: {  	s0 =	simm.s32 $0x13000  }
0xba: {  	[tilespmem:s0], [sflag:$0x4] =	stream.indirect_vreg.gather [hbm4b:s2+s4], $0x80, v4, vm0, $0xb8;
	[tilespmem:$0x18200] =	vst v63  }
0xbb: {  	s0 =	simm.s32 $0x13800  }
0xbc: {  	[tilespmem:s0], [sflag:$0x4] =	stream.indirect_vreg.gather [hbm4b:s2+s4], $0x80, v3, vm0, $0xb8;
	[tilespmem:$0x18200] =	vst v63  }
0xbd: {  	v3 =	vld [tilespmem:$0x180C0];
	_ =	sdelay $0x4  }
0xbe: {  	v4 =	vshll.u32 v3, $0x1  }
0xbf: {  	v3 =	vand.u32 $0x7, v3;
	v4 =	vand.u32 $0xFFFFFFF0, v4  }
0xc0: {  	v3 =	vor.u32 v3, v4  }
0xc1: {  	v4 =	vperm.xlane v3, v59;
	_ =	sdelay $0x1  }
0xc2: {  	v3 =	vperm.xlane v3, v2;
	v4 =	vadd.s32 v1, v4;
	_ =	sdelay $0x1  }
0xc3: {  	v3 =	vadd.s32 v1, v3;
	_ =	sdelay $0x1  }
0xc4: {  	s0 =	simm.s32 $0x14000  }
0xc5: {  	[tilespmem:s0], [sflag:$0x4] =	stream.indirect_vreg.gather [hbm4b:s2+s4], $0x80, v4, vm0, $0xb8;
	[tilespmem:$0x18200] =	vst v63  }
0xc6: {  	s0 =	simm.s32 $0x14800  }
0xc7: {  	[tilespmem:s0], [sflag:$0x4] =	stream.indirect_vreg.gather [hbm4b:s2+s4], $0x80, v3, vm0, $0xb8;
	[tilespmem:$0x18200] =	vst v63  }
0xc8: {  	v3 =	vld [tilespmem:$0x180D0];
	_ =	sdelay $0x4  }
0xc9: {  	v4 =	vshll.u32 v3, $0x1  }
0xca: {  	v3 =	vand.u32 $0x7, v3;
	v4 =	vand.u32 $0xFFFFFFF0, v4  }
0xcb: {  	v3 =	vor.u32 v3, v4  }
0xcc: {  	v4 =	vperm.xlane v3, v59;
	_ =	sdelay $0x1  }
0xcd: {  	v3 =	vperm.xlane v3, v2;
	v4 =	vadd.s32 v1, v4;
	_ =	sdelay $0x1  }
0xce: {  	v3 =	vadd.s32 v1, v3;
	_ =	sdelay $0x1  }
0xcf: {  	s0 =	simm.s32 $0x15000  }
0xd0: {  	[tilespmem:s0], [sflag:$0x4] =	stream.indirect_vreg.gather [hbm4b:s2+s4], $0x80, v4, vm0, $0xb8;
	[tilespmem:$0x18200] =	vst v63  }
0xd1: {  	s0 =	simm.s32 $0x15800  }
0xd2: {  	[tilespmem:s0], [sflag:$0x4] =	stream.indirect_vreg.gather [hbm4b:s2+s4], $0x80, v3, vm0, $0xb8;
	[tilespmem:$0x18200] =	vst v63  }
0xd3: {  	v3 =	vld [tilespmem:$0x180E0];
	_ =	sdelay $0x4  }
0xd4: {  	v4 =	vshll.u32 v3, $0x1  }
0xd5: {  	v3 =	vand.u32 $0x7, v3;
	v4 =	vand.u32 $0xFFFFFFF0, v4  }
0xd6: {  	v3 =	vor.u32 v3, v4  }
0xd7: {  	v4 =	vperm.xlane v3, v59;
	_ =	sdelay $0x1  }
0xd8: {  	v3 =	vperm.xlane v3, v2;
	v4 =	vadd.s32 v1, v4;
	_ =	sdelay $0x1  }
0xd9: {  	v3 =	vadd.s32 v1, v3;
	_ =	sdelay $0x1  }
0xda: {  	s0 =	simm.s32 $0x16000  }
0xdb: {  	[tilespmem:s0], [sflag:$0x4] =	stream.indirect_vreg.gather [hbm4b:s2+s4], $0x80, v4, vm0, $0xb8;
	[tilespmem:$0x18200] =	vst v63  }
0xdc: {  	s0 =	simm.s32 $0x16800  }
0xdd: {  	[tilespmem:s0], [sflag:$0x4] =	stream.indirect_vreg.gather [hbm4b:s2+s4], $0x80, v3, vm0, $0xb8;
	[tilespmem:$0x18200] =	vst v63  }
0xde: {  	v3 =	vld [tilespmem:$0x180F0];
	_ =	sdelay $0x4  }
0xdf: {  	v4 =	vshll.u32 v3, $0x1  }
0xe0: {  	v3 =	vand.u32 $0x7, v3;
	v4 =	vand.u32 $0xFFFFFFF0, v4  }
0xe1: {  	v3 =	vor.u32 v3, v4  }
0xe2: {  	v4 =	vperm.xlane v3, v59;
	_ =	sdelay $0x1  }
0xe3: {  	v3 =	vperm.xlane v3, v2;
	v4 =	vadd.s32 v1, v4;
	_ =	sdelay $0x1  }
0xe4: {  	v3 =	vadd.s32 v1, v3;
	_ =	sdelay $0x1  }
0xe5: {  	s0 =	simm.s32 $0x17000  }
0xe6: {  	[tilespmem:s0], [sflag:$0x4] =	stream.indirect_vreg.gather [hbm4b:s2+s4], $0x80, v4, vm0, $0xb8;
	[tilespmem:$0x18200] =	vst v63  }
0xe7: {  	s0 =	simm.s32 $0x17800  }
0xe8: {  	[tilespmem:s0], [sflag:$0x4] =	stream.indirect_vreg.gather [hbm4b:s2+s4], $0x80, v3, vm0, $0xb8;
	[tilespmem:$0x18200] =	vst v63  }
0xe9: {  	_ =	swait.ge [sflag:s8], $0x8000  }
0xea: {  	[sflag:s8] =	ssyncset.done $0x0  }
0xeb: {  	s0 =	rddreg [dreg:$0x6];
	[sflag:s8] =	ssyncadd.s32 $0xFFFF8000  }
0xec: {  	[hbm4b:s0+s4] =	stream.linear.scatter [tilespmem:s11], [sflag:$0x6], $0x8000, $0x38;
	[tilespmem:$0x18200] =	vst v63  }
0xed: {  	_ =	swait.ge [sflag:s26], $0x8000  }
0xee: {  	[sflag:s26] =	ssyncset.done $0x0  }
0xef: {  	[sflag:s26] =	ssyncadd.s32 $0xFFFF8000  }
0xf0: {  	v62 =	vld [tilespmem:$0x18100];
	_ =	sdelay $0x4  }
0xf1: {  	v4 =	vshll.u32 v62, $0x1  }
0xf2: {  	v3 =	vand.u32 $0x7, v62;
	v4 =	vand.u32 $0xFFFFFFF0, v4  }
0xf3: {  	v3 =	vor.u32 v3, v4  }
0xf4: {  	v4 =	vperm.xlane v3, v59;
	_ =	sdelay $0x1  }
0xf5: {  	v3 =	vperm.xlane v3, v2;
	v4 =	vadd.s32 v1, v4;
	_ =	sdelay $0x1  }
0xf6: {  	v3 =	vadd.s32 v1, v3;
	_ =	sdelay $0x2  }
0xf7: {  	[tilespmem:s23], [sflag:$0x3] =	stream.indirect_vreg.gather [hbm4b:s2+s4], $0x80, v4, vm0, $0xb8;
	[tilespmem:$0x18200] =	vst v63  }
0xf8: {  	_ = 	snop  }
0xf9: {  	[tilespmem:s3], [sflag:$0x3] =	stream.indirect_vreg.gather [hbm4b:s2+s4], $0x80, v3, vm0, $0xb8;
	[tilespmem:$0x18200] =	vst v63  }
0xfa: {  	v3 =	vld [tilespmem:$0x18110];
	_ =	sdelay $0x4  }
0xfb: {  	v4 =	vshll.u32 v3, $0x1  }
0xfc: {  	v3 =	vand.u32 $0x7, v3;
	v4 =	vand.u32 $0xFFFFFFF0, v4  }
0xfd: {  	v3 =	vor.u32 v3, v4  }
0xfe: {  	v4 =	vperm.xlane v3, v59;
	_ =	sdelay $0x1  }
0xff: {  	v3 =	vperm.xlane v3, v2;
	v4 =	vadd.s32 v1, v4;
	_ =	sdelay $0x1  }
0x100: {  	v3 =	vadd.s32 v1, v3;
	_ =	sdelay $0x2  }
0x101: {  	[tilespmem:s6], [sflag:$0x3] =	stream.indirect_vreg.gather [hbm4b:s2+s4], $0x80, v4, vm0, $0xb8;
	[tilespmem:$0x18200] =	vst v63  }
0x102: {  	_ = 	snop  }
0x103: {  	[tilespmem:s9], [sflag:$0x3] =	stream.indirect_vreg.gather [hbm4b:s2+s4], $0x80, v3, vm0, $0xb8;
	[tilespmem:$0x18200] =	vst v63  }
0x104: {  	v3 =	vld [tilespmem:$0x18120];
	_ =	sdelay $0x4  }
0x105: {  	v4 =	vshll.u32 v3, $0x1  }
0x106: {  	v3 =	vand.u32 $0x7, v3;
	v4 =	vand.u32 $0xFFFFFFF0, v4  }
0x107: {  	v3 =	vor.u32 v3, v4  }
0x108: {  	v4 =	vperm.xlane v3, v59;
	_ =	sdelay $0x1  }
0x109: {  	v3 =	vperm.xlane v3, v2;
	v4 =	vadd.s32 v1, v4;
	_ =	sdelay $0x1  }
0x10a: {  	v3 =	vadd.s32 v1, v3;
	_ =	sdelay $0x2  }
0x10b: {  	[tilespmem:s10], [sflag:$0x3] =	stream.indirect_vreg.gather [hbm4b:s2+s4], $0x80, v4, vm0, $0xb8;
	[tilespmem:$0x18200] =	vst v63  }
0x10c: {  	_ = 	snop  }
0x10d: {  	[tilespmem:s14], [sflag:$0x3] =	stream.indirect_vreg.gather [hbm4b:s2+s4], $0x80, v3, vm0, $0xb8;
	[tilespmem:$0x18200] =	vst v63  }
0x10e: {  	v3 =	vld [tilespmem:$0x18130];
	_ =	sdelay $0x4  }
0x10f: {  	v4 =	vshll.u32 v3, $0x1  }
0x110: {  	v3 =	vand.u32 $0x7, v3;
	v4 =	vand.u32 $0xFFFFFFF0, v4  }
0x111: {  	v3 =	vor.u32 v3, v4  }
0x112: {  	v4 =	vperm.xlane v3, v59;
	_ =	sdelay $0x1  }
0x113: {  	v3 =	vperm.xlane v3, v2;
	v4 =	vadd.s32 v1, v4;
	_ =	sdelay $0x1  }
0x114: {  	v3 =	vadd.s32 v1, v3;
	_ =	sdelay $0x2  }
0x115: {  	[tilespmem:s15], [sflag:$0x3] =	stream.indirect_vreg.gather [hbm4b:s2+s4], $0x80, v4, vm0, $0xb8;
	[tilespmem:$0x18200] =	vst v63  }
0x116: {  	_ = 	snop  }
0x117: {  	[tilespmem:s19], [sflag:$0x3] =	stream.indirect_vreg.gather [hbm4b:s2+s4], $0x80, v3, vm0, $0xb8;
	[tilespmem:$0x18200] =	vst v63  }
0x118: {  	v3 =	vld [tilespmem:$0x18140];
	_ =	sdelay $0x4  }
0x119: {  	v4 =	vshll.u32 v3, $0x1  }
0x11a: {  	v3 =	vand.u32 $0x7, v3;
	v4 =	vand.u32 $0xFFFFFFF0, v4  }
0x11b: {  	v3 =	vor.u32 v3, v4  }
0x11c: {  	v4 =	vperm.xlane v3, v59;
	_ =	sdelay $0x1  }
0x11d: {  	v3 =	vperm.xlane v3, v2;
	v4 =	vadd.s32 v1, v4;
	_ =	sdelay $0x1  }
0x11e: {  	v3 =	vadd.s32 v1, v3;
	_ =	sdelay $0x2  }
0x11f: {  	[tilespmem:s20], [sflag:$0x3] =	stream.indirect_vreg.gather [hbm4b:s2+s4], $0x80, v4, vm0, $0xb8;
	[tilespmem:$0x18200] =	vst v63  }
0x120: {  	_ = 	snop  }
0x121: {  	[tilespmem:s24], [sflag:$0x3] =	stream.indirect_vreg.gather [hbm4b:s2+s4], $0x80, v3, vm0, $0xb8;
	[tilespmem:$0x18200] =	vst v63  }
0x122: {  	v3 =	vld [tilespmem:$0x18150];
	_ =	sdelay $0x4  }
0x123: {  	v4 =	vshll.u32 v3, $0x1  }
0x124: {  	v3 =	vand.u32 $0x7, v3;
	v4 =	vand.u32 $0xFFFFFFF0, v4  }
0x125: {  	v3 =	vor.u32 v3, v4  }
0x126: {  	v4 =	vperm.xlane v3, v59;
	_ =	sdelay $0x1  }
0x127: {  	v3 =	vperm.xlane v3, v2;
	v4 =	vadd.s32 v1, v4;
	_ =	sdelay $0x1  }
0x128: {  	v3 =	vadd.s32 v1, v3;
	_ =	sdelay $0x2  }
0x129: {  	[tilespmem:s30], [sflag:$0x3] =	stream.indirect_vreg.gather [hbm4b:s2+s4], $0x80, v4, vm0, $0xb8;
	[tilespmem:$0x18200] =	vst v63  }
0x12a: {  	_ = 	snop  }
0x12b: {  	[tilespmem:s31], [sflag:$0x3] =	stream.indirect_vreg.gather [hbm4b:s2+s4], $0x80, v3, vm0, $0xb8;
	[tilespmem:$0x18200] =	vst v63  }
0x12c: {  	v3 =	vld [tilespmem:$0x18160];
	_ =	sdelay $0x4  }
0x12d: {  	v4 =	vshll.u32 v3, $0x1  }
0x12e: {  	v3 =	vand.u32 $0x7, v3;
	v4 =	vand.u32 $0xFFFFFFF0, v4  }
0x12f: {  	v3 =	vor.u32 v3, v4  }
0x130: {  	v4 =	vperm.xlane v3, v59;
	_ =	sdelay $0x1  }
0x131: {  	v3 =	vperm.xlane v3, v2;
	v4 =	vadd.s32 v1, v4;
	_ =	sdelay $0x1  }
0x132: {  	v3 =	vadd.s32 v1, v3;
	_ =	sdelay $0x2  }
0x133: {  	[tilespmem:s5], [sflag:$0x3] =	stream.indirect_vreg.gather [hbm4b:s2+s4], $0x80, v4, vm0, $0xb8;
	[tilespmem:$0x18200] =	vst v63  }
0x134: {  	_ = 	snop  }
0x135: {  	[tilespmem:s7], [sflag:$0x3] =	stream.indirect_vreg.gather [hbm4b:s2+s4], $0x80, v3, vm0, $0xb8;
	[tilespmem:$0x18200] =	vst v63  }
0x136: {  	v3 =	vld [tilespmem:$0x18170];
	_ =	sdelay $0x4  }
0x137: {  	v4 =	vshll.u32 v3, $0x1  }
0x138: {  	v3 =	vand.u32 $0x7, v3;
	v4 =	vand.u32 $0xFFFFFFF0, v4  }
0x139: {  	v3 =	vor.u32 v3, v4  }
0x13a: {  	v4 =	vperm.xlane v3, v59;
	_ =	sdelay $0x1  }
0x13b: {  	v3 =	vperm.xlane v3, v2;
	v4 =	vadd.s32 v1, v4;
	_ =	sdelay $0x1  }
0x13c: {  	v3 =	vadd.s32 v1, v3;
	_ =	sdelay $0x2  }
0x13d: {  	[tilespmem:s21], [sflag:$0x3] =	stream.indirect_vreg.gather [hbm4b:s2+s4], $0x80, v4, vm0, $0xb8;
	[tilespmem:$0x18200] =	vst v63  }
0x13e: {  	_ = 	snop  }
0x13f: {  	[tilespmem:s22], [sflag:$0x3] =	stream.indirect_vreg.gather [hbm4b:s2+s4], $0x80, v3, vm0, $0xb8;
	[tilespmem:$0x18200] =	vst v63  }
0x140: {  	_ =	swait.ge [sflag:s25], $0x8000  }
0x141: {  	[sflag:s25] =	ssyncset.done $0x0  }
0x142: {  	s3 =	simm.s32 $0x6;
	s14 =	rddreg [dreg:$0x7];
	[sflag:s25] =	ssyncadd.s32 $0xFFFF8000  }
0x143: {  	[hbm4b:s14+s4] =	stream.linear.scatter [tilespmem:s23], [sflag:$0x5], $0x8000, $0x38;
	[tilespmem:$0x18200] =	vst v63  }
0x144: {  	_ =	swait.ge [sflag:s3], $0x8000  }
0x145: {  	[sflag:s3] =	ssyncset.done $0x0  }
0x146: {  	[sflag:s3] =	ssyncadd.s32 $0xFFFF8000  }
0x147: {  	v63 =	vld [tilespmem:$0x18180];
	_ =	sdelay $0x4  }
0x148: {  	v4 =	vshll.u32 v63, $0x1  }
0x149: {  	v3 =	vand.u32 $0x7, v63;
	v4 =	vand.u32 $0xFFFFFFF0, v4  }
0x14a: {  	v3 =	vor.u32 v3, v4  }
0x14b: {  	v4 =	vperm.xlane v3, v59;
	_ =	sdelay $0x1  }
0x14c: {  	v3 =	vperm.xlane v3, v2;
	v4 =	vadd.s32 v1, v4;
	_ =	sdelay $0x1  }
0x14d: {  	v3 =	vadd.s32 v1, v3;
	_ =	sdelay $0x2  }
0x14e: {  	[tilespmem:s11], [sflag:$0x4] =	stream.indirect_vreg.gather [hbm4b:s2+s4], $0x80, v4, vm0, $0xb8;
	[tilespmem:$0x18200] =	vst v63  }
0x14f: {  	s15 =	simm.s32 $0x10800  }
0x150: {  	[tilespmem:s15], [sflag:$0x4] =	stream.indirect_vreg.gather [hbm4b:s2+s4], $0x80, v3, vm0, $0xb8;
	[tilespmem:$0x18200] =	vst v63  }
0x151: {  	v3 =	vld [tilespmem:$0x18190];
	_ =	sdelay $0x4  }
0x152: {  	v4 =	vshll.u32 v3, $0x1  }
0x153: {  	v3 =	vand.u32 $0x7, v3;
	v4 =	vand.u32 $0xFFFFFFF0, v4  }
0x154: {  	v3 =	vor.u32 v3, v4  }
0x155: {  	v4 =	vperm.xlane v3, v59;
	_ =	sdelay $0x1  }
0x156: {  	v3 =	vperm.xlane v3, v2;
	v4 =	vadd.s32 v1, v4;
	_ =	sdelay $0x1  }
0x157: {  	v3 =	vadd.s32 v1, v3;
	_ =	sdelay $0x1  }
0x158: {  	s19 =	simm.s32 $0x11000  }
0x159: {  	[tilespmem:s19], [sflag:$0x4] =	stream.indirect_vreg.gather [hbm4b:s2+s4], $0x80, v4, vm0, $0xb8;
	[tilespmem:$0x18200] =	vst v63  }
0x15a: {  	_ = 	snop  }
0x15b: {  	[tilespmem:s29], [sflag:$0x4] =	stream.indirect_vreg.gather [hbm4b:s2+s4], $0x80, v3, vm0, $0xb8;
	[tilespmem:$0x18200] =	vst v63  }
0x15c: {  	v3 =	vld [tilespmem:$0x181A0];
	_ =	sdelay $0x4  }
0x15d: {  	v4 =	vshll.u32 v3, $0x1  }
0x15e: {  	v3 =	vand.u32 $0x7, v3;
	v4 =	vand.u32 $0xFFFFFFF0, v4  }
0x15f: {  	v3 =	vor.u32 v3, v4  }
0x160: {  	v4 =	vperm.xlane v3, v59;
	_ =	sdelay $0x1  }
0x161: {  	v3 =	vperm.xlane v3, v2;
	v4 =	vadd.s32 v1, v4;
	_ =	sdelay $0x1  }
0x162: {  	v3 =	vadd.s32 v1, v3;
	_ =	sdelay $0x2  }
0x163: {  	[tilespmem:s12], [sflag:$0x4] =	stream.indirect_vreg.gather [hbm4b:s2+s4], $0x80, v4, vm0, $0xb8;
	[tilespmem:$0x18200] =	vst v63  }
0x164: {  	s20 =	simm.s32 $0x12800  }
0x165: {  	[tilespmem:s20], [sflag:$0x4] =	stream.indirect_vreg.gather [hbm4b:s2+s4], $0x80, v3, vm0, $0xb8;
	[tilespmem:$0x18200] =	vst v63  }
0x166: {  	v3 =	vld [tilespmem:$0x181B0];
	_ =	sdelay $0x4  }
0x167: {  	v4 =	vshll.u32 v3, $0x1  }
0x168: {  	v3 =	vand.u32 $0x7, v3;
	v4 =	vand.u32 $0xFFFFFFF0, v4  }
0x169: {  	v3 =	vor.u32 v3, v4  }
0x16a: {  	v4 =	vperm.xlane v3, v59;
	_ =	sdelay $0x1  }
0x16b: {  	v3 =	vperm.xlane v3, v2;
	v4 =	vadd.s32 v1, v4;
	_ =	sdelay $0x1  }
0x16c: {  	v3 =	vadd.s32 v1, v3;
	_ =	sdelay $0x1  }
0x16d: {  	s24 =	simm.s32 $0x13000  }
0x16e: {  	[tilespmem:s24], [sflag:$0x4] =	stream.indirect_vreg.gather [hbm4b:s2+s4], $0x80, v4, vm0, $0xb8;
	[tilespmem:$0x18200] =	vst v63  }
0x16f: {  	s30 =	simm.s32 $0x13800  }
0x170: {  	[tilespmem:s30], [sflag:$0x4] =	stream.indirect_vreg.gather [hbm4b:s2+s4], $0x80, v3, vm0, $0xb8;
	[tilespmem:$0x18200] =	vst v63  }
0x171: {  	v3 =	vld [tilespmem:$0x181C0];
	_ =	sdelay $0x4  }
0x172: {  	v4 =	vshll.u32 v3, $0x1  }
0x173: {  	v3 =	vand.u32 $0x7, v3;
	v4 =	vand.u32 $0xFFFFFFF0, v4  }
0x174: {  	v3 =	vor.u32 v3, v4  }
0x175: {  	v4 =	vperm.xlane v3, v59;
	_ =	sdelay $0x1  }
0x176: {  	v3 =	vperm.xlane v3, v2;
	v4 =	vadd.s32 v1, v4;
	_ =	sdelay $0x1  }
0x177: {  	v3 =	vadd.s32 v1, v3;
	_ =	sdelay $0x1  }
0x178: {  	s31 =	simm.s32 $0x14000  }
0x179: {  	[tilespmem:s31], [sflag:$0x4] =	stream.indirect_vreg.gather [hbm4b:s2+s4], $0x80, v4, vm0, $0xb8;
	[tilespmem:$0x18200] =	vst v63  }
0x17a: {  	s6 =	simm.s32 $0x14800  }
0x17b: {  	[tilespmem:s6], [sflag:$0x4] =	stream.indirect_vreg.gather [hbm4b:s2+s4], $0x80, v3, vm0, $0xb8;
	[tilespmem:$0x18200] =	vst v63  }
0x17c: {  	v3 =	vld [tilespmem:$0x181D0];
	_ =	sdelay $0x4  }
0x17d: {  	v4 =	vshll.u32 v3, $0x1  }
0x17e: {  	v3 =	vand.u32 $0x7, v3;
	v4 =	vand.u32 $0xFFFFFFF0, v4  }
0x17f: {  	v3 =	vor.u32 v3, v4  }
0x180: {  	v4 =	vperm.xlane v3, v59;
	_ =	sdelay $0x1  }
0x181: {  	v3 =	vperm.xlane v3, v2;
	v4 =	vadd.s32 v1, v4;
	_ =	sdelay $0x1  }
0x182: {  	v3 =	vadd.s32 v1, v3;
	_ =	sdelay $0x1  }
0x183: {  	s9 =	simm.s32 $0x15000  }
0x184: {  	[tilespmem:s9], [sflag:$0x4] =	stream.indirect_vreg.gather [hbm4b:s2+s4], $0x80, v4, vm0, $0xb8;
	[tilespmem:$0x18200] =	vst v63  }
0x185: {  	s10 =	simm.s32 $0x15800  }
0x186: {  	[tilespmem:s10], [sflag:$0x4] =	stream.indirect_vreg.gather [hbm4b:s2+s4], $0x80, v3, vm0, $0xb8;
	[tilespmem:$0x18200] =	vst v63  }
0x187: {  	v3 =	vld [tilespmem:$0x181E0];
	_ =	sdelay $0x4  }
0x188: {  	v4 =	vshll.u32 v3, $0x1  }
0x189: {  	v3 =	vand.u32 $0x7, v3;
	v4 =	vand.u32 $0xFFFFFFF0, v4  }
0x18a: {  	v3 =	vor.u32 v3, v4  }
0x18b: {  	v4 =	vperm.xlane v3, v59;
	_ =	sdelay $0x1  }
0x18c: {  	v3 =	vperm.xlane v3, v2;
	v4 =	vadd.s32 v1, v4;
	_ =	sdelay $0x1  }
0x18d: {  	v3 =	vadd.s32 v1, v3;
	_ =	sdelay $0x1  }
0x18e: {  	s14 =	simm.s32 $0x16000  }
0x18f: {  	[tilespmem:s14], [sflag:$0x4] =	stream.indirect_vreg.gather [hbm4b:s2+s4], $0x80, v4, vm0, $0xb8;
	[tilespmem:$0x18200] =	vst v63  }
0x190: {  	s15 =	simm.s32 $0x16800  }
0x191: {  	[tilespmem:s15], [sflag:$0x4] =	stream.indirect_vreg.gather [hbm4b:s2+s4], $0x80, v3, vm0, $0xb8;
	[tilespmem:$0x18200] =	vst v63  }
0x192: {  	v3 =	vld [tilespmem:$0x181F0];
	_ =	sdelay $0x4  }
0x193: {  	v4 =	vshll.u32 v3, $0x1  }
0x194: {  	v3 =	vand.u32 $0x7, v3;
	v4 =	vand.u32 $0xFFFFFFF0, v4  }
0x195: {  	v3 =	vor.u32 v3, v4  }
0x196: {  	v0 =	vperm.xlane v3, v59;
	_ =	sdelay $0x1  }
0x197: {  	v2 =	vperm.xlane v3, v2;
	v0 =	vadd.s32 v1, v0;
	_ =	sdelay $0x1  }
0x198: {  	v1 =	vadd.s32 v1, v2;
	_ =	sdelay $0x1  }
0x199: {  	s19 =	simm.s32 $0x17000  }
0x19a: {  	[tilespmem:s19], [sflag:$0x4] =	stream.indirect_vreg.gather [hbm4b:s2+s4], $0x80, v0, vm0, $0xb8;
	[tilespmem:$0x18200] =	vst v63  }
0x19b: {  	s20 =	simm.s32 $0x17800  }
0x19c: {  	[tilespmem:s20], [sflag:$0x4] =	stream.indirect_vreg.gather [hbm4b:s2+s4], $0x80, v1, vm0, $0xb8;
	[tilespmem:$0x18200] =	vst v63  }
0x19d: {  	_ =	swait.ge [sflag:s8], $0x8000  }
0x19e: {  	[sflag:s8] =	ssyncset.done $0x0  }
0x19f: {  	s24 =	rddreg [dreg:$0x8];
	[sflag:s8] =	ssyncadd.s32 $0xFFFF8000  }
0x1a0: {  	[hbm4b:s24+s4] =	stream.linear.scatter [tilespmem:s11], [sflag:$0x6], $0x8000, $0x38;
	[tilespmem:$0x18200] =	vst v63  }
0x1a1: {  	_ =	swait.ge [sflag:s26], $0x8000  }
0x1a2: {  	[sflag:s26] =	ssyncset.done $0x0  }
0x1a3: {  	[sflag:s26] =	ssyncadd.s32 $0xFFFF8000  }
0x1a4: {  	_ =	swait.ge [sflag:s3], $0x8000  }
0x1a5: {  	s30 =	rddreg [dreg:$0xd]  }
0x1a6: {  	s31 =	rddreg [dreg:$0xa];
	s6 =	sadd.s32 $0x1, s30  }
0x1a7: {  	p0 =	sne.s32 s6, s31  }
.Ltmp1:
0x1a8: {  	_ = 	snop;
	(pc) =	sbr.rel @!p0 .LBB2_9-.Ltmp1, $3  }
0x1a9: {  	_ =	sdelay $0x1  }
0x1aa: {  	[sflag:s3] =	ssyncset.done $0x0  }
0x1ab: {  	s5 =	simm.s32 $0x4000;
	[sflag:s3] =	ssyncadd.s32 $0xFFFF8000  }
.LBB2_1:
0x1ac: {  	[dreg:$0xd] =	wrdreg s6  }
0x1ad: {  	s0 =	rddreg [dreg:$0xb]  }
0x1ae: {  	[tilespmem:s4], [sflag:$0x1] =	stream.linear.gather [hbm4b:s0+s4], $0x4000, $0x38;
	[tilespmem:$0x18200] =	vst v63  }
0x1af: {  	s24 =	rddreg [dreg:$0x5];
	s30 =	simm.s32 $0x0;
	s31 =	simm.s32 $0x0  }
0x1b0: {  	[tilespmem:s5], [sflag:$0x2] =	stream.linear.gather [hbm4b:s24+s4], $0x4000, $0x38;
	[tilespmem:$0x18200] =	vst v63  }
.LBB2_2:
0x1b1: {  	_ =	swait.ge [sflag:s16], $0x4000  }
0x1b2: {  	v17 =	vmov v27;
	v27 =	vmov v28;
	v28 =	vld [tilespmem:$0x1FD40]  }
0x1b3: {  	v18 =	vld [tilespmem:$0x1FD50]  }
0x1b4: {  	v19 =	vmov v29;
	v29 =	vmov v30;
	v30 =	vld [tilespmem:$0x1FD60]  }
0x1b5: {  	v20 =	vld [tilespmem:$0x1FD70]  }
0x1b6: {  	v60 =	vmov v31;
	v31 =	vmov v32;
	v32 =	vld [tilespmem:$0x1FD80]  }
0x1b7: {  	v61 =	vld [tilespmem:$0x1FD90]  }
0x1b8: {  	v21 =	vmov v33;
	v33 =	vmov v34;
	v34 =	vld [tilespmem:$0x1FDA0]  }
0x1b9: {  	v59 =	vmov v22;
	v22 =	vld [tilespmem:$0x1FDB0]  }
0x1ba: {  	v35 =	vld [tilespmem:$0x1FDD0]  }
0x1bb: {  	s3 =	simm.s32 $0xFFFFFFFC;
	s0 =	simm.s32 $0x180;
	v26 =	vld [tilespmem:$0x1FDF0]  }
0x1bc: {  	s19 =	simm.s32 $0x0;
	p0 =	por $0x0, $0x0;
	v63 =	vmov v15;
	[sflag:s16] =	ssyncset.done $0x0;
	v36 =	vld [tilespmem:$0x1FE10]  }
0x1bd: {  	s20 =	simm.s32 $0x0;
	s6 =	simm.s32 $0x0;
	v62 =	vmovc v16;
	v14 =	vmovc v23;
	v49 =	vmov v50;
	v51 =	vmov v52;
	v53 =	vmov v54;
	v40 =	vld [tilespmem:$0x1FE30];
	[sflag:s16] =	ssyncadd.s32 $0xFFFFC000  }
.LBB2_3:
0x1be: {  	s10 =	sadd.s32 $0xFFFFFE80, s0  }
0x1bf: {  	s9 =	sand.u32 $0x2000, s20;
	s10 =	sand.u32 $0x200, s10  }
0x1c0: {  	s14 =	sor.u32 s10, s9  }
0x1c1: {  	v0 =	vld [tilespmem:s14+$0x0]  }
0x1c2: {  	v1 =	vld [tilespmem:s14+$0x10]  }
0x1c3: {  	v2 =	vld [tilespmem:s14+$0x20];
	_ =	sdelay $0x1  }
0x1c4: {  	v3 =	vld [tilespmem:s14+$0x30]  }
0x1c5: {  	v4 =	vld [tilespmem:s14+$0x40]  }
0x1c6: {  	v5 =	vld [tilespmem:s14+$0x50];
	v1 =	vmax.f32 v1, v0  }
0x1c7: {  	v2 =	vmax.f32 v2, v1  }
0x1c8: {  	vm0 =	vlt.f32 v1, v0;
	vm1 =	vgt.f32 v1, v0;
	v0 =	vld [tilespmem:s14+$0x60];
	vm2 =	vlt.f32 v2, v1  }
0x1c9: {  	vm3 =	vgt.f32 v2, v1;
	vm5 =	vmor vm1, vm0;
	v1 =	vmax.f32 v3, v2;
	v3 =	vld [tilespmem:s14+$0x70]  }
0x1ca: {  	vm10 =	vlt.f32 v1, v2;
	vm11 =	vgt.f32 v1, v2;
	v2 =	vmax.f32 v4, v1;
	v4 =	vld [tilespmem:s14+$0x400]  }
0x1cb: {  	vm4 =	vmor vm3, vm2;
	vm6 =	vmor vm11, vm10;
	v5 =	vmax.f32 v5, v2  }
0x1cc: {  	vm12 =	vlt.f32 v2, v1;
	vm13 =	vgt.f32 v2, v1;
	v1 =	vld [tilespmem:s14+$0x410];
	vm14 =	vlt.f32 v5, v2  }
0x1cd: {  	vm15 =	vgt.f32 v5, v2;
	vm8 =	vmor vm13, vm12;
	v2 =	vld [tilespmem:s14+$0x420];
	v0 =	vmax.f32 v0, v5  }
0x1ce: {  	vm9 =	vlt.f32 v0, v5;
	vm10 =	vgt.f32 v0, v5;
	v3 =	vmax.f32 v3, v0  }
0x1cf: {  	vm7 =	vmor vm15, vm14;
	v5 =	vld [tilespmem:s14+$0x430];
	vm9 =	vmor vm10, vm9;
	v4 =	vmax.f32 v4, v3  }
0x1d0: {  	vm11 =	vlt.f32 v3, v0;
	vm12 =	vgt.f32 v3, v0;
	v0 =	vld [tilespmem:s14+$0x440];
	vm13 =	vlt.f32 v4, v3  }
0x1d1: {  	vm14 =	vgt.f32 v4, v3;
	vm11 =	vmor vm12, vm11;
	v1 =	vmax.f32 v1, v4;
	v3 =	vld [tilespmem:s14+$0x450]  }
0x1d2: {  	vm15 =	vlt.f32 v1, v4;
	vm12 =	vgt.f32 v1, v4;
	v2 =	vmax.f32 v2, v1;
	v4 =	vld [tilespmem:s14+$0x460]  }
0x1d3: {  	vm10 =	vmor vm14, vm13;
	vm13 =	vlt.f32 v2, v1;
	vm14 =	vgt.f32 v2, v1  }
0x1d4: {  	vm12 =	vmor vm12, vm15;
	v5 =	vmax.f32 v5, v2;
	vm14 =	vmor vm14, vm13  }
0x1d5: {  	vm2 =	vlt.f32 v5, v2;
	vm3 =	vgt.f32 v5, v2;
	v0 =	vmax.f32 v0, v5  }
0x1d6: {  	v1 =	vld [tilespmem:s14+$0x470];
	vm0 =	vlt.f32 v0, v5;
	vm15 =	vgt.f32 v0, v5;
	v3 =	vmax.f32 v3, v0  }
0x1d7: {  	vm13 =	vmor vm3, vm2;
	vm15 =	vmor vm15, vm0;
	v4 =	vmax.f32 v4, v3  }
0x1d8: {  	v2 =	vld [tilespmem:s14+$0x800];
	vm0 =	vlt.f32 v3, v0;
	vm1 =	vgt.f32 v3, v0;
	vm2 =	vlt.f32 v4, v3  }
0x1d9: {  	vm3 =	vgt.f32 v4, v3;
	vm0 =	vmor vm1, vm0;
	v3 =	vimm.s32 $0x0  }
0x1da: {  	v5 =	vld [tilespmem:s14+$0x810];
	v3 =	vsel vm0, $0xFFFFFFFF, v3  }
0x1db: {  	v1 =	vmax.f32 v1, v4;
	vm0 =	vmor vm3, vm2;
	[tilespmem:$0x1F760] =	vst v3;
	v3 =	vimm.s32 $0x0  }
0x1dc: {  	v0 =	vld [tilespmem:s14+$0x820];
	vm1 =	vgt.f32 v1, v4;
	v3 =	vsel vm0, $0xFFFFFFFF, v3;
	vm0 =	vlt.f32 v1, v4  }
0x1dd: {  	v6 =	vimm.s32 $0x0;
	v2 =	vmax.f32 v2, v1;
	vm0 =	vmor vm1, vm0  }
0x1de: {  	[tilespmem:$0x1F770] =	vst v3;
	v3 =	vld [tilespmem:s14+$0x830];
	vm1 =	vgt.f32 v2, v1;
	v6 =	vsel vm0, $0xFFFFFFFF, v6;
	vm0 =	vlt.f32 v2, v1  }
0x1df: {  	v5 =	vmax.f32 v5, v2;
	v1 =	vimm.s32 $0x0;
	vm0 =	vmor vm1, vm0  }
0x1e0: {  	v4 =	vld [tilespmem:s14+$0x840];
	vm2 =	vlt.f32 v5, v2;
	vm3 =	vgt.f32 v5, v2;
	v1 =	vsel vm0, $0xFFFFFFFF, v1  }
0x1e1: {  	v0 =	vmax.f32 v0, v5;
	vm0 =	vmor vm3, vm2;
	[tilespmem:$0x1F790] =	vst v1;
	v1 =	vimm.s32 $0x0  }
0x1e2: {  	vm1 =	vgt.f32 v0, v5;
	v1 =	vsel vm0, $0xFFFFFFFF, v1;
	vm0 =	vlt.f32 v0, v5  }
0x1e3: {  	v2 =	vmax.f32 v3, v0;
	v5 =	vimm.s32 $0x0;
	vm0 =	vmor vm1, vm0  }
0x1e4: {  	[tilespmem:$0x1F780] =	vst v6;
	v6 =	vld [tilespmem:s14+$0x850];
	vm1 =	vgt.f32 v2, v0;
	v5 =	vsel vm0, $0xFFFFFFFF, v5;
	vm0 =	vlt.f32 v2, v0  }
0x1e5: {  	v4 =	vmax.f32 v4, v2;
	v0 =	vimm.s32 $0x0;
	vm0 =	vmor vm1, vm0  }
0x1e6: {  	[tilespmem:$0x1F7A0] =	vst v1;
	v1 =	vld [tilespmem:s14+$0x860];
	vm2 =	vlt.f32 v4, v2;
	vm3 =	vgt.f32 v4, v2;
	v0 =	vsel vm0, $0xFFFFFFFF, v0  }
0x1e7: {  	vm0 =	vmor vm3, vm2;
	[tilespmem:$0x1F7C0] =	vst v0;
	v0 =	vimm.s32 $0x0  }
0x1e8: {  	v3 =	vld [tilespmem:s14+$0x870];
	v0 =	vsel vm0, $0xFFFFFFFF, v0  }
0x1e9: {  	[tilespmem:$0x1F7D0] =	vst v0;
	v0 =	vmax.f32 v6, v4  }
0x1ea: {  	vm0 =	vlt.f32 v0, v4;
	vm1 =	vgt.f32 v0, v4  }
0x1eb: {  	v1 =	vmax.f32 v1, v0;
	v4 =	vimm.s32 $0x0;
	vm0 =	vmor vm1, vm0  }
0x1ec: {  	[tilespmem:$0x1F7B0] =	vst v5;
	v5 =	vld [tilespmem:s14+$0xC00];
	vm1 =	vgt.f32 v1, v0;
	v4 =	vsel vm0, $0xFFFFFFFF, v4;
	vm0 =	vlt.f32 v1, v0  }
0x1ed: {  	v2 =	vld [tilespmem:s14+$0xC10];
	v3 =	vmax.f32 v3, v1;
	v0 =	vimm.s32 $0x0;
	vm0 =	vmor vm1, vm0  }
0x1ee: {  	v6 =	vld [tilespmem:s14+$0xC20];
	vm2 =	vlt.f32 v3, v1;
	vm3 =	vgt.f32 v3, v1;
	[tilespmem:$0x1F7E0] =	vst v4;
	v0 =	vsel vm0, $0xFFFFFFFF, v0  }
0x1ef: {  	v4 =	vld [tilespmem:s14+$0xC30];
	vm0 =	vmor vm3, vm2;
	[tilespmem:$0x1F7F0] =	vst v0;
	v0 =	vimm.s32 $0x0  }
0x1f0: {  	v0 =	vsel vm0, $0xFFFFFFFF, v0  }
0x1f1: {  	[tilespmem:$0x1F800] =	vst v0;
	v0 =	vmax.f32 v5, v3  }
0x1f2: {  	vm0 =	vlt.f32 v0, v3;
	vm1 =	vgt.f32 v0, v3  }
0x1f3: {  	v2 =	vmax.f32 v2, v0;
	v3 =	vimm.s32 $0x0;
	vm0 =	vmor vm1, vm0  }
0x1f4: {  	vm1 =	vgt.f32 v2, v0;
	v3 =	vsel vm0, $0xFFFFFFFF, v3;
	vm0 =	vlt.f32 v2, v0  }
0x1f5: {  	v0 =	vimm.s32 $0x0;
	[tilespmem:$0x1F810] =	vst v3;
	v3 =	vmax.f32 v6, v2;
	vm0 =	vmor vm1, vm0  }
0x1f6: {  	v1 =	vld [tilespmem:s14+$0xC40];
	vm2 =	vlt.f32 v3, v2;
	vm3 =	vgt.f32 v3, v2;
	v0 =	vsel vm0, $0xFFFFFFFF, v0  }
0x1f7: {  	[tilespmem:$0x1F820] =	vst v0;
	vm0 =	vmor vm3, vm2;
	v0 =	vimm.s32 $0x0  }
0x1f8: {  	v5 =	vld [tilespmem:s14+$0xC50];
	v0 =	vsel vm0, $0xFFFFFFFF, v0  }
0x1f9: {  	[tilespmem:$0x1F830] =	vst v0;
	v0 =	vmax.f32 v4, v3  }
0x1fa: {  	vm0 =	vlt.f32 v0, v3;
	vm1 =	vgt.f32 v0, v3  }
0x1fb: {  	s10 =	simm.s32 $0x1;
	v1 =	vmax.f32 v1, v0;
	v3 =	vimm.s32 $0x0;
	vm0 =	vmor vm1, vm0  }
0x1fc: {  	s10 =	simm.s32 @!p0 $0x0;
	v6 =	vld [tilespmem:s14+$0xC60];
	vm1 =	vgt.f32 v1, v0;
	v3 =	vsel vm0, $0xFFFFFFFF, v3;
	vm0 =	vlt.f32 v1, v0  }
0x1fd: {  	s10 =	sshll.u32 s10, $0x9;
	v0 =	vimm.s32 $0x0;
	[tilespmem:$0x1F840] =	vst v3;
	v3 =	vmax.f32 v5, v1;
	vm0 =	vmor vm1, vm0  }
0x1fe: {  	s10 =	sadd.s32 s10, s20;
	v2 =	vld [tilespmem:s14+$0xC70];
	vm2 =	vlt.f32 v3, v1;
	vm3 =	vgt.f32 v3, v1;
	v0 =	vsel vm0, $0xFFFFFFFF, v0  }
0x1ff: {  	s24 =	sor.u32 $0x1000, s10;
	[tilespmem:$0x1F850] =	vst v0;
	vm0 =	vmor vm3, vm2;
	v0 =	vimm.s32 $0x0  }
0x200: {  	v4 =	vld [tilespmem:s24+$0x0];
	v0 =	vsel vm0, $0xFFFFFFFF, v0  }
0x201: {  	[tilespmem:$0x1F860] =	vst v0;
	v0 =	vmax.f32 v6, v3  }
0x202: {  	vm0 =	vlt.f32 v0, v3;
	vm1 =	vgt.f32 v0, v3  }
0x203: {  	s15 =	sor.u32 $0x1010, s10;
	v13 =	vld [tilespmem:$0x1FE40];
	v1 =	vmax.f32 v2, v0;
	v3 =	vimm.s32 $0x0;
	vm0 =	vmor vm1, vm0  }
0x204: {  	v5 =	vld [tilespmem:s15+$0x0];
	vm1 =	vgt.f32 v1, v0;
	v3 =	vsel vm0, $0xFFFFFFFF, v3;
	vm0 =	vlt.f32 v1, v0  }
0x205: {  	s24 =	sor.u32 $0x1020, s10;
	v0 =	vimm.s32 $0x0;
	[tilespmem:$0x1F870] =	vst v3;
	v3 =	vmax.f32 v4, v1;
	vm0 =	vmor vm1, vm0  }
0x206: {  	v2 =	vld [tilespmem:s24+$0x0];
	vm2 =	vlt.f32 v3, v1;
	vm3 =	vgt.f32 v3, v1;
	v0 =	vsel vm0, $0xFFFFFFFF, v0  }
0x207: {  	[tilespmem:$0x1F880] =	vst v0;
	vm0 =	vmor vm3, vm2;
	v0 =	vimm.s32 $0x0  }
0x208: {  	v1 =	vsel vm5, v12, v35;
	v0 =	vsel vm0, $0xFFFFFFFF, v0  }
0x209: {  	v44 =	vld [tilespmem:$0x1FFA0];
	s15 =	sor.u32 $0x1030, s10;
	v1 =	vsel vm4, v13, v1;
	[tilespmem:$0x1F890] =	vst v0;
	v0 =	vmax.f32 v5, v3  }
0x20a: {  	v4 =	vld [tilespmem:s15+$0x0];
	v1 =	vsel vm6, v63, v1;
	vm0 =	vlt.f32 v0, v3  }
0x20b: {  	v46 =	vld [tilespmem:$0x1FFC0];
	vm5 =	vgt.f32 v0, v3;
	v3 =	vimm.s32 $0x0;
	v2 =	vmax.f32 v2, v0  }
0x20c: {  	v24 =	vld [tilespmem:$0x1FE60];
	vm0 =	vmor vm5, vm0;
	vm6 =	vlt.f32 v2, v0;
	vm4 =	vgt.f32 v2, v0  }
0x20d: {  	v48 =	vld [tilespmem:$0x1FFE0];
	s24 =	sor.u32 $0x1040, s10;
	v0 =	vimm.s32 $0x0;
	v3 =	vsel vm0, $0xFFFFFFFF, v3;
	vm0 =	vmor vm4, vm6  }
0x20e: {  	s15 =	sor.u32 $0x1050, s10;
	v5 =	vld [tilespmem:s24+$0x0];
	[tilespmem:$0x1F8A0] =	vst v3;
	v0 =	vsel vm0, $0xFFFFFFFF, v0  }
0x20f: {  	v3 =	vld [tilespmem:s15+$0x0];
	[tilespmem:$0x1F8B0] =	vst v0;
	v0 =	vsel vm8, v62, v1;
	v1 =	vmax.f32 v4, v2  }
0x210: {  	v23 =	vld [tilespmem:$0x1FE50];
	s24 =	sor.u32 $0x1060, s10;
	v0 =	vsel vm7, v44, v0;
	vm5 =	vlt.f32 v1, v2;
	vm6 =	vgt.f32 v1, v2  }
0x211: {  	v4 =	vld [tilespmem:s24+$0x0];
	v2 =	vimm.s32 $0x0;
	vm0 =	vmor vm6, vm5;
	v0 =	vsel vm9, v46, v0  }
0x212: {  	v2 =	vsel vm0, $0xFFFFFFFF, v2;
	v0 =	vsel vm11, v24, v0  }
0x213: {  	[tilespmem:$0x1F8C0] =	vst v2;
	v2 =	vmax.f32 v5, v1;
	v0 =	vsel vm10, v48, v0  }
0x214: {  	vm7 =	vlt.f32 v2, v1;
	vm8 =	vgt.f32 v2, v1;
	v1 =	vmax.f32 v3, v2  }
0x215: {  	s15 =	sor.u32 $0x1070, s10;
	v0 =	vsel vm12, v23, v0;
	vm9 =	vlt.f32 v1, v2  }
0x216: {  	v5 =	vld [tilespmem:s15+$0x0];
	vm10 =	vgt.f32 v1, v2;
	v0 =	vsel vm14, v59, v0;
	v2 =	vmax.f32 v4, v1  }
0x217: {  	v0 =	vsel vm13, v14, v0;
	vm12 =	vlt.f32 v2, v1;
	vm13 =	vgt.f32 v2, v1;
	v1 =	vld [tilespmem:$0x1FF40];
	_ =	sdelay $0x3  }
0x218: {  	s24 =	sor.u32 $0x1400, s10  }
0x219: {  	v3 =	vld [tilespmem:s24+$0x0];
	v0 =	vsel vm15, v1, v0;
	v1 =	vmax.f32 v5, v2  }
0x21a: {  	vm15 =	vlt.f32 v1, v2;
	vm4 =	vgt.f32 v1, v2;
	v2 =	vld [tilespmem:$0x1F770];
	_ =	sdelay $0x2  }
0x21b: {  	v6 =	vld [tilespmem:$0x1F760];
	s15 =	sor.u32 $0x1410, s10  }
0x21c: {  	vm11 =	vmor vm8, vm7;
	v4 =	vld [tilespmem:s15+$0x0]  }
0x21d: {  	vm10 =	vmor vm10, vm9;
	v5 =	vld [tilespmem:$0x1FF50];
	vm5 =	vnez.u8 v2;
	v2 =	vmax.f32 v3, v1  }
0x21e: {  	vm9 =	vmor vm13, vm12;
	vm7 =	vlt.f32 v2, v1;
	vm12 =	vgt.f32 v2, v1;
	v1 =	vld [tilespmem:$0x1F790];
	_ =	sdelay $0x1  }
0x21f: {  	v25 =	vld [tilespmem:$0x1FE70]  }
0x220: {  	s24 =	sor.u32 $0x1420, s10;
	vm14 =	vnez.u8 v6;
	v3 =	vld [tilespmem:$0x1F780]  }
0x221: {  	v0 =	vsel vm14, v5, v0;
	v5 =	vld [tilespmem:s24+$0x0]  }
0x222: {  	vm13 =	vnez.u8 v1;
	v1 =	vmax.f32 v4, v2;
	v4 =	vld [tilespmem:$0x1F7A0]  }
0x223: {  	vm8 =	vmor vm4, vm15;
	vm15 =	vlt.f32 v1, v2;
	vm4 =	vgt.f32 v1, v2;
	v2 =	vld [tilespmem:$0x1F7B0];
	_ =	sdelay $0x1  }
0x224: {  	v0 =	vsel vm5, v25, v0;
	vm6 =	vnez.u8 v3  }
0x225: {  	s15 =	sor.u32 $0x1430, s10;
	v0 =	vsel vm6, v17, v0  }
0x226: {  	v3 =	vld [tilespmem:s15+$0x0];
	v0 =	vsel vm13, v27, v0  }
0x227: {  	vm14 =	vnez.u8 v4;
	vm5 =	vnez.u8 v2;
	v2 =	vmax.f32 v5, v1;
	v5 =	vld [tilespmem:$0x1F7C0]  }
0x228: {  	v0 =	vsel vm14, v19, v0;
	vm13 =	vlt.f32 v2, v1;
	vm14 =	vgt.f32 v2, v1;
	v1 =	vld [tilespmem:$0x1F7D0];
	_ =	sdelay $0x2  }
0x229: {  	v6 =	vld [tilespmem:$0x1F800];
	s24 =	sor.u32 $0x1440, s10;
	vm7 =	vmor vm12, vm7  }
0x22a: {  	vm6 =	vmor vm4, vm15;
	v4 =	vld [tilespmem:s24+$0x0];
	v0 =	vsel vm5, v29, v0;
	vm5 =	vmor vm14, vm13  }
0x22b: {  	vm12 =	vnez.u8 v5;
	vm15 =	vnez.u8 v1;
	v1 =	vmax.f32 v3, v2;
	v3 =	vld [tilespmem:$0x1F7E0]  }
0x22c: {  	v0 =	vsel vm12, v60, v0;
	vm12 =	vlt.f32 v1, v2;
	vm13 =	vgt.f32 v1, v2;
	v2 =	vld [tilespmem:$0x1F7F0];
	_ =	sdelay $0x1  }
0x22d: {  	s15 =	sor.u32 $0x1450, s10  }
0x22e: {  	v5 =	vld [tilespmem:s15+$0x0]  }
0x22f: {  	v0 =	vsel vm15, v31, v0;
	vm15 =	vnez.u8 v6;
	v6 =	vld [tilespmem:$0x1F810];
	vm4 =	vnez.u8 v3  }
0x230: {  	v0 =	vsel vm4, v21, v0;
	vm14 =	vnez.u8 v2;
	v2 =	vmax.f32 v4, v1;
	v4 =	vld [tilespmem:$0x1FF20]  }
0x231: {  	vm4 =	vmor vm13, vm12;
	vm12 =	vlt.f32 v2, v1;
	vm13 =	vgt.f32 v2, v1;
	v1 =	vld [tilespmem:$0x1FF60];
	_ =	sdelay $0x2  }
0x232: {  	v37 =	vld [tilespmem:$0x1FE80];
	v0 =	vsel vm14, v33, v0  }
0x233: {  	vm14 =	vnez.u8 v6;
	v6 =	vld [tilespmem:$0x1F830];
	v0 =	vsel vm15, v4, v0  }
0x234: {  	s24 =	sor.u32 $0x1460, s10;
	v0 =	vsel vm14, v1, v0;
	v1 =	vmax.f32 v5, v2;
	v5 =	vld [tilespmem:$0x1F820]  }
0x235: {  	v3 =	vld [tilespmem:s24+$0x0]  }
0x236: {  	vm3 =	vmor vm13, vm12;
	vm12 =	vlt.f32 v1, v2;
	vm13 =	vgt.f32 v1, v2;
	v2 =	vld [tilespmem:$0x1FF70];
	_ =	sdelay $0x2  }
0x237: {  	vm14 =	vnez.u8 v6;
	v6 =	vld [tilespmem:$0x1F850];
	vm15 =	vnez.u8 v5  }
0x238: {  	v39 =	vld [tilespmem:$0x1FE90];
	v0 =	vsel vm15, v37, v0  }
0x239: {  	s15 =	sor.u32 $0x1470, s10;
	v0 =	vsel vm14, v2, v0;
	v2 =	vmax.f32 v3, v1;
	v3 =	vld [tilespmem:$0x1F840]  }
0x23a: {  	v4 =	vld [tilespmem:s15+$0x0]  }
0x23b: {  	vm2 =	vmor vm13, vm12;
	vm12 =	vlt.f32 v2, v1;
	vm13 =	vgt.f32 v2, v1;
	v1 =	vld [tilespmem:$0x1FF80]  }
0x23c: {  	vm14 =	vnez.u8 v6;
	v6 =	vld [tilespmem:$0x1F870];
	_ =	sdelay $0x1  }
0x23d: {  	vm15 =	vnez.u8 v3  }
0x23e: {  	v41 =	vld [tilespmem:$0x1FEA0];
	v0 =	vsel vm15, v39, v0  }
0x23f: {  	v0 =	vsel vm14, v1, v0;
	v1 =	vmax.f32 v4, v2;
	v4 =	vld [tilespmem:$0x1F860]  }
0x240: {  	vm1 =	vmor vm13, vm12;
	vm12 =	vnez.u8 v6;
	v6 =	vld [tilespmem:$0x1F880]  }
0x241: {  	vm0 =	vlt.f32 v1, v2;
	vm14 =	vgt.f32 v1, v2;
	v2 =	vld [tilespmem:$0x1FF90];
	_ =	sdelay $0x1  }
0x242: {  	s24 =	sor.u32 $0x1800, s10  }
0x243: {  	v5 =	vld [tilespmem:s24+$0x0];
	vm15 =	vnez.u8 v4  }
0x244: {  	v43 =	vld [tilespmem:$0x1FEB0];
	v0 =	vsel vm15, v41, v0  }
0x245: {  	v0 =	vsel vm12, v2, v0;
	vm12 =	vnez.u8 v6;
	v6 =	vld [tilespmem:$0x1F890];
	_ =	sdelay $0x2  }
0x246: {  	v2 =	vmax.f32 v5, v1  }
0x247: {  	vm0 =	vmor vm14, vm0;
	vm14 =	vlt.f32 v2, v1;
	vm15 =	vgt.f32 v2, v1;
	v1 =	vld [tilespmem:$0x1FFB0]  }
0x248: {  	v0 =	vsel vm12, v43, v0;
	vm12 =	vnez.u8 v6;
	v6 =	vld [tilespmem:$0x1F8A0]  }
0x249: {  	v45 =	vld [tilespmem:$0x1FEC0];
	s15 =	sor.u32 $0x1810, s10  }
0x24a: {  	s24 =	sor.u32 $0x1820, s10;
	v3 =	vld [tilespmem:s15+$0x0]  }
0x24b: {  	v4 =	vld [tilespmem:s24+$0x0]  }
0x24c: {  	v15 =	vld [tilespmem:$0x1F8B0]  }
0x24d: {  	v0 =	vsel vm12, v1, v0;
	vm12 =	vnez.u8 v6;
	v6 =	vld [tilespmem:$0x1FFD0];
	_ =	sdelay $0x1  }
0x24e: {  	vm14 =	vmor vm15, vm14;
	v1 =	vmax.f32 v3, v2  }
0x24f: {  	vm15 =	vlt.f32 v1, v2;
	vm13 =	vgt.f32 v1, v2;
	v2 =	vmax.f32 v4, v1  }
0x250: {  	v47 =	vld [tilespmem:$0x1FED0];
	vm15 =	vmor vm13, vm15;
	v0 =	vsel vm12, v45, v0;
	vm12 =	vnez.u8 v15  }
0x251: {  	s15 =	sor.u32 $0x1830, s10;
	vm13 =	vlt.f32 v2, v1;
	v0 =	vsel vm12, v6, v0;
	vm12 =	vgt.f32 v2, v1;
	v1 =	vld [tilespmem:$0x1F8C0]  }
0x252: {  	v5 =	vld [tilespmem:s15+$0x0]  }
0x253: {  	s24 =	sor.u32 $0x1840, s10;
	v6 =	vld [tilespmem:$0x1FFF0]  }
0x254: {  	v3 =	vld [tilespmem:s24+$0x0]  }
0x255: {  	v50 =	vmov v49;
	v49 =	vld [tilespmem:$0x1FEE0];
	s15 =	sor.u32 $0x1850, s10  }
0x256: {  	v4 =	vld [tilespmem:s15+$0x0];
	vm13 =	vmor vm12, vm13;
	vm12 =	vnez.u8 v1  }
0x257: {  	v52 =	vmov v51;
	v51 =	vld [tilespmem:$0x1FEF0];
	s24 =	sor.u32 $0x1860, s10;
	v5 =	vmax.f32 v5, v2;
	v0 =	vsel vm12, v47, v0  }
0x258: {  	v1 =	vld [tilespmem:s24+$0x0];
	vm12 =	vlt.f32 v5, v2;
	v0 =	vsel vm11, v6, v0;
	vm11 =	vgt.f32 v5, v2  }
0x259: {  	v54 =	vmov v53;
	v53 =	vld [tilespmem:$0x1FF00];
	s15 =	sor.u32 $0x1870, s10;
	v2 =	vmax.f32 v3, v5;
	vm11 =	vmor vm11, vm12  }
0x25a: {  	s24 =	sor.u32 $0x1C00, s10;
	v3 =	vld [tilespmem:s15+$0x0];
	vm12 =	vlt.f32 v2, v5;
	v0 =	vsel vm10, v49, v0;
	vm10 =	vgt.f32 v2, v5  }
0x25b: {  	s15 =	sor.u32 $0x1C10, s10;
	v4 =	vmax.f32 v4, v2;
	v5 =	vld [tilespmem:s24+$0x0];
	v0 =	vsel vm9, v50, v0;
	vm9 =	vmor vm10, vm12  }
0x25c: {  	vm10 =	vlt.f32 v4, v2;
	vm12 =	vgt.f32 v4, v2;
	v2 =	vld [tilespmem:s15+$0x0];
	v0 =	vsel vm8, v51, v0  }
0x25d: {  	s24 =	sor.u32 $0x1C20, s10;
	v1 =	vmax.f32 v1, v4;
	v0 =	vsel vm7, v52, v0;
	vm7 =	vmor vm12, vm10  }
0x25e: {  	v6 =	vld [tilespmem:s24+$0x0];
	s15 =	sor.u32 $0x1C30, s10;
	vm8 =	vlt.f32 v1, v4;
	vm12 =	vgt.f32 v1, v4;
	v0 =	vsel vm6, v53, v0  }
0x25f: {  	s24 =	sor.u32 $0x1C40, s10;
	v4 =	vld [tilespmem:s15+$0x0];
	v3 =	vmax.f32 v3, v1;
	v0 =	vsel vm5, v54, v0;
	vm5 =	vmor vm12, vm8  }
0x260: {  	v16 =	vmovc v7;
	v7 =	vld [tilespmem:s24+$0x0];
	s15 =	sor.u32 $0x1C50, s10;
	vm10 =	vlt.f32 v3, v1;
	vm12 =	vgt.f32 v3, v1;
	v1 =	vmax.f32 v5, v3  }
0x261: {  	s24 =	sor.u32 $0x1C60, s10;
	v5 =	vld [tilespmem:s15+$0x0];
	v0 =	vsel vm4, v8, v0;
	v2 =	vmax.f32 v2, v1  }
0x262: {  	v55 =	vmovc v8;
	s10 =	sor.u32 $0x1C70, s10;
	v8 =	vld [tilespmem:s24+$0x0];
	vm6 =	vlt.f32 v1, v3;
	vm8 =	vgt.f32 v1, v3;
	v0 =	vsel vm3, v9, v0  }
0x263: {  	v56 =	vmovc v9;
	vm3 =	vmor vm12, vm10;
	v6 =	vmax.f32 v6, v2;
	v9 =	vld [tilespmem:s10+$0x0];
	vm10 =	vlt.f32 v2, v1  }
0x264: {  	vm12 =	vgt.f32 v2, v1;
	v0 =	vsel vm2, v10, v0;
	v3 =	vmax.f32 v4, v6  }
0x265: {  	v0 =	vsel vm1, v11, v0;
	v4 =	vmax.f32 v7, v3;
	vm1 =	vmor vm12, vm10  }
0x266: {  	vm12 =	vlt.f32 v3, v6;
	v0 =	vsel vm0, v28, v0;
	v5 =	vmax.f32 v5, v4  }
0x267: {  	s14 =	sadd.s32 $0xFFFFFF00, s0;
	vm0 =	vmor vm8, vm6;
	v0 =	vsel vm14, v18, v0;
	v1 =	vmax.f32 v8, v5  }
0x268: {  	v57 =	vmovc v35;
	s10 =	sand.u32 $0x280, s14;
	vm14 =	vlt.f32 v6, v2;
	v0 =	vsel vm15, v30, v0;
	v7 =	vmax.f32 v9, v1  }
0x269: {  	v35 =	vld [tilespmem:$0x1FDC0];
	s15 =	sor.u32 s10, s9;
	vm10 =	vgt.f32 v5, v4;
	vm15 =	vgt.f32 v6, v2;
	v0 =	vsel vm13, v20, v0;
	(xrf0) =	vmax.scan.msk.f32 $0xffff, v7  }
0x26a: {  	v2 =	vld [tilespmem:s15+$0x0];
	vm13 =	vgt.f32 v3, v6;
	vm2 =	vmor vm15, vm14;
	vm14 =	vlt.f32 v4, v3  }
0x26b: {  	vm15 =	vgt.f32 v4, v3;
	v3 =	vld [tilespmem:s15+$0x10];
	v0 =	vsel vm11, v32, v0;
	vm4 =	vmor vm13, vm12  }
0x26c: {  	v15 =	vmovc v26;
	v26 =	vld [tilespmem:$0x1FDE0];
	vm11 =	vmor vm15, vm14;
	vm12 =	vlt.f32 v1, v5;
	v0 =	vsel vm9, v61, v0  }
0x26d: {  	v38 =	vmovc v36;
	vm13 =	vgt.f32 v1, v5;
	vm9 =	vlt.f32 v5, v4;
	v5 =	vld [tilespmem:s15+$0x20];
	v0 =	vsel vm7, v34, v0  }
0x26e: {  	v42 =	vmovc v40;
	v36 =	vld [tilespmem:$0x1FE00];
	vm14 =	vlt.f32 v7, v1;
	vm15 =	vgt.f32 v7, v1;
	v0 =	vsel vm5, v22, v0  }
0x26f: {  	v40 =	vld [tilespmem:$0x1FE20];
	vm7 =	vmor vm15, vm14;
	v0 =	vsel vm3, v16, v0;
	vm3 =	vmor vm10, vm9;
	v4, _, _ =	vpop (xrf0)  }
0x270: {  	v6 =	vld [tilespmem:s15+$0x30];
	v3 =	vmax.f32 v3, v2;
	v0 =	vsel vm0, v35, v0;
	v4 =	vbroadcast v4, $0xF  }
0x271: {  	vm9 =	vlt.f32 v3, v2;
	vm10 =	vgt.f32 v3, v2;
	v0 =	vsel vm1, v26, v0  }
0x272: {  	v5 =	vmax.f32 v5, v3;
	v0 =	vsel vm2, v15, v0;
	vm8 =	veq.f32 v7, v4;
	v4 =	vld [tilespmem:s15+$0x40]  }
0x273: {  	vm1 =	vmor vm13, vm12;
	vm12 =	vgt.f32 v5, v3;
	v0 =	vsel vm4, v36, v0  }
0x274: {  	v2 =	vld [tilespmem:s15+$0x50];
	vm4 =	vmor vm10, vm9;
	v0 =	vsel vm11, v38, v0;
	vm11 =	vlt.f32 v5, v3  }
0x275: {  	v7 =	vld [tilespmem:s15+$0x60];
	v3 =	vmax.f32 v6, v5;
	v0 =	vsel vm3, v40, v0;
	vm5 =	vmor vm12, vm11  }
0x276: {  	v6 =	vld [tilespmem:s15+$0x70];
	vm13 =	vlt.f32 v3, v5;
	v1 =	vsel vm1, v42, v0;
	v0 =	vlaneseq.u32  }
0x277: {  	vm14 =	vgt.f32 v3, v5;
	v0 =	vor.u32 $0x800003F0, v0;
	v4 =	vmax.f32 v4, v3  }
0x278: {  	v1 =	vsel vm7, v0, v1;
	vm15 =	vlt.f32 v4, v3;
	vm9 =	vgt.f32 v4, v3;
	v3 =	vld [tilespmem:s15+$0x400]  }
0x279: {  	v5 =	vld [tilespmem:s15+$0x410];
	vm7 =	vmor vm14, vm13;
	v1 =	vnsel vm8, $0x80000400, v1;
	v2 =	vmax.f32 v2, v4  }
0x27a: {  	vm10 =	vlt.f32 v2, v4;
	vm11 =	vgt.f32 v2, v4;
	v4 =	vmax.f32 v7, v2;
	v7 =	vld [tilespmem:s15+$0x420]  }
0x27b: {  	vm6 =	vmor vm9, vm15;
	vm8 =	vmor vm11, vm10;
	v6 =	vmax.f32 v6, v4  }
0x27c: {  	vm12 =	vlt.f32 v4, v2;
	vm13 =	vgt.f32 v4, v2;
	v2 =	vld [tilespmem:s15+$0x430];
	vm14 =	vlt.f32 v6, v4  }
0x27d: {  	vm15 =	vgt.f32 v6, v4;
	vm10 =	vmor vm13, vm12;
	v4 =	vld [tilespmem:s15+$0x440];
	v3 =	vmax.f32 v3, v6  }
0x27e: {  	vm12 =	vlt.f32 v3, v6;
	vm13 =	vgt.f32 v3, v6;
	v5 =	vmax.f32 v5, v3  }
0x27f: {  	vm9 =	vmor vm15, vm14;
	v6 =	vld [tilespmem:s15+$0x450];
	vm12 =	vmor vm13, vm12;
	v7 =	vmax.f32 v7, v5  }
0x280: {  	vm14 =	vlt.f32 v5, v3;
	vm15 =	vgt.f32 v5, v3;
	vm2 =	vlt.f32 v7, v5  }
0x281: {  	v3 =	vld [tilespmem:s15+$0x460];
	vm11 =	vgt.f32 v7, v5;
	vm14 =	vmor vm15, vm14;
	v2 =	vmax.f32 v2, v7  }
0x282: {  	vm13 =	vmor vm11, vm2;
	vm11 =	vlt.f32 v2, v7;
	v4 =	vmax.f32 v4, v2  }
0x283: {  	v5 =	vld [tilespmem:s15+$0x470];
	vm15 =	vgt.f32 v2, v7;
	vm0 =	vlt.f32 v4, v2;
	vm1 =	vgt.f32 v4, v2  }
0x284: {  	v7 =	vld [tilespmem:s15+$0x800];
	vm15 =	vmor vm15, vm11;
	v6 =	vmax.f32 v6, v4;
	vm0 =	vmor vm1, vm0  }
0x285: {  	vm2 =	vlt.f32 v6, v4;
	vm11 =	vgt.f32 v6, v4;
	v4 =	vimm.s32 $0x0  }
0x286: {  	v8 =	vimm.s32 $0x0;
	v3 =	vmax.f32 v3, v6;
	v4 =	vsel vm0, $0xFFFFFFFF, v4  }
0x287: {  	vm11 =	vmor vm11, vm2;
	vm0 =	vlt.f32 v3, v6;
	[tilespmem:$0x1F8D0] =	vst v4;
	v4 =	vimm.s32 $0x0  }
0x288: {  	v2 =	vld [tilespmem:s15+$0x810];
	v5 =	vmax.f32 v5, v3;
	v4 =	vsel vm11, $0xFFFFFFFF, v4;
	vm11 =	vgt.f32 v3, v6  }
0x289: {  	v7 =	vmax.f32 v7, v5;
	vm1 =	vgt.f32 v5, v3;
	vm0 =	vmor vm11, vm0  }
0x28a: {  	vm2 =	vlt.f32 v7, v5;
	[tilespmem:$0x1F8E0] =	vst v4;
	v4 =	vld [tilespmem:s15+$0x820];
	v8 =	vsel vm0, $0xFFFFFFFF, v8;
	vm0 =	vlt.f32 v5, v3  }
0x28b: {  	vm11 =	vgt.f32 v7, v5;
	v5 =	vimm.s32 $0x0;
	vm0 =	vmor vm1, vm0  }
0x28c: {  	v6 =	vld [tilespmem:s15+$0x830];
	v5 =	vsel vm0, $0xFFFFFFFF, v5  }
0x28d: {  	v2 =	vmax.f32 v2, v7;
	vm11 =	vmor vm11, vm2;
	[tilespmem:$0x1F900] =	vst v5;
	v5 =	vimm.s32 $0x0  }
0x28e: {  	vm0 =	vlt.f32 v2, v7;
	v5 =	vsel vm11, $0xFFFFFFFF, v5;
	vm11 =	vgt.f32 v2, v7  }
0x28f: {  	v4 =	vmax.f32 v4, v2;
	v7 =	vimm.s32 $0x0;
	vm0 =	vmor vm11, vm0  }
0x290: {  	v3 =	vld [tilespmem:s15+$0x840];
	vm1 =	vgt.f32 v4, v2;
	v7 =	vsel vm0, $0xFFFFFFFF, v7;
	vm0 =	vlt.f32 v4, v2  }
0x291: {  	v6 =	vmax.f32 v6, v4;
	v2 =	vimm.s32 $0x0;
	vm0 =	vmor vm1, vm0  }
0x292: {  	[tilespmem:$0x1F910] =	vst v5;
	v5 =	vld [tilespmem:s15+$0x850];
	vm2 =	vlt.f32 v6, v4;
	vm11 =	vgt.f32 v6, v4;
	v2 =	vsel vm0, $0xFFFFFFFF, v2  }
0x293: {  	vm11 =	vmor vm11, vm2;
	[tilespmem:$0x1F930] =	vst v2;
	v2 =	vimm.s32 $0x0  }
0x294: {  	[tilespmem:$0x1F8F0] =	vst v8;
	v8 =	vld [tilespmem:s15+$0x860];
	v2 =	vsel vm11, $0xFFFFFFFF, v2  }
0x295: {  	[tilespmem:$0x1F940] =	vst v2;
	v2 =	vmax.f32 v3, v6  }
0x296: {  	vm0 =	vlt.f32 v2, v6;
	vm11 =	vgt.f32 v2, v6  }
0x297: {  	v4 =	vmax.f32 v5, v2;
	v6 =	vimm.s32 $0x0;
	vm0 =	vmor vm11, vm0  }
0x298: {  	[tilespmem:$0x1F920] =	vst v7;
	v7 =	vld [tilespmem:s15+$0x870];
	vm1 =	vgt.f32 v4, v2;
	v6 =	vsel vm0, $0xFFFFFFFF, v6;
	vm0 =	vlt.f32 v4, v2  }
0x299: {  	v2 =	vimm.s32 $0x0;
	[tilespmem:$0x1F950] =	vst v6;
	v6 =	vmax.f32 v8, v4;
	vm0 =	vmor vm1, vm0  }
0x29a: {  	v3 =	vld [tilespmem:s15+$0xC00];
	vm2 =	vlt.f32 v6, v4;
	vm11 =	vgt.f32 v6, v4;
	v2 =	vsel vm0, $0xFFFFFFFF, v2  }
0x29b: {  	[tilespmem:$0x1F960] =	vst v2;
	vm11 =	vmor vm11, vm2;
	v2 =	vimm.s32 $0x0  }
0x29c: {  	v5 =	vld [tilespmem:s15+$0xC10];
	v2 =	vsel vm11, $0xFFFFFFFF, v2  }
0x29d: {  	[tilespmem:$0x1F970] =	vst v2;
	v2 =	vmax.f32 v7, v6  }
0x29e: {  	vm0 =	vlt.f32 v2, v6;
	vm11 =	vgt.f32 v2, v6  }
0x29f: {  	v3 =	vmax.f32 v3, v2;
	v6 =	vimm.s32 $0x0;
	vm0 =	vmor vm11, vm0  }
0x2a0: {  	v8 =	vld [tilespmem:s15+$0xC20];
	vm1 =	vgt.f32 v3, v2;
	v6 =	vsel vm0, $0xFFFFFFFF, v6;
	vm0 =	vlt.f32 v3, v2  }
0x2a1: {  	v5 =	vmax.f32 v5, v3;
	v2 =	vimm.s32 $0x0;
	vm0 =	vmor vm1, vm0  }
0x2a2: {  	v4 =	vld [tilespmem:s15+$0xC30];
	vm2 =	vlt.f32 v5, v3;
	vm11 =	vgt.f32 v5, v3;
	v2 =	vsel vm0, $0xFFFFFFFF, v2  }
0x2a3: {  	vm11 =	vmor vm11, vm2;
	[tilespmem:$0x1F990] =	vst v2;
	v2 =	vimm.s32 $0x0  }
0x2a4: {  	v7 =	vld [tilespmem:s15+$0xC40];
	v2 =	vsel vm11, $0xFFFFFFFF, v2  }
0x2a5: {  	[tilespmem:$0x1F9A0] =	vst v2;
	v2 =	vmax.f32 v8, v5  }
0x2a6: {  	vm0 =	vlt.f32 v2, v5;
	vm11 =	vgt.f32 v2, v5  }
0x2a7: {  	v4 =	vmax.f32 v4, v2;
	v5 =	vimm.s32 $0x0;
	vm0 =	vmor vm11, vm0  }
0x2a8: {  	[tilespmem:$0x1F980] =	vst v6;
	v6 =	vld [tilespmem:s15+$0xC50];
	vm1 =	vgt.f32 v4, v2;
	v5 =	vsel vm0, $0xFFFFFFFF, v5;
	vm0 =	vlt.f32 v4, v2  }
0x2a9: {  	v2 =	vimm.s32 $0x0;
	[tilespmem:$0x1F9B0] =	vst v5;
	v5 =	vmax.f32 v7, v4;
	vm0 =	vmor vm1, vm0  }
0x2aa: {  	v3 =	vld [tilespmem:s15+$0xC60];
	vm2 =	vlt.f32 v5, v4;
	vm11 =	vgt.f32 v5, v4;
	v2 =	vsel vm0, $0xFFFFFFFF, v2  }
0x2ab: {  	s24 =	sand.u32 $0x7, s6;
	[tilespmem:$0x1F9C0] =	vst v2;
	vm11 =	vmor vm11, vm2;
	v2 =	vimm.s32 $0x0  }
0x2ac: {  	s10 =	sshll.u32 s24, $0x7;
	v8 =	vld [tilespmem:s15+$0xC70];
	v2 =	vsel vm11, $0xFFFFFFFF, v2  }
0x2ad: {  	s10 =	sadd.s32 s20, s10;
	[tilespmem:$0x1F9D0] =	vst v2;
	v2 =	vmax.f32 v6, v5  }
0x2ae: {  	s14 =	sadd.s32 $0x80, s10;
	vm0 =	vlt.f32 v2, v5;
	vm11 =	vgt.f32 v2, v5  }
0x2af: {  	s24 =	sor.u32 $0x1000, s14;
	v3 =	vmax.f32 v3, v2;
	v5 =	vimm.s32 $0x0;
	vm0 =	vmor vm11, vm0  }
0x2b0: {  	v7 =	vld [tilespmem:s24+$0x0];
	vm1 =	vgt.f32 v3, v2;
	v5 =	vsel vm0, $0xFFFFFFFF, v5;
	vm0 =	vlt.f32 v3, v2  }
0x2b1: {  	s15 =	sor.u32 $0x1010, s14;
	v2 =	vimm.s32 $0x0;
	[tilespmem:$0x1F9E0] =	vst v5;
	v5 =	vmax.f32 v8, v3;
	vm0 =	vmor vm1, vm0  }
0x2b2: {  	v4 =	vld [tilespmem:s15+$0x0];
	vm2 =	vlt.f32 v5, v3;
	vm11 =	vgt.f32 v5, v3;
	v2 =	vsel vm0, $0xFFFFFFFF, v2  }
0x2b3: {  	[tilespmem:$0x1F9F0] =	vst v2;
	vm11 =	vmor vm11, vm2;
	v2 =	vimm.s32 $0x0  }
0x2b4: {  	s15 =	sor.u32 $0x1020, s14;
	v2 =	vsel vm11, $0xFFFFFFFF, v2  }
0x2b5: {  	v6 =	vld [tilespmem:s15+$0x0];
	s15 =	sor.u32 $0x1030, s14;
	[tilespmem:$0x1FA00] =	vst v2;
	v2 =	vmax.f32 v7, v5  }
0x2b6: {  	v3 =	vld [tilespmem:s15+$0x0];
	vm0 =	vlt.f32 v2, v5;
	vm11 =	vgt.f32 v2, v5  }
0x2b7: {  	v4 =	vmax.f32 v4, v2;
	v5 =	vimm.s32 $0x0;
	vm0 =	vmor vm11, vm0  }
0x2b8: {  	vm11 =	vgt.f32 v4, v2;
	v5 =	vsel vm0, $0xFFFFFFFF, v5;
	vm0 =	vlt.f32 v4, v2  }
0x2b9: {  	v2 =	vimm.s32 $0x0;
	vm0 =	vmor vm11, vm0  }
0x2ba: {  	v6 =	vmax.f32 v6, v4;
	v2 =	vsel vm0, $0xFFFFFFFF, v2  }
0x2bb: {  	s15 =	sor.u32 $0x1040, s14;
	v3 =	vmax.f32 v3, v6;
	[tilespmem:$0x1FA20] =	vst v2;
	v2 =	vsel vm4, v12, v57  }
0x2bc: {  	[tilespmem:$0x1FA10] =	vst v5;
	v5 =	vld [tilespmem:s15+$0x0];
	vm11 =	vlt.f32 v6, v4;
	vm4 =	vgt.f32 v6, v4;
	v2 =	vsel vm5, v13, v2  }
0x2bd: {  	s15 =	sor.u32 $0x1050, s14;
	v4 =	vimm.s32 $0x0;
	vm0 =	vmor vm4, vm11;
	v2 =	vsel vm7, v63, v2  }
0x2be: {  	v7 =	vld [tilespmem:s15+$0x0];
	vm5 =	vlt.f32 v3, v6;
	v2 =	vsel vm6, v62, v2;
	vm6 =	vgt.f32 v3, v6  }
0x2bf: {  	v8 =	vld [tilespmem:$0x1F8D0];
	s15 =	sor.u32 $0x1060, s14;
	v4 =	vsel vm0, $0xFFFFFFFF, v4;
	v6 =	vimm.s32 $0x0;
	vm0 =	vmor vm6, vm5  }
0x2c0: {  	[tilespmem:$0x1FA30] =	vst v4;
	v4 =	vld [tilespmem:s15+$0x0];
	s15 =	sor.u32 $0x1070, s14;
	v2 =	vsel vm8, v44, v2;
	v6 =	vsel vm0, $0xFFFFFFFF, v6  }
0x2c1: {  	v5 =	vmax.f32 v5, v3;
	v2 =	vsel vm10, v46, v2;
	[tilespmem:$0x1FA40] =	vst v6;
	v6 =	vld [tilespmem:s15+$0x0]  }
0x2c2: {  	vm7 =	vlt.f32 v5, v3;
	v2 =	vsel vm9, v24, v2  }
0x2c3: {  	vm8 =	vgt.f32 v5, v3;
	v3 =	vmax.f32 v7, v5;
	s15 =	sor.u32 $0x1400, s14;
	v2 =	vsel vm12, v48, v2  }
0x2c4: {  	vm10 =	vgt.f32 v3, v5;
	vm9 =	vlt.f32 v3, v5;
	v7 =	vld [tilespmem:s15+$0x0];
	v2 =	vsel vm14, v23, v2  }
0x2c5: {  	v4 =	vmax.f32 v4, v3;
	vm14 =	vnez.u8 v8;
	v8 =	vld [tilespmem:$0x1F8E0];
	v2 =	vsel vm13, v59, v2  }
0x2c6: {  	vm12 =	vlt.f32 v4, v3;
	vm13 =	vgt.f32 v4, v3;
	v3 =	vmax.f32 v6, v4;
	v6 =	vld [tilespmem:$0x1FF40]  }
0x2c7: {  	v2 =	vsel vm15, v14, v2;
	vm15 =	vlt.f32 v3, v4;
	vm4 =	vgt.f32 v3, v4;
	v4 =	vld [tilespmem:$0x1FF50];
	_ =	sdelay $0x3  }
0x2c8: {  	vm11 =	vmor vm8, vm7;
	s15 =	sor.u32 $0x1410, s14;
	vm5 =	vnez.u8 v8;
	v2 =	vsel vm14, v6, v2  }
0x2c9: {  	vm10 =	vmor vm10, vm9;
	v5 =	vld [tilespmem:s15+$0x0];
	v2 =	vsel vm5, v4, v2;
	v4 =	vmax.f32 v7, v3  }
0x2ca: {  	vm9 =	vmor vm13, vm12;
	vm7 =	vlt.f32 v4, v3;
	vm12 =	vgt.f32 v4, v3;
	v3 =	vld [tilespmem:$0x1F900];
	_ =	sdelay $0x2  }
0x2cb: {  	s15 =	sor.u32 $0x1420, s14;
	v7 =	vld [tilespmem:$0x1F8F0]  }
0x2cc: {  	v6 =	vld [tilespmem:s15+$0x0]  }
0x2cd: {  	vm13 =	vnez.u8 v3;
	v3 =	vmax.f32 v5, v4;
	v5 =	vld [tilespmem:$0x1F910]  }
0x2ce: {  	vm8 =	vmor vm4, vm15;
	vm15 =	vlt.f32 v3, v4;
	vm4 =	vgt.f32 v3, v4;
	v4 =	vld [tilespmem:$0x1F920];
	_ =	sdelay $0x1  }
0x2cf: {  	vm6 =	vnez.u8 v7  }
0x2d0: {  	s15 =	sor.u32 $0x1430, s14;
	v2 =	vsel vm6, v25, v2  }
0x2d1: {  	v7 =	vld [tilespmem:s15+$0x0];
	v2 =	vsel vm13, v17, v2  }
0x2d2: {  	vm14 =	vnez.u8 v5;
	vm5 =	vnez.u8 v4;
	v4 =	vmax.f32 v6, v3;
	v6 =	vld [tilespmem:$0x1F930]  }
0x2d3: {  	v2 =	vsel vm14, v27, v2;
	vm13 =	vlt.f32 v4, v3;
	vm14 =	vgt.f32 v4, v3;
	v3 =	vld [tilespmem:$0x1F940];
	_ =	sdelay $0x2  }
0x2d4: {  	vm7 =	vmor vm12, vm7;
	s15 =	sor.u32 $0x1440, s14  }
0x2d5: {  	vm6 =	vmor vm4, vm15;
	v5 =	vld [tilespmem:s15+$0x0];
	v2 =	vsel vm5, v19, v2;
	vm5 =	vmor vm14, vm13  }
0x2d6: {  	vm12 =	vnez.u8 v6;
	vm15 =	vnez.u8 v3;
	v3 =	vmax.f32 v7, v4;
	v7 =	vld [tilespmem:$0x1F950]  }
0x2d7: {  	v2 =	vsel vm12, v29, v2;
	vm12 =	vlt.f32 v3, v4;
	vm13 =	vgt.f32 v3, v4;
	v4 =	vld [tilespmem:$0x1F960];
	_ =	sdelay $0x3  }
0x2d8: {  	v8 =	vld [tilespmem:$0x1F980];
	v2 =	vsel vm15, v60, v2  }
0x2d9: {  	s15 =	sor.u32 $0x1450, s14;
	vm4 =	vnez.u8 v7;
	vm14 =	vnez.u8 v4;
	v4 =	vmax.f32 v5, v3;
	v5 =	vld [tilespmem:$0x1F970]  }
0x2da: {  	v6 =	vld [tilespmem:s15+$0x0];
	v2 =	vsel vm4, v31, v2  }
0x2db: {  	vm4 =	vmor vm13, vm12;
	vm12 =	vlt.f32 v4, v3;
	vm13 =	vgt.f32 v4, v3;
	v3 =	vld [tilespmem:$0x1FF20];
	_ =	sdelay $0x2  }
0x2dc: {  	v2 =	vsel vm14, v21, v2;
	vm15 =	vnez.u8 v5  }
0x2dd: {  	s15 =	sor.u32 $0x1460, s14;
	vm14 =	vnez.u8 v8;
	v8 =	vld [tilespmem:$0x1F990];
	v2 =	vsel vm15, v33, v2  }
0x2de: {  	v7 =	vld [tilespmem:s15+$0x0];
	v2 =	vsel vm14, v3, v2;
	v3 =	vmax.f32 v6, v4  }
0x2df: {  	vm3 =	vmor vm13, vm12;
	vm12 =	vlt.f32 v3, v4;
	vm13 =	vgt.f32 v3, v4;
	v4 =	vld [tilespmem:$0x1F9A0]  }
0x2e0: {  	s15 =	sor.u32 $0x1470, s14  }
0x2e1: {  	v5 =	vld [tilespmem:s15+$0x0]  }
0x2e2: {  	vm15 =	vnez.u8 v8;
	v8 =	vld [tilespmem:$0x1F9B0]  }
0x2e3: {  	v6 =	vld [tilespmem:$0x1FF60]  }
0x2e4: {  	vm14 =	vnez.u8 v4;
	v4 =	vmax.f32 v7, v3;
	v7 =	vld [tilespmem:$0x1FF70]  }
0x2e5: {  	vm2 =	vmor vm13, vm12;
	vm12 =	vlt.f32 v4, v3;
	vm13 =	vgt.f32 v4, v3;
	v3 =	vld [tilespmem:$0x1F9C0];
	_ =	sdelay $0x2  }
0x2e6: {  	s15 =	sor.u32 $0x1800, s14;
	v2 =	vsel vm15, v6, v2  }
0x2e7: {  	v6 =	vld [tilespmem:s15+$0x0];
	vm15 =	vnez.u8 v8;
	v2 =	vsel vm14, v37, v2  }
0x2e8: {  	v8 =	vld [tilespmem:$0x1F9D0];
	v2 =	vsel vm15, v7, v2;
	vm14 =	vnez.u8 v3;
	v3 =	vmax.f32 v5, v4  }
0x2e9: {  	v2 =	vsel vm14, v39, v2;
	vm0 =	vlt.f32 v3, v4;
	vm14 =	vgt.f32 v3, v4;
	v4 =	vld [tilespmem:$0x1F9E0]  }
0x2ea: {  	v5 =	vld [tilespmem:$0x1FF80]  }
0x2eb: {  	s15 =	sor.u32 $0x1810, s14  }
0x2ec: {  	v7 =	vld [tilespmem:s15+$0x0]  }
0x2ed: {  	vm1 =	vmor vm13, vm12;
	vm15 =	vnez.u8 v8;
	v8 =	vld [tilespmem:$0x1F9F0]  }
0x2ee: {  	vm0 =	vmor vm14, vm0;
	vm12 =	vnez.u8 v4;
	v4 =	vmax.f32 v6, v3;
	v6 =	vld [tilespmem:$0x1FF90]  }
0x2ef: {  	v2 =	vsel vm15, v5, v2;
	vm14 =	vlt.f32 v4, v3;
	vm15 =	vgt.f32 v4, v3;
	v3 =	vld [tilespmem:$0x1FA00];
	_ =	sdelay $0x1  }
0x2f0: {  	s15 =	sor.u32 $0x1820, s14  }
0x2f1: {  	v5 =	vld [tilespmem:s15+$0x0]  }
0x2f2: {  	v2 =	vsel vm12, v41, v2;
	vm12 =	vnez.u8 v8;
	v8 =	vld [tilespmem:$0x1FA10]  }
0x2f3: {  	v2 =	vsel vm12, v6, v2;
	vm12 =	vnez.u8 v3;
	v3 =	vmax.f32 v7, v4;
	v7 =	vld [tilespmem:$0x1FFB0]  }
0x2f4: {  	vm14 =	vmor vm15, vm14;
	vm15 =	vlt.f32 v3, v4;
	vm13 =	vgt.f32 v3, v4;
	v4 =	vld [tilespmem:$0x1FA20];
	_ =	sdelay $0x1  }
0x2f5: {  	s15 =	sor.u32 $0x1830, s14  }
0x2f6: {  	v6 =	vld [tilespmem:s15+$0x0]  }
0x2f7: {  	v2 =	vsel vm12, v43, v2;
	vm12 =	vnez.u8 v8;
	v8 =	vld [tilespmem:$0x1FA30]  }
0x2f8: {  	v2 =	vsel vm12, v7, v2;
	vm12 =	vnez.u8 v4;
	v4 =	vmax.f32 v5, v3;
	v5 =	vld [tilespmem:$0x1FFD0];
	_ =	sdelay $0x2  }
0x2f9: {  	vm15 =	vmor vm13, vm15  }
0x2fa: {  	v2 =	vsel vm12, v45, v2;
	vm12 =	vnez.u8 v8;
	vm13 =	vlt.f32 v4, v3  }
0x2fb: {  	v2 =	vsel vm12, v5, v2;
	vm12 =	vgt.f32 v4, v3;
	v3 =	vmax.f32 v6, v4;
	v6 =	vld [tilespmem:$0x1FA40];
	_ =	sdelay $0x4  }
0x2fc: {  	s15 =	sor.u32 $0x1840, s14;
	vm13 =	vmor vm12, vm13;
	vm12 =	vnez.u8 v6;
	v6 =	vld [tilespmem:$0x1FFF0]  }
0x2fd: {  	v7 =	vld [tilespmem:s15+$0x0]  }
0x2fe: {  	s15 =	sor.u32 $0x1850, s14  }
0x2ff: {  	v5 =	vld [tilespmem:s15+$0x0]  }
0x300: {  	s15 =	sor.u32 $0x1860, s14;
	v2 =	vsel vm12, v47, v2  }
0x301: {  	vm12 =	vlt.f32 v3, v4;
	v2 =	vsel vm11, v6, v2;
	vm11 =	vgt.f32 v3, v4;
	v4 =	vld [tilespmem:s15+$0x0]  }
0x302: {  	v6 =	vmax.f32 v7, v3;
	s15 =	sor.u32 $0x1870, s14;
	vm11 =	vmor vm11, vm12  }
0x303: {  	v2 =	vsel vm10, v49, v2;
	vm10 =	vlt.f32 v6, v3;
	vm12 =	vgt.f32 v6, v3;
	v3 =	vld [tilespmem:s15+$0x0]  }
0x304: {  	v5 =	vmax.f32 v5, v6;
	s15 =	sor.u32 $0x1C00, s14;
	v2 =	vsel vm9, v50, v2;
	vm9 =	vmor vm12, vm10  }
0x305: {  	vm12 =	vgt.f32 v5, v6;
	v2 =	vsel vm8, v51, v2;
	vm8 =	vlt.f32 v5, v6;
	v6 =	vld [tilespmem:s15+$0x0]  }
0x306: {  	s15 =	sor.u32 $0x1C10, s14;
	v2 =	vsel vm7, v52, v2;
	v4 =	vmax.f32 v4, v5  }
0x307: {  	vm7 =	vmor vm12, vm8;
	v7 =	vld [tilespmem:s15+$0x0];
	s15 =	sor.u32 $0x1C20, s14;
	v2 =	vsel vm6, v53, v2;
	vm6 =	vlt.f32 v4, v5  }
0x308: {  	vm12 =	vgt.f32 v4, v5;
	v5 =	vld [tilespmem:s15+$0x0];
	s15 =	sor.u32 $0x1C30, s14;
	v2 =	vsel vm5, v54, v2;
	v3 =	vmax.f32 v3, v4  }
0x309: {  	vm5 =	vmor vm12, vm6;
	v8 =	vld [tilespmem:s15+$0x0];
	s15 =	sor.u32 $0x1C40, s14;
	v2 =	vsel vm4, v55, v2;
	vm10 =	vlt.f32 v3, v4  }
0x30a: {  	vm12 =	vgt.f32 v3, v4;
	v4 =	vld [tilespmem:s15+$0x0];
	v2 =	vsel vm3, v56, v2;
	v6 =	vmax.f32 v6, v3  }
0x30b: {  	s15 =	sor.u32 $0x1C50, s14;
	vm3 =	vmor vm12, vm10;
	v2 =	vsel vm2, v10, v2;
	vm10 =	vlt.f32 v6, v3  }
0x30c: {  	v9 =	vld [tilespmem:s15+$0x0];
	s15 =	sor.u32 $0x1C60, s14;
	v7 =	vmax.f32 v7, v6;
	vm12 =	vgt.f32 v6, v3;
	v2 =	vsel vm1, v11, v2  }
0x30d: {  	s14 =	sor.u32 $0x1C70, s14;
	v10 =	vld [tilespmem:s15+$0x0];
	v3 =	vmax.f32 v5, v7;
	v2 =	vsel vm0, v28, v2;
	vm0 =	vmor vm12, vm10  }
0x30e: {  	v5 =	vld [tilespmem:s14+$0x0];
	v8 =	vmax.f32 v8, v3;
	v2 =	vsel vm14, v18, v2;
	vm14 =	vlt.f32 v7, v6  }
0x30f: {  	vm10 =	vlt.f32 v3, v7;
	v4 =	vmax.f32 v4, v8;
	v2 =	vsel vm15, v30, v2  }
0x310: {  	vm15 =	vgt.f32 v7, v6;
	vm12 =	vlt.f32 v8, v3;
	v2 =	vsel vm13, v20, v2  }
0x311: {  	v6 =	vmax.f32 v9, v4;
	vm1 =	vmor vm15, vm14;
	v2 =	vsel vm11, v32, v2  }
0x312: {  	(xrf0) =	vmin.scan.msk.u32 $0xffff, v1;
	s24 =	sadd.s32 $0xFFFFFF80, s0;
	vm13 =	vgt.f32 v8, v3;
	v9 =	vmax.f32 v10, v6;
	v1 =	vsel vm9, v61, v2  }
0x313: {  	s14 =	sand.u32 $0x300, s24;
	vm14 =	vlt.f32 v4, v8;
	v5 =	vmax.f32 v5, v9;
	v1 =	vsel vm7, v34, v1  }
0x314: {  	s14 =	sor.u32 s14, s9;
	vm15 =	vgt.f32 v4, v8;
	vm11 =	vgt.f32 v3, v7;
	(xrf0) =	vmax.scan.msk.f32 $0xffff, v5;
	v1 =	vsel vm5, v22, v1  }
0x315: {  	vm2 =	vmor vm11, vm10;
	vm9 =	vmor vm13, vm12;
	v2 =	vld [tilespmem:s14+$0x0];
	v1 =	vsel vm3, v16, v1  }
0x316: {  	vm11 =	vlt.f32 v6, v4;
	vm12 =	vgt.f32 v6, v4;
	v4 =	vld [tilespmem:s14+$0x10];
	v1 =	vsel vm0, v35, v1  }
0x317: {  	vm10 =	vmor vm15, vm14;
	v3 =	vsel vm1, v26, v1  }
0x318: {  	vm13 =	vlt.f32 v9, v6;
	vm14 =	vgt.f32 v9, v6;
	v3 =	vsel vm2, v15, v3  }
0x319: {  	v7 =	vld [tilespmem:s14+$0x20];
	vm15 =	vlt.f32 v5, v9;
	vm6 =	vgt.f32 v5, v9;
	v1, _, _ =	vpop (xrf0);
	v3 =	vsel vm9, v36, v3  }
0x31a: {  	v8 =	vld [tilespmem:s14+$0x30];
	vm0 =	vmor vm12, vm11;
	vm1 =	vmor vm14, vm13;
	v6, _, _ =	vpop (xrf0);
	v3 =	vsel vm10, v38, v3  }
0x31b: {  	v9 =	vld [tilespmem:s14+$0x40];
	v4 =	vmax.f32 v4, v2;
	v6 =	vbroadcast v6, $0xF;
	v3 =	vsel vm0, v40, v3  }
0x31c: {  	vm7 =	vmor vm6, vm15;
	vm9 =	vlt.f32 v4, v2;
	v3 =	vsel vm1, v42, v3  }
0x31d: {  	vm10 =	vgt.f32 v4, v2;
	vm8 =	veq.f32 v5, v6;
	v3 =	vsel vm7, v0, v3;
	v5 =	vld [tilespmem:s14+$0x50]  }
0x31e: {  	vm4 =	vmor vm10, vm9;
	v6 =	vld [tilespmem:s14+$0x60];
	v2 =	vnsel vm8, $0x80000400, v3;
	v3 =	vmax.f32 v7, v4  }
0x31f: {  	v7 =	vld [tilespmem:s14+$0x70];
	vm11 =	vlt.f32 v3, v4;
	vm12 =	vgt.f32 v3, v4;
	v4 =	vmax.f32 v8, v3  }
0x320: {  	vm5 =	vmor vm12, vm11;
	vm13 =	vlt.f32 v4, v3;
	v8 =	vmax.f32 v9, v4  }
0x321: {  	vm14 =	vgt.f32 v4, v3;
	v3 =	vld [tilespmem:s14+$0x400];
	vm15 =	vlt.f32 v8, v4;
	vm9 =	vgt.f32 v8, v4  }
0x322: {  	vm7 =	vmor vm14, vm13;
	vm6 =	vmor vm9, vm15;
	v4 =	vmax.f32 v5, v8;
	v5 =	vld [tilespmem:s14+$0x410]  }
0x323: {  	vm10 =	vlt.f32 v4, v8;
	vm11 =	vgt.f32 v4, v8;
	v6 =	vmax.f32 v6, v4;
	v8 =	vld [tilespmem:s14+$0x420]  }
0x324: {  	vm8 =	vmor vm11, vm10;
	vm12 =	vlt.f32 v6, v4;
	v7 =	vmax.f32 v7, v6  }
0x325: {  	vm13 =	vgt.f32 v6, v4;
	v4 =	vld [tilespmem:s14+$0x430];
	vm14 =	vlt.f32 v7, v6;
	vm15 =	vgt.f32 v7, v6  }
0x326: {  	vm10 =	vmor vm13, vm12;
	v3 =	vmax.f32 v3, v7;
	v6 =	vld [tilespmem:s14+$0x440];
	vm9 =	vmor vm15, vm14  }
0x327: {  	vm12 =	vlt.f32 v3, v7;
	vm13 =	vgt.f32 v3, v7;
	v7 =	vld [tilespmem:s14+$0x450];
	v5 =	vmax.f32 v5, v3  }
0x328: {  	vm12 =	vmor vm13, vm12;
	vm14 =	vlt.f32 v5, v3;
	v8 =	vmax.f32 v8, v5  }
0x329: {  	vm15 =	vgt.f32 v5, v3;
	vm2 =	vlt.f32 v8, v5;
	vm11 =	vgt.f32 v8, v5  }
0x32a: {  	v3 =	vld [tilespmem:s14+$0x460];
	vm14 =	vmor vm15, vm14;
	v4 =	vmax.f32 v4, v8;
	vm13 =	vmor vm11, vm2  }
0x32b: {  	vm11 =	vlt.f32 v4, v8;
	vm15 =	vgt.f32 v4, v8;
	v6 =	vmax.f32 v6, v4  }
0x32c: {  	v5 =	vld [tilespmem:s14+$0x470];
	vm15 =	vmor vm15, vm11;
	v7 =	vmax.f32 v7, v6  }
0x32d: {  	v8 =	vld [tilespmem:s14+$0x800];
	vm0 =	vlt.f32 v6, v4;
	vm1 =	vgt.f32 v6, v4;
	vm2 =	vlt.f32 v7, v6  }
0x32e: {  	vm11 =	vgt.f32 v7, v6;
	vm0 =	vmor vm1, vm0;
	v6 =	vimm.s32 $0x0  }
0x32f: {  	v9 =	vimm.s32 $0x0;
	v6 =	vsel vm0, $0xFFFFFFFF, v6;
	v3 =	vmax.f32 v3, v7  }
0x330: {  	vm11 =	vmor vm11, vm2;
	[tilespmem:$0x1FA50] =	vst v6;
	v6 =	vimm.s32 $0x0;
	vm0 =	vlt.f32 v3, v7  }
0x331: {  	v4 =	vld [tilespmem:s14+$0x810];
	v5 =	vmax.f32 v5, v3;
	v6 =	vsel vm11, $0xFFFFFFFF, v6;
	vm11 =	vgt.f32 v3, v7  }
0x332: {  	v8 =	vmax.f32 v8, v5;
	vm1 =	vgt.f32 v5, v3;
	vm0 =	vmor vm11, vm0  }
0x333: {  	[tilespmem:$0x1FA60] =	vst v6;
	v6 =	vld [tilespmem:s14+$0x820];
	vm2 =	vlt.f32 v8, v5;
	v9 =	vsel vm0, $0xFFFFFFFF, v9;
	vm0 =	vlt.f32 v5, v3  }
0x334: {  	vm11 =	vgt.f32 v8, v5;
	v5 =	vimm.s32 $0x0;
	vm0 =	vmor vm1, vm0  }
0x335: {  	v7 =	vld [tilespmem:s14+$0x830];
	v5 =	vsel vm0, $0xFFFFFFFF, v5  }
0x336: {  	v4 =	vmax.f32 v4, v8;
	vm11 =	vmor vm11, vm2;
	[tilespmem:$0x1FA80] =	vst v5;
	v5 =	vimm.s32 $0x0  }
0x337: {  	v3 =	vld [tilespmem:s14+$0x840];
	vm0 =	vlt.f32 v4, v8;
	v5 =	vsel vm11, $0xFFFFFFFF, v5;
	vm11 =	vgt.f32 v4, v8  }
0x338: {  	v6 =	vmax.f32 v6, v4;
	v8 =	vimm.s32 $0x0;
	vm0 =	vmor vm11, vm0  }
0x339: {  	[tilespmem:$0x1FA90] =	vst v5;
	v5 =	vld [tilespmem:s14+$0x850];
	vm1 =	vgt.f32 v6, v4;
	v8 =	vsel vm0, $0xFFFFFFFF, v8;
	vm0 =	vlt.f32 v6, v4  }
0x33a: {  	v7 =	vmax.f32 v7, v6;
	v4 =	vimm.s32 $0x0;
	vm0 =	vmor vm1, vm0  }
0x33b: {  	[tilespmem:$0x1FA70] =	vst v9;
	v9 =	vld [tilespmem:s14+$0x860];
	vm2 =	vlt.f32 v7, v6;
	vm11 =	vgt.f32 v7, v6;
	v4 =	vsel vm0, $0xFFFFFFFF, v4  }
0x33c: {  	v3 =	vmax.f32 v3, v7;
	vm11 =	vmor vm11, vm2;
	[tilespmem:$0x1FAB0] =	vst v4;
	v4 =	vimm.s32 $0x0  }
0x33d: {  	vm0 =	vlt.f32 v3, v7;
	v4 =	vsel vm11, $0xFFFFFFFF, v4;
	vm11 =	vgt.f32 v3, v7  }
0x33e: {  	v5 =	vmax.f32 v5, v3;
	v7 =	vimm.s32 $0x0;
	vm0 =	vmor vm11, vm0  }
0x33f: {  	[tilespmem:$0x1FAA0] =	vst v8;
	v8 =	vld [tilespmem:s14+$0x870];
	vm1 =	vgt.f32 v5, v3;
	v7 =	vsel vm0, $0xFFFFFFFF, v7;
	vm0 =	vlt.f32 v5, v3  }
0x340: {  	v3 =	vimm.s32 $0x0;
	[tilespmem:$0x1FAD0] =	vst v7;
	v7 =	vmax.f32 v9, v5;
	vm0 =	vmor vm1, vm0  }
0x341: {  	[tilespmem:$0x1FAC0] =	vst v4;
	v4 =	vld [tilespmem:s14+$0xC00];
	vm2 =	vlt.f32 v7, v5;
	vm11 =	vgt.f32 v7, v5;
	v3 =	vsel vm0, $0xFFFFFFFF, v3  }
0x342: {  	[tilespmem:$0x1FAE0] =	vst v3;
	vm11 =	vmor vm11, vm2;
	v3 =	vimm.s32 $0x0  }
0x343: {  	v6 =	vld [tilespmem:s14+$0xC10];
	v3 =	vsel vm11, $0xFFFFFFFF, v3  }
0x344: {  	[tilespmem:$0x1FAF0] =	vst v3;
	v3 =	vmax.f32 v8, v7  }
0x345: {  	vm0 =	vlt.f32 v3, v7;
	vm11 =	vgt.f32 v3, v7  }
0x346: {  	v4 =	vmax.f32 v4, v3;
	v7 =	vimm.s32 $0x0;
	vm0 =	vmor vm11, vm0  }
0x347: {  	v9 =	vld [tilespmem:s14+$0xC20];
	vm1 =	vgt.f32 v4, v3;
	v7 =	vsel vm0, $0xFFFFFFFF, v7;
	vm0 =	vlt.f32 v4, v3  }
0x348: {  	v6 =	vmax.f32 v6, v4;
	v3 =	vimm.s32 $0x0;
	vm0 =	vmor vm1, vm0  }
0x349: {  	v5 =	vld [tilespmem:s14+$0xC30];
	vm2 =	vlt.f32 v6, v4;
	vm11 =	vgt.f32 v6, v4;
	v3 =	vsel vm0, $0xFFFFFFFF, v3  }
0x34a: {  	vm11 =	vmor vm11, vm2;
	[tilespmem:$0x1FB10] =	vst v3;
	v3 =	vimm.s32 $0x0  }
0x34b: {  	v8 =	vld [tilespmem:s14+$0xC40];
	v3 =	vsel vm11, $0xFFFFFFFF, v3  }
0x34c: {  	[tilespmem:$0x1FB20] =	vst v3;
	v3 =	vmax.f32 v9, v6  }
0x34d: {  	vm0 =	vlt.f32 v3, v6;
	vm11 =	vgt.f32 v3, v6  }
0x34e: {  	v5 =	vmax.f32 v5, v3;
	v6 =	vimm.s32 $0x0;
	vm0 =	vmor vm11, vm0  }
0x34f: {  	[tilespmem:$0x1FB00] =	vst v7;
	v7 =	vld [tilespmem:s14+$0xC50];
	vm1 =	vgt.f32 v5, v3;
	v6 =	vsel vm0, $0xFFFFFFFF, v6;
	vm0 =	vlt.f32 v5, v3  }
0x350: {  	v3 =	vimm.s32 $0x0;
	[tilespmem:$0x1FB30] =	vst v6;
	v6 =	vmax.f32 v8, v5;
	vm0 =	vmor vm1, vm0  }
0x351: {  	v4 =	vld [tilespmem:s14+$0xC60];
	vm2 =	vlt.f32 v6, v5;
	vm11 =	vgt.f32 v6, v5;
	v3 =	vsel vm0, $0xFFFFFFFF, v3  }
0x352: {  	s15 =	sand.u32 $0x3, s19;
	[tilespmem:$0x1FB40] =	vst v3;
	vm11 =	vmor vm11, vm2;
	v3 =	vimm.s32 $0x0  }
0x353: {  	s24 =	sshll.u32 s15, $0x8;
	v9 =	vld [tilespmem:s14+$0xC70];
	v3 =	vsel vm11, $0xFFFFFFFF, v3  }
0x354: {  	s24 =	sadd.s32 s20, s24;
	[tilespmem:$0x1FB50] =	vst v3;
	v3 =	vmax.f32 v7, v6  }
0x355: {  	s14 =	sadd.s32 $0x100, s24;
	vm0 =	vlt.f32 v3, v6;
	vm11 =	vgt.f32 v3, v6  }
0x356: {  	s24 =	sor.u32 $0x1000, s14;
	v4 =	vmax.f32 v4, v3;
	v6 =	vimm.s32 $0x0;
	vm0 =	vmor vm11, vm0  }
0x357: {  	v8 =	vld [tilespmem:s24+$0x0];
	vm1 =	vgt.f32 v4, v3;
	v6 =	vsel vm0, $0xFFFFFFFF, v6;
	vm0 =	vlt.f32 v4, v3  }
0x358: {  	s15 =	sor.u32 $0x1010, s14;
	v3 =	vimm.s32 $0x0;
	[tilespmem:$0x1FB60] =	vst v6;
	v6 =	vmax.f32 v9, v4;
	vm0 =	vmor vm1, vm0  }
0x359: {  	v5 =	vld [tilespmem:s15+$0x0];
	vm2 =	vlt.f32 v6, v4;
	vm11 =	vgt.f32 v6, v4;
	v3 =	vsel vm0, $0xFFFFFFFF, v3  }
0x35a: {  	[tilespmem:$0x1FB70] =	vst v3;
	vm11 =	vmor vm11, vm2;
	v3 =	vimm.s32 $0x0  }
0x35b: {  	s15 =	sor.u32 $0x1020, s14;
	v3 =	vsel vm11, $0xFFFFFFFF, v3  }
0x35c: {  	v7 =	vld [tilespmem:s15+$0x0];
	s15 =	sor.u32 $0x1030, s14;
	[tilespmem:$0x1FB80] =	vst v3;
	v3 =	vmax.f32 v8, v6  }
0x35d: {  	v4 =	vld [tilespmem:s15+$0x0];
	vm0 =	vlt.f32 v3, v6;
	vm11 =	vgt.f32 v3, v6  }
0x35e: {  	v5 =	vmax.f32 v5, v3;
	v6 =	vimm.s32 $0x0;
	vm0 =	vmor vm11, vm0  }
0x35f: {  	vm11 =	vgt.f32 v5, v3;
	v6 =	vsel vm0, $0xFFFFFFFF, v6;
	vm0 =	vlt.f32 v5, v3  }
0x360: {  	v3 =	vimm.s32 $0x0;
	vm0 =	vmor vm11, vm0  }
0x361: {  	v7 =	vmax.f32 v7, v5;
	v3 =	vsel vm0, $0xFFFFFFFF, v3  }
0x362: {  	s15 =	sor.u32 $0x1040, s14;
	v4 =	vmax.f32 v4, v7;
	[tilespmem:$0x1FBA0] =	vst v3;
	v3 =	vsel vm4, v12, v57  }
0x363: {  	[tilespmem:$0x1FB90] =	vst v6;
	v6 =	vld [tilespmem:s15+$0x0];
	vm11 =	vlt.f32 v7, v5;
	vm4 =	vgt.f32 v7, v5;
	v3 =	vsel vm5, v13, v3  }
0x364: {  	s15 =	sor.u32 $0x1050, s14;
	v5 =	vimm.s32 $0x0;
	vm0 =	vmor vm4, vm11;
	v3 =	vsel vm7, v63, v3  }
0x365: {  	v8 =	vld [tilespmem:s15+$0x0];
	vm5 =	vlt.f32 v4, v7;
	v3 =	vsel vm6, v62, v3;
	vm6 =	vgt.f32 v4, v7  }
0x366: {  	v9 =	vld [tilespmem:$0x1FA50];
	s15 =	sor.u32 $0x1060, s14;
	v5 =	vsel vm0, $0xFFFFFFFF, v5;
	v7 =	vimm.s32 $0x0;
	vm0 =	vmor vm6, vm5  }
0x367: {  	[tilespmem:$0x1FBB0] =	vst v5;
	v5 =	vld [tilespmem:s15+$0x0];
	s15 =	sor.u32 $0x1070, s14;
	v3 =	vsel vm8, v44, v3;
	v7 =	vsel vm0, $0xFFFFFFFF, v7  }
0x368: {  	v6 =	vmax.f32 v6, v4;
	v3 =	vsel vm10, v46, v3;
	[tilespmem:$0x1FBC0] =	vst v7;
	v7 =	vld [tilespmem:s15+$0x0]  }
0x369: {  	vm7 =	vlt.f32 v6, v4;
	v3 =	vsel vm9, v24, v3  }
0x36a: {  	vm8 =	vgt.f32 v6, v4;
	v4 =	vmax.f32 v8, v6;
	s15 =	sor.u32 $0x1400, s14;
	v3 =	vsel vm12, v48, v3  }
0x36b: {  	vm10 =	vgt.f32 v4, v6;
	vm9 =	vlt.f32 v4, v6;
	v8 =	vld [tilespmem:s15+$0x0];
	v3 =	vsel vm14, v23, v3  }
0x36c: {  	v5 =	vmax.f32 v5, v4;
	vm14 =	vnez.u8 v9;
	v9 =	vld [tilespmem:$0x1FA60];
	v3 =	vsel vm13, v59, v3  }
0x36d: {  	vm12 =	vlt.f32 v5, v4;
	vm13 =	vgt.f32 v5, v4;
	v4 =	vmax.f32 v7, v5;
	v7 =	vld [tilespmem:$0x1FF40]  }
0x36e: {  	v3 =	vsel vm15, v14, v3;
	vm15 =	vlt.f32 v4, v5;
	vm4 =	vgt.f32 v4, v5;
	v5 =	vld [tilespmem:$0x1FF50];
	_ =	sdelay $0x3  }
0x36f: {  	vm11 =	vmor vm8, vm7;
	s15 =	sor.u32 $0x1410, s14;
	vm5 =	vnez.u8 v9;
	v3 =	vsel vm14, v7, v3  }
0x370: {  	vm10 =	vmor vm10, vm9;
	v6 =	vld [tilespmem:s15+$0x0];
	v3 =	vsel vm5, v5, v3;
	v5 =	vmax.f32 v8, v4  }
0x371: {  	vm9 =	vmor vm13, vm12;
	vm7 =	vlt.f32 v5, v4;
	vm12 =	vgt.f32 v5, v4;
	v4 =	vld [tilespmem:$0x1FA80];
	_ =	sdelay $0x2  }
0x372: {  	s15 =	sor.u32 $0x1420, s14;
	v8 =	vld [tilespmem:$0x1FA70]  }
0x373: {  	v7 =	vld [tilespmem:s15+$0x0]  }
0x374: {  	vm13 =	vnez.u8 v4;
	v4 =	vmax.f32 v6, v5;
	v6 =	vld [tilespmem:$0x1FA90]  }
0x375: {  	vm8 =	vmor vm4, vm15;
	vm15 =	vlt.f32 v4, v5;
	vm4 =	vgt.f32 v4, v5;
	v5 =	vld [tilespmem:$0x1FAA0];
	_ =	sdelay $0x1  }
0x376: {  	vm6 =	vnez.u8 v8  }
0x377: {  	s15 =	sor.u32 $0x1430, s14;
	v3 =	vsel vm6, v25, v3  }
0x378: {  	v8 =	vld [tilespmem:s15+$0x0];
	v3 =	vsel vm13, v17, v3  }
0x379: {  	vm14 =	vnez.u8 v6;
	vm5 =	vnez.u8 v5;
	v5 =	vmax.f32 v7, v4;
	v7 =	vld [tilespmem:$0x1FAB0]  }
0x37a: {  	v3 =	vsel vm14, v27, v3;
	vm13 =	vlt.f32 v5, v4;
	vm14 =	vgt.f32 v5, v4;
	v4 =	vld [tilespmem:$0x1FAC0];
	_ =	sdelay $0x2  }
0x37b: {  	vm7 =	vmor vm12, vm7;
	s15 =	sor.u32 $0x1440, s14  }
0x37c: {  	vm6 =	vmor vm4, vm15;
	v6 =	vld [tilespmem:s15+$0x0];
	v3 =	vsel vm5, v19, v3;
	vm5 =	vmor vm14, vm13  }
0x37d: {  	vm12 =	vnez.u8 v7;
	vm15 =	vnez.u8 v4;
	v4 =	vmax.f32 v8, v5;
	v8 =	vld [tilespmem:$0x1FAD0]  }
0x37e: {  	v3 =	vsel vm12, v29, v3;
	vm12 =	vlt.f32 v4, v5;
	vm13 =	vgt.f32 v4, v5;
	v5 =	vld [tilespmem:$0x1FAE0];
	_ =	sdelay $0x3  }
0x37f: {  	v9 =	vld [tilespmem:$0x1FB00];
	v3 =	vsel vm15, v60, v3  }
0x380: {  	s15 =	sor.u32 $0x1450, s14;
	vm4 =	vnez.u8 v8;
	vm14 =	vnez.u8 v5;
	v5 =	vmax.f32 v6, v4;
	v6 =	vld [tilespmem:$0x1FAF0]  }
0x381: {  	v7 =	vld [tilespmem:s15+$0x0];
	v3 =	vsel vm4, v31, v3  }
0x382: {  	vm4 =	vmor vm13, vm12;
	vm12 =	vlt.f32 v5, v4;
	vm13 =	vgt.f32 v5, v4;
	v4 =	vld [tilespmem:$0x1FF20];
	_ =	sdelay $0x2  }
0x383: {  	v3 =	vsel vm14, v21, v3;
	vm15 =	vnez.u8 v6  }
0x384: {  	s15 =	sor.u32 $0x1460, s14;
	vm14 =	vnez.u8 v9;
	v9 =	vld [tilespmem:$0x1FB10];
	v3 =	vsel vm15, v33, v3  }
0x385: {  	v8 =	vld [tilespmem:s15+$0x0];
	v3 =	vsel vm14, v4, v3;
	v4 =	vmax.f32 v7, v5  }
0x386: {  	vm3 =	vmor vm13, vm12;
	vm12 =	vlt.f32 v4, v5;
	vm13 =	vgt.f32 v4, v5;
	v5 =	vld [tilespmem:$0x1FB20]  }
0x387: {  	s15 =	sor.u32 $0x1470, s14  }
0x388: {  	v6 =	vld [tilespmem:s15+$0x0]  }
0x389: {  	vm15 =	vnez.u8 v9;
	v9 =	vld [tilespmem:$0x1FB30]  }
0x38a: {  	v7 =	vld [tilespmem:$0x1FF60]  }
0x38b: {  	vm14 =	vnez.u8 v5;
	v5 =	vmax.f32 v8, v4;
	v8 =	vld [tilespmem:$0x1FF70]  }
0x38c: {  	vm2 =	vmor vm13, vm12;
	vm12 =	vlt.f32 v5, v4;
	vm13 =	vgt.f32 v5, v4;
	v4 =	vld [tilespmem:$0x1FB40];
	_ =	sdelay $0x2  }
0x38d: {  	s15 =	sor.u32 $0x1800, s14;
	v3 =	vsel vm15, v7, v3  }
0x38e: {  	v7 =	vld [tilespmem:s15+$0x0];
	vm15 =	vnez.u8 v9;
	v3 =	vsel vm14, v37, v3  }
0x38f: {  	v9 =	vld [tilespmem:$0x1FB50];
	v3 =	vsel vm15, v8, v3;
	vm14 =	vnez.u8 v4;
	v4 =	vmax.f32 v6, v5  }
0x390: {  	v3 =	vsel vm14, v39, v3;
	vm0 =	vlt.f32 v4, v5;
	vm14 =	vgt.f32 v4, v5;
	v5 =	vld [tilespmem:$0x1FB60]  }
0x391: {  	v6 =	vld [tilespmem:$0x1FF80]  }
0x392: {  	s15 =	sor.u32 $0x1810, s14  }
0x393: {  	v8 =	vld [tilespmem:s15+$0x0]  }
0x394: {  	vm1 =	vmor vm13, vm12;
	vm15 =	vnez.u8 v9;
	v9 =	vld [tilespmem:$0x1FB70]  }
0x395: {  	vm0 =	vmor vm14, vm0;
	vm12 =	vnez.u8 v5;
	v5 =	vmax.f32 v7, v4;
	v7 =	vld [tilespmem:$0x1FF90]  }
0x396: {  	v3 =	vsel vm15, v6, v3;
	vm14 =	vlt.f32 v5, v4;
	vm15 =	vgt.f32 v5, v4;
	v4 =	vld [tilespmem:$0x1FB80];
	_ =	sdelay $0x1  }
0x397: {  	s15 =	sor.u32 $0x1820, s14  }
0x398: {  	v6 =	vld [tilespmem:s15+$0x0]  }
0x399: {  	v3 =	vsel vm12, v41, v3;
	vm12 =	vnez.u8 v9;
	v9 =	vld [tilespmem:$0x1FB90]  }
0x39a: {  	v3 =	vsel vm12, v7, v3;
	vm12 =	vnez.u8 v4;
	v4 =	vmax.f32 v8, v5;
	v8 =	vld [tilespmem:$0x1FFB0]  }
0x39b: {  	vm14 =	vmor vm15, vm14;
	vm15 =	vlt.f32 v4, v5;
	vm13 =	vgt.f32 v4, v5;
	v5 =	vld [tilespmem:$0x1FBA0];
	_ =	sdelay $0x1  }
0x39c: {  	s15 =	sor.u32 $0x1830, s14  }
0x39d: {  	v7 =	vld [tilespmem:s15+$0x0]  }
0x39e: {  	v3 =	vsel vm12, v43, v3;
	vm12 =	vnez.u8 v9;
	v9 =	vld [tilespmem:$0x1FBB0]  }
0x39f: {  	v3 =	vsel vm12, v8, v3;
	vm12 =	vnez.u8 v5;
	v5 =	vmax.f32 v6, v4;
	v6 =	vld [tilespmem:$0x1FFD0];
	_ =	sdelay $0x2  }
0x3a0: {  	vm15 =	vmor vm13, vm15  }
0x3a1: {  	v3 =	vsel vm12, v45, v3;
	vm12 =	vnez.u8 v9;
	vm13 =	vlt.f32 v5, v4  }
0x3a2: {  	v3 =	vsel vm12, v6, v3;
	vm12 =	vgt.f32 v5, v4;
	v4 =	vmax.f32 v7, v5;
	v7 =	vld [tilespmem:$0x1FBC0];
	_ =	sdelay $0x4  }
0x3a3: {  	s15 =	sor.u32 $0x1840, s14;
	vm13 =	vmor vm12, vm13;
	vm12 =	vnez.u8 v7;
	v7 =	vld [tilespmem:$0x1FFF0]  }
0x3a4: {  	v8 =	vld [tilespmem:s15+$0x0]  }
0x3a5: {  	s15 =	sor.u32 $0x1850, s14  }
0x3a6: {  	v6 =	vld [tilespmem:s15+$0x0]  }
0x3a7: {  	s15 =	sor.u32 $0x1860, s14;
	v3 =	vsel vm12, v47, v3  }
0x3a8: {  	vm12 =	vlt.f32 v4, v5;
	v3 =	vsel vm11, v7, v3;
	vm11 =	vgt.f32 v4, v5;
	v5 =	vld [tilespmem:s15+$0x0]  }
0x3a9: {  	v7 =	vmax.f32 v8, v4;
	s15 =	sor.u32 $0x1870, s14;
	vm11 =	vmor vm11, vm12;
	v3 =	vsel vm10, v49, v3  }
0x3aa: {  	vm10 =	vlt.f32 v7, v4;
	vm12 =	vgt.f32 v7, v4;
	v4 =	vld [tilespmem:s15+$0x0];
	v3 =	vsel vm9, v50, v3  }
0x3ab: {  	v58 =	vld [tilespmem:$0x1FF30];
	v6 =	vmax.f32 v6, v7;
	s15 =	sor.u32 $0x1C00, s14;
	vm9 =	vmor vm12, vm10;
	v3 =	vsel vm8, v51, v3  }
0x3ac: {  	vm12 =	vgt.f32 v6, v7;
	vm8 =	vlt.f32 v6, v7;
	v7 =	vld [tilespmem:s15+$0x0];
	s15 =	sor.u32 $0x1C10, s14;
	v3 =	vsel vm7, v52, v3  }
0x3ad: {  	vm7 =	vmor vm12, vm8;
	v8 =	vld [tilespmem:s15+$0x0];
	s15 =	sor.u32 $0x1C20, s14;
	v5 =	vmax.f32 v5, v6;
	v3 =	vsel vm6, v53, v3  }
0x3ae: {  	vm6 =	vlt.f32 v5, v6;
	vm12 =	vgt.f32 v5, v6;
	v6 =	vld [tilespmem:s15+$0x0];
	s15 =	sor.u32 $0x1C30, s14;
	v3 =	vsel vm5, v54, v3  }
0x3af: {  	v4 =	vmax.f32 v4, v5;
	vm5 =	vmor vm12, vm6;
	v9 =	vld [tilespmem:s15+$0x0];
	v3 =	vsel vm4, v55, v3  }
0x3b0: {  	s15 =	sor.u32 $0x1C40, s14;
	vm10 =	vlt.f32 v4, v5;
	vm12 =	vgt.f32 v4, v5;
	v3 =	vsel vm3, v56, v3  }
0x3b1: {  	v5 =	vld [tilespmem:s15+$0x0];
	s15 =	sor.u32 $0x1C50, s14;
	vm3 =	vmor vm12, vm10;
	v7 =	vmax.f32 v7, v4;
	v3 =	vsel vm2, v58, v3;
	v58 =	vmovc v11  }
0x3b2: {  	v10 =	vld [tilespmem:s15+$0x0];
	s15 =	sor.u32 $0x1C60, s14;
	vm10 =	vlt.f32 v7, v4;
	v8 =	vmax.f32 v8, v7;
	v3 =	vsel vm1, v58, v3  }
0x3b3: {  	s14 =	sor.u32 $0x1C70, s14;
	vm12 =	vgt.f32 v7, v4;
	v11 =	vld [tilespmem:s15+$0x0];
	v4 =	vmax.f32 v6, v8;
	v3 =	vsel vm0, v28, v3  }
0x3b4: {  	v6 =	vld [tilespmem:s14+$0x0];
	vm0 =	vmor vm12, vm10;
	v9 =	vmax.f32 v9, v4;
	v3 =	vsel vm14, v18, v3  }
0x3b5: {  	vm14 =	vlt.f32 v8, v7;
	vm10 =	vlt.f32 v4, v8;
	v3 =	vsel vm15, v30, v3  }
0x3b6: {  	v5 =	vmax.f32 v5, v9;
	vm15 =	vgt.f32 v8, v7;
	v3 =	vsel vm13, v20, v3  }
0x3b7: {  	vm12 =	vlt.f32 v9, v4;
	v7 =	vmax.f32 v10, v5;
	v3 =	vsel vm11, v32, v3  }
0x3b8: {  	(xrf0) =	vmin.scan.msk.u32 $0xffff, v2;
	vm1 =	vmor vm15, vm14;
	v10 =	vmax.f32 v11, v7;
	v2 =	vsel vm9, v61, v3  }
0x3b9: {  	s24 =	sand.u32 $0x380, s0;
	vm13 =	vgt.f32 v9, v4;
	v6 =	vmax.f32 v6, v10;
	v2 =	vsel vm7, v34, v2  }
0x3ba: {  	s9 =	sor.u32 s24, s9;
	vm14 =	vlt.f32 v5, v9;
	vm11 =	vgt.f32 v4, v8;
	(xrf0) =	vmax.scan.msk.f32 $0xffff, v6;
	v2 =	vsel vm5, v22, v2  }
0x3bb: {  	vm15 =	vgt.f32 v5, v9;
	vm2 =	vmor vm11, vm10;
	v3 =	vld [tilespmem:s9+$0x0];
	v2 =	vsel vm3, v16, v2  }
0x3bc: {  	vm10 =	vlt.f32 v7, v5;
	vm11 =	vgt.f32 v7, v5;
	v5 =	vld [tilespmem:s9+$0x10];
	v2 =	vsel vm0, v35, v2  }
0x3bd: {  	vm8 =	vmor vm13, vm12;
	vm9 =	vmor vm15, vm14;
	v4 =	vsel vm1, v26, v2  }
0x3be: {  	vm12 =	vlt.f32 v10, v7;
	vm13 =	vgt.f32 v10, v7;
	v4 =	vsel vm2, v15, v4  }
0x3bf: {  	v8 =	vld [tilespmem:s9+$0x20];
	vm14 =	vlt.f32 v6, v10;
	vm15 =	vgt.f32 v6, v10;
	v2, _, _ =	vpop (xrf0);
	v4 =	vsel vm8, v36, v4  }
0x3c0: {  	v9 =	vld [tilespmem:s9+$0x30];
	vm0 =	vmor vm11, vm10;
	vm1 =	vmor vm13, vm12;
	v7, _, _ =	vpop (xrf0);
	v4 =	vsel vm9, v38, v4  }
0x3c1: {  	v10 =	vld [tilespmem:s9+$0x40];
	v5 =	vmax.f32 v5, v3;
	v7 =	vbroadcast v7, $0xF;
	v4 =	vsel vm0, v40, v4  }
0x3c2: {  	vm6 =	vmor vm15, vm14;
	vm8 =	vlt.f32 v5, v3;
	v4 =	vsel vm1, v42, v4  }
0x3c3: {  	vm9 =	vgt.f32 v5, v3;
	vm7 =	veq.f32 v6, v7;
	v4 =	vsel vm6, v0, v4;
	v6 =	vld [tilespmem:s9+$0x50]  }
0x3c4: {  	vm4 =	vmor vm9, vm8;
	v7 =	vld [tilespmem:s9+$0x60];
	v3 =	vnsel vm7, $0x80000400, v4;
	v4 =	vmax.f32 v8, v5  }
0x3c5: {  	v8 =	vld [tilespmem:s9+$0x70];
	vm10 =	vlt.f32 v4, v5;
	vm11 =	vgt.f32 v4, v5;
	v5 =	vmax.f32 v9, v4  }
0x3c6: {  	vm5 =	vmor vm11, vm10;
	vm12 =	vlt.f32 v5, v4;
	v9 =	vmax.f32 v10, v5  }
0x3c7: {  	vm13 =	vgt.f32 v5, v4;
	v4 =	vld [tilespmem:s9+$0x400];
	v10 =	vimm.s32 $0x0;
	vm14 =	vlt.f32 v9, v5  }
0x3c8: {  	vm15 =	vgt.f32 v9, v5;
	vm7 =	vmor vm13, vm12;
	v5 =	vmax.f32 v6, v9;
	v6 =	vld [tilespmem:s9+$0x410]  }
0x3c9: {  	vm9 =	vlt.f32 v5, v9;
	vm10 =	vgt.f32 v5, v9;
	v7 =	vmax.f32 v7, v5;
	v9 =	vld [tilespmem:s9+$0x420]  }
0x3ca: {  	vm6 =	vmor vm15, vm14;
	vm8 =	vmor vm10, vm9;
	v8 =	vmax.f32 v8, v7  }
0x3cb: {  	vm11 =	vlt.f32 v7, v5;
	vm12 =	vgt.f32 v7, v5;
	vm13 =	vlt.f32 v8, v7  }
0x3cc: {  	v5 =	vld [tilespmem:s9+$0x430];
	vm14 =	vgt.f32 v8, v7;
	vm10 =	vmor vm12, vm11;
	v4 =	vmax.f32 v4, v8  }
0x3cd: {  	vm15 =	vlt.f32 v4, v8;
	vm11 =	vgt.f32 v4, v8;
	v6 =	vmax.f32 v6, v4  }
0x3ce: {  	v7 =	vld [tilespmem:s9+$0x440];
	vm9 =	vmor vm14, vm13;
	vm15 =	vmor vm11, vm15;
	v9 =	vmax.f32 v9, v6  }
0x3cf: {  	v8 =	vld [tilespmem:s9+$0x450];
	vm12 =	vlt.f32 v6, v4;
	vm13 =	vgt.f32 v6, v4;
	vm14 =	vlt.f32 v9, v6  }
0x3d0: {  	vm11 =	vgt.f32 v9, v6;
	vm0 =	vmor vm13, vm12;
	v6 =	vimm.s32 $0x0  }
0x3d1: {  	v5 =	vmax.f32 v5, v9;
	v6 =	vsel vm0, $0xFFFFFFFF, v6;
	vm12 =	vmor vm11, vm14  }
0x3d2: {  	v4 =	vld [tilespmem:s9+$0x460];
	vm13 =	vlt.f32 v5, v9;
	vm14 =	vgt.f32 v5, v9;
	[tilespmem:$0x1FBD0] =	vst v6;
	v6 =	vimm.s32 $0x0  }
0x3d3: {  	v7 =	vmax.f32 v7, v5;
	vm0 =	vmor vm14, vm13;
	v6 =	vsel vm12, $0xFFFFFFFF, v6  }
0x3d4: {  	vm11 =	vlt.f32 v7, v5;
	v8 =	vmax.f32 v8, v7;
	v10 =	vsel vm0, $0xFFFFFFFF, v10;
	[tilespmem:$0x1FBE0] =	vst v6;
	v6 =	vld [tilespmem:s9+$0x470]  }
0x3d5: {  	v9 =	vld [tilespmem:s9+$0x800];
	vm12 =	vgt.f32 v7, v5;
	vm13 =	vlt.f32 v8, v7;
	vm14 =	vgt.f32 v8, v7  }
0x3d6: {  	v7 =	vimm.s32 $0x0;
	vm0 =	vmor vm12, vm11;
	vm11 =	vmor vm14, vm13  }
0x3d7: {  	v5 =	vld [tilespmem:s9+$0x810];
	[tilespmem:$0x1FBF0] =	vst v10;
	v4 =	vmax.f32 v4, v8;
	v10 =	vimm.s32 $0x0;
	v7 =	vsel vm0, $0xFFFFFFFF, v7  }
0x3d8: {  	vm12 =	vlt.f32 v4, v8;
	vm13 =	vgt.f32 v4, v8;
	[tilespmem:$0x1FC00] =	vst v7;
	v7 =	vimm.s32 $0x0  }
0x3d9: {  	vm0 =	vmor vm13, vm12;
	v7 =	vsel vm11, $0xFFFFFFFF, v7;
	v6 =	vmax.f32 v6, v4  }
0x3da: {  	v10 =	vsel vm0, $0xFFFFFFFF, v10;
	[tilespmem:$0x1FC10] =	vst v7;
	v7 =	vld [tilespmem:s9+$0x820];
	vm14 =	vlt.f32 v6, v4;
	v9 =	vmax.f32 v9, v6  }
0x3db: {  	v8 =	vld [tilespmem:s9+$0x830];
	vm11 =	vgt.f32 v6, v4;
	vm12 =	vlt.f32 v9, v6;
	vm13 =	vgt.f32 v9, v6  }
0x3dc: {  	vm0 =	vmor vm11, vm14;
	v6 =	vimm.s32 $0x0;
	v5 =	vmax.f32 v5, v9  }
0x3dd: {  	v4 =	vld [tilespmem:s9+$0x840];
	v6 =	vsel vm0, $0xFFFFFFFF, v6;
	vm14 =	vmor vm13, vm12;
	vm11 =	vlt.f32 v5, v9  }
0x3de: {  	vm12 =	vgt.f32 v5, v9;
	v9 =	vimm.s32 $0x0;
	[tilespmem:$0x1FC30] =	vst v6;
	v6 =	vimm.s32 $0x0  }
0x3df: {  	v7 =	vmax.f32 v7, v5;
	vm0 =	vmor vm12, vm11;
	v6 =	vsel vm14, $0xFFFFFFFF, v6  }
0x3e0: {  	v9 =	vsel vm0, $0xFFFFFFFF, v9;
	v8 =	vmax.f32 v8, v7;
	vm13 =	vlt.f32 v7, v5;
	[tilespmem:$0x1FC40] =	vst v6;
	v6 =	vld [tilespmem:s9+$0x850]  }
0x3e1: {  	vm14 =	vgt.f32 v7, v5;
	v5 =	vimm.s32 $0x0;
	vm11 =	vlt.f32 v8, v7  }
0x3e2: {  	[tilespmem:$0x1FC20] =	vst v10;
	v10 =	vld [tilespmem:s9+$0x860];
	vm12 =	vgt.f32 v8, v7;
	vm0 =	vmor vm14, vm13;
	v4 =	vmax.f32 v4, v8  }
0x3e3: {  	v5 =	vsel vm0, $0xFFFFFFFF, v5;
	vm13 =	vmor vm12, vm11;
	vm14 =	vlt.f32 v4, v8  }
0x3e4: {  	vm11 =	vgt.f32 v4, v8;
	v8 =	vimm.s32 $0x0;
	[tilespmem:$0x1FC60] =	vst v5;
	v5 =	vimm.s32 $0x0  }
0x3e5: {  	vm0 =	vmor vm11, vm14;
	v5 =	vsel vm13, $0xFFFFFFFF, v5;
	v6 =	vmax.f32 v6, v4  }
0x3e6: {  	[tilespmem:$0x1FC50] =	vst v9;
	v9 =	vld [tilespmem:s9+$0x870];
	v8 =	vsel vm0, $0xFFFFFFFF, v8;
	vm12 =	vlt.f32 v6, v4;
	vm13 =	vgt.f32 v6, v4  }
0x3e7: {  	[tilespmem:$0x1FC80] =	vst v8;
	v8 =	vmax.f32 v10, v6;
	v4 =	vimm.s32 $0x0;
	vm0 =	vmor vm13, vm12  }
0x3e8: {  	[tilespmem:$0x1FC70] =	vst v5;
	v5 =	vld [tilespmem:s9+$0xC00];
	vm14 =	vlt.f32 v8, v6;
	vm11 =	vgt.f32 v8, v6;
	v4 =	vsel vm0, $0xFFFFFFFF, v4  }
0x3e9: {  	v7 =	vld [tilespmem:s9+$0xC10];
	vm12 =	vmor vm11, vm14;
	[tilespmem:$0x1FC90] =	vst v4;
	v4 =	vimm.s32 $0x0  }
0x3ea: {  	v4 =	vsel vm12, $0xFFFFFFFF, v4  }
0x3eb: {  	[tilespmem:$0x1FCA0] =	vst v4;
	v4 =	vmax.f32 v9, v8  }
0x3ec: {  	vm13 =	vlt.f32 v4, v8;
	vm14 =	vgt.f32 v4, v8  }
0x3ed: {  	v5 =	vmax.f32 v5, v4;
	v8 =	vimm.s32 $0x0;
	vm0 =	vmor vm14, vm13  }
0x3ee: {  	v10 =	vld [tilespmem:s9+$0xC20];
	v7 =	vmax.f32 v7, v5;
	vm11 =	vlt.f32 v5, v4;
	vm12 =	vgt.f32 v5, v4  }
0x3ef: {  	v4 =	vimm.s32 $0x0;
	v8 =	vsel vm0, $0xFFFFFFFF, v8;
	vm0 =	vmor vm12, vm11  }
0x3f0: {  	v6 =	vld [tilespmem:s9+$0xC30];
	vm13 =	vlt.f32 v7, v5;
	vm14 =	vgt.f32 v7, v5;
	v4 =	vsel vm0, $0xFFFFFFFF, v4  }
0x3f1: {  	vm11 =	vmor vm14, vm13;
	[tilespmem:$0x1FCC0] =	vst v4;
	v4 =	vimm.s32 $0x0  }
0x3f2: {  	v9 =	vld [tilespmem:s9+$0xC40];
	v4 =	vsel vm11, $0xFFFFFFFF, v4  }
0x3f3: {  	[tilespmem:$0x1FCD0] =	vst v4;
	v4 =	vmax.f32 v10, v7  }
0x3f4: {  	vm12 =	vlt.f32 v4, v7;
	vm13 =	vgt.f32 v4, v7  }
0x3f5: {  	v6 =	vmax.f32 v6, v4;
	v7 =	vimm.s32 $0x0;
	vm0 =	vmor vm13, vm12  }
0x3f6: {  	[tilespmem:$0x1FCB0] =	vst v8;
	v8 =	vld [tilespmem:s9+$0xC50];
	vm14 =	vlt.f32 v6, v4;
	vm11 =	vgt.f32 v6, v4;
	v7 =	vsel vm0, $0xFFFFFFFF, v7  }
0x3f7: {  	v4 =	vimm.s32 $0x0;
	vm0 =	vmor vm11, vm14;
	[tilespmem:$0x1FCE0] =	vst v7;
	v7 =	vmax.f32 v9, v6  }
0x3f8: {  	v4 =	vsel vm0, $0xFFFFFFFF, v4;
	vm12 =	vlt.f32 v7, v6;
	vm13 =	vgt.f32 v7, v6  }
0x3f9: {  	v5 =	vld [tilespmem:s9+$0xC60];
	[tilespmem:$0x1FCF0] =	vst v4;
	v4 =	vimm.s32 $0x0;
	vm14 =	vmor vm13, vm12  }
0x3fa: {  	v10 =	vld [tilespmem:s9+$0xC70];
	v4 =	vsel vm14, $0xFFFFFFFF, v4  }
0x3fb: {  	[tilespmem:$0x1FD00] =	vst v4;
	v4 =	vmax.f32 v8, v7  }
0x3fc: {  	s9 =	sadd.s32 $0x180, s10;
	vm11 =	vlt.f32 v4, v7;
	vm12 =	vgt.f32 v4, v7  }
0x3fd: {  	s10 =	sor.u32 $0x1000, s9;
	v7 =	vimm.s32 $0x0;
	vm0 =	vmor vm12, vm11  }
0x3fe: {  	v9 =	vld [tilespmem:s10+$0x0];
	v5 =	vmax.f32 v5, v4;
	v7 =	vsel vm0, $0xFFFFFFFF, v7  }
0x3ff: {  	vm13 =	vlt.f32 v5, v4;
	[tilespmem:$0x1FD10] =	vst v7;
	v7 =	vmax.f32 v10, v5  }
0x400: {  	vm14 =	vgt.f32 v5, v4;
	vm2 =	vlt.f32 v7, v5;
	vm11 =	vgt.f32 v7, v5  }
0x401: {  	s14 =	sor.u32 $0x1010, s9;
	v4 =	vimm.s32 $0x0;
	vm14 =	vmor vm14, vm13;
	vm13 =	vmor vm11, vm2  }
0x402: {  	v6 =	vld [tilespmem:s14+$0x0];
	v4 =	vsel vm13, $0xFFFFFFFF, v4  }
0x403: {  	s15 =	sor.u32 $0x1020, s9;
	[tilespmem:$0x1FD20] =	vst v4;
	v4 =	vmax.f32 v9, v7  }
0x404: {  	v8 =	vld [tilespmem:s15+$0x0];
	vm11 =	vlt.f32 v4, v7;
	vm12 =	vgt.f32 v4, v7  }
0x405: {  	s24 =	sor.u32 $0x1030, s9;
	v5 =	vsel vm4, v12, v57;
	v7 =	vimm.s32 $0x0;
	vm0 =	vmor vm12, vm11  }
0x406: {  	s14 =	sor.u32 $0x1040, s9;
	v5 =	vsel vm5, v13, v5;
	v9 =	vld [tilespmem:s24+$0x0];
	v7 =	vsel vm0, $0xFFFFFFFF, v7  }
0x407: {  	v5 =	vsel vm7, v63, v5;
	v6 =	vmax.f32 v6, v4;
	[tilespmem:$0x1FD30] =	vst v7;
	v7 =	vld [tilespmem:s14+$0x0]  }
0x408: {  	vm13 =	vlt.f32 v6, v4;
	vm4 =	vgt.f32 v6, v4;
	v4 =	vsel vm6, v62, v5  }
0x409: {  	v5 =	vmax.f32 v8, v6;
	v4 =	vsel vm8, v44, v4  }
0x40a: {  	vm5 =	vlt.f32 v5, v6;
	v4 =	vsel vm10, v46, v4  }
0x40b: {  	s15 =	sor.u32 $0x1050, s9;
	vm6 =	vgt.f32 v5, v6;
	v6 =	vmax.f32 v9, v5;
	v4 =	vsel vm9, v24, v4  }
0x40c: {  	v8 =	vld [tilespmem:s15+$0x0];
	vm7 =	vlt.f32 v6, v5;
	vm8 =	vgt.f32 v6, v5;
	v5 =	vmax.f32 v7, v6  }
0x40d: {  	v4 =	vsel vm15, v48, v4;
	vm10 =	vlt.f32 v5, v6;
	vm15 =	vgt.f32 v5, v6;
	v6 =	vld [tilespmem:$0x1FBE0];
	_ =	sdelay $0x2  }
0x40e: {  	s24 =	sor.u32 $0x1060, s9;
	v7 =	vld [tilespmem:$0x1FBD0]  }
0x40f: {  	vm13 =	vmor vm4, vm13;
	v9 =	vld [tilespmem:s24+$0x0]  }
0x410: {  	vm12 =	vmor vm6, vm5;
	vm4 =	vnez.u8 v6;
	v6 =	vmax.f32 v8, v5;
	v8 =	vld [tilespmem:$0x1FBF0]  }
0x411: {  	vm11 =	vmor vm8, vm7;
	vm6 =	vlt.f32 v6, v5;
	vm7 =	vgt.f32 v6, v5;
	v5 =	vld [tilespmem:$0x1FC00];
	_ =	sdelay $0x1  }
0x412: {  	vm9 =	vnez.u8 v7  }
0x413: {  	s14 =	sor.u32 $0x1070, s9;
	v24 =	vld [tilespmem:$0x1FF40];
	v4 =	vsel vm9, v23, v4  }
0x414: {  	v7 =	vld [tilespmem:s14+$0x0];
	v4 =	vsel vm4, v59, v4  }
0x415: {  	vm5 =	vnez.u8 v8;
	vm8 =	vnez.u8 v5;
	v5 =	vmax.f32 v9, v6;
	v9 =	vld [tilespmem:$0x1FC10]  }
0x416: {  	v4 =	vsel vm5, v14, v4;
	vm4 =	vlt.f32 v5, v6;
	vm5 =	vgt.f32 v5, v6;
	v6 =	vld [tilespmem:$0x1FC20]  }
0x417: {  	v23 =	vld [tilespmem:$0x1FF50];
	_ =	sdelay $0x1  }
0x418: {  	s15 =	sor.u32 $0x1400, s9;
	vm10 =	vmor vm15, vm10  }
0x419: {  	vm9 =	vmor vm7, vm6;
	v8 =	vld [tilespmem:s15+$0x0];
	v4 =	vsel vm8, v24, v4;
	vm8 =	vmor vm5, vm4  }
0x41a: {  	vm15 =	vnez.u8 v9;
	vm6 =	vnez.u8 v6;
	v6 =	vmax.f32 v7, v5;
	v7 =	vld [tilespmem:$0x1FC30]  }
0x41b: {  	v4 =	vsel vm15, v23, v4;
	vm15 =	vlt.f32 v6, v5;
	vm4 =	vgt.f32 v6, v5;
	v5 =	vld [tilespmem:$0x1FC40];
	_ =	sdelay $0x3  }
0x41c: {  	v4 =	vsel vm6, v25, v4  }
0x41d: {  	s24 =	sor.u32 $0x1410, s9;
	vm7 =	vnez.u8 v7;
	vm5 =	vnez.u8 v5;
	v5 =	vmax.f32 v8, v6;
	v8 =	vld [tilespmem:$0x1FC50]  }
0x41e: {  	v9 =	vld [tilespmem:s24+$0x0];
	v4 =	vsel vm7, v17, v4  }
0x41f: {  	vm7 =	vmor vm4, vm15;
	vm15 =	vlt.f32 v5, v6;
	vm4 =	vgt.f32 v5, v6;
	v6 =	vld [tilespmem:$0x1FC60];
	_ =	sdelay $0x2  }
0x420: {  	s14 =	sor.u32 $0x1420, s9;
	v4 =	vsel vm5, v27, v4;
	vm6 =	vnez.u8 v8  }
0x421: {  	v7 =	vld [tilespmem:s14+$0x0];
	v4 =	vsel vm6, v19, v4  }
0x422: {  	vm6 =	vmor vm4, vm15;
	vm5 =	vnez.u8 v6;
	v6 =	vmax.f32 v9, v5;
	v9 =	vld [tilespmem:$0x1FC70]  }
0x423: {  	v4 =	vsel vm5, v29, v4;
	vm4 =	vlt.f32 v6, v5;
	vm5 =	vgt.f32 v6, v5;
	v5 =	vld [tilespmem:$0x1FC80];
	_ =	sdelay $0x3  }
0x424: {  	vm15 =	vnez.u8 v9  }
0x425: {  	v4 =	vsel vm15, v60, v4;
	vm15 =	vnez.u8 v5;
	v5 =	vmax.f32 v7, v6;
	v7 =	vld [tilespmem:$0x1FC90];
	_ =	sdelay $0x3  }
0x426: {  	s15 =	sor.u32 $0x1430, s9  }
0x427: {  	v8 =	vld [tilespmem:s15+$0x0];
	vm5 =	vmor vm5, vm4;
	v4 =	vsel vm15, v31, v4;
	vm4 =	vnez.u8 v7  }
0x428: {  	vm15 =	vlt.f32 v5, v6;
	v4 =	vsel vm4, v21, v4;
	vm4 =	vgt.f32 v5, v6;
	v6 =	vld [tilespmem:$0x1FCA0];
	_ =	sdelay $0x4  }
0x429: {  	vm4 =	vmor vm4, vm15;
	vm15 =	vnez.u8 v6;
	v6 =	vmax.f32 v8, v5;
	v8 =	vld [tilespmem:$0x1FCB0]  }
0x42a: {  	v13 =	vld [tilespmem:$0x1FF20];
	_ =	sdelay $0x2  }
0x42b: {  	s24 =	sor.u32 $0x1440, s9  }
0x42c: {  	v9 =	vld [tilespmem:s24+$0x0];
	v4 =	vsel vm15, v33, v4;
	vm15 =	vnez.u8 v8  }
0x42d: {  	vm0 =	vlt.f32 v6, v5;
	v4 =	vsel vm15, v13, v4;
	vm15 =	vgt.f32 v6, v5;
	v5 =	vld [tilespmem:$0x1FCC0];
	_ =	sdelay $0x3  }
0x42e: {  	v25 =	vld [tilespmem:$0x1FF60]  }
0x42f: {  	vm2 =	vmor vm15, vm0;
	vm15 =	vnez.u8 v5;
	v5 =	vmax.f32 v9, v6;
	v9 =	vld [tilespmem:$0x1FCD0];
	_ =	sdelay $0x3  }
0x430: {  	s14 =	sor.u32 $0x1450, s9  }
0x431: {  	v7 =	vld [tilespmem:s14+$0x0];
	v4 =	vsel vm15, v25, v4;
	vm15 =	vnez.u8 v9  }
0x432: {  	vm0 =	vlt.f32 v5, v6;
	v4 =	vsel vm15, v37, v4;
	vm15 =	vgt.f32 v5, v6;
	v6 =	vld [tilespmem:$0x1FCE0];
	_ =	sdelay $0x3  }
0x433: {  	v46 =	vld [tilespmem:$0x1FF70]  }
0x434: {  	vm3 =	vmor vm15, vm0;
	vm15 =	vnez.u8 v6;
	v6 =	vmax.f32 v7, v5;
	v7 =	vld [tilespmem:$0x1FCF0];
	_ =	sdelay $0x3  }
0x435: {  	s15 =	sor.u32 $0x1460, s9  }
0x436: {  	v8 =	vld [tilespmem:s15+$0x0];
	v4 =	vsel vm15, v46, v4;
	vm15 =	vnez.u8 v7  }
0x437: {  	vm0 =	vlt.f32 v6, v5;
	v4 =	vsel vm15, v39, v4;
	vm15 =	vgt.f32 v6, v5;
	v5 =	vld [tilespmem:$0x1FD00];
	_ =	sdelay $0x3  }
0x438: {  	v48 =	vld [tilespmem:$0x1FF80]  }
0x439: {  	s24 =	sor.u32 $0x1470, s9;
	vm0 =	vmor vm15, vm0;
	vm15 =	vnez.u8 v5;
	v5 =	vmax.f32 v8, v6;
	v8 =	vld [tilespmem:$0x1FD10]  }
0x43a: {  	v9 =	vld [tilespmem:s24+$0x0];
	_ =	sdelay $0x3  }
0x43b: {  	v37 =	vld [tilespmem:$0x1FF90];
	v4 =	vsel vm15, v48, v4;
	vm1 =	vlt.f32 v5, v6;
	vm15 =	vnez.u8 v8  }
0x43c: {  	s14 =	sor.u32 $0x1800, s9;
	v4 =	vsel vm15, v41, v4;
	vm15 =	vgt.f32 v5, v6;
	v6 =	vmax.f32 v9, v5;
	v9 =	vld [tilespmem:$0x1FD20]  }
0x43d: {  	v7 =	vld [tilespmem:s14+$0x0];
	_ =	sdelay $0x2  }
0x43e: {  	vm1 =	vmor vm15, vm1  }
0x43f: {  	v4 =	vsel vm14, v37, v4;
	vm15 =	vgt.f32 v6, v5;
	vm14 =	vnez.u8 v9  }
0x440: {  	v4 =	vsel vm14, v43, v4;
	vm14 =	vlt.f32 v6, v5;
	v5 =	vmax.f32 v7, v6;
	v7 =	vld [tilespmem:$0x1FD30]  }
0x441: {  	v41 =	vld [tilespmem:$0x1FFB0];
	_ =	sdelay $0x1  }
0x442: {  	s15 =	sor.u32 $0x1810, s9;
	v43 =	vld [tilespmem:$0x1FFD0]  }
0x443: {  	v8 =	vld [tilespmem:s15+$0x0]  }
0x444: {  	vm14 =	vmor vm15, vm14;
	vm15 =	vnez.u8 v7  }
0x445: {  	s24 =	sor.u32 $0x1820, s9;
	v4 =	vsel vm15, v41, v4  }
0x446: {  	s14 =	sor.u32 $0x1830, s9;
	v9 =	vld [tilespmem:s24+$0x0];
	v4 =	vsel vm13, v45, v4  }
0x447: {  	vm15 =	vlt.f32 v5, v6;
	vm13 =	vgt.f32 v5, v6;
	v6 =	vld [tilespmem:s14+$0x0];
	v4 =	vsel vm12, v43, v4  }
0x448: {  	s15 =	sor.u32 $0x1840, s9;
	v7 =	vmax.f32 v8, v5;
	v4 =	vsel vm11, v47, v4;
	v47 =	vld [tilespmem:$0x1FFF0]  }
0x449: {  	vm13 =	vmor vm13, vm15;
	vm12 =	vlt.f32 v7, v5;
	vm15 =	vgt.f32 v7, v5;
	v5 =	vld [tilespmem:s15+$0x0];
	_ =	sdelay $0x1  }
0x44a: {  	v8 =	vmax.f32 v9, v7  }
0x44b: {  	s24 =	sor.u32 $0x1850, s9;
	vm11 =	vmor vm15, vm12;
	vm12 =	vlt.f32 v8, v7  }
0x44c: {  	vm15 =	vgt.f32 v8, v7;
	v7 =	vld [tilespmem:s24+$0x0];
	v6 =	vmax.f32 v6, v8;
	v4 =	vsel vm10, v47, v4  }
0x44d: {  	s14 =	sor.u32 $0x1860, s9;
	v5 =	vmax.f32 v5, v6;
	v4 =	vsel vm9, v49, v4;
	vm9 =	vmor vm15, vm12  }
0x44e: {  	vm12 =	vlt.f32 v6, v8;
	vm15 =	vgt.f32 v6, v8;
	v8 =	vld [tilespmem:s14+$0x0];
	v4 =	vsel vm8, v50, v4  }
0x44f: {  	v10 =	vld [tilespmem:$0x1FF30];
	s15 =	sor.u32 $0x1870, s9;
	vm10 =	vlt.f32 v5, v6;
	v4 =	vsel vm7, v51, v4  }
0x450: {  	vm7 =	vmor vm15, vm12;
	vm12 =	vgt.f32 v5, v6;
	v6 =	vld [tilespmem:s15+$0x0];
	v4 =	vsel vm6, v52, v4  }
0x451: {  	s24 =	sor.u32 $0x1C00, s9;
	v7 =	vmax.f32 v7, v5;
	v4 =	vsel vm5, v53, v4  }
0x452: {  	vm15 =	vlt.f32 v7, v5;
	vm6 =	vgt.f32 v7, v5;
	v5 =	vld [tilespmem:s24+$0x0];
	v4 =	vsel vm4, v54, v4  }
0x453: {  	s14 =	sor.u32 $0x1C10, s9;
	v8 =	vmax.f32 v8, v7;
	v4 =	vsel vm2, v55, v4  }
0x454: {  	v9 =	vld [tilespmem:s14+$0x0];
	s15 =	sor.u32 $0x1C20, s9;
	vm5 =	vmor vm12, vm10;
	vm8 =	vlt.f32 v8, v7;
	v4 =	vsel vm3, v56, v4  }
0x455: {  	s24 =	sor.u32 $0x1C30, s9;
	vm10 =	vgt.f32 v8, v7;
	v7 =	vld [tilespmem:s15+$0x0];
	v6 =	vmax.f32 v6, v8;
	v4 =	vsel vm0, v10, v4  }
0x456: {  	s14 =	sor.u32 $0x1C40, s9;
	v10 =	vld [tilespmem:s24+$0x0];
	vm12 =	vlt.f32 v6, v8;
	v4 =	vsel vm1, v58, v4  }
0x457: {  	s15 =	sor.u32 $0x1C50, s9;
	v5 =	vmax.f32 v5, v6;
	v4 =	vsel vm14, v28, v4;
	vm14 =	vgt.f32 v6, v8;
	v8 =	vld [tilespmem:s14+$0x0]  }
0x458: {  	vm2 =	vmor vm6, vm15;
	v11 =	vld [tilespmem:s15+$0x0];
	vm0 =	vmor vm10, vm8;
	s24 =	sor.u32 $0x1C60, s9;
	vm15 =	vlt.f32 v5, v6  }
0x459: {  	s9 =	sor.u32 $0x1C70, s9;
	v9 =	vmax.f32 v9, v5;
	v12 =	vld [tilespmem:s24+$0x0];
	vm8 =	vgt.f32 v5, v6;
	v4 =	vsel vm13, v18, v4  }
0x45a: {  	vm3 =	vmor vm8, vm15;
	v6 =	vmax.f32 v7, v9;
	v7 =	vld [tilespmem:s9+$0x0];
	v4 =	vsel vm11, v30, v4  }
0x45b: {  	vm10 =	vgt.f32 v9, v5;
	v4 =	vsel vm9, v20, v4;
	v10 =	vmax.f32 v10, v6  }
0x45c: {  	vm9 =	vlt.f32 v9, v5;
	v4 =	vsel vm7, v32, v4;
	v5 =	vmax.f32 v8, v10  }
0x45d: {  	vm1 =	vmor vm14, vm12;
	v4 =	vsel vm5, v61, v4;
	v8 =	vmax.f32 v11, v5  }
0x45e: {  	vm11 =	vlt.f32 v6, v9;
	v4 =	vsel vm2, v34, v4;
	v11 =	vmax.f32 v12, v8  }
0x45f: {  	(xrf0) =	vmin.scan.msk.u32 $0xffff, v3;
	vm12 =	vgt.f32 v6, v9;
	v3 =	vsel vm0, v22, v4;
	v4 =	vmax.f32 v7, v11  }
0x460: {  	vm4 =	vmor vm10, vm9;
	vm13 =	vlt.f32 v10, v6;
	vm14 =	vgt.f32 v10, v6;
	(xrf0) =	vmax.scan.msk.f32 $0xffff, v4  }
0x461: {  	vm2 =	vmor vm12, vm11;
	vm15 =	vlt.f32 v5, v10;
	v3 =	vsel vm1, v16, v3  }
0x462: {  	vm8 =	vgt.f32 v5, v10;
	vm0 =	vmor vm14, vm13;
	v3 =	vsel vm3, v35, v3  }
0x463: {  	vm9 =	vlt.f32 v8, v5;
	vm10 =	vgt.f32 v8, v5;
	v3 =	vsel vm4, v26, v3  }
0x464: {  	vm1 =	vmor vm8, vm15;
	vm11 =	vlt.f32 v11, v8;
	v3 =	vsel vm2, v15, v3  }
0x465: {  	v5, _, _ =	vpop (xrf0);
	vm12 =	vgt.f32 v11, v8;
	vm13 =	vlt.f32 v4, v11;
	v3 =	vsel vm0, v36, v3  }
0x466: {  	vm14 =	vgt.f32 v4, v11;
	vm2 =	vmor vm10, vm9;
	v3 =	vsel vm1, v38, v3;
	v6, _, _ =	vpop (xrf0)  }
0x467: {  	vm0 =	vmor vm12, vm11;
	v3 =	vsel vm2, v40, v3;
	v6 =	vbroadcast v6, $0xF  }
0x468: {  	vm1 =	vmor vm14, vm13;
	v3 =	vsel vm0, v42, v3  }
0x469: {  	v3 =	vsel vm1, v0, v3;
	vm15 =	veq.f32 v4, v6  }
0x46a: {  	v3 =	vnsel vm15, $0x80000400, v3  }
0x46b: {  	(xrf0) =	vmin.scan.msk.u32 $0xffff, v3;
	_ =	sdelay $0x3  }
0x46c: {  	(v2sf) =	vpush v1, $0xF  }
0x46d: {  	(v2sf) =	vpush v2, $0xF  }
0x46e: {  	(v2sf) =	vpush v5, $0xF;
	v1, _, _ =	vpop (xrf0)  }
0x46f: {  	(v2sf) =	vpush v1, $0xF;
	_ =	sdelay $0x4  }
0x470: {  	s9 =	sadd.s32 s3, s30  }
0x471: {  	s14 =	sadd.s32 $0x4, s9  }
0x472: {  	s15 =	sadd.s32 $0x5, s9;
	v1 =	vmov s14  }
0x473: {  	s24 =	sadd.s32 $0x6, s9;
	v2 =	vmov s15;
	v1 =	vand.u32 $0xFFFFFFFC, v1  }
0x474: {  	v2 =	vand.u32 $0xFFFFFFFD, v2;
	v3 =	vmov s24;
	v1 =	vbroadcast v1, $0x0  }
0x475: {  	v2 =	vbroadcast v2, $0x0;
	v3 =	vand.u32 $0xFFFFFFFE, v3  }
0x476: {  	v3 =	vbroadcast v3, $0x0  }
0x477: {  	s3 =	sadd.s32 $0x4, s3;
	s9 =	sadd.s32 $0x7, s9;
	s14 =	spop (v2sf)  }
0x478: {  	p1 =	slt.u32 s3, $0xC;
	v4 =	vmov s9;
	s15 =	spop (v2sf);
	s10 =	sxor.u32 $0x80000000, s14  }
.Ltmp2:
0x479: {  	s24 =	spop (v2sf);
	v5 =	vmov s10;
	s14 =	sxor.u32 $0x80000000, s15;
	(pc) =	sbr.rel @p1 .LBB2_3-.Ltmp2, $4  }
0x47a: {  	s9 =	sxor.u32 $0x80000000, s24;
	[tilespmem:v1+s17+$0x0] =	vst.idx.msk $0x1, v5;
	v1 =	vmov s14;
	s15 =	spop (v2sf)  }
0x47b: {  	v49 =	vmov v50;
	v51 =	vmov v52;
	[tilespmem:v2+s17+$0x0] =	vst.idx.msk $0x1, v1;
	v1 =	vmov s9;
	s24 =	sxor.u32 $0x80000000, s15  }
0x47c: {  	p0 =	por !p0, !p0;
	s6 =	sadd.s32 $0x4, s6;
	v53 =	vmovc v54;
	v9 =	vmovc v56;
	v10 =	vld [tilespmem:$0x1FF30];
	v7 =	vmov v16;
	v35 =	vmov v57;
	[tilespmem:v3+s17+$0x0] =	vst.idx.msk $0x1, v1;
	v1 =	vmov s24  }
0x47d: {  	s19 =	sadd.s32 $0x2, s19;
	s20 =	sadd.s32 $0x1000, s20;
	s0 =	sadd.s32 $0x200, s0;
	v12 =	vld [tilespmem:$0x1FF10];
	v8 =	vmovc v55;
	v26 =	vmovc v15;
	v11 =	vmov v58;
	v36 =	vmov v38;
	v40 =	vmov v42;
	[tilespmem:v4+s17+$0x0] =	vst.idx.msk $0x1, v1  }
0x47e: {  	s3 =	sshll.u32 s31, $0xF;
	p0 =	seq.s32 s31, $0xF  }
0x47f: {  	s0 =	sadd.s32 @!p0 s3, s13  }
0x480: {  	s0 =	sshrl.u32 @!p0 s0, $0x3  }
0x481: {  	s6 =	simm.s32 @!p0 $0x0;
	s0 =	sadd.s32 @!p0 s1, s0  }
0x482: {  	[tilespmem:s6], [sflag:$0x1] =	stream.linear.gather @!p0 [hbm4b:s0+s6], $0x4000, $0x38;
	[tilespmem:$0x18200] =	vst v63  }
0x483: {  	s19 =	simm.s32 $0x180;
	s20 =	simm.s32 $0x0;
	_ =	swait.ge [sflag:s18], $0x4000  }
0x484: {  	p1 =	por $0x0, $0x0;
	s9 =	simm.s32 $0x0;
	[sflag:s18] =	ssyncset.done $0x0  }
0x485: {  	s0 =	simm.s32 $0xFFFFFFFC;
	s6 =	simm.s32 $0x0;
	[sflag:s18] =	ssyncadd.s32 $0xFFFFC000  }
.LBB2_5:
0x486: {  	s10 =	sand.u32 $0x2000, s6;
	s14 =	sadd.s32 $0xFFFFFE80, s19  }
0x487: {  	s14 =	sand.u32 $0x200, s14;
	s10 =	sor.u32 $0x4000, s10  }
0x488: {  	s14 =	sor.u32 s14, s10  }
0x489: {  	v1 =	vld [tilespmem:s14+$0x0]  }
0x48a: {  	v2 =	vld [tilespmem:s14+$0x10];
	_ =	sdelay $0x1  }
0x48b: {  	v3 =	vld [tilespmem:s14+$0x20]  }
0x48c: {  	v4 =	vld [tilespmem:s14+$0x30]  }
0x48d: {  	v5 =	vld [tilespmem:s14+$0x40]  }
0x48e: {  	v2 =	vmax.f32 v2, v1  }
0x48f: {  	v39 =	vimm.s32 $0x0;
	vm0 =	vlt.f32 v2, v1;
	vm1 =	vgt.f32 v2, v1;
	v1 =	vld [tilespmem:s14+$0x50]  }
0x490: {  	v40 =	vimm.s32 $0x0;
	v7 =	vimm.s32 $0x0;
	v6 =	vld [tilespmem:s14+$0x60];
	v3 =	vmax.f32 v3, v2  }
0x491: {  	v51 =	vld [tilespmem:s14+$0x70];
	vm6 =	vlt.f32 v3, v2;
	vm7 =	vgt.f32 v3, v2;
	v2 =	vmax.f32 v4, v3  }
0x492: {  	vm5 =	vmor vm7, vm6;
	vm8 =	vlt.f32 v2, v3;
	v5 =	vmax.f32 v5, v2  }
0x493: {  	vm9 =	vgt.f32 v2, v3;
	vm2 =	vlt.f32 v5, v2;
	vm3 =	vgt.f32 v5, v2;
	v2 =	vld [tilespmem:s14+$0x400]  }
0x494: {  	v3 =	vld [tilespmem:s14+$0x410];
	vm7 =	vmor vm9, vm8;
	vm6 =	vmor vm3, vm2;
	v1 =	vmax.f32 v1, v5  }
0x495: {  	vm10 =	vlt.f32 v1, v5;
	vm11 =	vgt.f32 v1, v5;
	v53 =	vmax.f32 v6, v1;
	v6 =	vld [tilespmem:s14+$0x420]  }
0x496: {  	vm8 =	vmor vm11, vm10;
	vm12 =	vlt.f32 v53, v1;
	v4 =	vmax.f32 v51, v53  }
0x497: {  	vm13 =	vgt.f32 v53, v1;
	v1 =	vld [tilespmem:s14+$0x430];
	vm14 =	vlt.f32 v4, v53;
	vm15 =	vgt.f32 v4, v53  }
0x498: {  	v36 =	vld [tilespmem:s14+$0x440];
	vm10 =	vmor vm13, vm12;
	v2 =	vmax.f32 v2, v4;
	vm9 =	vmor vm15, vm14  }
0x499: {  	v37 =	vld [tilespmem:s14+$0x450];
	vm12 =	vlt.f32 v2, v4;
	vm13 =	vgt.f32 v2, v4;
	v3 =	vmax.f32 v3, v2  }
0x49a: {  	vm12 =	vmor vm13, vm12;
	vm14 =	vlt.f32 v3, v2;
	v6 =	vmax.f32 v6, v3  }
0x49b: {  	vm15 =	vgt.f32 v3, v2;
	v2 =	vld [tilespmem:s14+$0x460];
	vm2 =	vlt.f32 v6, v3;
	vm11 =	vgt.f32 v6, v3  }
0x49c: {  	vm14 =	vmor vm15, vm14;
	v1 =	vmax.f32 v1, v6;
	vm13 =	vmor vm11, vm2  }
0x49d: {  	v3 =	vld [tilespmem:s14+$0x470];
	vm11 =	vlt.f32 v1, v6;
	vm15 =	vgt.f32 v1, v6;
	v5 =	vmax.f32 v36, v1  }
0x49e: {  	vm4 =	vmor vm1, vm0;
	v6 =	vld [tilespmem:s14+$0x800];
	vm15 =	vmor vm15, vm11;
	v4 =	vmax.f32 v37, v5  }
0x49f: {  	vm0 =	vlt.f32 v5, v1;
	vm1 =	vgt.f32 v5, v1;
	vm2 =	vlt.f32 v4, v5  }
0x4a0: {  	vm11 =	vgt.f32 v4, v5;
	vm0 =	vmor vm1, vm0;
	v2 =	vmax.f32 v2, v4  }
0x4a1: {  	v5 =	vsel vm0, $0xFFFFFFFF, v39;
	vm11 =	vmor vm11, vm2;
	vm0 =	vlt.f32 v2, v4  }
0x4a2: {  	v1 =	vld [tilespmem:s14+$0x810];
	[tilespmem:$0x1F170] =	vst v5;
	v5 =	vsel vm11, $0xFFFFFFFF, v40;
	vm11 =	vgt.f32 v2, v4;
	v3 =	vmax.f32 v3, v2  }
0x4a3: {  	vm0 =	vmor vm11, vm0;
	v6 =	vmax.f32 v6, v3;
	vm1 =	vgt.f32 v3, v2  }
0x4a4: {  	v41 =	vld [tilespmem:s14+$0x820];
	v7 =	vsel vm0, $0xFFFFFFFF, v7;
	vm0 =	vlt.f32 v3, v2;
	vm2 =	vlt.f32 v6, v3  }
0x4a5: {  	vm11 =	vgt.f32 v6, v3;
	v3 =	vimm.s32 $0x0;
	vm0 =	vmor vm1, vm0  }
0x4a6: {  	v43 =	vld [tilespmem:s14+$0x830];
	v3 =	vsel vm0, $0xFFFFFFFF, v3  }
0x4a7: {  	v1 =	vmax.f32 v1, v6;
	vm11 =	vmor vm11, vm2;
	[tilespmem:$0x1F1A0] =	vst v3;
	v3 =	vimm.s32 $0x0  }
0x4a8: {  	vm0 =	vlt.f32 v1, v6;
	v3 =	vsel vm11, $0xFFFFFFFF, v3;
	vm11 =	vgt.f32 v1, v6  }
0x4a9: {  	[tilespmem:$0x1F180] =	vst v5;
	v5 =	vmax.f32 v41, v1;
	v6 =	vimm.s32 $0x0;
	vm0 =	vmor vm11, vm0  }
0x4aa: {  	v2 =	vld [tilespmem:s14+$0x840];
	vm1 =	vgt.f32 v5, v1;
	v6 =	vsel vm0, $0xFFFFFFFF, v6;
	vm0 =	vlt.f32 v5, v1  }
0x4ab: {  	v4 =	vmax.f32 v43, v5;
	v1 =	vimm.s32 $0x0;
	vm0 =	vmor vm1, vm0  }
0x4ac: {  	vm2 =	vlt.f32 v4, v5;
	[tilespmem:$0x1F1B0] =	vst v3;
	v3 =	vld [tilespmem:s14+$0x850];
	vm11 =	vgt.f32 v4, v5;
	v1 =	vsel vm0, $0xFFFFFFFF, v1  }
0x4ad: {  	vm11 =	vmor vm11, vm2;
	[tilespmem:$0x1F1D0] =	vst v1;
	v1 =	vimm.s32 $0x0  }
0x4ae: {  	[tilespmem:$0x1F190] =	vst v7;
	v7 =	vld [tilespmem:s14+$0x860];
	v1 =	vsel vm11, $0xFFFFFFFF, v1  }
0x4af: {  	[tilespmem:$0x1F1E0] =	vst v1;
	v1 =	vmax.f32 v2, v4  }
0x4b0: {  	vm0 =	vlt.f32 v1, v4;
	vm11 =	vgt.f32 v1, v4  }
0x4b1: {  	v45 =	vimm.s32 $0x0;
	v3 =	vmax.f32 v3, v1;
	vm0 =	vmor vm11, vm0  }
0x4b2: {  	[tilespmem:$0x1F1C0] =	vst v6;
	v6 =	vld [tilespmem:s14+$0x870];
	vm1 =	vgt.f32 v3, v1;
	v4 =	vsel vm0, $0xFFFFFFFF, v45;
	vm0 =	vlt.f32 v3, v1  }
0x4b3: {  	v46 =	vmax.f32 v7, v3;
	v1 =	vimm.s32 $0x0;
	vm0 =	vmor vm1, vm0  }
0x4b4: {  	v2 =	vld [tilespmem:s14+$0xC00];
	vm2 =	vlt.f32 v46, v3;
	vm11 =	vgt.f32 v46, v3;
	v1 =	vsel vm0, $0xFFFFFFFF, v1  }
0x4b5: {  	vm11 =	vmor vm11, vm2;
	[tilespmem:$0x1F200] =	vst v1;
	v1 =	vimm.s32 $0x0  }
0x4b6: {  	v44 =	vld [tilespmem:s14+$0xC10];
	v1 =	vsel vm11, $0xFFFFFFFF, v1  }
0x4b7: {  	[tilespmem:$0x1F210] =	vst v1;
	v1 =	vmax.f32 v6, v46  }
0x4b8: {  	vm0 =	vlt.f32 v1, v46;
	vm11 =	vgt.f32 v1, v46  }
0x4b9: {  	v47 =	vimm.s32 $0x0;
	v2 =	vmax.f32 v2, v1;
	vm0 =	vmor vm11, vm0  }
0x4ba: {  	v7 =	vld [tilespmem:s14+$0xC20];
	[tilespmem:$0x1F1F0] =	vst v4;
	vm1 =	vgt.f32 v2, v1;
	v4 =	vsel vm0, $0xFFFFFFFF, v47;
	vm0 =	vlt.f32 v2, v1  }
0x4bb: {  	v48 =	vmax.f32 v44, v2;
	v1 =	vimm.s32 $0x0;
	vm0 =	vmor vm1, vm0  }
0x4bc: {  	v3 =	vld [tilespmem:s14+$0xC30];
	vm2 =	vlt.f32 v48, v2;
	vm11 =	vgt.f32 v48, v2;
	v1 =	vsel vm0, $0xFFFFFFFF, v1  }
0x4bd: {  	vm11 =	vmor vm11, vm2;
	[tilespmem:$0x1F230] =	vst v1;
	v1 =	vimm.s32 $0x0  }
0x4be: {  	v6 =	vld [tilespmem:s14+$0xC40];
	v1 =	vsel vm11, $0xFFFFFFFF, v1  }
0x4bf: {  	[tilespmem:$0x1F240] =	vst v1;
	v1 =	vmax.f32 v7, v48  }
0x4c0: {  	vm0 =	vlt.f32 v1, v48;
	vm11 =	vgt.f32 v1, v48  }
0x4c1: {  	v51 =	vimm.s32 $0x0;
	v3 =	vmax.f32 v3, v1;
	vm0 =	vmor vm11, vm0  }
0x4c2: {  	v49 =	vld [tilespmem:s14+$0xC50];
	[tilespmem:$0x1F220] =	vst v4;
	vm1 =	vgt.f32 v3, v1;
	v4 =	vsel vm0, $0xFFFFFFFF, v51;
	vm0 =	vlt.f32 v3, v1  }
0x4c3: {  	v53 =	vmax.f32 v6, v3;
	v1 =	vimm.s32 $0x0;
	vm0 =	vmor vm1, vm0  }
0x4c4: {  	v2 =	vld [tilespmem:s14+$0xC60];
	vm2 =	vlt.f32 v53, v3;
	vm11 =	vgt.f32 v53, v3;
	v1 =	vsel vm0, $0xFFFFFFFF, v1  }
0x4c5: {  	s24 =	simm.s32 $0x1;
	vm11 =	vmor vm11, vm2;
	[tilespmem:$0x1F260] =	vst v1;
	v1 =	vimm.s32 $0x0  }
0x4c6: {  	s24 =	simm.s32 @!p1 $0x0;
	v7 =	vld [tilespmem:s14+$0xC70];
	v1 =	vsel vm11, $0xFFFFFFFF, v1  }
0x4c7: {  	s24 =	sshll.u32 s24, $0x9;
	[tilespmem:$0x1F270] =	vst v1;
	v1 =	vmax.f32 v49, v53  }
0x4c8: {  	s14 =	sadd.s32 s24, s6;
	vm0 =	vlt.f32 v1, v53;
	vm11 =	vgt.f32 v1, v53  }
0x4c9: {  	v36 =	vimm.s32 $0x0;
	s24 =	sor.u32 $0x1000, s14;
	v2 =	vmax.f32 v2, v1;
	vm0 =	vmor vm11, vm0  }
0x4ca: {  	v6 =	vld [tilespmem:s24+$0x4000];
	[tilespmem:$0x1F250] =	vst v4;
	vm1 =	vgt.f32 v2, v1;
	v4 =	vsel vm0, $0xFFFFFFFF, v36;
	vm0 =	vlt.f32 v2, v1  }
0x4cb: {  	s15 =	sor.u32 $0x1010, s14;
	v37 =	vmax.f32 v7, v2;
	v1 =	vimm.s32 $0x0;
	vm0 =	vmor vm1, vm0  }
0x4cc: {  	v3 =	vld [tilespmem:s15+$0x4000];
	vm2 =	vlt.f32 v37, v2;
	vm11 =	vgt.f32 v37, v2;
	v1 =	vsel vm0, $0xFFFFFFFF, v1  }
0x4cd: {  	vm11 =	vmor vm11, vm2;
	[tilespmem:$0x1F290] =	vst v1;
	v1 =	vimm.s32 $0x0  }
0x4ce: {  	s15 =	sor.u32 $0x1020, s14;
	v1 =	vsel vm11, $0xFFFFFFFF, v1  }
0x4cf: {  	v39 =	vld [tilespmem:s15+$0x4000];
	s15 =	sor.u32 $0x1030, s14;
	[tilespmem:$0x1F2A0] =	vst v1;
	v1 =	vmax.f32 v6, v37  }
0x4d0: {  	v2 =	vld [tilespmem:s15+$0x4000];
	vm0 =	vlt.f32 v1, v37;
	vm11 =	vgt.f32 v1, v37  }
0x4d1: {  	v23 =	vmovc v63;
	v63 =	vmovc v62;
	v40 =	vimm.s32 $0x0;
	v62 =	vld [tilespmem:$0x1FE40];
	v3 =	vmax.f32 v3, v1;
	vm0 =	vmor vm11, vm0  }
0x4d2: {  	[tilespmem:$0x1F280] =	vst v4;
	vm11 =	vgt.f32 v3, v1;
	v4 =	vsel vm0, $0xFFFFFFFF, v40;
	vm0 =	vlt.f32 v3, v1  }
0x4d3: {  	v1 =	vimm.s32 $0x0;
	vm0 =	vmor vm11, vm0  }
0x4d4: {  	v5 =	vmax.f32 v39, v3;
	v1 =	vsel vm0, $0xFFFFFFFF, v1  }
0x4d5: {  	v25 =	vmovc v14;
	v14 =	vmov v59;
	v59 =	vld [tilespmem:$0x1FE60];
	v2 =	vmax.f32 v2, v5;
	[tilespmem:$0x1F2C0] =	vst v1;
	v1 =	vsel vm4, v12, v35  }
0x4d6: {  	v24 =	vld [tilespmem:$0x1FE50];
	vm11 =	vlt.f32 v5, v3;
	vm4 =	vgt.f32 v5, v3;
	v1 =	vsel vm5, v62, v1  }
0x4d7: {  	v44 =	vld [tilespmem:$0x1FFA0];
	s15 =	sor.u32 $0x1040, s14;
	v3 =	vimm.s32 $0x0;
	vm0 =	vmor vm4, vm11;
	v1 =	vsel vm7, v23, v1  }
0x4d8: {  	v41 =	vld [tilespmem:s15+$0x4000];
	s15 =	sor.u32 $0x1050, s14;
	vm5 =	vlt.f32 v2, v5;
	v1 =	vsel vm6, v63, v1;
	vm6 =	vgt.f32 v2, v5  }
0x4d9: {  	v46 =	vimm.s32 $0x0;
	v6 =	vld [tilespmem:s15+$0x4000];
	v3 =	vsel vm0, $0xFFFFFFFF, v3;
	vm0 =	vmor vm6, vm5  }
0x4da: {  	s15 =	sor.u32 $0x1060, s14;
	v5 =	vsel vm0, $0xFFFFFFFF, v46;
	v46 =	vld [tilespmem:$0x1FFC0]  }
0x4db: {  	[tilespmem:$0x1F2D0] =	vst v3;
	v3 =	vld [tilespmem:s15+$0x4000]  }
0x4dc: {  	v48 =	vld [tilespmem:$0x1FFE0]  }
0x4dd: {  	v7 =	vld [tilespmem:$0x1F170];
	[tilespmem:$0x1F2B0] =	vst v4;
	v4 =	vmax.f32 v41, v2;
	s15 =	sor.u32 $0x1070, s14  }
0x4de: {  	vm7 =	vlt.f32 v4, v2;
	v1 =	vsel vm8, v44, v1;
	v47 =	vld [tilespmem:s15+$0x4000]  }
0x4df: {  	vm8 =	vgt.f32 v4, v2;
	v2 =	vmax.f32 v6, v4;
	v1 =	vsel vm10, v46, v1  }
0x4e0: {  	v3 =	vmax.f32 v3, v2;
	v1 =	vsel vm9, v59, v1  }
0x4e1: {  	v51 =	vld [tilespmem:$0x1FF40];
	s15 =	sor.u32 $0x1400, s14;
	vm10 =	vgt.f32 v2, v4;
	vm9 =	vlt.f32 v2, v4;
	v1 =	vsel vm12, v48, v1  }
0x4e2: {  	v6 =	vld [tilespmem:s15+$0x4000];
	vm12 =	vlt.f32 v3, v2;
	v1 =	vsel vm14, v24, v1;
	vm14 =	vnez.u8 v7  }
0x4e3: {  	v7 =	vld [tilespmem:$0x1F180];
	v1 =	vsel vm13, v14, v1;
	vm13 =	vgt.f32 v3, v2;
	v2 =	vmax.f32 v47, v3  }
0x4e4: {  	v1 =	vsel vm15, v25, v1;
	vm15 =	vlt.f32 v2, v3;
	vm4 =	vgt.f32 v2, v3;
	v3 =	vld [tilespmem:$0x1FF50];
	_ =	sdelay $0x3  }
0x4e5: {  	v13 =	vmovc v22;
	v22 =	vmovc v34;
	vm11 =	vmor vm8, vm7;
	s15 =	sor.u32 $0x1410, s14;
	v1 =	vsel vm14, v51, v1;
	vm5 =	vnez.u8 v7  }
0x4e6: {  	v34 =	vmovc v33;
	v33 =	vmovc v21;
	v49 =	vld [tilespmem:s15+$0x4000];
	vm10 =	vmor vm10, vm9;
	v1 =	vsel vm5, v3, v1;
	v3 =	vmax.f32 v6, v2  }
0x4e7: {  	v21 =	vmovc v61;
	v61 =	vmovc v32;
	vm9 =	vmor vm13, vm12;
	vm7 =	vlt.f32 v3, v2;
	vm12 =	vgt.f32 v3, v2;
	v2 =	vld [tilespmem:$0x1F1A0]  }
0x4e8: {  	v32 =	vmovc v31;
	v31 =	vmovc v60;
	v60 =	vmov v20;
	v20 =	vmov v30;
	v30 =	vmov v29  }
0x4e9: {  	v29 =	vmovc v19;
	v19 =	vmovc v18;
	v18 =	vmov v28;
	v28 =	vmov v27;
	v27 =	vmov v17;
	v17 =	vld [tilespmem:$0x1FE70]  }
0x4ea: {  	v36 =	vld [tilespmem:$0x1F1B0]  }
0x4eb: {  	s15 =	sor.u32 $0x1420, s14;
	v6 =	vld [tilespmem:$0x1F190]  }
0x4ec: {  	v53 =	vld [tilespmem:s15+$0x4000];
	vm13 =	vnez.u8 v2;
	v2 =	vmax.f32 v49, v3  }
0x4ed: {  	vm8 =	vmor vm4, vm15;
	vm15 =	vlt.f32 v2, v3;
	vm4 =	vgt.f32 v2, v3;
	v3 =	vld [tilespmem:$0x1F1C0];
	_ =	sdelay $0x2  }
0x4ee: {  	vm6 =	vnez.u8 v6  }
0x4ef: {  	v39 =	vld [tilespmem:$0x1F1D0];
	s15 =	sor.u32 $0x1430, s14;
	vm14 =	vnez.u8 v36;
	v1 =	vsel vm6, v17, v1  }
0x4f0: {  	v6 =	vld [tilespmem:s15+$0x4000];
	v1 =	vsel vm13, v27, v1;
	vm5 =	vnez.u8 v3;
	v3 =	vmax.f32 v53, v2  }
0x4f1: {  	v1 =	vsel vm14, v28, v1;
	vm13 =	vlt.f32 v3, v2;
	vm14 =	vgt.f32 v3, v2;
	v2 =	vld [tilespmem:$0x1F1E0];
	_ =	sdelay $0x2  }
0x4f2: {  	vm7 =	vmor vm12, vm7;
	s15 =	sor.u32 $0x1440, s14  }
0x4f3: {  	vm12 =	vnez.u8 v39;
	v37 =	vld [tilespmem:s15+$0x4000];
	vm6 =	vmor vm4, vm15;
	v1 =	vsel vm5, v29, v1  }
0x4f4: {  	v1 =	vsel vm12, v30, v1;
	vm15 =	vnez.u8 v2;
	v2 =	vmax.f32 v6, v3;
	v6 =	vld [tilespmem:$0x1F1F0]  }
0x4f5: {  	vm5 =	vmor vm14, vm13;
	vm12 =	vlt.f32 v2, v3;
	vm13 =	vgt.f32 v2, v3;
	v3 =	vld [tilespmem:$0x1F200];
	_ =	sdelay $0x2  }
0x4f6: {  	v41 =	vld [tilespmem:$0x1F210]  }
0x4f7: {  	v7 =	vld [tilespmem:$0x1F220];
	s15 =	sor.u32 $0x1450, s14;
	v1 =	vsel vm15, v31, v1;
	vm4 =	vnez.u8 v6  }
0x4f8: {  	v40 =	vld [tilespmem:s15+$0x4000];
	v1 =	vsel vm4, v32, v1;
	vm14 =	vnez.u8 v3;
	v3 =	vmax.f32 v37, v2  }
0x4f9: {  	vm4 =	vmor vm13, vm12;
	vm12 =	vlt.f32 v3, v2;
	vm13 =	vgt.f32 v3, v2;
	v2 =	vld [tilespmem:$0x1FF20];
	_ =	sdelay $0x2  }
0x4fa: {  	s15 =	sor.u32 $0x1460, s14;
	vm15 =	vnez.u8 v41;
	v1 =	vsel vm14, v33, v1  }
0x4fb: {  	v6 =	vld [tilespmem:s15+$0x4000];
	vm14 =	vnez.u8 v7;
	v1 =	vsel vm15, v34, v1  }
0x4fc: {  	v7 =	vld [tilespmem:$0x1F230];
	v1 =	vsel vm14, v2, v1;
	v2 =	vmax.f32 v40, v3  }
0x4fd: {  	vm3 =	vmor vm13, vm12;
	vm12 =	vlt.f32 v2, v3;
	vm13 =	vgt.f32 v2, v3;
	v3 =	vld [tilespmem:$0x1F240]  }
0x4fe: {  	v45 =	vld [tilespmem:$0x1FF60];
	s15 =	sor.u32 $0x1470, s14  }
0x4ff: {  	v43 =	vld [tilespmem:s15+$0x4000]  }
0x500: {  	v37 =	vld [tilespmem:$0x1FE80]  }
0x501: {  	vm15 =	vnez.u8 v7;
	v7 =	vld [tilespmem:$0x1F250]  }
0x502: {  	vm14 =	vnez.u8 v3;
	v3 =	vmax.f32 v6, v2;
	v6 =	vld [tilespmem:$0x1FF70]  }
0x503: {  	vm2 =	vmor vm13, vm12;
	vm12 =	vlt.f32 v3, v2;
	vm13 =	vgt.f32 v3, v2;
	v2 =	vld [tilespmem:$0x1F260]  }
0x504: {  	v39 =	vld [tilespmem:$0x1FE90];
	_ =	sdelay $0x1  }
0x505: {  	v49 =	vld [tilespmem:$0x1FF80];
	s15 =	sor.u32 $0x1800, s14;
	v1 =	vsel vm15, v45, v1  }
0x506: {  	v47 =	vld [tilespmem:s15+$0x4000];
	vm15 =	vnez.u8 v7;
	v1 =	vsel vm14, v37, v1  }
0x507: {  	v7 =	vld [tilespmem:$0x1F270];
	v1 =	vsel vm15, v6, v1;
	vm14 =	vnez.u8 v2;
	v2 =	vmax.f32 v43, v3  }
0x508: {  	v1 =	vsel vm14, v39, v1;
	vm0 =	vlt.f32 v2, v3;
	vm14 =	vgt.f32 v2, v3;
	v3 =	vld [tilespmem:$0x1F280];
	_ =	sdelay $0x1  }
0x509: {  	v53 =	vld [tilespmem:$0x1FF90]  }
0x50a: {  	v41 =	vld [tilespmem:$0x1FEA0];
	s15 =	sor.u32 $0x1810, s14  }
0x50b: {  	vm1 =	vmor vm13, vm12;
	v6 =	vld [tilespmem:s15+$0x4000];
	vm15 =	vnez.u8 v7  }
0x50c: {  	v7 =	vld [tilespmem:$0x1F290];
	v1 =	vsel vm15, v49, v1;
	vm12 =	vnez.u8 v3;
	v3 =	vmax.f32 v47, v2  }
0x50d: {  	vm0 =	vmor vm14, vm0;
	vm14 =	vlt.f32 v3, v2;
	vm15 =	vgt.f32 v3, v2;
	v2 =	vld [tilespmem:$0x1F2A0]  }
0x50e: {  	s15 =	sor.u32 $0x1820, s14  }
0x50f: {  	v51 =	vld [tilespmem:s15+$0x4000]  }
0x510: {  	v43 =	vld [tilespmem:$0x1FEB0]  }
0x511: {  	v1 =	vsel vm12, v41, v1;
	vm12 =	vnez.u8 v7;
	v7 =	vld [tilespmem:$0x1F2B0]  }
0x512: {  	v1 =	vsel vm12, v53, v1;
	vm12 =	vnez.u8 v2;
	v2 =	vmax.f32 v6, v3;
	v6 =	vld [tilespmem:$0x1FFB0]  }
0x513: {  	vm14 =	vmor vm15, vm14;
	vm15 =	vlt.f32 v2, v3;
	vm13 =	vgt.f32 v2, v3;
	v3 =	vld [tilespmem:$0x1F2C0]  }
0x514: {  	v36 =	vld [tilespmem:$0x1FFD0]  }
0x515: {  	v45 =	vld [tilespmem:$0x1FEC0]  }
0x516: {  	s15 =	sor.u32 $0x1830, s14;
	v1 =	vsel vm12, v43, v1;
	vm12 =	vnez.u8 v7;
	v7 =	vld [tilespmem:$0x1F2D0]  }
0x517: {  	[tilespmem:$0x1F2E0] =	vst v5;
	v35 =	vld [tilespmem:s15+$0x4000]  }
0x518: {  	v1 =	vsel vm12, v6, v1;
	vm12 =	vnez.u8 v3;
	v3 =	vmax.f32 v51, v2;
	v51 =	vld [tilespmem:$0x1F2E0]  }
0x519: {  	v47 =	vld [tilespmem:$0x1FED0]  }
0x51a: {  	s15 =	sor.u32 $0x1840, s14;
	v53 =	vld [tilespmem:$0x1FFF0]  }
0x51b: {  	vm15 =	vmor vm13, vm15;
	v6 =	vld [tilespmem:s15+$0x4000];
	v1 =	vsel vm12, v45, v1;
	vm12 =	vnez.u8 v7  }
0x51c: {  	v49 =	vld [tilespmem:$0x1FEE0];
	s15 =	sor.u32 $0x1850, s14;
	vm13 =	vlt.f32 v3, v2;
	v1 =	vsel vm12, v36, v1;
	vm12 =	vgt.f32 v3, v2  }
0x51d: {  	v40 =	vld [tilespmem:s15+$0x4000];
	vm13 =	vmor vm12, vm13;
	vm12 =	vnez.u8 v51  }
0x51e: {  	s15 =	sor.u32 $0x1860, s14;
	v2 =	vmax.f32 v35, v3;
	v51 =	vld [tilespmem:$0x1FEF0];
	v1 =	vsel vm12, v47, v1  }
0x51f: {  	vm12 =	vlt.f32 v2, v3;
	v1 =	vsel vm11, v53, v1;
	vm11 =	vgt.f32 v2, v3;
	v3 =	vld [tilespmem:s15+$0x4000]  }
0x520: {  	v35 =	vmax.f32 v6, v2;
	s15 =	sor.u32 $0x1870, s14;
	v53 =	vld [tilespmem:$0x1FF00];
	vm11 =	vmor vm11, vm12  }
0x521: {  	v1 =	vsel vm10, v49, v1;
	vm10 =	vlt.f32 v35, v2;
	vm12 =	vgt.f32 v35, v2;
	v2 =	vld [tilespmem:s15+$0x4000]  }
0x522: {  	v4 =	vmax.f32 v40, v35;
	s15 =	sor.u32 $0x1C00, s14;
	v1 =	vsel vm9, v50, v1;
	vm9 =	vmor vm12, vm10  }
0x523: {  	vm12 =	vgt.f32 v4, v35;
	v36 =	vld [tilespmem:s15+$0x4000];
	s15 =	sor.u32 $0x1C10, s14;
	v1 =	vsel vm8, v51, v1;
	vm8 =	vlt.f32 v4, v35  }
0x524: {  	v6 =	vld [tilespmem:s15+$0x4000];
	s15 =	sor.u32 $0x1C20, s14;
	v1 =	vsel vm7, v52, v1;
	vm7 =	vmor vm12, vm8;
	v3 =	vmax.f32 v3, v4  }
0x525: {  	v40 =	vld [tilespmem:s15+$0x4000];
	s15 =	sor.u32 $0x1C30, s14;
	v1 =	vsel vm6, v53, v1;
	vm6 =	vlt.f32 v3, v4;
	vm12 =	vgt.f32 v3, v4  }
0x526: {  	v7 =	vld [tilespmem:s15+$0x4000];
	v1 =	vsel vm5, v54, v1;
	v2 =	vmax.f32 v2, v3;
	vm5 =	vmor vm12, vm6  }
0x527: {  	s15 =	sor.u32 $0x1C40, s14;
	v1 =	vsel vm4, v8, v1;
	vm10 =	vlt.f32 v2, v3;
	vm12 =	vgt.f32 v2, v3  }
0x528: {  	v3 =	vld [tilespmem:s15+$0x4000];
	s15 =	sor.u32 $0x1C50, s14;
	v5 =	vmax.f32 v36, v2;
	v1 =	vsel vm3, v9, v1;
	vm3 =	vmor vm12, vm10  }
0x529: {  	v8 =	vld [tilespmem:s15+$0x4000];
	s15 =	sor.u32 $0x1C60, s14;
	vm10 =	vlt.f32 v5, v2;
	v6 =	vmax.f32 v6, v5;
	v1 =	vsel vm2, v10, v1  }
0x52a: {  	vm12 =	vgt.f32 v5, v2;
	v9 =	vld [tilespmem:s15+$0x4000];
	v2 =	vmax.f32 v40, v6;
	v1 =	vsel vm1, v11, v1  }
0x52b: {  	s14 =	sor.u32 $0x1C70, s14;
	v7 =	vmax.f32 v7, v2;
	v1 =	vsel vm0, v18, v1;
	vm0 =	vmor vm12, vm10  }
0x52c: {  	v35 =	vld [tilespmem:s14+$0x4000];
	vm10 =	vlt.f32 v2, v6;
	vm12 =	vlt.f32 v7, v2;
	v1 =	vsel vm14, v19, v1  }
0x52d: {  	vm14 =	vlt.f32 v6, v5;
	v3 =	vmax.f32 v3, v7;
	v1 =	vsel vm15, v20, v1  }
0x52e: {  	vm15 =	vgt.f32 v6, v5;
	v36 =	vmax.f32 v8, v3;
	v1 =	vsel vm13, v60, v1  }
0x52f: {  	s24 =	sadd.s32 $0xFFFFFF00, s19;
	v8 =	vmax.f32 v9, v36;
	vm1 =	vmor vm15, vm14;
	vm13 =	vgt.f32 v7, v2  }
0x530: {  	v26 =	vld [tilespmem:$0x1FDE0];
	s14 =	sand.u32 $0x280, s24;
	vm14 =	vlt.f32 v3, v7;
	vm15 =	vgt.f32 v3, v7;
	v1 =	vsel vm11, v61, v1  }
0x531: {  	s24 =	sor.u32 s14, s10;
	vm11 =	vgt.f32 v2, v6;
	v4 =	vmax.f32 v35, v8;
	v35 =	vld [tilespmem:$0x1FDC0];
	v1 =	vsel vm9, v21, v1  }
0x532: {  	v2 =	vld [tilespmem:s24+$0x0];
	vm2 =	vmor vm11, vm10;
	(xrf0) =	vmax.scan.msk.f32 $0xffff, v4;
	vm9 =	vmor vm13, vm12;
	vm10 =	vmor vm15, vm14  }
0x533: {  	vm11 =	vlt.f32 v36, v3;
	vm12 =	vgt.f32 v36, v3;
	v3 =	vld [tilespmem:s24+$0x10];
	v1 =	vsel vm7, v22, v1  }
0x534: {  	vm13 =	vlt.f32 v8, v36;
	vm14 =	vgt.f32 v8, v36;
	v36 =	vld [tilespmem:$0x1FE00];
	v1 =	vsel vm5, v13, v1  }
0x535: {  	v1 =	vsel vm3, v16, v1  }
0x536: {  	v6 =	vld [tilespmem:s24+$0x20];
	vm15 =	vlt.f32 v4, v8;
	vm6 =	vgt.f32 v4, v8;
	v1 =	vsel vm0, v35, v1  }
0x537: {  	v7 =	vld [tilespmem:s24+$0x30];
	vm7 =	vmor vm6, vm15;
	v1 =	vsel vm1, v26, v1  }
0x538: {  	v8 =	vld [tilespmem:s24+$0x40];
	vm0 =	vmor vm12, vm11;
	vm1 =	vmor vm14, vm13;
	v1 =	vsel vm2, v15, v1;
	v40, _, _ =	vpop (xrf0)  }
0x539: {  	v3 =	vmax.f32 v3, v2;
	v1 =	vsel vm9, v36, v1;
	v5 =	vbroadcast v40, $0xF;
	v40 =	vld [tilespmem:$0x1FE20]  }
0x53a: {  	vm9 =	vlt.f32 v3, v2;
	v1 =	vsel vm10, v38, v1;
	vm10 =	vgt.f32 v3, v2  }
0x53b: {  	v2 =	vld [tilespmem:s24+$0x50];
	vm8 =	veq.f32 v4, v5;
	vm4 =	vmor vm10, vm9;
	v4 =	vmax.f32 v6, v3  }
0x53c: {  	v5 =	vld [tilespmem:s24+$0x60];
	vm11 =	vlt.f32 v4, v3;
	vm12 =	vgt.f32 v4, v3;
	v3 =	vmax.f32 v7, v4  }
0x53d: {  	v6 =	vld [tilespmem:s24+$0x70];
	vm5 =	vmor vm12, vm11;
	vm13 =	vlt.f32 v3, v4;
	v7 =	vmax.f32 v8, v3  }
0x53e: {  	v1 =	vsel vm0, v40, v1;
	vm15 =	vlt.f32 v7, v3;
	vm9 =	vgt.f32 v7, v3  }
0x53f: {  	vm14 =	vgt.f32 v3, v4;
	v3 =	vld [tilespmem:s24+$0x400];
	v1 =	vsel vm1, v42, v1;
	vm6 =	vmor vm9, vm15  }
0x540: {  	v4 =	vld [tilespmem:s24+$0x410];
	v2 =	vmax.f32 v2, v7;
	v1 =	vsel vm7, v0, v1;
	vm7 =	vmor vm14, vm13  }
0x541: {  	vm10 =	vlt.f32 v2, v7;
	vm11 =	vgt.f32 v2, v7;
	v5 =	vmax.f32 v5, v2;
	v7 =	vld [tilespmem:s24+$0x420]  }
0x542: {  	v1 =	vnsel vm8, $0x80000400, v1;
	vm8 =	vmor vm11, vm10;
	v6 =	vmax.f32 v6, v5  }
0x543: {  	vm12 =	vlt.f32 v5, v2;
	vm13 =	vgt.f32 v5, v2;
	v2 =	vld [tilespmem:s24+$0x430];
	vm14 =	vlt.f32 v6, v5  }
0x544: {  	vm15 =	vgt.f32 v6, v5;
	vm10 =	vmor vm13, vm12;
	v5 =	vld [tilespmem:s24+$0x440];
	v3 =	vmax.f32 v3, v6  }
0x545: {  	vm12 =	vlt.f32 v3, v6;
	vm13 =	vgt.f32 v3, v6;
	v4 =	vmax.f32 v4, v3  }
0x546: {  	vm9 =	vmor vm15, vm14;
	v6 =	vld [tilespmem:s24+$0x450];
	vm12 =	vmor vm13, vm12;
	v7 =	vmax.f32 v7, v4  }
0x547: {  	vm14 =	vlt.f32 v4, v3;
	vm15 =	vgt.f32 v4, v3;
	vm2 =	vlt.f32 v7, v4  }
0x548: {  	v3 =	vld [tilespmem:s24+$0x460];
	vm11 =	vgt.f32 v7, v4;
	vm14 =	vmor vm15, vm14;
	v2 =	vmax.f32 v2, v7  }
0x549: {  	vm13 =	vmor vm11, vm2;
	vm11 =	vlt.f32 v2, v7;
	v5 =	vmax.f32 v5, v2  }
0x54a: {  	v4 =	vld [tilespmem:s24+$0x470];
	vm15 =	vgt.f32 v2, v7;
	vm0 =	vlt.f32 v5, v2;
	vm1 =	vgt.f32 v5, v2  }
0x54b: {  	v7 =	vld [tilespmem:s24+$0x800];
	vm15 =	vmor vm15, vm11;
	v6 =	vmax.f32 v6, v5;
	vm0 =	vmor vm1, vm0  }
0x54c: {  	vm2 =	vlt.f32 v6, v5;
	vm11 =	vgt.f32 v6, v5;
	v5 =	vimm.s32 $0x0  }
0x54d: {  	v8 =	vimm.s32 $0x0;
	v3 =	vmax.f32 v3, v6;
	v5 =	vsel vm0, $0xFFFFFFFF, v5  }
0x54e: {  	vm11 =	vmor vm11, vm2;
	vm0 =	vlt.f32 v3, v6;
	[tilespmem:$0x1F2F0] =	vst v5;
	v5 =	vimm.s32 $0x0  }
0x54f: {  	v2 =	vld [tilespmem:s24+$0x810];
	v4 =	vmax.f32 v4, v3;
	v5 =	vsel vm11, $0xFFFFFFFF, v5;
	vm11 =	vgt.f32 v3, v6  }
0x550: {  	v7 =	vmax.f32 v7, v4;
	vm1 =	vgt.f32 v4, v3;
	vm0 =	vmor vm11, vm0  }
0x551: {  	vm2 =	vlt.f32 v7, v4;
	[tilespmem:$0x1F300] =	vst v5;
	v5 =	vld [tilespmem:s24+$0x820];
	v8 =	vsel vm0, $0xFFFFFFFF, v8;
	vm0 =	vlt.f32 v4, v3  }
0x552: {  	vm11 =	vgt.f32 v7, v4;
	v4 =	vimm.s32 $0x0;
	vm0 =	vmor vm1, vm0  }
0x553: {  	v6 =	vld [tilespmem:s24+$0x830];
	v4 =	vsel vm0, $0xFFFFFFFF, v4  }
0x554: {  	v2 =	vmax.f32 v2, v7;
	vm11 =	vmor vm11, vm2;
	[tilespmem:$0x1F320] =	vst v4;
	v4 =	vimm.s32 $0x0  }
0x555: {  	vm0 =	vlt.f32 v2, v7;
	v4 =	vsel vm11, $0xFFFFFFFF, v4;
	vm11 =	vgt.f32 v2, v7  }
0x556: {  	v5 =	vmax.f32 v5, v2;
	v7 =	vimm.s32 $0x0;
	vm0 =	vmor vm11, vm0  }
0x557: {  	v3 =	vld [tilespmem:s24+$0x840];
	vm1 =	vgt.f32 v5, v2;
	v7 =	vsel vm0, $0xFFFFFFFF, v7;
	vm0 =	vlt.f32 v5, v2  }
0x558: {  	v6 =	vmax.f32 v6, v5;
	v2 =	vimm.s32 $0x0;
	vm0 =	vmor vm1, vm0  }
0x559: {  	[tilespmem:$0x1F330] =	vst v4;
	v4 =	vld [tilespmem:s24+$0x850];
	vm2 =	vlt.f32 v6, v5;
	vm11 =	vgt.f32 v6, v5;
	v2 =	vsel vm0, $0xFFFFFFFF, v2  }
0x55a: {  	vm11 =	vmor vm11, vm2;
	[tilespmem:$0x1F350] =	vst v2;
	v2 =	vimm.s32 $0x0  }
0x55b: {  	[tilespmem:$0x1F310] =	vst v8;
	v8 =	vld [tilespmem:s24+$0x860];
	v2 =	vsel vm11, $0xFFFFFFFF, v2  }
0x55c: {  	[tilespmem:$0x1F360] =	vst v2;
	v2 =	vmax.f32 v3, v6  }
0x55d: {  	vm0 =	vlt.f32 v2, v6;
	vm11 =	vgt.f32 v2, v6  }
0x55e: {  	v4 =	vmax.f32 v4, v2;
	v6 =	vimm.s32 $0x0;
	vm0 =	vmor vm11, vm0  }
0x55f: {  	[tilespmem:$0x1F340] =	vst v7;
	v7 =	vld [tilespmem:s24+$0x870];
	vm1 =	vgt.f32 v4, v2;
	v6 =	vsel vm0, $0xFFFFFFFF, v6;
	vm0 =	vlt.f32 v4, v2  }
0x560: {  	v2 =	vimm.s32 $0x0;
	[tilespmem:$0x1F370] =	vst v6;
	v6 =	vmax.f32 v8, v4;
	vm0 =	vmor vm1, vm0  }
0x561: {  	v3 =	vld [tilespmem:s24+$0xC00];
	vm2 =	vlt.f32 v6, v4;
	vm11 =	vgt.f32 v6, v4;
	v2 =	vsel vm0, $0xFFFFFFFF, v2  }
0x562: {  	[tilespmem:$0x1F380] =	vst v2;
	vm11 =	vmor vm11, vm2;
	v2 =	vimm.s32 $0x0  }
0x563: {  	v5 =	vld [tilespmem:s24+$0xC10];
	v2 =	vsel vm11, $0xFFFFFFFF, v2  }
0x564: {  	[tilespmem:$0x1F390] =	vst v2;
	v2 =	vmax.f32 v7, v6  }
0x565: {  	vm0 =	vlt.f32 v2, v6;
	vm11 =	vgt.f32 v2, v6  }
0x566: {  	v3 =	vmax.f32 v3, v2;
	v6 =	vimm.s32 $0x0;
	vm0 =	vmor vm11, vm0  }
0x567: {  	v8 =	vld [tilespmem:s24+$0xC20];
	vm1 =	vgt.f32 v3, v2;
	v6 =	vsel vm0, $0xFFFFFFFF, v6;
	vm0 =	vlt.f32 v3, v2  }
0x568: {  	v5 =	vmax.f32 v5, v3;
	v2 =	vimm.s32 $0x0;
	vm0 =	vmor vm1, vm0  }
0x569: {  	v4 =	vld [tilespmem:s24+$0xC30];
	vm2 =	vlt.f32 v5, v3;
	vm11 =	vgt.f32 v5, v3;
	v2 =	vsel vm0, $0xFFFFFFFF, v2  }
0x56a: {  	vm11 =	vmor vm11, vm2;
	[tilespmem:$0x1F3B0] =	vst v2;
	v2 =	vimm.s32 $0x0  }
0x56b: {  	v7 =	vld [tilespmem:s24+$0xC40];
	v2 =	vsel vm11, $0xFFFFFFFF, v2  }
0x56c: {  	[tilespmem:$0x1F3C0] =	vst v2;
	v2 =	vmax.f32 v8, v5  }
0x56d: {  	vm0 =	vlt.f32 v2, v5;
	vm11 =	vgt.f32 v2, v5  }
0x56e: {  	v4 =	vmax.f32 v4, v2;
	v5 =	vimm.s32 $0x0;
	vm0 =	vmor vm11, vm0  }
0x56f: {  	[tilespmem:$0x1F3A0] =	vst v6;
	v6 =	vld [tilespmem:s24+$0xC50];
	vm1 =	vgt.f32 v4, v2;
	v5 =	vsel vm0, $0xFFFFFFFF, v5;
	vm0 =	vlt.f32 v4, v2  }
0x570: {  	v2 =	vimm.s32 $0x0;
	[tilespmem:$0x1F3D0] =	vst v5;
	v5 =	vmax.f32 v7, v4;
	vm0 =	vmor vm1, vm0  }
0x571: {  	v3 =	vld [tilespmem:s24+$0xC60];
	vm2 =	vlt.f32 v5, v4;
	vm11 =	vgt.f32 v5, v4;
	v2 =	vsel vm0, $0xFFFFFFFF, v2  }
0x572: {  	s15 =	sand.u32 $0x7, s9;
	[tilespmem:$0x1F3E0] =	vst v2;
	vm11 =	vmor vm11, vm2;
	v2 =	vimm.s32 $0x0  }
0x573: {  	s14 =	sshll.u32 s15, $0x7;
	v8 =	vld [tilespmem:s24+$0xC70];
	v2 =	vsel vm11, $0xFFFFFFFF, v2  }
0x574: {  	s14 =	sadd.s32 s6, s14;
	[tilespmem:$0x1F3F0] =	vst v2;
	v2 =	vmax.f32 v6, v5  }
0x575: {  	s24 =	sadd.s32 $0x80, s14;
	vm0 =	vlt.f32 v2, v5;
	vm11 =	vgt.f32 v2, v5  }
0x576: {  	s15 =	sor.u32 $0x1000, s24;
	v3 =	vmax.f32 v3, v2;
	v5 =	vimm.s32 $0x0;
	vm0 =	vmor vm11, vm0  }
0x577: {  	v7 =	vld [tilespmem:s15+$0x4000];
	vm1 =	vgt.f32 v3, v2;
	v5 =	vsel vm0, $0xFFFFFFFF, v5;
	vm0 =	vlt.f32 v3, v2  }
0x578: {  	s15 =	sor.u32 $0x1010, s24;
	v2 =	vimm.s32 $0x0;
	[tilespmem:$0x1F400] =	vst v5;
	v5 =	vmax.f32 v8, v3;
	vm0 =	vmor vm1, vm0  }
0x579: {  	v4 =	vld [tilespmem:s15+$0x4000];
	vm2 =	vlt.f32 v5, v3;
	vm11 =	vgt.f32 v5, v3;
	v2 =	vsel vm0, $0xFFFFFFFF, v2  }
0x57a: {  	[tilespmem:$0x1F410] =	vst v2;
	vm11 =	vmor vm11, vm2;
	v2 =	vimm.s32 $0x0  }
0x57b: {  	s15 =	sor.u32 $0x1020, s24;
	v2 =	vsel vm11, $0xFFFFFFFF, v2  }
0x57c: {  	v6 =	vld [tilespmem:s15+$0x4000];
	s15 =	sor.u32 $0x1030, s24;
	[tilespmem:$0x1F420] =	vst v2;
	v2 =	vmax.f32 v7, v5  }
0x57d: {  	v3 =	vld [tilespmem:s15+$0x4000];
	vm0 =	vlt.f32 v2, v5;
	vm11 =	vgt.f32 v2, v5  }
0x57e: {  	v4 =	vmax.f32 v4, v2;
	v5 =	vimm.s32 $0x0;
	vm0 =	vmor vm11, vm0  }
0x57f: {  	vm11 =	vgt.f32 v4, v2;
	v5 =	vsel vm0, $0xFFFFFFFF, v5;
	vm0 =	vlt.f32 v4, v2  }
0x580: {  	v2 =	vimm.s32 $0x0;
	vm0 =	vmor vm11, vm0  }
0x581: {  	v6 =	vmax.f32 v6, v4;
	v2 =	vsel vm0, $0xFFFFFFFF, v2  }
0x582: {  	s15 =	sor.u32 $0x1040, s24;
	v3 =	vmax.f32 v3, v6;
	[tilespmem:$0x1F440] =	vst v2;
	v2 =	vsel vm4, v12, v57  }
0x583: {  	[tilespmem:$0x1F430] =	vst v5;
	v5 =	vld [tilespmem:s15+$0x4000];
	vm11 =	vlt.f32 v6, v4;
	vm4 =	vgt.f32 v6, v4;
	v2 =	vsel vm5, v62, v2  }
0x584: {  	s15 =	sor.u32 $0x1050, s24;
	v4 =	vimm.s32 $0x0;
	vm0 =	vmor vm4, vm11;
	v2 =	vsel vm7, v23, v2  }
0x585: {  	v7 =	vld [tilespmem:s15+$0x4000];
	vm5 =	vlt.f32 v3, v6;
	v2 =	vsel vm6, v63, v2;
	vm6 =	vgt.f32 v3, v6  }
0x586: {  	v8 =	vld [tilespmem:$0x1F2F0];
	s15 =	sor.u32 $0x1060, s24;
	v4 =	vsel vm0, $0xFFFFFFFF, v4;
	v6 =	vimm.s32 $0x0;
	vm0 =	vmor vm6, vm5  }
0x587: {  	[tilespmem:$0x1F450] =	vst v4;
	v4 =	vld [tilespmem:s15+$0x4000];
	s15 =	sor.u32 $0x1070, s24;
	v2 =	vsel vm8, v44, v2;
	v6 =	vsel vm0, $0xFFFFFFFF, v6  }
0x588: {  	v5 =	vmax.f32 v5, v3;
	v2 =	vsel vm10, v46, v2;
	[tilespmem:$0x1F460] =	vst v6;
	v6 =	vld [tilespmem:s15+$0x4000]  }
0x589: {  	vm7 =	vlt.f32 v5, v3;
	v2 =	vsel vm9, v59, v2  }
0x58a: {  	vm8 =	vgt.f32 v5, v3;
	v3 =	vmax.f32 v7, v5;
	s15 =	sor.u32 $0x1400, s24;
	v2 =	vsel vm12, v48, v2  }
0x58b: {  	vm10 =	vgt.f32 v3, v5;
	vm9 =	vlt.f32 v3, v5;
	v7 =	vld [tilespmem:s15+$0x4000];
	v2 =	vsel vm14, v24, v2  }
0x58c: {  	v4 =	vmax.f32 v4, v3;
	vm14 =	vnez.u8 v8;
	v8 =	vld [tilespmem:$0x1F300];
	v2 =	vsel vm13, v14, v2  }
0x58d: {  	vm12 =	vlt.f32 v4, v3;
	vm13 =	vgt.f32 v4, v3;
	v3 =	vmax.f32 v6, v4;
	v6 =	vld [tilespmem:$0x1FF40]  }
0x58e: {  	v2 =	vsel vm15, v25, v2;
	vm15 =	vlt.f32 v3, v4;
	vm4 =	vgt.f32 v3, v4;
	v4 =	vld [tilespmem:$0x1FF50];
	_ =	sdelay $0x3  }
0x58f: {  	vm11 =	vmor vm8, vm7;
	s15 =	sor.u32 $0x1410, s24;
	vm5 =	vnez.u8 v8;
	v2 =	vsel vm14, v6, v2  }
0x590: {  	vm10 =	vmor vm10, vm9;
	v5 =	vld [tilespmem:s15+$0x4000];
	v2 =	vsel vm5, v4, v2;
	v4 =	vmax.f32 v7, v3  }
0x591: {  	vm9 =	vmor vm13, vm12;
	vm7 =	vlt.f32 v4, v3;
	vm12 =	vgt.f32 v4, v3;
	v3 =	vld [tilespmem:$0x1F320];
	_ =	sdelay $0x2  }
0x592: {  	s15 =	sor.u32 $0x1420, s24;
	v7 =	vld [tilespmem:$0x1F310]  }
0x593: {  	v6 =	vld [tilespmem:s15+$0x4000]  }
0x594: {  	vm13 =	vnez.u8 v3;
	v3 =	vmax.f32 v5, v4;
	v5 =	vld [tilespmem:$0x1F330]  }
0x595: {  	vm8 =	vmor vm4, vm15;
	vm15 =	vlt.f32 v3, v4;
	vm4 =	vgt.f32 v3, v4;
	v4 =	vld [tilespmem:$0x1F340];
	_ =	sdelay $0x1  }
0x596: {  	vm6 =	vnez.u8 v7  }
0x597: {  	s15 =	sor.u32 $0x1430, s24;
	v2 =	vsel vm6, v17, v2  }
0x598: {  	v7 =	vld [tilespmem:s15+$0x4000];
	v2 =	vsel vm13, v27, v2  }
0x599: {  	vm14 =	vnez.u8 v5;
	vm5 =	vnez.u8 v4;
	v4 =	vmax.f32 v6, v3;
	v6 =	vld [tilespmem:$0x1F350]  }
0x59a: {  	v2 =	vsel vm14, v28, v2;
	vm13 =	vlt.f32 v4, v3;
	vm14 =	vgt.f32 v4, v3;
	v3 =	vld [tilespmem:$0x1F360];
	_ =	sdelay $0x2  }
0x59b: {  	vm7 =	vmor vm12, vm7;
	s15 =	sor.u32 $0x1440, s24  }
0x59c: {  	vm6 =	vmor vm4, vm15;
	v5 =	vld [tilespmem:s15+$0x4000];
	v2 =	vsel vm5, v29, v2;
	vm5 =	vmor vm14, vm13  }
0x59d: {  	vm12 =	vnez.u8 v6;
	vm15 =	vnez.u8 v3;
	v3 =	vmax.f32 v7, v4;
	v7 =	vld [tilespmem:$0x1F370]  }
0x59e: {  	v2 =	vsel vm12, v30, v2;
	vm12 =	vlt.f32 v3, v4;
	vm13 =	vgt.f32 v3, v4;
	v4 =	vld [tilespmem:$0x1F380];
	_ =	sdelay $0x3  }
0x59f: {  	v8 =	vld [tilespmem:$0x1F3A0];
	v2 =	vsel vm15, v31, v2  }
0x5a0: {  	s15 =	sor.u32 $0x1450, s24;
	vm4 =	vnez.u8 v7;
	vm14 =	vnez.u8 v4;
	v4 =	vmax.f32 v5, v3;
	v5 =	vld [tilespmem:$0x1F390]  }
0x5a1: {  	v6 =	vld [tilespmem:s15+$0x4000];
	v2 =	vsel vm4, v32, v2  }
0x5a2: {  	vm4 =	vmor vm13, vm12;
	vm12 =	vlt.f32 v4, v3;
	vm13 =	vgt.f32 v4, v3;
	v3 =	vld [tilespmem:$0x1FF20];
	_ =	sdelay $0x2  }
0x5a3: {  	v2 =	vsel vm14, v33, v2;
	vm15 =	vnez.u8 v5  }
0x5a4: {  	s15 =	sor.u32 $0x1460, s24;
	vm14 =	vnez.u8 v8;
	v8 =	vld [tilespmem:$0x1F3B0];
	v2 =	vsel vm15, v34, v2  }
0x5a5: {  	v7 =	vld [tilespmem:s15+$0x4000];
	v2 =	vsel vm14, v3, v2;
	v3 =	vmax.f32 v6, v4  }
0x5a6: {  	vm3 =	vmor vm13, vm12;
	vm12 =	vlt.f32 v3, v4;
	vm13 =	vgt.f32 v3, v4;
	v4 =	vld [tilespmem:$0x1F3C0]  }
0x5a7: {  	s15 =	sor.u32 $0x1470, s24  }
0x5a8: {  	v5 =	vld [tilespmem:s15+$0x4000]  }
0x5a9: {  	vm15 =	vnez.u8 v8;
	v8 =	vld [tilespmem:$0x1F3D0]  }
0x5aa: {  	v6 =	vld [tilespmem:$0x1FF60]  }
0x5ab: {  	vm14 =	vnez.u8 v4;
	v4 =	vmax.f32 v7, v3;
	v7 =	vld [tilespmem:$0x1FF70]  }
0x5ac: {  	vm2 =	vmor vm13, vm12;
	vm12 =	vlt.f32 v4, v3;
	vm13 =	vgt.f32 v4, v3;
	v3 =	vld [tilespmem:$0x1F3E0];
	_ =	sdelay $0x2  }
0x5ad: {  	s15 =	sor.u32 $0x1800, s24;
	v2 =	vsel vm15, v6, v2  }
0x5ae: {  	v6 =	vld [tilespmem:s15+$0x4000];
	vm15 =	vnez.u8 v8;
	v2 =	vsel vm14, v37, v2  }
0x5af: {  	v8 =	vld [tilespmem:$0x1F3F0];
	v2 =	vsel vm15, v7, v2;
	vm14 =	vnez.u8 v3;
	v3 =	vmax.f32 v5, v4  }
0x5b0: {  	v2 =	vsel vm14, v39, v2;
	vm0 =	vlt.f32 v3, v4;
	vm14 =	vgt.f32 v3, v4;
	v4 =	vld [tilespmem:$0x1F400]  }
0x5b1: {  	v5 =	vld [tilespmem:$0x1FF80]  }
0x5b2: {  	s15 =	sor.u32 $0x1810, s24  }
0x5b3: {  	v7 =	vld [tilespmem:s15+$0x4000]  }
0x5b4: {  	vm1 =	vmor vm13, vm12;
	vm15 =	vnez.u8 v8;
	v8 =	vld [tilespmem:$0x1F410]  }
0x5b5: {  	vm0 =	vmor vm14, vm0;
	vm12 =	vnez.u8 v4;
	v4 =	vmax.f32 v6, v3;
	v6 =	vld [tilespmem:$0x1FF90]  }
0x5b6: {  	v2 =	vsel vm15, v5, v2;
	vm14 =	vlt.f32 v4, v3;
	vm15 =	vgt.f32 v4, v3;
	v3 =	vld [tilespmem:$0x1F420];
	_ =	sdelay $0x1  }
0x5b7: {  	s15 =	sor.u32 $0x1820, s24  }
0x5b8: {  	v5 =	vld [tilespmem:s15+$0x4000]  }
0x5b9: {  	v2 =	vsel vm12, v41, v2;
	vm12 =	vnez.u8 v8;
	v8 =	vld [tilespmem:$0x1F430]  }
0x5ba: {  	v2 =	vsel vm12, v6, v2;
	vm12 =	vnez.u8 v3;
	v3 =	vmax.f32 v7, v4;
	v7 =	vld [tilespmem:$0x1FFB0]  }
0x5bb: {  	vm14 =	vmor vm15, vm14;
	vm15 =	vlt.f32 v3, v4;
	vm13 =	vgt.f32 v3, v4;
	v4 =	vld [tilespmem:$0x1F440];
	_ =	sdelay $0x1  }
0x5bc: {  	s15 =	sor.u32 $0x1830, s24  }
0x5bd: {  	v6 =	vld [tilespmem:s15+$0x4000]  }
0x5be: {  	v2 =	vsel vm12, v43, v2;
	vm12 =	vnez.u8 v8;
	v8 =	vld [tilespmem:$0x1F450]  }
0x5bf: {  	v2 =	vsel vm12, v7, v2;
	vm12 =	vnez.u8 v4;
	v4 =	vmax.f32 v5, v3;
	v5 =	vld [tilespmem:$0x1FFD0];
	_ =	sdelay $0x2  }
0x5c0: {  	vm15 =	vmor vm13, vm15  }
0x5c1: {  	v2 =	vsel vm12, v45, v2;
	vm12 =	vnez.u8 v8;
	vm13 =	vlt.f32 v4, v3  }
0x5c2: {  	v2 =	vsel vm12, v5, v2;
	vm12 =	vgt.f32 v4, v3;
	v3 =	vmax.f32 v6, v4;
	v6 =	vld [tilespmem:$0x1F460];
	_ =	sdelay $0x4  }
0x5c3: {  	s15 =	sor.u32 $0x1840, s24;
	vm13 =	vmor vm12, vm13;
	vm12 =	vnez.u8 v6;
	v6 =	vld [tilespmem:$0x1FFF0]  }
0x5c4: {  	v7 =	vld [tilespmem:s15+$0x4000]  }
0x5c5: {  	s15 =	sor.u32 $0x1850, s24  }
0x5c6: {  	v5 =	vld [tilespmem:s15+$0x4000]  }
0x5c7: {  	s15 =	sor.u32 $0x1860, s24;
	v2 =	vsel vm12, v47, v2  }
0x5c8: {  	vm12 =	vlt.f32 v3, v4;
	v2 =	vsel vm11, v6, v2;
	vm11 =	vgt.f32 v3, v4;
	v4 =	vld [tilespmem:s15+$0x4000]  }
0x5c9: {  	v6 =	vmax.f32 v7, v3;
	s15 =	sor.u32 $0x1870, s24;
	vm11 =	vmor vm11, vm12  }
0x5ca: {  	v2 =	vsel vm10, v49, v2;
	vm10 =	vlt.f32 v6, v3;
	vm12 =	vgt.f32 v6, v3;
	v3 =	vld [tilespmem:s15+$0x4000]  }
0x5cb: {  	v5 =	vmax.f32 v5, v6;
	s15 =	sor.u32 $0x1C00, s24;
	v2 =	vsel vm9, v50, v2;
	vm9 =	vmor vm12, vm10  }
0x5cc: {  	vm12 =	vgt.f32 v5, v6;
	v2 =	vsel vm8, v51, v2;
	vm8 =	vlt.f32 v5, v6;
	v6 =	vld [tilespmem:s15+$0x4000]  }
0x5cd: {  	s15 =	sor.u32 $0x1C10, s24;
	v2 =	vsel vm7, v52, v2;
	v4 =	vmax.f32 v4, v5  }
0x5ce: {  	vm7 =	vmor vm12, vm8;
	v7 =	vld [tilespmem:s15+$0x4000];
	s15 =	sor.u32 $0x1C20, s24;
	v2 =	vsel vm6, v53, v2;
	vm6 =	vlt.f32 v4, v5  }
0x5cf: {  	vm12 =	vgt.f32 v4, v5;
	v5 =	vld [tilespmem:s15+$0x4000];
	s15 =	sor.u32 $0x1C30, s24;
	v2 =	vsel vm5, v54, v2;
	v3 =	vmax.f32 v3, v4  }
0x5d0: {  	vm5 =	vmor vm12, vm6;
	v8 =	vld [tilespmem:s15+$0x4000];
	s15 =	sor.u32 $0x1C40, s24;
	v2 =	vsel vm4, v55, v2;
	vm10 =	vlt.f32 v3, v4  }
0x5d1: {  	vm12 =	vgt.f32 v3, v4;
	v4 =	vld [tilespmem:s15+$0x4000];
	v2 =	vsel vm3, v56, v2;
	v6 =	vmax.f32 v6, v3  }
0x5d2: {  	s15 =	sor.u32 $0x1C50, s24;
	vm3 =	vmor vm12, vm10;
	v2 =	vsel vm2, v10, v2;
	vm10 =	vlt.f32 v6, v3  }
0x5d3: {  	v9 =	vld [tilespmem:s15+$0x4000];
	s15 =	sor.u32 $0x1C60, s24;
	v7 =	vmax.f32 v7, v6;
	vm12 =	vgt.f32 v6, v3;
	v2 =	vsel vm1, v11, v2  }
0x5d4: {  	s24 =	sor.u32 $0x1C70, s24;
	v10 =	vld [tilespmem:s15+$0x4000];
	v3 =	vmax.f32 v5, v7;
	v2 =	vsel vm0, v18, v2;
	vm0 =	vmor vm12, vm10  }
0x5d5: {  	v5 =	vld [tilespmem:s24+$0x4000];
	v8 =	vmax.f32 v8, v3;
	v2 =	vsel vm14, v19, v2;
	vm14 =	vlt.f32 v7, v6  }
0x5d6: {  	vm10 =	vlt.f32 v3, v7;
	v4 =	vmax.f32 v4, v8;
	v2 =	vsel vm15, v20, v2  }
0x5d7: {  	vm15 =	vgt.f32 v7, v6;
	vm12 =	vlt.f32 v8, v3;
	v2 =	vsel vm13, v60, v2  }
0x5d8: {  	v6 =	vmax.f32 v9, v4;
	vm1 =	vmor vm15, vm14;
	v2 =	vsel vm11, v61, v2  }
0x5d9: {  	(xrf0) =	vmin.scan.msk.u32 $0xffff, v1;
	s24 =	sadd.s32 $0xFFFFFF80, s19;
	vm13 =	vgt.f32 v8, v3;
	v9 =	vmax.f32 v10, v6;
	v1 =	vsel vm9, v21, v2  }
0x5da: {  	s15 =	sand.u32 $0x300, s24;
	vm14 =	vlt.f32 v4, v8;
	v5 =	vmax.f32 v5, v9;
	v1 =	vsel vm7, v22, v1  }
0x5db: {  	s24 =	sor.u32 s15, s10;
	vm15 =	vgt.f32 v4, v8;
	vm11 =	vgt.f32 v3, v7;
	(xrf0) =	vmax.scan.msk.f32 $0xffff, v5;
	v1 =	vsel vm5, v13, v1  }
0x5dc: {  	vm2 =	vmor vm11, vm10;
	vm9 =	vmor vm13, vm12;
	v2 =	vld [tilespmem:s24+$0x0];
	v1 =	vsel vm3, v16, v1  }
0x5dd: {  	vm11 =	vlt.f32 v6, v4;
	vm12 =	vgt.f32 v6, v4;
	v4 =	vld [tilespmem:s24+$0x10];
	v1 =	vsel vm0, v35, v1  }
0x5de: {  	vm10 =	vmor vm15, vm14;
	v3 =	vsel vm1, v26, v1  }
0x5df: {  	vm13 =	vlt.f32 v9, v6;
	vm14 =	vgt.f32 v9, v6;
	v3 =	vsel vm2, v15, v3  }
0x5e0: {  	v7 =	vld [tilespmem:s24+$0x20];
	vm15 =	vlt.f32 v5, v9;
	vm6 =	vgt.f32 v5, v9;
	v1, _, _ =	vpop (xrf0);
	v3 =	vsel vm9, v36, v3  }
0x5e1: {  	v8 =	vld [tilespmem:s24+$0x30];
	vm0 =	vmor vm12, vm11;
	vm1 =	vmor vm14, vm13;
	v6, _, _ =	vpop (xrf0);
	v3 =	vsel vm10, v38, v3  }
0x5e2: {  	v9 =	vld [tilespmem:s24+$0x40];
	v4 =	vmax.f32 v4, v2;
	v6 =	vbroadcast v6, $0xF;
	v3 =	vsel vm0, v40, v3  }
0x5e3: {  	vm7 =	vmor vm6, vm15;
	vm9 =	vlt.f32 v4, v2;
	v3 =	vsel vm1, v42, v3  }
0x5e4: {  	vm10 =	vgt.f32 v4, v2;
	vm8 =	veq.f32 v5, v6;
	v3 =	vsel vm7, v0, v3;
	v5 =	vld [tilespmem:s24+$0x50]  }
0x5e5: {  	vm4 =	vmor vm10, vm9;
	v6 =	vld [tilespmem:s24+$0x60];
	v2 =	vnsel vm8, $0x80000400, v3;
	v3 =	vmax.f32 v7, v4  }
0x5e6: {  	v7 =	vld [tilespmem:s24+$0x70];
	vm11 =	vlt.f32 v3, v4;
	vm12 =	vgt.f32 v3, v4;
	v4 =	vmax.f32 v8, v3  }
0x5e7: {  	vm5 =	vmor vm12, vm11;
	vm13 =	vlt.f32 v4, v3;
	v8 =	vmax.f32 v9, v4  }
0x5e8: {  	vm14 =	vgt.f32 v4, v3;
	v3 =	vld [tilespmem:s24+$0x400];
	vm15 =	vlt.f32 v8, v4;
	vm9 =	vgt.f32 v8, v4  }
0x5e9: {  	vm7 =	vmor vm14, vm13;
	vm6 =	vmor vm9, vm15;
	v4 =	vmax.f32 v5, v8;
	v5 =	vld [tilespmem:s24+$0x410]  }
0x5ea: {  	vm10 =	vlt.f32 v4, v8;
	vm11 =	vgt.f32 v4, v8;
	v6 =	vmax.f32 v6, v4;
	v8 =	vld [tilespmem:s24+$0x420]  }
0x5eb: {  	vm8 =	vmor vm11, vm10;
	vm12 =	vlt.f32 v6, v4;
	v7 =	vmax.f32 v7, v6  }
0x5ec: {  	vm13 =	vgt.f32 v6, v4;
	v4 =	vld [tilespmem:s24+$0x430];
	vm14 =	vlt.f32 v7, v6;
	vm15 =	vgt.f32 v7, v6  }
0x5ed: {  	vm10 =	vmor vm13, vm12;
	v3 =	vmax.f32 v3, v7;
	v6 =	vld [tilespmem:s24+$0x440];
	vm9 =	vmor vm15, vm14  }
0x5ee: {  	vm12 =	vlt.f32 v3, v7;
	vm13 =	vgt.f32 v3, v7;
	v7 =	vld [tilespmem:s24+$0x450];
	v5 =	vmax.f32 v5, v3  }
0x5ef: {  	vm12 =	vmor vm13, vm12;
	vm14 =	vlt.f32 v5, v3;
	v8 =	vmax.f32 v8, v5  }
0x5f0: {  	vm15 =	vgt.f32 v5, v3;
	vm2 =	vlt.f32 v8, v5;
	vm11 =	vgt.f32 v8, v5  }
0x5f1: {  	v3 =	vld [tilespmem:s24+$0x460];
	vm14 =	vmor vm15, vm14;
	v4 =	vmax.f32 v4, v8;
	vm13 =	vmor vm11, vm2  }
0x5f2: {  	vm11 =	vlt.f32 v4, v8;
	vm15 =	vgt.f32 v4, v8;
	v6 =	vmax.f32 v6, v4  }
0x5f3: {  	v5 =	vld [tilespmem:s24+$0x470];
	vm15 =	vmor vm15, vm11;
	v7 =	vmax.f32 v7, v6  }
0x5f4: {  	v8 =	vld [tilespmem:s24+$0x800];
	vm0 =	vlt.f32 v6, v4;
	vm1 =	vgt.f32 v6, v4;
	vm2 =	vlt.f32 v7, v6  }
0x5f5: {  	vm11 =	vgt.f32 v7, v6;
	vm0 =	vmor vm1, vm0;
	v6 =	vimm.s32 $0x0  }
0x5f6: {  	v9 =	vimm.s32 $0x0;
	v6 =	vsel vm0, $0xFFFFFFFF, v6;
	v3 =	vmax.f32 v3, v7  }
0x5f7: {  	vm11 =	vmor vm11, vm2;
	[tilespmem:$0x1F470] =	vst v6;
	v6 =	vimm.s32 $0x0;
	vm0 =	vlt.f32 v3, v7  }
0x5f8: {  	v4 =	vld [tilespmem:s24+$0x810];
	v5 =	vmax.f32 v5, v3;
	v6 =	vsel vm11, $0xFFFFFFFF, v6;
	vm11 =	vgt.f32 v3, v7  }
0x5f9: {  	v8 =	vmax.f32 v8, v5;
	vm1 =	vgt.f32 v5, v3;
	vm0 =	vmor vm11, vm0  }
0x5fa: {  	[tilespmem:$0x1F480] =	vst v6;
	v6 =	vld [tilespmem:s24+$0x820];
	vm2 =	vlt.f32 v8, v5;
	v9 =	vsel vm0, $0xFFFFFFFF, v9;
	vm0 =	vlt.f32 v5, v3  }
0x5fb: {  	vm11 =	vgt.f32 v8, v5;
	v5 =	vimm.s32 $0x0;
	vm0 =	vmor vm1, vm0  }
0x5fc: {  	v7 =	vld [tilespmem:s24+$0x830];
	v5 =	vsel vm0, $0xFFFFFFFF, v5  }
0x5fd: {  	v4 =	vmax.f32 v4, v8;
	vm11 =	vmor vm11, vm2;
	[tilespmem:$0x1F4A0] =	vst v5;
	v5 =	vimm.s32 $0x0  }
0x5fe: {  	v3 =	vld [tilespmem:s24+$0x840];
	vm0 =	vlt.f32 v4, v8;
	v5 =	vsel vm11, $0xFFFFFFFF, v5;
	vm11 =	vgt.f32 v4, v8  }
0x5ff: {  	v6 =	vmax.f32 v6, v4;
	v8 =	vimm.s32 $0x0;
	vm0 =	vmor vm11, vm0  }
0x600: {  	[tilespmem:$0x1F4B0] =	vst v5;
	v5 =	vld [tilespmem:s24+$0x850];
	vm1 =	vgt.f32 v6, v4;
	v8 =	vsel vm0, $0xFFFFFFFF, v8;
	vm0 =	vlt.f32 v6, v4  }
0x601: {  	v7 =	vmax.f32 v7, v6;
	v4 =	vimm.s32 $0x0;
	vm0 =	vmor vm1, vm0  }
0x602: {  	[tilespmem:$0x1F490] =	vst v9;
	v9 =	vld [tilespmem:s24+$0x860];
	vm2 =	vlt.f32 v7, v6;
	vm11 =	vgt.f32 v7, v6;
	v4 =	vsel vm0, $0xFFFFFFFF, v4  }
0x603: {  	v3 =	vmax.f32 v3, v7;
	vm11 =	vmor vm11, vm2;
	[tilespmem:$0x1F4D0] =	vst v4;
	v4 =	vimm.s32 $0x0  }
0x604: {  	vm0 =	vlt.f32 v3, v7;
	v4 =	vsel vm11, $0xFFFFFFFF, v4;
	vm11 =	vgt.f32 v3, v7  }
0x605: {  	v5 =	vmax.f32 v5, v3;
	v7 =	vimm.s32 $0x0;
	vm0 =	vmor vm11, vm0  }
0x606: {  	[tilespmem:$0x1F4C0] =	vst v8;
	v8 =	vld [tilespmem:s24+$0x870];
	vm1 =	vgt.f32 v5, v3;
	v7 =	vsel vm0, $0xFFFFFFFF, v7;
	vm0 =	vlt.f32 v5, v3  }
0x607: {  	v3 =	vimm.s32 $0x0;
	[tilespmem:$0x1F4F0] =	vst v7;
	v7 =	vmax.f32 v9, v5;
	vm0 =	vmor vm1, vm0  }
0x608: {  	[tilespmem:$0x1F4E0] =	vst v4;
	v4 =	vld [tilespmem:s24+$0xC00];
	vm2 =	vlt.f32 v7, v5;
	vm11 =	vgt.f32 v7, v5;
	v3 =	vsel vm0, $0xFFFFFFFF, v3  }
0x609: {  	[tilespmem:$0x1F500] =	vst v3;
	vm11 =	vmor vm11, vm2;
	v3 =	vimm.s32 $0x0  }
0x60a: {  	v6 =	vld [tilespmem:s24+$0xC10];
	v3 =	vsel vm11, $0xFFFFFFFF, v3  }
0x60b: {  	[tilespmem:$0x1F510] =	vst v3;
	v3 =	vmax.f32 v8, v7  }
0x60c: {  	vm0 =	vlt.f32 v3, v7;
	vm11 =	vgt.f32 v3, v7  }
0x60d: {  	v4 =	vmax.f32 v4, v3;
	v7 =	vimm.s32 $0x0;
	vm0 =	vmor vm11, vm0  }
0x60e: {  	v9 =	vld [tilespmem:s24+$0xC20];
	vm1 =	vgt.f32 v4, v3;
	v7 =	vsel vm0, $0xFFFFFFFF, v7;
	vm0 =	vlt.f32 v4, v3  }
0x60f: {  	v6 =	vmax.f32 v6, v4;
	v3 =	vimm.s32 $0x0;
	vm0 =	vmor vm1, vm0  }
0x610: {  	v5 =	vld [tilespmem:s24+$0xC30];
	vm2 =	vlt.f32 v6, v4;
	vm11 =	vgt.f32 v6, v4;
	v3 =	vsel vm0, $0xFFFFFFFF, v3  }
0x611: {  	vm11 =	vmor vm11, vm2;
	[tilespmem:$0x1F530] =	vst v3;
	v3 =	vimm.s32 $0x0  }
0x612: {  	v8 =	vld [tilespmem:s24+$0xC40];
	v3 =	vsel vm11, $0xFFFFFFFF, v3  }
0x613: {  	[tilespmem:$0x1F540] =	vst v3;
	v3 =	vmax.f32 v9, v6  }
0x614: {  	vm0 =	vlt.f32 v3, v6;
	vm11 =	vgt.f32 v3, v6  }
0x615: {  	v5 =	vmax.f32 v5, v3;
	v6 =	vimm.s32 $0x0;
	vm0 =	vmor vm11, vm0  }
0x616: {  	[tilespmem:$0x1F520] =	vst v7;
	v7 =	vld [tilespmem:s24+$0xC50];
	vm1 =	vgt.f32 v5, v3;
	v6 =	vsel vm0, $0xFFFFFFFF, v6;
	vm0 =	vlt.f32 v5, v3  }
0x617: {  	v3 =	vimm.s32 $0x0;
	[tilespmem:$0x1F550] =	vst v6;
	v6 =	vmax.f32 v8, v5;
	vm0 =	vmor vm1, vm0  }
0x618: {  	v4 =	vld [tilespmem:s24+$0xC60];
	vm2 =	vlt.f32 v6, v5;
	vm11 =	vgt.f32 v6, v5;
	v3 =	vsel vm0, $0xFFFFFFFF, v3  }
0x619: {  	s15 =	sand.u32 $0x3, s20;
	[tilespmem:$0x1F560] =	vst v3;
	vm11 =	vmor vm11, vm2;
	v3 =	vimm.s32 $0x0  }
0x61a: {  	s15 =	sshll.u32 s15, $0x8;
	v9 =	vld [tilespmem:s24+$0xC70];
	v3 =	vsel vm11, $0xFFFFFFFF, v3  }
0x61b: {  	s15 =	sadd.s32 s6, s15;
	[tilespmem:$0x1F570] =	vst v3;
	v3 =	vmax.f32 v7, v6  }
0x61c: {  	s24 =	sadd.s32 $0x100, s15;
	vm0 =	vlt.f32 v3, v6;
	vm11 =	vgt.f32 v3, v6  }
0x61d: {  	s15 =	sor.u32 $0x1000, s24;
	v4 =	vmax.f32 v4, v3;
	v6 =	vimm.s32 $0x0;
	vm0 =	vmor vm11, vm0  }
0x61e: {  	v8 =	vld [tilespmem:s15+$0x4000];
	vm1 =	vgt.f32 v4, v3;
	v6 =	vsel vm0, $0xFFFFFFFF, v6;
	vm0 =	vlt.f32 v4, v3  }
0x61f: {  	s15 =	sor.u32 $0x1010, s24;
	v3 =	vimm.s32 $0x0;
	[tilespmem:$0x1F580] =	vst v6;
	v6 =	vmax.f32 v9, v4;
	vm0 =	vmor vm1, vm0  }
0x620: {  	v5 =	vld [tilespmem:s15+$0x4000];
	vm2 =	vlt.f32 v6, v4;
	vm11 =	vgt.f32 v6, v4;
	v3 =	vsel vm0, $0xFFFFFFFF, v3  }
0x621: {  	[tilespmem:$0x1F590] =	vst v3;
	vm11 =	vmor vm11, vm2;
	v3 =	vimm.s32 $0x0  }
0x622: {  	s15 =	sor.u32 $0x1020, s24;
	v3 =	vsel vm11, $0xFFFFFFFF, v3  }
0x623: {  	v7 =	vld [tilespmem:s15+$0x4000];
	s15 =	sor.u32 $0x1030, s24;
	[tilespmem:$0x1F5A0] =	vst v3;
	v3 =	vmax.f32 v8, v6  }
0x624: {  	v4 =	vld [tilespmem:s15+$0x4000];
	vm0 =	vlt.f32 v3, v6;
	vm11 =	vgt.f32 v3, v6  }
0x625: {  	v5 =	vmax.f32 v5, v3;
	v6 =	vimm.s32 $0x0;
	vm0 =	vmor vm11, vm0  }
0x626: {  	vm11 =	vgt.f32 v5, v3;
	v6 =	vsel vm0, $0xFFFFFFFF, v6;
	vm0 =	vlt.f32 v5, v3  }
0x627: {  	v3 =	vimm.s32 $0x0;
	vm0 =	vmor vm11, vm0  }
0x628: {  	v7 =	vmax.f32 v7, v5;
	v3 =	vsel vm0, $0xFFFFFFFF, v3  }
0x629: {  	s15 =	sor.u32 $0x1040, s24;
	v4 =	vmax.f32 v4, v7;
	[tilespmem:$0x1F5C0] =	vst v3;
	v3 =	vsel vm4, v12, v57  }
0x62a: {  	[tilespmem:$0x1F5B0] =	vst v6;
	v6 =	vld [tilespmem:s15+$0x4000];
	vm11 =	vlt.f32 v7, v5;
	vm4 =	vgt.f32 v7, v5;
	v3 =	vsel vm5, v62, v3  }
0x62b: {  	s15 =	sor.u32 $0x1050, s24;
	v5 =	vimm.s32 $0x0;
	vm0 =	vmor vm4, vm11;
	v3 =	vsel vm7, v23, v3  }
0x62c: {  	v8 =	vld [tilespmem:s15+$0x4000];
	vm5 =	vlt.f32 v4, v7;
	v3 =	vsel vm6, v63, v3;
	vm6 =	vgt.f32 v4, v7  }
0x62d: {  	v9 =	vld [tilespmem:$0x1F470];
	s15 =	sor.u32 $0x1060, s24;
	v5 =	vsel vm0, $0xFFFFFFFF, v5;
	v7 =	vimm.s32 $0x0;
	vm0 =	vmor vm6, vm5  }
0x62e: {  	[tilespmem:$0x1F5D0] =	vst v5;
	v5 =	vld [tilespmem:s15+$0x4000];
	s15 =	sor.u32 $0x1070, s24;
	v3 =	vsel vm8, v44, v3;
	v7 =	vsel vm0, $0xFFFFFFFF, v7  }
0x62f: {  	v6 =	vmax.f32 v6, v4;
	v3 =	vsel vm10, v46, v3;
	[tilespmem:$0x1F5E0] =	vst v7;
	v7 =	vld [tilespmem:s15+$0x4000]  }
0x630: {  	vm7 =	vlt.f32 v6, v4;
	v3 =	vsel vm9, v59, v3  }
0x631: {  	vm8 =	vgt.f32 v6, v4;
	v4 =	vmax.f32 v8, v6;
	s15 =	sor.u32 $0x1400, s24;
	v3 =	vsel vm12, v48, v3  }
0x632: {  	vm10 =	vgt.f32 v4, v6;
	vm9 =	vlt.f32 v4, v6;
	v8 =	vld [tilespmem:s15+$0x4000];
	v3 =	vsel vm14, v24, v3  }
0x633: {  	v5 =	vmax.f32 v5, v4;
	vm14 =	vnez.u8 v9;
	v9 =	vld [tilespmem:$0x1F480];
	v3 =	vsel vm13, v14, v3  }
0x634: {  	vm12 =	vlt.f32 v5, v4;
	vm13 =	vgt.f32 v5, v4;
	v4 =	vmax.f32 v7, v5;
	v7 =	vld [tilespmem:$0x1FF40]  }
0x635: {  	v3 =	vsel vm15, v25, v3;
	vm15 =	vlt.f32 v4, v5;
	vm4 =	vgt.f32 v4, v5;
	v5 =	vld [tilespmem:$0x1FF50];
	_ =	sdelay $0x3  }
0x636: {  	vm11 =	vmor vm8, vm7;
	s15 =	sor.u32 $0x1410, s24;
	vm5 =	vnez.u8 v9;
	v3 =	vsel vm14, v7, v3  }
0x637: {  	vm10 =	vmor vm10, vm9;
	v6 =	vld [tilespmem:s15+$0x4000];
	v3 =	vsel vm5, v5, v3;
	v5 =	vmax.f32 v8, v4  }
0x638: {  	vm9 =	vmor vm13, vm12;
	vm7 =	vlt.f32 v5, v4;
	vm12 =	vgt.f32 v5, v4;
	v4 =	vld [tilespmem:$0x1F4A0];
	_ =	sdelay $0x2  }
0x639: {  	s15 =	sor.u32 $0x1420, s24;
	v8 =	vld [tilespmem:$0x1F490]  }
0x63a: {  	v7 =	vld [tilespmem:s15+$0x4000]  }
0x63b: {  	vm13 =	vnez.u8 v4;
	v4 =	vmax.f32 v6, v5;
	v6 =	vld [tilespmem:$0x1F4B0]  }
0x63c: {  	vm8 =	vmor vm4, vm15;
	vm15 =	vlt.f32 v4, v5;
	vm4 =	vgt.f32 v4, v5;
	v5 =	vld [tilespmem:$0x1F4C0];
	_ =	sdelay $0x1  }
0x63d: {  	vm6 =	vnez.u8 v8  }
0x63e: {  	s15 =	sor.u32 $0x1430, s24;
	v3 =	vsel vm6, v17, v3  }
0x63f: {  	v8 =	vld [tilespmem:s15+$0x4000];
	v3 =	vsel vm13, v27, v3  }
0x640: {  	vm14 =	vnez.u8 v6;
	vm5 =	vnez.u8 v5;
	v5 =	vmax.f32 v7, v4;
	v7 =	vld [tilespmem:$0x1F4D0]  }
0x641: {  	v3 =	vsel vm14, v28, v3;
	vm13 =	vlt.f32 v5, v4;
	vm14 =	vgt.f32 v5, v4;
	v4 =	vld [tilespmem:$0x1F4E0];
	_ =	sdelay $0x2  }
0x642: {  	vm7 =	vmor vm12, vm7;
	s15 =	sor.u32 $0x1440, s24  }
0x643: {  	vm6 =	vmor vm4, vm15;
	v6 =	vld [tilespmem:s15+$0x4000];
	v3 =	vsel vm5, v29, v3;
	vm5 =	vmor vm14, vm13  }
0x644: {  	vm12 =	vnez.u8 v7;
	vm15 =	vnez.u8 v4;
	v4 =	vmax.f32 v8, v5;
	v8 =	vld [tilespmem:$0x1F4F0]  }
0x645: {  	v3 =	vsel vm12, v30, v3;
	vm12 =	vlt.f32 v4, v5;
	vm13 =	vgt.f32 v4, v5;
	v5 =	vld [tilespmem:$0x1F500];
	_ =	sdelay $0x3  }
0x646: {  	v9 =	vld [tilespmem:$0x1F520];
	v3 =	vsel vm15, v31, v3  }
0x647: {  	s15 =	sor.u32 $0x1450, s24;
	vm4 =	vnez.u8 v8;
	vm14 =	vnez.u8 v5;
	v5 =	vmax.f32 v6, v4;
	v6 =	vld [tilespmem:$0x1F510]  }
0x648: {  	v7 =	vld [tilespmem:s15+$0x4000];
	v3 =	vsel vm4, v32, v3  }
0x649: {  	vm4 =	vmor vm13, vm12;
	vm12 =	vlt.f32 v5, v4;
	vm13 =	vgt.f32 v5, v4;
	v4 =	vld [tilespmem:$0x1FF20];
	_ =	sdelay $0x2  }
0x64a: {  	v3 =	vsel vm14, v33, v3;
	vm15 =	vnez.u8 v6  }
0x64b: {  	s15 =	sor.u32 $0x1460, s24;
	vm14 =	vnez.u8 v9;
	v9 =	vld [tilespmem:$0x1F530];
	v3 =	vsel vm15, v34, v3  }
0x64c: {  	v8 =	vld [tilespmem:s15+$0x4000];
	v3 =	vsel vm14, v4, v3;
	v4 =	vmax.f32 v7, v5  }
0x64d: {  	vm3 =	vmor vm13, vm12;
	vm12 =	vlt.f32 v4, v5;
	vm13 =	vgt.f32 v4, v5;
	v5 =	vld [tilespmem:$0x1F540]  }
0x64e: {  	s15 =	sor.u32 $0x1470, s24  }
0x64f: {  	v6 =	vld [tilespmem:s15+$0x4000]  }
0x650: {  	vm15 =	vnez.u8 v9;
	v9 =	vld [tilespmem:$0x1F550]  }
0x651: {  	v7 =	vld [tilespmem:$0x1FF60]  }
0x652: {  	vm14 =	vnez.u8 v5;
	v5 =	vmax.f32 v8, v4;
	v8 =	vld [tilespmem:$0x1FF70]  }
0x653: {  	vm2 =	vmor vm13, vm12;
	vm12 =	vlt.f32 v5, v4;
	vm13 =	vgt.f32 v5, v4;
	v4 =	vld [tilespmem:$0x1F560];
	_ =	sdelay $0x2  }
0x654: {  	s15 =	sor.u32 $0x1800, s24;
	v3 =	vsel vm15, v7, v3  }
0x655: {  	v7 =	vld [tilespmem:s15+$0x4000];
	vm15 =	vnez.u8 v9;
	v3 =	vsel vm14, v37, v3  }
0x656: {  	v9 =	vld [tilespmem:$0x1F570];
	v3 =	vsel vm15, v8, v3;
	vm14 =	vnez.u8 v4;
	v4 =	vmax.f32 v6, v5  }
0x657: {  	v3 =	vsel vm14, v39, v3;
	vm0 =	vlt.f32 v4, v5;
	vm14 =	vgt.f32 v4, v5;
	v5 =	vld [tilespmem:$0x1F580]  }
0x658: {  	v6 =	vld [tilespmem:$0x1FF80]  }
0x659: {  	s15 =	sor.u32 $0x1810, s24  }
0x65a: {  	v8 =	vld [tilespmem:s15+$0x4000]  }
0x65b: {  	vm1 =	vmor vm13, vm12;
	vm15 =	vnez.u8 v9;
	v9 =	vld [tilespmem:$0x1F590]  }
0x65c: {  	vm0 =	vmor vm14, vm0;
	vm12 =	vnez.u8 v5;
	v5 =	vmax.f32 v7, v4;
	v7 =	vld [tilespmem:$0x1FF90]  }
0x65d: {  	v3 =	vsel vm15, v6, v3;
	vm14 =	vlt.f32 v5, v4;
	vm15 =	vgt.f32 v5, v4;
	v4 =	vld [tilespmem:$0x1F5A0];
	_ =	sdelay $0x1  }
0x65e: {  	s15 =	sor.u32 $0x1820, s24  }
0x65f: {  	v6 =	vld [tilespmem:s15+$0x4000]  }
0x660: {  	v3 =	vsel vm12, v41, v3;
	vm12 =	vnez.u8 v9;
	v9 =	vld [tilespmem:$0x1F5B0]  }
0x661: {  	v3 =	vsel vm12, v7, v3;
	vm12 =	vnez.u8 v4;
	v4 =	vmax.f32 v8, v5;
	v8 =	vld [tilespmem:$0x1FFB0]  }
0x662: {  	vm14 =	vmor vm15, vm14;
	vm15 =	vlt.f32 v4, v5;
	vm13 =	vgt.f32 v4, v5;
	v5 =	vld [tilespmem:$0x1F5C0];
	_ =	sdelay $0x1  }
0x663: {  	s15 =	sor.u32 $0x1830, s24  }
0x664: {  	v7 =	vld [tilespmem:s15+$0x4000]  }
0x665: {  	v3 =	vsel vm12, v43, v3;
	vm12 =	vnez.u8 v9;
	v9 =	vld [tilespmem:$0x1F5D0]  }
0x666: {  	v3 =	vsel vm12, v8, v3;
	vm12 =	vnez.u8 v5;
	v5 =	vmax.f32 v6, v4;
	v6 =	vld [tilespmem:$0x1FFD0];
	_ =	sdelay $0x2  }
0x667: {  	vm15 =	vmor vm13, vm15  }
0x668: {  	v3 =	vsel vm12, v45, v3;
	vm12 =	vnez.u8 v9;
	vm13 =	vlt.f32 v5, v4  }
0x669: {  	v3 =	vsel vm12, v6, v3;
	vm12 =	vgt.f32 v5, v4;
	v4 =	vmax.f32 v7, v5;
	v7 =	vld [tilespmem:$0x1F5E0];
	_ =	sdelay $0x4  }
0x66a: {  	s15 =	sor.u32 $0x1840, s24;
	vm13 =	vmor vm12, vm13;
	vm12 =	vnez.u8 v7;
	v7 =	vld [tilespmem:$0x1FFF0]  }
0x66b: {  	v8 =	vld [tilespmem:s15+$0x4000]  }
0x66c: {  	s15 =	sor.u32 $0x1850, s24  }
0x66d: {  	v6 =	vld [tilespmem:s15+$0x4000]  }
0x66e: {  	s15 =	sor.u32 $0x1860, s24;
	v3 =	vsel vm12, v47, v3  }
0x66f: {  	vm12 =	vlt.f32 v4, v5;
	v3 =	vsel vm11, v7, v3;
	vm11 =	vgt.f32 v4, v5;
	v5 =	vld [tilespmem:s15+$0x4000]  }
0x670: {  	v7 =	vmax.f32 v8, v4;
	s15 =	sor.u32 $0x1870, s24;
	vm11 =	vmor vm11, vm12;
	v3 =	vsel vm10, v49, v3  }
0x671: {  	vm10 =	vlt.f32 v7, v4;
	vm12 =	vgt.f32 v7, v4;
	v4 =	vld [tilespmem:s15+$0x4000];
	v3 =	vsel vm9, v50, v3  }
0x672: {  	v11 =	vld [tilespmem:$0x1FF30];
	v6 =	vmax.f32 v6, v7;
	s15 =	sor.u32 $0x1C00, s24;
	vm9 =	vmor vm12, vm10;
	v3 =	vsel vm8, v51, v3  }
0x673: {  	vm12 =	vgt.f32 v6, v7;
	vm8 =	vlt.f32 v6, v7;
	v7 =	vld [tilespmem:s15+$0x4000];
	s15 =	sor.u32 $0x1C10, s24;
	v3 =	vsel vm7, v52, v3  }
0x674: {  	vm7 =	vmor vm12, vm8;
	v8 =	vld [tilespmem:s15+$0x4000];
	s15 =	sor.u32 $0x1C20, s24;
	v5 =	vmax.f32 v5, v6;
	v3 =	vsel vm6, v53, v3  }
0x675: {  	vm6 =	vlt.f32 v5, v6;
	vm12 =	vgt.f32 v5, v6;
	v6 =	vld [tilespmem:s15+$0x4000];
	s15 =	sor.u32 $0x1C30, s24;
	v3 =	vsel vm5, v54, v3  }
0x676: {  	v4 =	vmax.f32 v4, v5;
	vm5 =	vmor vm12, vm6;
	v9 =	vld [tilespmem:s15+$0x4000];
	v3 =	vsel vm4, v55, v3  }
0x677: {  	s15 =	sor.u32 $0x1C40, s24;
	vm10 =	vlt.f32 v4, v5;
	vm12 =	vgt.f32 v4, v5;
	v3 =	vsel vm3, v56, v3  }
0x678: {  	v5 =	vld [tilespmem:s15+$0x4000];
	s15 =	sor.u32 $0x1C50, s24;
	vm3 =	vmor vm12, vm10;
	v7 =	vmax.f32 v7, v4;
	v3 =	vsel vm2, v11, v3  }
0x679: {  	v10 =	vld [tilespmem:s15+$0x4000];
	s15 =	sor.u32 $0x1C60, s24;
	vm10 =	vlt.f32 v7, v4;
	v8 =	vmax.f32 v8, v7;
	v3 =	vsel vm1, v58, v3  }
0x67a: {  	s24 =	sor.u32 $0x1C70, s24;
	vm12 =	vgt.f32 v7, v4;
	v11 =	vld [tilespmem:s15+$0x4000];
	v4 =	vmax.f32 v6, v8;
	v3 =	vsel vm0, v18, v3  }
0x67b: {  	v6 =	vld [tilespmem:s24+$0x4000];
	vm0 =	vmor vm12, vm10;
	v9 =	vmax.f32 v9, v4;
	v3 =	vsel vm14, v19, v3  }
0x67c: {  	vm14 =	vlt.f32 v8, v7;
	vm10 =	vlt.f32 v4, v8;
	v3 =	vsel vm15, v20, v3  }
0x67d: {  	v5 =	vmax.f32 v5, v9;
	vm15 =	vgt.f32 v8, v7;
	v3 =	vsel vm13, v60, v3  }
0x67e: {  	vm12 =	vlt.f32 v9, v4;
	v7 =	vmax.f32 v10, v5;
	v3 =	vsel vm11, v61, v3  }
0x67f: {  	(xrf0) =	vmin.scan.msk.u32 $0xffff, v2;
	vm1 =	vmor vm15, vm14;
	v10 =	vmax.f32 v11, v7;
	v2 =	vsel vm9, v21, v3  }
0x680: {  	s24 =	sand.u32 $0x380, s19;
	vm13 =	vgt.f32 v9, v4;
	v6 =	vmax.f32 v6, v10;
	v2 =	vsel vm7, v22, v2  }
0x681: {  	s10 =	sor.u32 s24, s10;
	vm14 =	vlt.f32 v5, v9;
	vm11 =	vgt.f32 v4, v8;
	(xrf0) =	vmax.scan.msk.f32 $0xffff, v6;
	v2 =	vsel vm5, v13, v2  }
0x682: {  	vm15 =	vgt.f32 v5, v9;
	vm2 =	vmor vm11, vm10;
	v3 =	vld [tilespmem:s10+$0x0];
	v2 =	vsel vm3, v16, v2  }
0x683: {  	vm10 =	vlt.f32 v7, v5;
	vm11 =	vgt.f32 v7, v5;
	v5 =	vld [tilespmem:s10+$0x10];
	v2 =	vsel vm0, v35, v2  }
0x684: {  	vm8 =	vmor vm13, vm12;
	vm9 =	vmor vm15, vm14;
	v4 =	vsel vm1, v26, v2  }
0x685: {  	vm12 =	vlt.f32 v10, v7;
	vm13 =	vgt.f32 v10, v7;
	v4 =	vsel vm2, v15, v4  }
0x686: {  	v8 =	vld [tilespmem:s10+$0x20];
	vm14 =	vlt.f32 v6, v10;
	vm15 =	vgt.f32 v6, v10;
	v2, _, _ =	vpop (xrf0);
	v4 =	vsel vm8, v36, v4  }
0x687: {  	v9 =	vld [tilespmem:s10+$0x30];
	vm0 =	vmor vm11, vm10;
	vm1 =	vmor vm13, vm12;
	v7, _, _ =	vpop (xrf0);
	v4 =	vsel vm9, v38, v4  }
0x688: {  	v10 =	vld [tilespmem:s10+$0x40];
	v5 =	vmax.f32 v5, v3;
	v7 =	vbroadcast v7, $0xF;
	v4 =	vsel vm0, v40, v4  }
0x689: {  	vm6 =	vmor vm15, vm14;
	vm8 =	vlt.f32 v5, v3;
	v4 =	vsel vm1, v42, v4  }
0x68a: {  	vm9 =	vgt.f32 v5, v3;
	vm7 =	veq.f32 v6, v7;
	v4 =	vsel vm6, v0, v4;
	v6 =	vld [tilespmem:s10+$0x50]  }
0x68b: {  	vm4 =	vmor vm9, vm8;
	v7 =	vld [tilespmem:s10+$0x60];
	v3 =	vnsel vm7, $0x80000400, v4;
	v4 =	vmax.f32 v8, v5  }
0x68c: {  	v8 =	vld [tilespmem:s10+$0x70];
	vm10 =	vlt.f32 v4, v5;
	vm11 =	vgt.f32 v4, v5;
	v5 =	vmax.f32 v9, v4  }
0x68d: {  	vm5 =	vmor vm11, vm10;
	vm12 =	vlt.f32 v5, v4;
	v9 =	vmax.f32 v10, v5  }
0x68e: {  	vm13 =	vgt.f32 v5, v4;
	v4 =	vld [tilespmem:s10+$0x400];
	v10 =	vimm.s32 $0x0;
	vm14 =	vlt.f32 v9, v5  }
0x68f: {  	vm15 =	vgt.f32 v9, v5;
	vm7 =	vmor vm13, vm12;
	v5 =	vmax.f32 v6, v9;
	v6 =	vld [tilespmem:s10+$0x410]  }
0x690: {  	vm9 =	vlt.f32 v5, v9;
	vm10 =	vgt.f32 v5, v9;
	v7 =	vmax.f32 v7, v5;
	v9 =	vld [tilespmem:s10+$0x420]  }
0x691: {  	vm6 =	vmor vm15, vm14;
	vm8 =	vmor vm10, vm9;
	v8 =	vmax.f32 v8, v7  }
0x692: {  	vm11 =	vlt.f32 v7, v5;
	vm12 =	vgt.f32 v7, v5;
	vm13 =	vlt.f32 v8, v7  }
0x693: {  	v5 =	vld [tilespmem:s10+$0x430];
	vm14 =	vgt.f32 v8, v7;
	vm10 =	vmor vm12, vm11;
	v4 =	vmax.f32 v4, v8  }
0x694: {  	vm15 =	vlt.f32 v4, v8;
	vm11 =	vgt.f32 v4, v8;
	v6 =	vmax.f32 v6, v4  }
0x695: {  	v7 =	vld [tilespmem:s10+$0x440];
	vm9 =	vmor vm14, vm13;
	vm15 =	vmor vm11, vm15;
	v9 =	vmax.f32 v9, v6  }
0x696: {  	v8 =	vld [tilespmem:s10+$0x450];
	vm12 =	vlt.f32 v6, v4;
	vm13 =	vgt.f32 v6, v4;
	vm14 =	vlt.f32 v9, v6  }
0x697: {  	vm11 =	vgt.f32 v9, v6;
	vm0 =	vmor vm13, vm12;
	v6 =	vimm.s32 $0x0  }
0x698: {  	v5 =	vmax.f32 v5, v9;
	v6 =	vsel vm0, $0xFFFFFFFF, v6;
	vm12 =	vmor vm11, vm14  }
0x699: {  	v4 =	vld [tilespmem:s10+$0x460];
	vm13 =	vlt.f32 v5, v9;
	vm14 =	vgt.f32 v5, v9;
	[tilespmem:$0x1F5F0] =	vst v6;
	v6 =	vimm.s32 $0x0  }
0x69a: {  	v7 =	vmax.f32 v7, v5;
	vm0 =	vmor vm14, vm13;
	v6 =	vsel vm12, $0xFFFFFFFF, v6  }
0x69b: {  	vm11 =	vlt.f32 v7, v5;
	v8 =	vmax.f32 v8, v7;
	v10 =	vsel vm0, $0xFFFFFFFF, v10;
	[tilespmem:$0x1F600] =	vst v6;
	v6 =	vld [tilespmem:s10+$0x470]  }
0x69c: {  	v9 =	vld [tilespmem:s10+$0x800];
	vm12 =	vgt.f32 v7, v5;
	vm13 =	vlt.f32 v8, v7;
	vm14 =	vgt.f32 v8, v7  }
0x69d: {  	v7 =	vimm.s32 $0x0;
	vm0 =	vmor vm12, vm11;
	vm11 =	vmor vm14, vm13  }
0x69e: {  	v5 =	vld [tilespmem:s10+$0x810];
	[tilespmem:$0x1F610] =	vst v10;
	v4 =	vmax.f32 v4, v8;
	v10 =	vimm.s32 $0x0;
	v7 =	vsel vm0, $0xFFFFFFFF, v7  }
0x69f: {  	vm12 =	vlt.f32 v4, v8;
	vm13 =	vgt.f32 v4, v8;
	[tilespmem:$0x1F620] =	vst v7;
	v7 =	vimm.s32 $0x0  }
0x6a0: {  	vm0 =	vmor vm13, vm12;
	v7 =	vsel vm11, $0xFFFFFFFF, v7;
	v6 =	vmax.f32 v6, v4  }
0x6a1: {  	v10 =	vsel vm0, $0xFFFFFFFF, v10;
	[tilespmem:$0x1F630] =	vst v7;
	v7 =	vld [tilespmem:s10+$0x820];
	vm14 =	vlt.f32 v6, v4;
	v9 =	vmax.f32 v9, v6  }
0x6a2: {  	v8 =	vld [tilespmem:s10+$0x830];
	vm11 =	vgt.f32 v6, v4;
	vm12 =	vlt.f32 v9, v6;
	vm13 =	vgt.f32 v9, v6  }
0x6a3: {  	vm0 =	vmor vm11, vm14;
	v6 =	vimm.s32 $0x0;
	v5 =	vmax.f32 v5, v9  }
0x6a4: {  	v4 =	vld [tilespmem:s10+$0x840];
	v6 =	vsel vm0, $0xFFFFFFFF, v6;
	vm14 =	vmor vm13, vm12;
	vm11 =	vlt.f32 v5, v9  }
0x6a5: {  	vm12 =	vgt.f32 v5, v9;
	v9 =	vimm.s32 $0x0;
	[tilespmem:$0x1F650] =	vst v6;
	v6 =	vimm.s32 $0x0  }
0x6a6: {  	v7 =	vmax.f32 v7, v5;
	vm0 =	vmor vm12, vm11;
	v6 =	vsel vm14, $0xFFFFFFFF, v6  }
0x6a7: {  	v9 =	vsel vm0, $0xFFFFFFFF, v9;
	v8 =	vmax.f32 v8, v7;
	vm13 =	vlt.f32 v7, v5;
	[tilespmem:$0x1F660] =	vst v6;
	v6 =	vld [tilespmem:s10+$0x850]  }
0x6a8: {  	vm14 =	vgt.f32 v7, v5;
	v5 =	vimm.s32 $0x0;
	vm11 =	vlt.f32 v8, v7  }
0x6a9: {  	[tilespmem:$0x1F640] =	vst v10;
	v10 =	vld [tilespmem:s10+$0x860];
	vm12 =	vgt.f32 v8, v7;
	vm0 =	vmor vm14, vm13;
	v4 =	vmax.f32 v4, v8  }
0x6aa: {  	v5 =	vsel vm0, $0xFFFFFFFF, v5;
	vm13 =	vmor vm12, vm11;
	vm14 =	vlt.f32 v4, v8  }
0x6ab: {  	vm11 =	vgt.f32 v4, v8;
	v8 =	vimm.s32 $0x0;
	[tilespmem:$0x1F680] =	vst v5;
	v5 =	vimm.s32 $0x0  }
0x6ac: {  	vm0 =	vmor vm11, vm14;
	v5 =	vsel vm13, $0xFFFFFFFF, v5;
	v6 =	vmax.f32 v6, v4  }
0x6ad: {  	[tilespmem:$0x1F670] =	vst v9;
	v9 =	vld [tilespmem:s10+$0x870];
	v8 =	vsel vm0, $0xFFFFFFFF, v8;
	vm12 =	vlt.f32 v6, v4;
	vm13 =	vgt.f32 v6, v4  }
0x6ae: {  	[tilespmem:$0x1F6A0] =	vst v8;
	v8 =	vmax.f32 v10, v6;
	v4 =	vimm.s32 $0x0;
	vm0 =	vmor vm13, vm12  }
0x6af: {  	[tilespmem:$0x1F690] =	vst v5;
	v5 =	vld [tilespmem:s10+$0xC00];
	vm14 =	vlt.f32 v8, v6;
	vm11 =	vgt.f32 v8, v6;
	v4 =	vsel vm0, $0xFFFFFFFF, v4  }
0x6b0: {  	v7 =	vld [tilespmem:s10+$0xC10];
	vm12 =	vmor vm11, vm14;
	[tilespmem:$0x1F6B0] =	vst v4;
	v4 =	vimm.s32 $0x0  }
0x6b1: {  	v4 =	vsel vm12, $0xFFFFFFFF, v4  }
0x6b2: {  	[tilespmem:$0x1F6C0] =	vst v4;
	v4 =	vmax.f32 v9, v8  }
0x6b3: {  	vm13 =	vlt.f32 v4, v8;
	vm14 =	vgt.f32 v4, v8  }
0x6b4: {  	v5 =	vmax.f32 v5, v4;
	v8 =	vimm.s32 $0x0;
	vm0 =	vmor vm14, vm13  }
0x6b5: {  	v10 =	vld [tilespmem:s10+$0xC20];
	v7 =	vmax.f32 v7, v5;
	vm11 =	vlt.f32 v5, v4;
	vm12 =	vgt.f32 v5, v4  }
0x6b6: {  	v4 =	vimm.s32 $0x0;
	v8 =	vsel vm0, $0xFFFFFFFF, v8;
	vm0 =	vmor vm12, vm11  }
0x6b7: {  	v6 =	vld [tilespmem:s10+$0xC30];
	vm13 =	vlt.f32 v7, v5;
	vm14 =	vgt.f32 v7, v5;
	v4 =	vsel vm0, $0xFFFFFFFF, v4  }
0x6b8: {  	vm11 =	vmor vm14, vm13;
	[tilespmem:$0x1F6E0] =	vst v4;
	v4 =	vimm.s32 $0x0  }
0x6b9: {  	v9 =	vld [tilespmem:s10+$0xC40];
	v4 =	vsel vm11, $0xFFFFFFFF, v4  }
0x6ba: {  	[tilespmem:$0x1F6F0] =	vst v4;
	v4 =	vmax.f32 v10, v7  }
0x6bb: {  	vm12 =	vlt.f32 v4, v7;
	vm13 =	vgt.f32 v4, v7  }
0x6bc: {  	v6 =	vmax.f32 v6, v4;
	v7 =	vimm.s32 $0x0;
	vm0 =	vmor vm13, vm12  }
0x6bd: {  	[tilespmem:$0x1F6D0] =	vst v8;
	v8 =	vld [tilespmem:s10+$0xC50];
	vm14 =	vlt.f32 v6, v4;
	vm11 =	vgt.f32 v6, v4;
	v7 =	vsel vm0, $0xFFFFFFFF, v7  }
0x6be: {  	v4 =	vimm.s32 $0x0;
	vm0 =	vmor vm11, vm14;
	[tilespmem:$0x1F700] =	vst v7;
	v7 =	vmax.f32 v9, v6  }
0x6bf: {  	v4 =	vsel vm0, $0xFFFFFFFF, v4;
	vm12 =	vlt.f32 v7, v6;
	vm13 =	vgt.f32 v7, v6  }
0x6c0: {  	v5 =	vld [tilespmem:s10+$0xC60];
	[tilespmem:$0x1F710] =	vst v4;
	v4 =	vimm.s32 $0x0;
	vm14 =	vmor vm13, vm12  }
0x6c1: {  	v10 =	vld [tilespmem:s10+$0xC70];
	v4 =	vsel vm14, $0xFFFFFFFF, v4  }
0x6c2: {  	[tilespmem:$0x1F720] =	vst v4;
	v4 =	vmax.f32 v8, v7  }
0x6c3: {  	s10 =	sadd.s32 $0x180, s14;
	vm11 =	vlt.f32 v4, v7;
	vm12 =	vgt.f32 v4, v7  }
0x6c4: {  	s14 =	sor.u32 $0x1000, s10;
	v7 =	vimm.s32 $0x0;
	vm0 =	vmor vm12, vm11  }
0x6c5: {  	v9 =	vld [tilespmem:s14+$0x4000];
	v5 =	vmax.f32 v5, v4;
	v7 =	vsel vm0, $0xFFFFFFFF, v7  }
0x6c6: {  	vm13 =	vlt.f32 v5, v4;
	[tilespmem:$0x1F730] =	vst v7;
	v7 =	vmax.f32 v10, v5  }
0x6c7: {  	vm14 =	vgt.f32 v5, v4;
	vm2 =	vlt.f32 v7, v5;
	vm11 =	vgt.f32 v7, v5  }
0x6c8: {  	s24 =	sor.u32 $0x1010, s10;
	v4 =	vimm.s32 $0x0;
	vm14 =	vmor vm14, vm13;
	vm13 =	vmor vm11, vm2  }
0x6c9: {  	v6 =	vld [tilespmem:s24+$0x4000];
	v4 =	vsel vm13, $0xFFFFFFFF, v4  }
0x6ca: {  	s15 =	sor.u32 $0x1020, s10;
	[tilespmem:$0x1F740] =	vst v4;
	v4 =	vmax.f32 v9, v7  }
0x6cb: {  	v8 =	vld [tilespmem:s15+$0x4000];
	vm11 =	vlt.f32 v4, v7;
	vm12 =	vgt.f32 v4, v7  }
0x6cc: {  	s24 =	sor.u32 $0x1030, s10;
	v5 =	vsel vm4, v12, v57;
	v7 =	vimm.s32 $0x0;
	vm0 =	vmor vm12, vm11  }
0x6cd: {  	s15 =	sor.u32 $0x1040, s10;
	v5 =	vsel vm5, v62, v5;
	v62 =	vmovc v63;
	v63 =	vmov v23;
	v9 =	vld [tilespmem:s24+$0x4000];
	v7 =	vsel vm0, $0xFFFFFFFF, v7  }
0x6ce: {  	v5 =	vsel vm7, v63, v5;
	v6 =	vmax.f32 v6, v4;
	[tilespmem:$0x1F750] =	vst v7;
	v7 =	vld [tilespmem:s15+$0x4000]  }
0x6cf: {  	vm13 =	vlt.f32 v6, v4;
	vm4 =	vgt.f32 v6, v4;
	v4 =	vsel vm6, v62, v5  }
0x6d0: {  	v5 =	vmax.f32 v8, v6;
	v4 =	vsel vm8, v44, v4  }
0x6d1: {  	vm5 =	vlt.f32 v5, v6;
	v4 =	vsel vm10, v46, v4  }
0x6d2: {  	s24 =	sor.u32 $0x1050, s10;
	vm6 =	vgt.f32 v5, v6;
	v6 =	vmax.f32 v9, v5;
	v4 =	vsel vm9, v59, v4  }
0x6d3: {  	v8 =	vld [tilespmem:s24+$0x4000];
	vm7 =	vlt.f32 v6, v5;
	vm8 =	vgt.f32 v6, v5;
	v46 =	vmax.f32 v7, v6  }
0x6d4: {  	v4 =	vsel vm15, v48, v4;
	vm10 =	vlt.f32 v46, v6;
	vm15 =	vgt.f32 v46, v6;
	v6 =	vld [tilespmem:$0x1F600];
	_ =	sdelay $0x1  }
0x6d5: {  	v7 =	vld [tilespmem:$0x1F5F0]  }
0x6d6: {  	s15 =	sor.u32 $0x1060, s10  }
0x6d7: {  	v9 =	vld [tilespmem:s15+$0x4000]  }
0x6d8: {  	vm13 =	vmor vm4, vm13;
	vm4 =	vnez.u8 v6;
	v6 =	vmax.f32 v8, v46;
	v8 =	vld [tilespmem:$0x1F610];
	_ =	sdelay $0x1  }
0x6d9: {  	vm9 =	vnez.u8 v7  }
0x6da: {  	vm12 =	vmor vm6, vm5;
	v59 =	vmov v14;
	v4 =	vsel vm9, v24, v4  }
0x6db: {  	s24 =	sor.u32 $0x1070, s10;
	vm11 =	vmor vm8, vm7;
	v4 =	vsel vm4, v59, v4;
	vm6 =	vlt.f32 v6, v46  }
0x6dc: {  	v14 =	vmovc v25;
	v7 =	vld [tilespmem:s24+$0x4000];
	vm7 =	vgt.f32 v6, v46;
	v44 =	vmax.f32 v9, v6;
	vm5 =	vnez.u8 v8  }
0x6dd: {  	vm4 =	vlt.f32 v44, v6;
	v4 =	vsel vm5, v14, v4;
	vm5 =	vgt.f32 v44, v6;
	v6 =	vld [tilespmem:$0x1F640]  }
0x6de: {  	v48 =	vld [tilespmem:$0x1F620]  }
0x6df: {  	v24 =	vld [tilespmem:$0x1FF40]  }
0x6e0: {  	v9 =	vld [tilespmem:$0x1F630]  }
0x6e1: {  	v23 =	vld [tilespmem:$0x1FF50]  }
0x6e2: {  	s15 =	sor.u32 $0x1400, s10;
	vm9 =	vmor vm7, vm6;
	vm6 =	vnez.u8 v6;
	v6 =	vmax.f32 v7, v44;
	v7 =	vld [tilespmem:$0x1F650]  }
0x6e3: {  	v8 =	vld [tilespmem:s15+$0x4000]  }
0x6e4: {  	vm8 =	vnez.u8 v48  }
0x6e5: {  	vm10 =	vmor vm15, vm10;
	vm15 =	vnez.u8 v9;
	v4 =	vsel vm8, v24, v4  }
0x6e6: {  	vm8 =	vmor vm5, vm4;
	v4 =	vsel vm15, v23, v4  }
0x6e7: {  	s24 =	sor.u32 $0x1410, s10;
	v46 =	vld [tilespmem:$0x1F660];
	v4 =	vsel vm6, v17, v4;
	v17 =	vmovc v27;
	vm15 =	vlt.f32 v6, v44;
	vm7 =	vnez.u8 v7  }
0x6e8: {  	v9 =	vld [tilespmem:s24+$0x4000];
	vm4 =	vgt.f32 v6, v44;
	v48 =	vmax.f32 v8, v6;
	v4 =	vsel vm7, v17, v4  }
0x6e9: {  	vm7 =	vmor vm4, vm15;
	vm15 =	vlt.f32 v48, v6;
	vm4 =	vgt.f32 v48, v6;
	v6 =	vld [tilespmem:$0x1F680]  }
0x6ea: {  	s15 =	sor.u32 $0x1420, s10  }
0x6eb: {  	v7 =	vld [tilespmem:s15+$0x4000]  }
0x6ec: {  	v8 =	vld [tilespmem:$0x1F670]  }
0x6ed: {  	vm5 =	vnez.u8 v46;
	v27 =	vmov v28  }
0x6ee: {  	v4 =	vsel vm5, v27, v4;
	vm5 =	vnez.u8 v6;
	v6 =	vmax.f32 v9, v48;
	v9 =	vld [tilespmem:$0x1F690]  }
0x6ef: {  	v44 =	vld [tilespmem:$0x1F6A0]  }
0x6f0: {  	v46 =	vmax.f32 v7, v6;
	v7 =	vld [tilespmem:$0x1F6B0]  }
0x6f1: {  	v28 =	vmovc v18;
	v18 =	vmov v19;
	v19 =	vmov v29;
	vm6 =	vnez.u8 v8  }
0x6f2: {  	v29 =	vmovc v30;
	v30 =	vmov v20;
	v4 =	vsel vm6, v19, v4;
	vm6 =	vmor vm4, vm15  }
0x6f3: {  	v20 =	vmovc v60;
	v60 =	vmovc v31;
	v4 =	vsel vm5, v29, v4;
	vm4 =	vlt.f32 v6, v48;
	vm15 =	vnez.u8 v9  }
0x6f4: {  	s24 =	sor.u32 $0x1430, s10;
	v31 =	vmovc v32;
	v32 =	vmovc v61;
	vm5 =	vgt.f32 v6, v48;
	v4 =	vsel vm15, v60, v4;
	vm15 =	vnez.u8 v44  }
0x6f5: {  	v61 =	vmovc v21;
	v21 =	vmovc v33;
	v8 =	vld [tilespmem:s24+$0x4000];
	vm5 =	vmor vm5, vm4;
	vm4 =	vnez.u8 v7;
	v4 =	vsel vm15, v31, v4  }
0x6f6: {  	vm15 =	vlt.f32 v46, v6;
	v4 =	vsel vm4, v21, v4;
	vm4 =	vgt.f32 v46, v6;
	v6 =	vld [tilespmem:$0x1F6C0];
	_ =	sdelay $0x1  }
0x6f7: {  	s15 =	sor.u32 $0x1440, s10  }
0x6f8: {  	v9 =	vld [tilespmem:s15+$0x4000]  }
0x6f9: {  	v25 =	vld [tilespmem:$0x1FF60]  }
0x6fa: {  	vm4 =	vmor vm4, vm15;
	vm15 =	vnez.u8 v6;
	v6 =	vmax.f32 v8, v46;
	v8 =	vld [tilespmem:$0x1F6D0]  }
0x6fb: {  	v33 =	vmov v34;
	v34 =	vmov v22;
	v22 =	vmov v13;
	v13 =	vld [tilespmem:$0x1FF20]  }
0x6fc: {  	v48 =	vld [tilespmem:$0x1F6E0]  }
0x6fd: {  	v44 =	vmax.f32 v9, v6;
	v9 =	vld [tilespmem:$0x1F6F0];
	_ =	sdelay $0x1  }
0x6fe: {  	v4 =	vsel vm15, v33, v4;
	vm15 =	vnez.u8 v8  }
0x6ff: {  	vm0 =	vlt.f32 v6, v46;
	v4 =	vsel vm15, v13, v4;
	vm15 =	vgt.f32 v6, v46  }
0x700: {  	s24 =	sor.u32 $0x1450, s10;
	vm2 =	vmor vm15, vm0;
	vm15 =	vnez.u8 v48  }
0x701: {  	v7 =	vld [tilespmem:s24+$0x4000];
	v4 =	vsel vm15, v25, v4;
	vm15 =	vnez.u8 v9  }
0x702: {  	vm0 =	vlt.f32 v44, v6;
	v4 =	vsel vm15, v37, v4;
	vm15 =	vgt.f32 v44, v6;
	v6 =	vld [tilespmem:$0x1F700];
	_ =	sdelay $0x3  }
0x703: {  	v46 =	vld [tilespmem:$0x1FF70]  }
0x704: {  	vm3 =	vmor vm15, vm0;
	vm15 =	vnez.u8 v6;
	v6 =	vmax.f32 v7, v44;
	v7 =	vld [tilespmem:$0x1F710]  }
0x705: {  	s15 =	sor.u32 $0x1460, s10  }
0x706: {  	v8 =	vld [tilespmem:s15+$0x4000];
	_ =	sdelay $0x2  }
0x707: {  	v48 =	vld [tilespmem:$0x1FF80];
	v4 =	vsel vm15, v46, v4;
	vm15 =	vnez.u8 v7  }
0x708: {  	vm0 =	vlt.f32 v6, v44;
	v4 =	vsel vm15, v39, v4;
	vm15 =	vgt.f32 v6, v44;
	v44 =	vld [tilespmem:$0x1F720]  }
0x709: {  	s24 =	sor.u32 $0x1470, s10;
	v46 =	vmax.f32 v8, v6;
	v8 =	vld [tilespmem:$0x1F730]  }
0x70a: {  	v9 =	vld [tilespmem:s24+$0x4000]  }
0x70b: {  	s15 =	sor.u32 $0x1800, s10  }
0x70c: {  	v7 =	vld [tilespmem:s15+$0x4000]  }
0x70d: {  	vm0 =	vmor vm15, vm0;
	vm15 =	vnez.u8 v44  }
0x70e: {  	vm1 =	vlt.f32 v46, v6;
	v4 =	vsel vm15, v48, v4;
	vm15 =	vnez.u8 v8;
	v48 =	vld [tilespmem:$0x1FF90]  }
0x70f: {  	v4 =	vsel vm15, v41, v4;
	vm15 =	vgt.f32 v46, v6;
	v6 =	vmax.f32 v9, v46;
	v9 =	vld [tilespmem:$0x1F740];
	_ =	sdelay $0x1  }
0x710: {  	v39 =	vmax.f32 v7, v6;
	v7 =	vld [tilespmem:$0x1F750]  }
0x711: {  	v37 =	vld [tilespmem:$0x1FFB0]  }
0x712: {  	s24 =	sor.u32 $0x1810, s10  }
0x713: {  	v8 =	vld [tilespmem:s24+$0x4000];
	vm1 =	vmor vm15, vm1;
	v4 =	vsel vm14, v48, v4;
	vm14 =	vnez.u8 v9  }
0x714: {  	s15 =	sor.u32 $0x1820, s10;
	v41 =	vld [tilespmem:$0x1FFD0];
	vm15 =	vgt.f32 v6, v46;
	v4 =	vsel vm14, v43, v4;
	vm14 =	vlt.f32 v6, v46  }
0x715: {  	v9 =	vld [tilespmem:s15+$0x4000];
	vm14 =	vmor vm15, vm14;
	vm15 =	vnez.u8 v7  }
0x716: {  	s24 =	sor.u32 $0x1830, s10;
	v43 =	vld [tilespmem:$0x1FFF0];
	v4 =	vsel vm15, v37, v4  }
0x717: {  	vm15 =	vlt.f32 v39, v6;
	v4 =	vsel vm13, v45, v4;
	vm13 =	vgt.f32 v39, v6;
	v6 =	vld [tilespmem:s24+$0x4000]  }
0x718: {  	s15 =	sor.u32 $0x1840, s10;
	v7 =	vmax.f32 v8, v39;
	vm13 =	vmor vm13, vm15  }
0x719: {  	v45 =	vld [tilespmem:s15+$0x4000];
	v4 =	vsel vm12, v41, v4;
	vm12 =	vlt.f32 v7, v39;
	vm15 =	vgt.f32 v7, v39  }
0x71a: {  	v8 =	vmax.f32 v9, v7;
	v4 =	vsel vm11, v47, v4;
	vm11 =	vmor vm15, vm12  }
0x71b: {  	s24 =	sor.u32 $0x1850, s10;
	vm12 =	vlt.f32 v8, v7;
	vm15 =	vgt.f32 v8, v7;
	v4 =	vsel vm10, v43, v4  }
0x71c: {  	s15 =	sor.u32 $0x1860, s10;
	v7 =	vld [tilespmem:s24+$0x4000];
	v4 =	vsel vm9, v49, v4;
	vm9 =	vmor vm15, vm12;
	v6 =	vmax.f32 v6, v8  }
0x71d: {  	v4 =	vsel vm8, v50, v4;
	vm12 =	vlt.f32 v6, v8;
	vm15 =	vgt.f32 v6, v8;
	v8 =	vld [tilespmem:s15+$0x4000]  }
0x71e: {  	v10 =	vld [tilespmem:$0x1FF30];
	s24 =	sor.u32 $0x1870, s10;
	v4 =	vsel vm7, v51, v4;
	v5 =	vmax.f32 v45, v6;
	vm7 =	vmor vm15, vm12  }
0x71f: {  	v4 =	vsel vm6, v52, v4;
	vm10 =	vlt.f32 v5, v6;
	vm12 =	vgt.f32 v5, v6;
	v6 =	vld [tilespmem:s24+$0x4000]  }
0x720: {  	s15 =	sor.u32 $0x1C00, s10;
	v4 =	vsel vm5, v53, v4  }
0x721: {  	v7 =	vmax.f32 v7, v5;
	v46 =	vld [tilespmem:s15+$0x4000];
	vm5 =	vmor vm12, vm10;
	v4 =	vsel vm4, v54, v4  }
0x722: {  	s24 =	sor.u32 $0x1C10, s10;
	vm15 =	vlt.f32 v7, v5;
	v4 =	vsel vm2, v55, v4;
	v8 =	vmax.f32 v8, v7  }
0x723: {  	s15 =	sor.u32 $0x1C20, s10;
	vm6 =	vgt.f32 v7, v5;
	v9 =	vld [tilespmem:s24+$0x4000];
	v4 =	vsel vm3, v56, v4;
	vm8 =	vlt.f32 v8, v7  }
0x724: {  	s24 =	sor.u32 $0x1C30, s10;
	v4 =	vsel vm0, v10, v4;
	vm10 =	vgt.f32 v8, v7;
	v7 =	vld [tilespmem:s15+$0x4000];
	v6 =	vmax.f32 v6, v8  }
0x725: {  	v10 =	vld [tilespmem:s24+$0x4000];
	s15 =	sor.u32 $0x1C40, s10;
	v4 =	vsel vm1, v58, v4;
	vm12 =	vlt.f32 v6, v8  }
0x726: {  	s24 =	sor.u32 $0x1C50, s10;
	v5 =	vmax.f32 v46, v6;
	v4 =	vsel vm14, v28, v4;
	vm14 =	vgt.f32 v6, v8;
	v8 =	vld [tilespmem:s15+$0x4000]  }
0x727: {  	vm2 =	vmor vm6, vm15;
	vm0 =	vmor vm10, vm8;
	v11 =	vld [tilespmem:s24+$0x4000];
	s15 =	sor.u32 $0x1C60, s10;
	vm15 =	vlt.f32 v5, v6  }
0x728: {  	v9 =	vmax.f32 v9, v5;
	s10 =	sor.u32 $0x1C70, s10;
	vm8 =	vgt.f32 v5, v6;
	vm1 =	vmor vm14, vm12;
	v12 =	vld [tilespmem:s15+$0x4000]  }
0x729: {  	v4 =	vsel vm13, v18, v4;
	vm3 =	vmor vm8, vm15;
	v6 =	vmax.f32 v7, v9;
	v7 =	vld [tilespmem:s10+$0x4000]  }
0x72a: {  	vm10 =	vgt.f32 v9, v5;
	v4 =	vsel vm11, v30, v4;
	v10 =	vmax.f32 v10, v6  }
0x72b: {  	v4 =	vsel vm9, v20, v4;
	vm9 =	vlt.f32 v9, v5;
	v47 =	vmax.f32 v8, v10  }
0x72c: {  	v4 =	vsel vm7, v32, v4;
	vm4 =	vmor vm10, vm9;
	v8 =	vmax.f32 v11, v47  }
0x72d: {  	vm11 =	vlt.f32 v6, v9;
	v4 =	vsel vm5, v61, v4;
	v11 =	vmax.f32 v12, v8  }
0x72e: {  	(xrf0) =	vmin.scan.msk.u32 $0xffff, v3;
	vm12 =	vgt.f32 v6, v9;
	v4 =	vsel vm2, v34, v4;
	v48 =	vmax.f32 v7, v11  }
0x72f: {  	vm13 =	vlt.f32 v10, v6;
	vm14 =	vgt.f32 v10, v6;
	v3 =	vsel vm0, v22, v4;
	(xrf0) =	vmax.scan.msk.f32 $0xffff, v48  }
0x730: {  	vm2 =	vmor vm12, vm11;
	vm15 =	vlt.f32 v47, v10;
	v3 =	vsel vm1, v16, v3  }
0x731: {  	vm8 =	vgt.f32 v47, v10;
	vm0 =	vmor vm14, vm13;
	v3 =	vsel vm3, v35, v3  }
0x732: {  	vm9 =	vlt.f32 v8, v47;
	vm10 =	vgt.f32 v8, v47;
	v3 =	vsel vm4, v26, v3  }
0x733: {  	vm1 =	vmor vm8, vm15;
	vm11 =	vlt.f32 v11, v8;
	v3 =	vsel vm2, v15, v3  }
0x734: {  	v49, _, _ =	vpop (xrf0);
	vm12 =	vgt.f32 v11, v8;
	vm13 =	vlt.f32 v48, v11;
	v3 =	vsel vm0, v36, v3  }
0x735: {  	vm14 =	vgt.f32 v48, v11;
	vm2 =	vmor vm10, vm9;
	v3 =	vsel vm1, v38, v3;
	v6, _, _ =	vpop (xrf0)  }
0x736: {  	vm0 =	vmor vm12, vm11;
	v3 =	vsel vm2, v40, v3;
	v6 =	vbroadcast v6, $0xF  }
0x737: {  	vm1 =	vmor vm14, vm13;
	v3 =	vsel vm0, v42, v3  }
0x738: {  	v3 =	vsel vm1, v0, v3;
	vm15 =	veq.f32 v48, v6  }
0x739: {  	v3 =	vnsel vm15, $0x80000400, v3  }
0x73a: {  	(xrf0) =	vmin.scan.msk.u32 $0xffff, v3;
	_ =	sdelay $0x3  }
0x73b: {  	(v2sf) =	vpush v1, $0xF  }
0x73c: {  	(v2sf) =	vpush v2, $0xF  }
0x73d: {  	(v2sf) =	vpush v49, $0xF;
	v1, _, _ =	vpop (xrf0)  }
0x73e: {  	(v2sf) =	vpush v1, $0xF;
	_ =	sdelay $0x4  }
0x73f: {  	s10 =	sadd.s32 s0, s30  }
0x740: {  	s24 =	sadd.s32 $0x14, s10  }
0x741: {  	s15 =	sadd.s32 $0x15, s10;
	v1 =	vmov s24  }
0x742: {  	v2 =	vmov s15;
	s24 =	sadd.s32 $0x16, s10;
	v1 =	vand.u32 $0xFFFFFFFC, v1  }
0x743: {  	v2 =	vand.u32 $0xFFFFFFFD, v2;
	v3 =	vmov s24;
	v1 =	vbroadcast v1, $0x0  }
0x744: {  	v2 =	vbroadcast v2, $0x0;
	v3 =	vand.u32 $0xFFFFFFFE, v3  }
0x745: {  	v3 =	vbroadcast v3, $0x0  }
0x746: {  	s0 =	sadd.s32 $0x4, s0;
	s15 =	spop (v2sf);
	s10 =	sadd.s32 $0x17, s10  }
0x747: {  	p2 =	slt.u32 s0, $0xC;
	s14 =	sxor.u32 $0x80000000, s15;
	s24 =	spop (v2sf);
	v51 =	vmov s10  }
.Ltmp3:
0x748: {  	v53 =	vmov s14;
	s10 =	spop (v2sf);
	s24 =	sxor.u32 $0x80000000, s24;
	(pc) =	sbr.rel @p2 .LBB2_5-.Ltmp3, $4  }
0x749: {  	s10 =	sxor.u32 $0x80000000, s10;
	[tilespmem:v1+s17+$0x0] =	vst.idx.msk $0x1, v53;
	v1 =	vmov s24;
	s15 =	spop (v2sf)  }
0x74a: {  	[tilespmem:v2+s17+$0x0] =	vst.idx.msk $0x1, v1;
	v1 =	vmov s10;
	s24 =	sxor.u32 $0x80000000, s15  }
0x74b: {  	p1 =	por !p1, !p1;
	s9 =	sadd.s32 $0x4, s9;
	v10 =	vld [tilespmem:$0x1FF30];
	[tilespmem:v3+s17+$0x0] =	vst.idx.msk $0x1, v1;
	v1 =	vmov s24  }
0x74c: {  	s20 =	sadd.s32 $0x2, s20;
	s6 =	sadd.s32 $0x1000, s6;
	s19 =	sadd.s32 $0x200, s19;
	v9 =	vmovc v56;
	v12 =	vld [tilespmem:$0x1FF10];
	v35 =	vmov v57;
	v8 =	vmov v55;
	v11 =	vmov v58;
	[tilespmem:v51+s17+$0x0] =	vst.idx.msk $0x1, v1  }
.Ltmp4:
0x74d: {  	(pc) =	sbr.rel @p0 .LBB2_8-.Ltmp4, $4  }
0x74e: {  	_ = 	snop  }
0x74f: {  	v7 =	vmov v16;
	v34 =	vmov v33;
	v33 =	vmov v21  }
0x750: {  	v32 =	vmovc v31;
	v31 =	vmovc v60;
	v30 =	vmov v29;
	v29 =	vmov v19;
	v28 =	vmov v27  }
0x751: {  	v27 =	vmovc v17;
	v23 =	vmovc v14;
	v22 =	vmov v59;
	v16 =	vmov v62;
	v15 =	vmov v63  }
.Ltmp5:
0x752: {  	(pc) =	sbr.rel .LBB2_2-.Ltmp5, $4  }
0x753: {  	s0 =	sadd.s32 s3, s28  }
0x754: {  	s0 =	sshrl.u32 s0, $0x3  }
0x755: {  	s31 =	sadd.s32 $0x1, s31;
	s30 =	sadd.s32 $0x20, s30;
	s0 =	sadd.s32 s1, s0  }
0x756: {  	[tilespmem:s5], [sflag:$0x2] =	stream.linear.gather [hbm4b:s0+s4], $0x4000, $0x38;
	[tilespmem:$0x18200] =	vst v63  }
.LBB2_9:
0x757: {  	_ =	sfence.sel $0x180000  }
0x758: {  	[bflag:$0x0] =	sbarrier.arrive $0xFFFF  }
0x759: {  	_ =	strace $0x90000047  }
0x75a: {  	s0 =	stileid.u32;
	[bflag:$0x2] =	sbarrier.arrive $0xFFFF  }
0x75b: {  	p0 =	sne.s32 s0, $0x0;
	s0 =	rddreg [dreg:$0x4]  }
0x75c: {  	s0 =	sadd.s32 @!p0 $0x100000, s0  }
0x75d: {  	[sflag:s0] =	ssyncadd.tile.s32 @!p0 $0x1;
	_ =	shalt  }
.Lfunc_end2:
_tile_overlayer_lowered:
.L_overlay_start_2:
0x75e: {  	(tag) =	ssettag $0x2  }
0x75f: {  	s0 =	rddreg [dreg:$0x0];
	s2 =	stileid.u32  }
0x760: {  	s1 =	rddreg [dreg:$0x1];
	p0 =	sne.s32 s2, $0x0  }
0x761: {  	s3 =	rddreg [dreg:$0x2];
	[bflag:$0x3] =	sbarrier.arrive $0xFFFF;
	s2 =	simm.s32 @!p0 $0x1C07  }
0x762: {  	[timem:s3], [sflag:s2] =	dma.local @!p0 [hbm:s0], s1  }
0x763: {  	s0 =	simm.s32 @!p0 $0x7  }
0x764: {  	_ =	swait.ge @!p0 [sflag:s0], s1  }
0x765: {  	s1 =	ssub.s32 @!p0 $0x0, s1;
	[sflag:s0] =	ssyncset.done @!p0 $0x0  }
0x766: {  	[sflag:s0] =	ssyncadd.s32 @!p0 s1  }
0x767: {  	[bflag:$0x3] =	sbarrier.arrive $0xFFFF  }
0x768: {  	_ =	shalt  }

</sc_bundles>
